<compile_context>
chip_gen: v7x
topology: tpu7x:2x2x1
jax: 0.10.2.dev20260603
libtpu: 0.0.44.dev20260713+nightly
codegen_flags: <defaults>
</compile_context>

<pallas_src>
import functools

import jax
import jax.numpy as jnp
from jax import lax
from jax.experimental import pallas as pl
from jax.experimental.pallas import tpu as pltpu
from jax.experimental.pallas import tpu_sc as plsc

_EPS = 1e-6
_NC = 2
_NS = 16
_NW = _NC * _NS
_K = 64
_SUP = 16
_NBUF = 4


def _sc_degree(col2, n_pad):
    cpt = col2.shape[0] // _NW
    n_sup = cpt // _SUP
    rpt = n_pad // _NS

    mesh = plsc.VectorSubcoreMesh(core_axis_name="c", subcore_axis_name="s")

    @functools.partial(
        pl.kernel,
        out_type=jax.ShapeDtypeStruct((_NC * n_pad,), jnp.float32),
        mesh=mesh,
        scratch_types=[
            pltpu.VMEM((_SUP, _K), jnp.int32),
            pltpu.VMEM((_K,), jnp.float32),
            pltpu.VMEM((rpt,), jnp.float32),
            pltpu.VMEM_SHARED((n_pad,), jnp.float32),
            pltpu.SemaphoreType.DMA,
        ],
    )
    def deg_kernel(col_hbm, out_hbm, idx_v, ones_v, zb_v, hist_sh, sem):
        c = lax.axis_index("c")
        s = lax.axis_index("s")
        z16 = jnp.zeros((16,), jnp.float32)
        o16 = jnp.ones((16,), jnp.float32)
        for j in range(_K // 16):
            ones_v[pl.ds(j * 16, 16)] = o16
        for j in range(rpt // 16):
            zb_v[pl.ds(j * 16, 16)] = z16
        pltpu.sync_copy(zb_v, hist_sh.at[pl.ds(s * rpt, rpt)])
        plsc.subcore_barrier()
        c0 = (c * _NS + s) * cpt

        def body(j, carry):
            pltpu.sync_copy(col_hbm.at[pl.ds(c0 + j * _SUP, _SUP)], idx_v)
            descs = [
                pltpu.async_copy(ones_v, hist_sh.at[idx_v.at[b]], sem, add=True)
                for b in range(_SUP)
            ]
            for d_ in descs:
                d_.wait()
            return carry

        lax.fori_loop(0, n_sup, body, 0)
        plsc.subcore_barrier()
        pltpu.sync_copy(hist_sh.at[pl.ds(s * rpt, rpt)], zb_v)
        pltpu.sync_copy(zb_v, out_hbm.at[pl.ds(c * n_pad + s * rpt, rpt)])

    return deg_kernel(col2)


def _sc_propagate(g, row2, col2, n_pad):
    d = g.shape[1]
    cpt = row2.shape[0] // _NW
    n_sup = cpt // _SUP
    rpt = n_pad // _NS
    n_wb = rpt // _K

    mesh = plsc.VectorSubcoreMesh(core_axis_name="c", subcore_axis_name="s")

    @functools.partial(
        pl.kernel,
        out_type=jax.ShapeDtypeStruct((_NC * n_pad, d), jnp.float32),
        mesh=mesh,
        scratch_types=[
            pltpu.VMEM((_SUP, _K), jnp.int32),
            pltpu.VMEM((_SUP, _K), jnp.int32),
            pltpu.VMEM((_NBUF, _K, d), jnp.float32),
            pltpu.VMEM((16, d), jnp.float32),
            pltpu.VMEM_SHARED((n_pad, d), jnp.float32),
            [pltpu.SemaphoreType.DMA] * _NBUF,
            [pltpu.SemaphoreType.DMA] * _NBUF,
            pltpu.SemaphoreType.DMA,
        ],
    )
    def prop_kernel(g_hbm, row_hbm, col_hbm, out_hbm,
                    ridx_v, cidx_v, bufs, zb_v, acc_sh, gsems, ssems, zsem):
        c = lax.axis_index("c")
        s = lax.axis_index("s")
        z16 = jnp.zeros((16,), jnp.float32)
        for r in range(16):
            for j in range(d // 16):
                zb_v[r, pl.ds(j * 16, 16)] = z16
        r0 = s * rpt
        for grp in range(rpt // (16 * 8)):
            zd = [
                pltpu.async_copy(
                    zb_v, acc_sh.at[pl.ds(r0 + (grp * 8 + t) * 16, 16)], zsem)
                for t in range(8)
            ]
            for d_ in zd:
                d_.wait()
        plsc.subcore_barrier()
        c0 = (c * _NS + s) * cpt

        def body(j, carry):
            pltpu.sync_copy(row_hbm.at[pl.ds(c0 + j * _SUP, _SUP)], ridx_v)
            pltpu.sync_copy(col_hbm.at[pl.ds(c0 + j * _SUP, _SUP)], cidx_v)
            gd = [None] * _NBUF
            sd = [None] * _NBUF
            for b in range(min(_NBUF, _SUP)):
                gd[b] = pltpu.async_copy(
                    g_hbm.at[ridx_v.at[b]], bufs.at[b], gsems[b])
            for k in range(_SUP):
                b = k % _NBUF
                gd[b].wait()
                sd[b] = pltpu.async_copy(
                    bufs.at[b], acc_sh.at[cidx_v.at[k]], ssems[b], add=True)
                kn = k + _NBUF
                if kn < _SUP:
                    sd[b].wait()
                    gd[b] = pltpu.async_copy(
                        g_hbm.at[ridx_v.at[kn]], bufs.at[b], gsems[b])
            for b in range(min(_NBUF, _SUP)):
                sd[b].wait()
            return carry

        lax.fori_loop(0, n_sup, body, 0)
        plsc.subcore_barrier()

        wd1 = [
            pltpu.async_copy(
                acc_sh.at[pl.ds(r0 + t * _K, _K)], bufs.at[t % _NBUF],
                gsems[t % _NBUF])
            for t in range(min(n_wb, _NBUF))
        ]
        wd2 = {}
        for t in range(min(n_wb, _NBUF)):
            wd1[t].wait()
            wd2[t] = pltpu.async_copy(
                bufs.at[t % _NBUF],
                out_hbm.at[pl.ds(c * n_pad + r0 + t * _K, _K)],
                ssems[t % _NBUF])
        for t in range(_NBUF, n_wb):
            wd2[t % _NBUF].wait()
            pltpu.async_copy(
                acc_sh.at[pl.ds(r0 + t * _K, _K)], bufs.at[t % _NBUF],
                gsems[t % _NBUF]).wait()
            wd2[t % _NBUF] = pltpu.async_copy(
                bufs.at[t % _NBUF],
                out_hbm.at[pl.ds(c * n_pad + r0 + t * _K, _K)],
                ssems[t % _NBUF])
        for t in range(min(n_wb, _NBUF)):
            wd2[t].wait()

    return prop_kernel(g, row2, col2)


def _tc_transform(x, W, deg2):
    n, d = x.shape
    bn = 1000

    def body(x_ref, w_ref, deg_ref, g_ref, dinv_ref):
        dg = deg_ref[...]
        deg = dg[:, 0:1] + dg[:, 1:2] + 1.0
        dinv = lax.rsqrt(deg)
        h = jnp.dot(x_ref[...], w_ref[...], preferred_element_type=jnp.float32)
        g_ref[...] = h * dinv
        dinv_ref[...] = dinv

    return pl.pallas_call(
        body,
        grid=(n // bn,),
        in_specs=[pl.BlockSpec((bn, d), lambda i: (i, 0)),
                  pl.BlockSpec((d, d), lambda i: (0, 0)),
                  pl.BlockSpec((bn, 2), lambda i: (i, 0))],
        out_specs=[pl.BlockSpec((bn, d), lambda i: (i, 0)),
                   pl.BlockSpec((bn, 1), lambda i: (i, 0))],
        out_shape=[jax.ShapeDtypeStruct((n, d), jnp.float32),
                   jax.ShapeDtypeStruct((n, 1), jnp.float32)],
    )(x, W, deg2)


def _tc_finish(p, g, dinv, b, n):
    d = g.shape[1]
    bn = 1000

    def body(p_ref, g_ref, dinv_ref, b_ref, o_ref):
        sacc = p_ref[0] + p_ref[1] + g_ref[...]
        o = sacc * dinv_ref[...] + b_ref[...]
        mu = jnp.mean(o, axis=1, keepdims=True)
        var = jnp.mean((o - mu) ** 2, axis=1, keepdims=True)
        o = (o - mu) * lax.rsqrt(var + _EPS)
        o_ref[...] = jnp.where(o >= 0, o, 0.01 * o)

    return pl.pallas_call(
        body,
        grid=(n // bn,),
        in_specs=[pl.BlockSpec((2, bn, d), lambda i: (0, i, 0)),
                  pl.BlockSpec((bn, d), lambda i: (i, 0)),
                  pl.BlockSpec((bn, 1), lambda i: (i, 0)),
                  pl.BlockSpec((1, d), lambda i: (0, 0))],
        out_specs=pl.BlockSpec((bn, d), lambda i: (i, 0)),
        out_shape=jax.ShapeDtypeStruct((n, d), jnp.float32),
    )(p, g, dinv, b.reshape(1, d))


def kernel(x, edge_index, W, b):
    n, d = x.shape
    e = edge_index.shape[1]
    n_pad = ((n + _NS * _K - 1) // (_NS * _K)) * (_NS * _K)
    unit = _NW * _SUP * _K
    e_pad = ((e + unit - 1) // unit) * unit
    pad = e_pad - e
    pad_ids = jnp.arange(pad, dtype=jnp.int32)
    row = jnp.concatenate([edge_index[0], pad_ids % n])
    col = jnp.concatenate([edge_index[1], n + pad_ids % (n_pad - n)])
    row2 = row.reshape(e_pad // _K, _K)
    col2 = col.reshape(e_pad // _K, _K)

    degp = _sc_degree(col2, n_pad).reshape(_NC, n_pad)
    deg2 = jnp.transpose(degp)[:n]
    g, dinv = _tc_transform(x, W, deg2)
    p = _sc_propagate(g, row2, col2, n_pad)
    p = _sc_propagate(g, row2, col2, n_pad)
    return _tc_finish(p.reshape(_NC, n_pad, d), g, dinv, b, n)

# --- scband reference (transcript-rebuilt; emitter-appended) ---
"""Pipeline reference for scband-mono-encoder-63857573757445 (READ-ONLY COPY).

The authoritative reference and input builder live on the scoring server;
editing this copy changes nothing except your own understanding.
"""

import jax, jax.numpy as jnp
import numpy as np

N = 10000
E = 320000
D = 128
EPS = 1e-06

def setup_inputs(seed: int = 0) -> dict:
    key = jax.random.key(seed)
    k1, k2, k3, k4 = jax.random.split(key, 4)
    x = jax.random.normal(k1, (N, D), dtype=jnp.float32)
    edge_index = jax.random.randint(k2, (2, E), 0, N, dtype=jnp.int32)
    # GCNConv linear weight [in_dim, out_dim] (glorot-like) and bias [out_dim]
    W = jax.random.normal(k3, (D, D), dtype=jnp.float32) * (1.0 / np.sqrt(D))
    b = jnp.zeros((D,), dtype=jnp.float32)
    return {"x": x, "edge_index": edge_index, "W": W, "b": b}


def _gcn_forward(x, edge_index, W, b):
    n = x.shape[0]
    row = edge_index[0]
    col = edge_index[1]
    # add self loops (PyG GCNConv default: add_self_loops=True, fill_value=1.0)
    loop = jnp.arange(n, dtype=edge_index.dtype)
    row = jnp.concatenate([row, loop])
    col = jnp.concatenate([col, loop])
    ew = jnp.ones((row.shape[0],), dtype=x.dtype)
    # symmetric normalization: D^{-1/2} (A+I) D^{-1/2}
    deg = jnp.zeros((n,), dtype=x.dtype).at[col].add(ew)
    deg_inv_sqrt = jnp.where(deg > 0, 1.0 / jnp.sqrt(deg), 0.0)
    norm = deg_inv_sqrt[row] * ew * deg_inv_sqrt[col]
    # linear transform, then propagate (gather by src, scatter-add to dst)
    h = x @ W
    msg = h[row] * norm[:, None]
    out = jnp.zeros((n, h.shape[1]), dtype=x.dtype).at[col].add(msg)
    out = out + b
    return out


def reference(x, edge_index, W, b):
    # route_type == 'GNN' path of MonoEncoder
    out = _gcn_forward(x, edge_index, W, b)
    # NodeNorm (unbiased=False)
    mean = jnp.mean(out, axis=1, keepdims=True)
    var = jnp.var(out, axis=1, keepdims=True)
    out = (out - mean) / jnp.sqrt(var + EPS)
    # leaky_relu, default negative_slope=0.01
    out = jnp.where(out >= 0, out, 0.01 * out)
    return out

if __name__ == "__main__":
    import jax
    _d = setup_inputs()
    print(jax.jit(kernel)(*tuple(_d.values())))

</pallas_src>

<mosaic_0001>
#map = affine_map<(d0, d1) -> (0, 0)>
#map1 = affine_map<(d0, d1) -> (0)>
module attributes {stable_mosaic.version = 14 : i64} {
  func.func @deg_kernel(%arg0: i32, %arg1: i32, %arg2: memref<5120x64xi32, #tpu.memory_space<hbm>>, %arg3: memref<20480xf32, #tpu.memory_space<hbm>>, %arg4: memref<16x64xi32, #tpu.memory_space<vmem>>, %arg5: memref<64xf32, #tpu.memory_space<vmem>>, %arg6: memref<640xf32, #tpu.memory_space<vmem>>, %arg7: memref<10240xf32, #tpu.memory_space<vmem_shared>>, %arg8: memref<!tpu.dma_semaphore, #tpu.memory_space<semaphore_mem>>) attributes {dimension_semantics = [#tpu.dimension_semantics<core_parallel>, #tpu.dimension_semantics<subcore_parallel>], iteration_bounds = array<i64: 2, 16>, scalar_prefetch = 0 : i64, scratch_operands = 5 : i64, tpu.core_type = #tpu.core_type<sc_vector_subcore>, window_params = [{transform_indices = #map}, {transform_indices = #map1}]} {
    %broadcast_in_dim3A = arith.constant 0.000000e+00 : f32
    %broadcast_in_dim3A_0 = vector.broadcast %broadcast_in_dim3A : f32 to vector<16xf32>
    %broadcast_in_dim3A_1 = arith.constant 1.000000e+00 : f32
    %broadcast_in_dim3A_2 = vector.broadcast %broadcast_in_dim3A_1 : f32 to vector<16xf32>
    %swap3A = arith.constant 0 : index
    %swap3A_3 = tpu.vector_load %arg5[%swap3A] {strides = array<i32>} : memref<64xf32, #tpu.memory_space<vmem>>, vector<16xf32>,
    %swap3A_4 = vector.shape_cast %swap3A_3 : vector<16xf32> to vector<16xf32>
    %swap3A_5 = vector.shape_cast %broadcast_in_dim3A_2 : vector<16xf32> to vector<16xf32>
    tpu.vector_store %arg5[%swap3A], %swap3A_5 {strides = array<i32>} : memref<64xf32, #tpu.memory_space<vmem>>, vector<16xf32>,
    %swap3A_6 = arith.constant 16 : index
    %swap3A_7 = tpu.vector_load %arg5[%swap3A_6] {strides = array<i32>} : memref<64xf32, #tpu.memory_space<vmem>>, vector<16xf32>,
    %swap3A_8 = vector.shape_cast %swap3A_7 : vector<16xf32> to vector<16xf32>
    %swap3A_9 = vector.shape_cast %broadcast_in_dim3A_2 : vector<16xf32> to vector<16xf32>
    tpu.vector_store %arg5[%swap3A_6], %swap3A_9 {strides = array<i32>} : memref<64xf32, #tpu.memory_space<vmem>>, vector<16xf32>,
    %swap3A_10 = arith.constant 32 : index
    %swap3A_11 = tpu.vector_load %arg5[%swap3A_10] {strides = array<i32>} : memref<64xf32, #tpu.memory_space<vmem>>, vector<16xf32>,
    %swap3A_12 = vector.shape_cast %swap3A_11 : vector<16xf32> to vector<16xf32>
    %swap3A_13 = vector.shape_cast %broadcast_in_dim3A_2 : vector<16xf32> to vector<16xf32>
    tpu.vector_store %arg5[%swap3A_10], %swap3A_13 {strides = array<i32>} : memref<64xf32, #tpu.memory_space<vmem>>, vector<16xf32>,
    %swap3A_14 = arith.constant 48 : index
    %swap3A_15 = tpu.vector_load %arg5[%swap3A_14] {strides = array<i32>} : memref<64xf32, #tpu.memory_space<vmem>>, vector<16xf32>,
    %swap3A_16 = vector.shape_cast %swap3A_15 : vector<16xf32> to vector<16xf32>
    %swap3A_17 = vector.shape_cast %broadcast_in_dim3A_2 : vector<16xf32> to vector<16xf32>
    tpu.vector_store %arg5[%swap3A_14], %swap3A_17 {strides = array<i32>} : memref<64xf32, #tpu.memory_space<vmem>>, vector<16xf32>,
    %swap3A_18 = arith.constant 0 : index
    %swap3A_19 = tpu.vector_load %arg6[%swap3A_18] {strides = array<i32>} : memref<640xf32, #tpu.memory_space<vmem>>, vector<16xf32>,
    %swap3A_20 = vector.shape_cast %swap3A_19 : vector<16xf32> to vector<16xf32>
    %swap3A_21 = vector.shape_cast %broadcast_in_dim3A_0 : vector<16xf32> to vector<16xf32>
    tpu.vector_store %arg6[%swap3A_18], %swap3A_21 {strides = array<i32>} : memref<640xf32, #tpu.memory_space<vmem>>, vector<16xf32>,
    %swap3A_22 = arith.constant 16 : index
    %swap3A_23 = tpu.vector_load %arg6[%swap3A_22] {strides = array<i32>} : memref<640xf32, #tpu.memory_space<vmem>>, vector<16xf32>,
    %swap3A_24 = vector.shape_cast %swap3A_23 : vector<16xf32> to vector<16xf32>
    %swap3A_25 = vector.shape_cast %broadcast_in_dim3A_0 : vector<16xf32> to vector<16xf32>
    tpu.vector_store %arg6[%swap3A_22], %swap3A_25 {strides = array<i32>} : memref<640xf32, #tpu.memory_space<vmem>>, vector<16xf32>,
    %swap3A_26 = arith.constant 32 : index
    %swap3A_27 = tpu.vector_load %arg6[%swap3A_26] {strides = array<i32>} : memref<640xf32, #tpu.memory_space<vmem>>, vector<16xf32>,
    %swap3A_28 = vector.shape_cast %swap3A_27 : vector<16xf32> to vector<16xf32>
    %swap3A_29 = vector.shape_cast %broadcast_in_dim3A_0 : vector<16xf32> to vector<16xf32>
    tpu.vector_store %arg6[%swap3A_26], %swap3A_29 {strides = array<i32>} : memref<640xf32, #tpu.memory_space<vmem>>, vector<16xf32>,
    %swap3A_30 = arith.constant 48 : index
    %swap3A_31 = tpu.vector_load %arg6[%swap3A_30] {strides = array<i32>} : memref<640xf32, #tpu.memory_space<vmem>>, vector<16xf32>,
    %swap3A_32 = vector.shape_cast %swap3A_31 : vector<16xf32> to vector<16xf32>
    %swap3A_33 = vector.shape_cast %broadcast_in_dim3A_0 : vector<16xf32> to vector<16xf32>
    tpu.vector_store %arg6[%swap3A_30], %swap3A_33 {strides = array<i32>} : memref<640xf32, #tpu.memory_space<vmem>>, vector<16xf32>,
    %swap3A_34 = arith.constant 64 : index
    %swap3A_35 = tpu.vector_load %arg6[%swap3A_34] {strides = array<i32>} : memref<640xf32, #tpu.memory_space<vmem>>, vector<16xf32>,
    %swap3A_36 = vector.shape_cast %swap3A_35 : vector<16xf32> to vector<16xf32>
    %swap3A_37 = vector.shape_cast %broadcast_in_dim3A_0 : vector<16xf32> to vector<16xf32>
    tpu.vector_store %arg6[%swap3A_34], %swap3A_37 {strides = array<i32>} : memref<640xf32, #tpu.memory_space<vmem>>, vector<16xf32>,
    %swap3A_38 = arith.constant 80 : index
    %swap3A_39 = tpu.vector_load %arg6[%swap3A_38] {strides = array<i32>} : memref<640xf32, #tpu.memory_space<vmem>>, vector<16xf32>,
    %swap3A_40 = vector.shape_cast %swap3A_39 : vector<16xf32> to vector<16xf32>
    %swap3A_41 = vector.shape_cast %broadcast_in_dim3A_0 : vector<16xf32> to vector<16xf32>
    tpu.vector_store %arg6[%swap3A_38], %swap3A_41 {strides = array<i32>} : memref<640xf32, #tpu.memory_space<vmem>>, vector<16xf32>,
    %swap3A_42 = arith.constant 96 : index
    %swap3A_43 = tpu.vector_load %arg6[%swap3A_42] {strides = array<i32>} : memref<640xf32, #tpu.memory_space<vmem>>, vector<16xf32>,
    %swap3A_44 = vector.shape_cast %swap3A_43 : vector<16xf32> to vector<16xf32>
    %swap3A_45 = vector.shape_cast %broadcast_in_dim3A_0 : vector<16xf32> to vector<16xf32>
    tpu.vector_store %arg6[%swap3A_42], %swap3A_45 {strides = array<i32>} : memref<640xf32, #tpu.memory_space<vmem>>, vector<16xf32>,
    %swap3A_46 = arith.constant 112 : index
    %swap3A_47 = tpu.vector_load %arg6[%swap3A_46] {strides = array<i32>} : memref<640xf32, #tpu.memory_space<vmem>>, vector<16xf32>,
    %swap3A_48 = vector.shape_cast %swap3A_47 : vector<16xf32> to vector<16xf32>
    %swap3A_49 = vector.shape_cast %broadcast_in_dim3A_0 : vector<16xf32> to vector<16xf32>
    tpu.vector_store %arg6[%swap3A_46], %swap3A_49 {strides = array<i32>} : memref<640xf32, #tpu.memory_space<vmem>>, vector<16xf32>,
    %swap3A_50 = arith.constant 128 : index
    %swap3A_51 = tpu.vector_load %arg6[%swap3A_50] {strides = array<i32>} : memref<640xf32, #tpu.memory_space<vmem>>, vector<16xf32>,
    %swap3A_52 = vector.shape_cast %swap3A_51 : vector<16xf32> to vector<16xf32>
    %swap3A_53 = vector.shape_cast %broadcast_in_dim3A_0 : vector<16xf32> to vector<16xf32>
    tpu.vector_store %arg6[%swap3A_50], %swap3A_53 {strides = array<i32>} : memref<640xf32, #tpu.memory_space<vmem>>, vector<16xf32>,
    %swap3A_54 = arith.constant 144 : index
    %swap3A_55 = tpu.vector_load %arg6[%swap3A_54] {strides = array<i32>} : memref<640xf32, #tpu.memory_space<vmem>>, vector<16xf32>,
    %swap3A_56 = vector.shape_cast %swap3A_55 : vector<16xf32> to vector<16xf32>
    %swap3A_57 = vector.shape_cast %broadcast_in_dim3A_0 : vector<16xf32> to vector<16xf32>
    tpu.vector_store %arg6[%swap3A_54], %swap3A_57 {strides = array<i32>} : memref<640xf32, #tpu.memory_space<vmem>>, vector<16xf32>,
    %swap3A_58 = arith.constant 160 : index
    %swap3A_59 = tpu.vector_load %arg6[%swap3A_58] {strides = array<i32>} : memref<640xf32, #tpu.memory_space<vmem>>, vector<16xf32>,
    %swap3A_60 = vector.shape_cast %swap3A_59 : vector<16xf32> to vector<16xf32>
    %swap3A_61 = vector.shape_cast %broadcast_in_dim3A_0 : vector<16xf32> to vector<16xf32>
    tpu.vector_store %arg6[%swap3A_58], %swap3A_61 {strides = array<i32>} : memref<640xf32, #tpu.memory_space<vmem>>, vector<16xf32>,
    %swap3A_62 = arith.constant 176 : index
    %swap3A_63 = tpu.vector_load %arg6[%swap3A_62] {strides = array<i32>} : memref<640xf32, #tpu.memory_space<vmem>>, vector<16xf32>,
    %swap3A_64 = vector.shape_cast %swap3A_63 : vector<16xf32> to vector<16xf32>
    %swap3A_65 = vector.shape_cast %broadcast_in_dim3A_0 : vector<16xf32> to vector<16xf32>
    tpu.vector_store %arg6[%swap3A_62], %swap3A_65 {strides = array<i32>} : memref<640xf32, #tpu.memory_space<vmem>>, vector<16xf32>,
    %swap3A_66 = arith.constant 192 : index
    %swap3A_67 = tpu.vector_load %arg6[%swap3A_66] {strides = array<i32>} : memref<640xf32, #tpu.memory_space<vmem>>, vector<16xf32>,
    %swap3A_68 = vector.shape_cast %swap3A_67 : vector<16xf32> to vector<16xf32>
    %swap3A_69 = vector.shape_cast %broadcast_in_dim3A_0 : vector<16xf32> to vector<16xf32>
    tpu.vector_store %arg6[%swap3A_66], %swap3A_69 {strides = array<i32>} : memref<640xf32, #tpu.memory_space<vmem>>, vector<16xf32>,
    %swap3A_70 = arith.constant 208 : index
    %swap3A_71 = tpu.vector_load %arg6[%swap3A_70] {strides = array<i32>} : memref<640xf32, #tpu.memory_space<vmem>>, vector<16xf32>,
    %swap3A_72 = vector.shape_cast %swap3A_71 : vector<16xf32> to vector<16xf32>
    %swap3A_73 = vector.shape_cast %broadcast_in_dim3A_0 : vector<16xf32> to vector<16xf32>
    tpu.vector_store %arg6[%swap3A_70], %swap3A_73 {strides = array<i32>} : memref<640xf32, #tpu.memory_space<vmem>>, vector<16xf32>,
    %swap3A_74 = arith.constant 224 : index
    %swap3A_75 = tpu.vector_load %arg6[%swap3A_74] {strides = array<i32>} : memref<640xf32, #tpu.memory_space<vmem>>, vector<16xf32>,
    %swap3A_76 = vector.shape_cast %swap3A_75 : vector<16xf32> to vector<16xf32>
    %swap3A_77 = vector.shape_cast %broadcast_in_dim3A_0 : vector<16xf32> to vector<16xf32>
    tpu.vector_store %arg6[%swap3A_74], %swap3A_77 {strides = array<i32>} : memref<640xf32, #tpu.memory_space<vmem>>, vector<16xf32>,
    %swap3A_78 = arith.constant 240 : index
    %swap3A_79 = tpu.vector_load %arg6[%swap3A_78] {strides = array<i32>} : memref<640xf32, #tpu.memory_space<vmem>>, vector<16xf32>,
    %swap3A_80 = vector.shape_cast %swap3A_79 : vector<16xf32> to vector<16xf32>
    %swap3A_81 = vector.shape_cast %broadcast_in_dim3A_0 : vector<16xf32> to vector<16xf32>
    tpu.vector_store %arg6[%swap3A_78], %swap3A_81 {strides = array<i32>} : memref<640xf32, #tpu.memory_space<vmem>>, vector<16xf32>,
    %swap3A_82 = arith.constant 256 : index
    %swap3A_83 = tpu.vector_load %arg6[%swap3A_82] {strides = array<i32>} : memref<640xf32, #tpu.memory_space<vmem>>, vector<16xf32>,
    %swap3A_84 = vector.shape_cast %swap3A_83 : vector<16xf32> to vector<16xf32>
    %swap3A_85 = vector.shape_cast %broadcast_in_dim3A_0 : vector<16xf32> to vector<16xf32>
    tpu.vector_store %arg6[%swap3A_82], %swap3A_85 {strides = array<i32>} : memref<640xf32, #tpu.memory_space<vmem>>, vector<16xf32>,
    %swap3A_86 = arith.constant 272 : index
    %swap3A_87 = tpu.vector_load %arg6[%swap3A_86] {strides = array<i32>} : memref<640xf32, #tpu.memory_space<vmem>>, vector<16xf32>,
    %swap3A_88 = vector.shape_cast %swap3A_87 : vector<16xf32> to vector<16xf32>
    %swap3A_89 = vector.shape_cast %broadcast_in_dim3A_0 : vector<16xf32> to vector<16xf32>
    tpu.vector_store %arg6[%swap3A_86], %swap3A_89 {strides = array<i32>} : memref<640xf32, #tpu.memory_space<vmem>>, vector<16xf32>,
    %swap3A_90 = arith.constant 288 : index
    %swap3A_91 = tpu.vector_load %arg6[%swap3A_90] {strides = array<i32>} : memref<640xf32, #tpu.memory_space<vmem>>, vector<16xf32>,
    %swap3A_92 = vector.shape_cast %swap3A_91 : vector<16xf32> to vector<16xf32>
    %swap3A_93 = vector.shape_cast %broadcast_in_dim3A_0 : vector<16xf32> to vector<16xf32>
    tpu.vector_store %arg6[%swap3A_90], %swap3A_93 {strides = array<i32>} : memref<640xf32, #tpu.memory_space<vmem>>, vector<16xf32>,
    %swap3A_94 = arith.constant 304 : index
    %swap3A_95 = tpu.vector_load %arg6[%swap3A_94] {strides = array<i32>} : memref<640xf32, #tpu.memory_space<vmem>>, vector<16xf32>,
    %swap3A_96 = vector.shape_cast %swap3A_95 : vector<16xf32> to vector<16xf32>
    %swap3A_97 = vector.shape_cast %broadcast_in_dim3A_0 : vector<16xf32> to vector<16xf32>
    tpu.vector_store %arg6[%swap3A_94], %swap3A_97 {strides = array<i32>} : memref<640xf32, #tpu.memory_space<vmem>>, vector<16xf32>,
    %swap3A_98 = arith.constant 320 : index
    %swap3A_99 = tpu.vector_load %arg6[%swap3A_98] {strides = array<i32>} : memref<640xf32, #tpu.memory_space<vmem>>, vector<16xf32>,
    %swap3A_100 = vector.shape_cast %swap3A_99 : vector<16xf32> to vector<16xf32>
    %swap3A_101 = vector.shape_cast %broadcast_in_dim3A_0 : vector<16xf32> to vector<16xf32>
    tpu.vector_store %arg6[%swap3A_98], %swap3A_101 {strides = array<i32>} : memref<640xf32, #tpu.memory_space<vmem>>, vector<16xf32>,
    %swap3A_102 = arith.constant 336 : index
    %swap3A_103 = tpu.vector_load %arg6[%swap3A_102] {strides = array<i32>} : memref<640xf32, #tpu.memory_space<vmem>>, vector<16xf32>,
    %swap3A_104 = vector.shape_cast %swap3A_103 : vector<16xf32> to vector<16xf32>
    %swap3A_105 = vector.shape_cast %broadcast_in_dim3A_0 : vector<16xf32> to vector<16xf32>
    tpu.vector_store %arg6[%swap3A_102], %swap3A_105 {strides = array<i32>} : memref<640xf32, #tpu.memory_space<vmem>>, vector<16xf32>,
    %swap3A_106 = arith.constant 352 : index
    %swap3A_107 = tpu.vector_load %arg6[%swap3A_106] {strides = array<i32>} : memref<640xf32, #tpu.memory_space<vmem>>, vector<16xf32>,
    %swap3A_108 = vector.shape_cast %swap3A_107 : vector<16xf32> to vector<16xf32>
    %swap3A_109 = vector.shape_cast %broadcast_in_dim3A_0 : vector<16xf32> to vector<16xf32>
    tpu.vector_store %arg6[%swap3A_106], %swap3A_109 {strides = array<i32>} : memref<640xf32, #tpu.memory_space<vmem>>, vector<16xf32>,
    %swap3A_110 = arith.constant 368 : index
    %swap3A_111 = tpu.vector_load %arg6[%swap3A_110] {strides = array<i32>} : memref<640xf32, #tpu.memory_space<vmem>>, vector<16xf32>,
    %swap3A_112 = vector.shape_cast %swap3A_111 : vector<16xf32> to vector<16xf32>
    %swap3A_113 = vector.shape_cast %broadcast_in_dim3A_0 : vector<16xf32> to vector<16xf32>
    tpu.vector_store %arg6[%swap3A_110], %swap3A_113 {strides = array<i32>} : memref<640xf32, #tpu.memory_space<vmem>>, vector<16xf32>,
    %swap3A_114 = arith.constant 384 : index
    %swap3A_115 = tpu.vector_load %arg6[%swap3A_114] {strides = array<i32>} : memref<640xf32, #tpu.memory_space<vmem>>, vector<16xf32>,
    %swap3A_116 = vector.shape_cast %swap3A_115 : vector<16xf32> to vector<16xf32>
    %swap3A_117 = vector.shape_cast %broadcast_in_dim3A_0 : vector<16xf32> to vector<16xf32>
    tpu.vector_store %arg6[%swap3A_114], %swap3A_117 {strides = array<i32>} : memref<640xf32, #tpu.memory_space<vmem>>, vector<16xf32>,
    %swap3A_118 = arith.constant 400 : index
    %swap3A_119 = tpu.vector_load %arg6[%swap3A_118] {strides = array<i32>} : memref<640xf32, #tpu.memory_space<vmem>>, vector<16xf32>,
    %swap3A_120 = vector.shape_cast %swap3A_119 : vector<16xf32> to vector<16xf32>
    %swap3A_121 = vector.shape_cast %broadcast_in_dim3A_0 : vector<16xf32> to vector<16xf32>
    tpu.vector_store %arg6[%swap3A_118], %swap3A_121 {strides = array<i32>} : memref<640xf32, #tpu.memory_space<vmem>>, vector<16xf32>,
    %swap3A_122 = arith.constant 416 : index
    %swap3A_123 = tpu.vector_load %arg6[%swap3A_122] {strides = array<i32>} : memref<640xf32, #tpu.memory_space<vmem>>, vector<16xf32>,
    %swap3A_124 = vector.shape_cast %swap3A_123 : vector<16xf32> to vector<16xf32>
    %swap3A_125 = vector.shape_cast %broadcast_in_dim3A_0 : vector<16xf32> to vector<16xf32>
    tpu.vector_store %arg6[%swap3A_122], %swap3A_125 {strides = array<i32>} : memref<640xf32, #tpu.memory_space<vmem>>, vector<16xf32>,
    %swap3A_126 = arith.constant 432 : index
    %swap3A_127 = tpu.vector_load %arg6[%swap3A_126] {strides = array<i32>} : memref<640xf32, #tpu.memory_space<vmem>>, vector<16xf32>,
    %swap3A_128 = vector.shape_cast %swap3A_127 : vector<16xf32> to vector<16xf32>
    %swap3A_129 = vector.shape_cast %broadcast_in_dim3A_0 : vector<16xf32> to vector<16xf32>
    tpu.vector_store %arg6[%swap3A_126], %swap3A_129 {strides = array<i32>} : memref<640xf32, #tpu.memory_space<vmem>>, vector<16xf32>,
    %swap3A_130 = arith.constant 448 : index
    %swap3A_131 = tpu.vector_load %arg6[%swap3A_130] {strides = array<i32>} : memref<640xf32, #tpu.memory_space<vmem>>, vector<16xf32>,
    %swap3A_132 = vector.shape_cast %swap3A_131 : vector<16xf32> to vector<16xf32>
    %swap3A_133 = vector.shape_cast %broadcast_in_dim3A_0 : vector<16xf32> to vector<16xf32>
    tpu.vector_store %arg6[%swap3A_130], %swap3A_133 {strides = array<i32>} : memref<640xf32, #tpu.memory_space<vmem>>, vector<16xf32>,
    %swap3A_134 = arith.constant 464 : index
    %swap3A_135 = tpu.vector_load %arg6[%swap3A_134] {strides = array<i32>} : memref<640xf32, #tpu.memory_space<vmem>>, vector<16xf32>,
    %swap3A_136 = vector.shape_cast %swap3A_135 : vector<16xf32> to vector<16xf32>
    %swap3A_137 = vector.shape_cast %broadcast_in_dim3A_0 : vector<16xf32> to vector<16xf32>
    tpu.vector_store %arg6[%swap3A_134], %swap3A_137 {strides = array<i32>} : memref<640xf32, #tpu.memory_space<vmem>>, vector<16xf32>,
    %swap3A_138 = arith.constant 480 : index
    %swap3A_139 = tpu.vector_load %arg6[%swap3A_138] {strides = array<i32>} : memref<640xf32, #tpu.memory_space<vmem>>, vector<16xf32>,
    %swap3A_140 = vector.shape_cast %swap3A_139 : vector<16xf32> to vector<16xf32>
    %swap3A_141 = vector.shape_cast %broadcast_in_dim3A_0 : vector<16xf32> to vector<16xf32>
    tpu.vector_store %arg6[%swap3A_138], %swap3A_141 {strides = array<i32>} : memref<640xf32, #tpu.memory_space<vmem>>, vector<16xf32>,
    %swap3A_142 = arith.constant 496 : index
    %swap3A_143 = tpu.vector_load %arg6[%swap3A_142] {strides = array<i32>} : memref<640xf32, #tpu.memory_space<vmem>>, vector<16xf32>,
    %swap3A_144 = vector.shape_cast %swap3A_143 : vector<16xf32> to vector<16xf32>
    %swap3A_145 = vector.shape_cast %broadcast_in_dim3A_0 : vector<16xf32> to vector<16xf32>
    tpu.vector_store %arg6[%swap3A_142], %swap3A_145 {strides = array<i32>} : memref<640xf32, #tpu.memory_space<vmem>>, vector<16xf32>,
    %swap3A_146 = arith.constant 512 : index
    %swap3A_147 = tpu.vector_load %arg6[%swap3A_146] {strides = array<i32>} : memref<640xf32, #tpu.memory_space<vmem>>, vector<16xf32>,
    %swap3A_148 = vector.shape_cast %swap3A_147 : vector<16xf32> to vector<16xf32>
    %swap3A_149 = vector.shape_cast %broadcast_in_dim3A_0 : vector<16xf32> to vector<16xf32>
    tpu.vector_store %arg6[%swap3A_146], %swap3A_149 {strides = array<i32>} : memref<640xf32, #tpu.memory_space<vmem>>, vector<16xf32>,
    %swap3A_150 = arith.constant 528 : index
    %swap3A_151 = tpu.vector_load %arg6[%swap3A_150] {strides = array<i32>} : memref<640xf32, #tpu.memory_space<vmem>>, vector<16xf32>,
    %swap3A_152 = vector.shape_cast %swap3A_151 : vector<16xf32> to vector<16xf32>
    %swap3A_153 = vector.shape_cast %broadcast_in_dim3A_0 : vector<16xf32> to vector<16xf32>
    tpu.vector_store %arg6[%swap3A_150], %swap3A_153 {strides = array<i32>} : memref<640xf32, #tpu.memory_space<vmem>>, vector<16xf32>,
    %swap3A_154 = arith.constant 544 : index
    %swap3A_155 = tpu.vector_load %arg6[%swap3A_154] {strides = array<i32>} : memref<640xf32, #tpu.memory_space<vmem>>, vector<16xf32>,
    %swap3A_156 = vector.shape_cast %swap3A_155 : vector<16xf32> to vector<16xf32>
    %swap3A_157 = vector.shape_cast %broadcast_in_dim3A_0 : vector<16xf32> to vector<16xf32>
    tpu.vector_store %arg6[%swap3A_154], %swap3A_157 {strides = array<i32>} : memref<640xf32, #tpu.memory_space<vmem>>, vector<16xf32>,
    %swap3A_158 = arith.constant 560 : index
    %swap3A_159 = tpu.vector_load %arg6[%swap3A_158] {strides = array<i32>} : memref<640xf32, #tpu.memory_space<vmem>>, vector<16xf32>,
    %swap3A_160 = vector.shape_cast %swap3A_159 : vector<16xf32> to vector<16xf32>
    %swap3A_161 = vector.shape_cast %broadcast_in_dim3A_0 : vector<16xf32> to vector<16xf32>
    tpu.vector_store %arg6[%swap3A_158], %swap3A_161 {strides = array<i32>} : memref<640xf32, #tpu.memory_space<vmem>>, vector<16xf32>,
    %swap3A_162 = arith.constant 576 : index
    %swap3A_163 = tpu.vector_load %arg6[%swap3A_162] {strides = array<i32>} : memref<640xf32, #tpu.memory_space<vmem>>, vector<16xf32>,
    %swap3A_164 = vector.shape_cast %swap3A_163 : vector<16xf32> to vector<16xf32>
    %swap3A_165 = vector.shape_cast %broadcast_in_dim3A_0 : vector<16xf32> to vector<16xf32>
    tpu.vector_store %arg6[%swap3A_162], %swap3A_165 {strides = array<i32>} : memref<640xf32, #tpu.memory_space<vmem>>, vector<16xf32>,
    %swap3A_166 = arith.constant 592 : index
    %swap3A_167 = tpu.vector_load %arg6[%swap3A_166] {strides = array<i32>} : memref<640xf32, #tpu.memory_space<vmem>>, vector<16xf32>,
    %swap3A_168 = vector.shape_cast %swap3A_167 : vector<16xf32> to vector<16xf32>
    %swap3A_169 = vector.shape_cast %broadcast_in_dim3A_0 : vector<16xf32> to vector<16xf32>
    tpu.vector_store %arg6[%swap3A_166], %swap3A_169 {strides = array<i32>} : memref<640xf32, #tpu.memory_space<vmem>>, vector<16xf32>,
    %swap3A_170 = arith.constant 608 : index
    %swap3A_171 = tpu.vector_load %arg6[%swap3A_170] {strides = array<i32>} : memref<640xf32, #tpu.memory_space<vmem>>, vector<16xf32>,
    %swap3A_172 = vector.shape_cast %swap3A_171 : vector<16xf32> to vector<16xf32>
    %swap3A_173 = vector.shape_cast %broadcast_in_dim3A_0 : vector<16xf32> to vector<16xf32>
    tpu.vector_store %arg6[%swap3A_170], %swap3A_173 {strides = array<i32>} : memref<640xf32, #tpu.memory_space<vmem>>, vector<16xf32>,
    %swap3A_174 = arith.constant 624 : index
    %swap3A_175 = tpu.vector_load %arg6[%swap3A_174] {strides = array<i32>} : memref<640xf32, #tpu.memory_space<vmem>>, vector<16xf32>,
    %swap3A_176 = vector.shape_cast %swap3A_175 : vector<16xf32> to vector<16xf32>
    %swap3A_177 = vector.shape_cast %broadcast_in_dim3A_0 : vector<16xf32> to vector<16xf32>
    tpu.vector_store %arg6[%swap3A_174], %swap3A_177 {strides = array<i32>} : memref<640xf32, #tpu.memory_space<vmem>>, vector<16xf32>,
    %mul3A = arith.constant 640 : i32
    %mul3A_178 = arith.muli %arg1, %mul3A : i32
    "tpu.region"() ({
      %run_scoped3A = tpu.sem_alloc : memref<!tpu.dma_semaphore, #tpu.memory_space<semaphore_mem>>
      %dma_start3A = tpu.memref_slice %arg7[%mul3A_178] : memref<10240xf32, #tpu.memory_space<vmem_shared>> -> memref<640xf32, #tpu.memory_space<vmem_shared>>
      %dma_start3A_196 = tpu.memref_slice %arg7[%mul3A_178] : memref<10240xf32, #tpu.memory_space<vmem_shared>> -> memref<640xf32, #tpu.memory_space<vmem_shared>>
      tpu.enqueue_dma source(%arg6 : memref<640xf32, #tpu.memory_space<vmem>>) target(%dma_start3A_196 : memref<640xf32, #tpu.memory_space<vmem_shared>>) target_semaphore(%run_scoped3A : memref<!tpu.dma_semaphore, #tpu.memory_space<semaphore_mem>>)
      %dma_wait3A = tpu.memref_slice %arg7[%mul3A_178] : memref<10240xf32, #tpu.memory_space<vmem_shared>> -> memref<640xf32, #tpu.memory_space<vmem_shared>>
      %dma_wait3A_197 = tpu.memref_slice %arg7[%mul3A_178] : memref<10240xf32, #tpu.memory_space<vmem_shared>> -> memref<640xf32, #tpu.memory_space<vmem_shared>>
      tpu.wait_dma2 semaphore(%run_scoped3A : memref<!tpu.dma_semaphore, #tpu.memory_space<semaphore_mem>>) src(%arg6 : memref<640xf32, #tpu.memory_space<vmem>>) dst(%dma_wait3A_197 : memref<640xf32, #tpu.memory_space<vmem_shared>>)
      tpu.yield
    }) : () -> ()
    %barrier3A = arith.constant 0 : index
    tpu.barrier barrier_id(%barrier3A)
    %mul3A_179 = arith.constant 16 : i32
    %mul3A_180 = arith.muli %arg0, %mul3A_179 : i32
    %add3A = arith.addi %mul3A_180, %arg1 : i32
    %mul3A_181 = arith.constant 160 : i32
    %mul3A_182 = arith.muli %add3A, %mul3A_181 : i32
    %scan3A = arith.constant 0 : i32
    %scan3A_183 = arith.constant 0 : i32
    %scan3A_184 = arith.constant 10 : i32
    %scan3A_185 = arith.addi %scan3A_183, %scan3A_184 : i32
    %scan3A_186 = arith.constant 1 : i32
    scf.for %scan3A_196 = %scan3A_183 to %scan3A_185 step %scan3A_186  : i32 {
      %mul3A_197 = arith.constant 16 : i32
      %mul3A_198 = arith.muli %scan3A_196, %mul3A_197 : i32
      %add3A_199 = arith.addi %mul3A_182, %mul3A_198 : i32
      "tpu.region"() ({
        %run_scoped3A = tpu.sem_alloc : memref<!tpu.dma_semaphore, #tpu.memory_space<semaphore_mem>>
        %dma_start3A_390 = arith.constant 0 : i32
        %dma_start3A_391 = tpu.memref_slice %arg2[%add3A_199, %dma_start3A_390] : memref<5120x64xi32, #tpu.memory_space<hbm>> -> memref<16x64xi32, #tpu.memory_space<hbm>>
        %dma_start3A_392 = arith.constant 0 : i32
        %dma_start3A_393 = tpu.memref_slice %arg2[%add3A_199, %dma_start3A_392] : memref<5120x64xi32, #tpu.memory_space<hbm>> -> memref<16x64xi32, #tpu.memory_space<hbm>>
        tpu.enqueue_dma source(%dma_start3A_393 : memref<16x64xi32, #tpu.memory_space<hbm>>) target(%arg4 : memref<16x64xi32, #tpu.memory_space<vmem>>) target_semaphore(%run_scoped3A : memref<!tpu.dma_semaphore, #tpu.memory_space<semaphore_mem>>)
        %dma_wait3A_394 = arith.constant 0 : i32
        %dma_wait3A_395 = tpu.memref_slice %arg2[%add3A_199, %dma_wait3A_394] : memref<5120x64xi32, #tpu.memory_space<hbm>> -> memref<16x64xi32, #tpu.memory_space<hbm>>
        %dma_wait3A_396 = arith.constant 0 : i32
        %dma_wait3A_397 = tpu.memref_slice %arg2[%add3A_199, %dma_wait3A_396] : memref<5120x64xi32, #tpu.memory_space<hbm>> -> memref<16x64xi32, #tpu.memory_space<hbm>>
        tpu.wait_dma2 semaphore(%run_scoped3A : memref<!tpu.dma_semaphore, #tpu.memory_space<semaphore_mem>>) src(%dma_wait3A_397 : memref<16x64xi32, #tpu.memory_space<hbm>>) dst(%arg4 : memref<16x64xi32, #tpu.memory_space<vmem>>)
        tpu.yield
      }) : () -> ()
      %dma_start3A = arith.constant 0 : i32
      %dma_start3A_200 = arith.constant 0 : i32
      %dma_start3A_201 = tpu.memref_slice %arg4[%dma_start3A, %dma_start3A_200] : memref<16x64xi32, #tpu.memory_space<vmem>> -> memref<1x64xi32, #tpu.memory_space<vmem>>
      %dma_start3A_202 = tpu.memref_squeeze %dma_start3A_201 : memref<1x64xi32, #tpu.memory_space<vmem>> -> memref<64xi32, #tpu.memory_space<vmem>>
      %dma_start3A_203 = arith.constant 0 : i32
      %dma_start3A_204 = tpu.memref_slice %arg7[%dma_start3A_203] : memref<10240xf32, #tpu.memory_space<vmem_shared>> -> memref<10240xf32, #tpu.memory_space<vmem_shared>>
      tpu.enqueue_indirect_dma source(%arg5 : memref<64xf32, #tpu.memory_space<vmem>>) target(%dma_start3A_204 : memref<10240xf32, #tpu.memory_space<vmem_shared>>) offsets(%dma_start3A_202 : memref<64xi32, #tpu.memory_space<vmem>>) semaphore(%arg8 : memref<!tpu.dma_semaphore, #tpu.memory_space<semaphore_mem>>) {add = true}
      %dma_start3A_205 = arith.constant 1 : i32
      %dma_start3A_206 = arith.constant 0 : i32
      %dma_start3A_207 = tpu.memref_slice %arg4[%dma_start3A_205, %dma_start3A_206] : memref<16x64xi32, #tpu.memory_space<vmem>> -> memref<1x64xi32, #tpu.memory_space<vmem>>
      %dma_start3A_208 = tpu.memref_squeeze %dma_start3A_207 : memref<1x64xi32, #tpu.memory_space<vmem>> -> memref<64xi32, #tpu.memory_space<vmem>>
      %dma_start3A_209 = arith.constant 0 : i32
      %dma_start3A_210 = tpu.memref_slice %arg7[%dma_start3A_209] : memref<10240xf32, #tpu.memory_space<vmem_shared>> -> memref<10240xf32, #tpu.memory_space<vmem_shared>>
      tpu.enqueue_indirect_dma source(%arg5 : memref<64xf32, #tpu.memory_space<vmem>>) target(%dma_start3A_210 : memref<10240xf32, #tpu.memory_space<vmem_shared>>) offsets(%dma_start3A_208 : memref<64xi32, #tpu.memory_space<vmem>>) semaphore(%arg8 : memref<!tpu.dma_semaphore, #tpu.memory_space<semaphore_mem>>) {add = true}
      %dma_start3A_211 = arith.constant 2 : i32
      %dma_start3A_212 = arith.constant 0 : i32
      %dma_start3A_213 = tpu.memref_slice %arg4[%dma_start3A_211, %dma_start3A_212] : memref<16x64xi32, #tpu.memory_space<vmem>> -> memref<1x64xi32, #tpu.memory_space<vmem>>
      %dma_start3A_214 = tpu.memref_squeeze %dma_start3A_213 : memref<1x64xi32, #tpu.memory_space<vmem>> -> memref<64xi32, #tpu.memory_space<vmem>>
      %dma_start3A_215 = arith.constant 0 : i32
      %dma_start3A_216 = tpu.memref_slice %arg7[%dma_start3A_215] : memref<10240xf32, #tpu.memory_space<vmem_shared>> -> memref<10240xf32, #tpu.memory_space<vmem_shared>>
      tpu.enqueue_indirect_dma source(%arg5 : memref<64xf32, #tpu.memory_space<vmem>>) target(%dma_start3A_216 : memref<10240xf32, #tpu.memory_space<vmem_shared>>) offsets(%dma_start3A_214 : memref<64xi32, #tpu.memory_space<vmem>>) semaphore(%arg8 : memref<!tpu.dma_semaphore, #tpu.memory_space<semaphore_mem>>) {add = true}
      %dma_start3A_217 = arith.constant 3 : i32
      %dma_start3A_218 = arith.constant 0 : i32
      %dma_start3A_219 = tpu.memref_slice %arg4[%dma_start3A_217, %dma_start3A_218] : memref<16x64xi32, #tpu.memory_space<vmem>> -> memref<1x64xi32, #tpu.memory_space<vmem>>
      %dma_start3A_220 = tpu.memref_squeeze %dma_start3A_219 : memref<1x64xi32, #tpu.memory_space<vmem>> -> memref<64xi32, #tpu.memory_space<vmem>>
      %dma_start3A_221 = arith.constant 0 : i32
      %dma_start3A_222 = tpu.memref_slice %arg7[%dma_start3A_221] : memref<10240xf32, #tpu.memory_space<vmem_shared>> -> memref<10240xf32, #tpu.memory_space<vmem_shared>>
      tpu.enqueue_indirect_dma source(%arg5 : memref<64xf32, #tpu.memory_space<vmem>>) target(%dma_start3A_222 : memref<10240xf32, #tpu.memory_space<vmem_shared>>) offsets(%dma_start3A_220 : memref<64xi32, #tpu.memory_space<vmem>>) semaphore(%arg8 : memref<!tpu.dma_semaphore, #tpu.memory_space<semaphore_mem>>) {add = true}
      %dma_start3A_223 = arith.constant 4 : i32
      %dma_start3A_224 = arith.constant 0 : i32
      %dma_start3A_225 = tpu.memref_slice %arg4[%dma_start3A_223, %dma_start3A_224] : memref<16x64xi32, #tpu.memory_space<vmem>> -> memref<1x64xi32, #tpu.memory_space<vmem>>
      %dma_start3A_226 = tpu.memref_squeeze %dma_start3A_225 : memref<1x64xi32, #tpu.memory_space<vmem>> -> memref<64xi32, #tpu.memory_space<vmem>>
      %dma_start3A_227 = arith.constant 0 : i32
      %dma_start3A_228 = tpu.memref_slice %arg7[%dma_start3A_227] : memref<10240xf32, #tpu.memory_space<vmem_shared>> -> memref<10240xf32, #tpu.memory_space<vmem_shared>>
      tpu.enqueue_indirect_dma source(%arg5 : memref<64xf32, #tpu.memory_space<vmem>>) target(%dma_start3A_228 : memref<10240xf32, #tpu.memory_space<vmem_shared>>) offsets(%dma_start3A_226 : memref<64xi32, #tpu.memory_space<vmem>>) semaphore(%arg8 : memref<!tpu.dma_semaphore, #tpu.memory_space<semaphore_mem>>) {add = true}
      %dma_start3A_229 = arith.constant 5 : i32
      %dma_start3A_230 = arith.constant 0 : i32
      %dma_start3A_231 = tpu.memref_slice %arg4[%dma_start3A_229, %dma_start3A_230] : memref<16x64xi32, #tpu.memory_space<vmem>> -> memref<1x64xi32, #tpu.memory_space<vmem>>
      %dma_start3A_232 = tpu.memref_squeeze %dma_start3A_231 : memref<1x64xi32, #tpu.memory_space<vmem>> -> memref<64xi32, #tpu.memory_space<vmem>>
      %dma_start3A_233 = arith.constant 0 : i32
      %dma_start3A_234 = tpu.memref_slice %arg7[%dma_start3A_233] : memref<10240xf32, #tpu.memory_space<vmem_shared>> -> memref<10240xf32, #tpu.memory_space<vmem_shared>>
      tpu.enqueue_indirect_dma source(%arg5 : memref<64xf32, #tpu.memory_space<vmem>>) target(%dma_start3A_234 : memref<10240xf32, #tpu.memory_space<vmem_shared>>) offsets(%dma_start3A_232 : memref<64xi32, #tpu.memory_space<vmem>>) semaphore(%arg8 : memref<!tpu.dma_semaphore, #tpu.memory_space<semaphore_mem>>) {add = true}
      %dma_start3A_235 = arith.constant 6 : i32
      %dma_start3A_236 = arith.constant 0 : i32
      %dma_start3A_237 = tpu.memref_slice %arg4[%dma_start3A_235, %dma_start3A_236] : memref<16x64xi32, #tpu.memory_space<vmem>> -> memref<1x64xi32, #tpu.memory_space<vmem>>
      %dma_start3A_238 = tpu.memref_squeeze %dma_start3A_237 : memref<1x64xi32, #tpu.memory_space<vmem>> -> memref<64xi32, #tpu.memory_space<vmem>>
      %dma_start3A_239 = arith.constant 0 : i32
      %dma_start3A_240 = tpu.memref_slice %arg7[%dma_start3A_239] : memref<10240xf32, #tpu.memory_space<vmem_shared>> -> memref<10240xf32, #tpu.memory_space<vmem_shared>>
      tpu.enqueue_indirect_dma source(%arg5 : memref<64xf32, #tpu.memory_space<vmem>>) target(%dma_start3A_240 : memref<10240xf32, #tpu.memory_space<vmem_shared>>) offsets(%dma_start3A_238 : memref<64xi32, #tpu.memory_space<vmem>>) semaphore(%arg8 : memref<!tpu.dma_semaphore, #tpu.memory_space<semaphore_mem>>) {add = true}
      %dma_start3A_241 = arith.constant 7 : i32
      %dma_start3A_242 = arith.constant 0 : i32
      %dma_start3A_243 = tpu.memref_slice %arg4[%dma_start3A_241, %dma_start3A_242] : memref<16x64xi32, #tpu.memory_space<vmem>> -> memref<1x64xi32, #tpu.memory_space<vmem>>
      %dma_start3A_244 = tpu.memref_squeeze %dma_start3A_243 : memref<1x64xi32, #tpu.memory_space<vmem>> -> memref<64xi32, #tpu.memory_space<vmem>>
      %dma_start3A_245 = arith.constant 0 : i32
      %dma_start3A_246 = tpu.memref_slice %arg7[%dma_start3A_245] : memref<10240xf32, #tpu.memory_space<vmem_shared>> -> memref<10240xf32, #tpu.memory_space<vmem_shared>>
      tpu.enqueue_indirect_dma source(%arg5 : memref<64xf32, #tpu.memory_space<vmem>>) target(%dma_start3A_246 : memref<10240xf32, #tpu.memory_space<vmem_shared>>) offsets(%dma_start3A_244 : memref<64xi32, #tpu.memory_space<vmem>>) semaphore(%arg8 : memref<!tpu.dma_semaphore, #tpu.memory_space<semaphore_mem>>) {add = true}
      %dma_start3A_247 = arith.constant 8 : i32
      %dma_start3A_248 = arith.constant 0 : i32
      %dma_start3A_249 = tpu.memref_slice %arg4[%dma_start3A_247, %dma_start3A_248] : memref<16x64xi32, #tpu.memory_space<vmem>> -> memref<1x64xi32, #tpu.memory_space<vmem>>
      %dma_start3A_250 = tpu.memref_squeeze %dma_start3A_249 : memref<1x64xi32, #tpu.memory_space<vmem>> -> memref<64xi32, #tpu.memory_space<vmem>>
      %dma_start3A_251 = arith.constant 0 : i32
      %dma_start3A_252 = tpu.memref_slice %arg7[%dma_start3A_251] : memref<10240xf32, #tpu.memory_space<vmem_shared>> -> memref<10240xf32, #tpu.memory_space<vmem_shared>>
      tpu.enqueue_indirect_dma source(%arg5 : memref<64xf32, #tpu.memory_space<vmem>>) target(%dma_start3A_252 : memref<10240xf32, #tpu.memory_space<vmem_shared>>) offsets(%dma_start3A_250 : memref<64xi32, #tpu.memory_space<vmem>>) semaphore(%arg8 : memref<!tpu.dma_semaphore, #tpu.memory_space<semaphore_mem>>) {add = true}
      %dma_start3A_253 = arith.constant 9 : i32
      %dma_start3A_254 = arith.constant 0 : i32
      %dma_start3A_255 = tpu.memref_slice %arg4[%dma_start3A_253, %dma_start3A_254] : memref<16x64xi32, #tpu.memory_space<vmem>> -> memref<1x64xi32, #tpu.memory_space<vmem>>
      %dma_start3A_256 = tpu.memref_squeeze %dma_start3A_255 : memref<1x64xi32, #tpu.memory_space<vmem>> -> memref<64xi32, #tpu.memory_space<vmem>>
      %dma_start3A_257 = arith.constant 0 : i32
      %dma_start3A_258 = tpu.memref_slice %arg7[%dma_start3A_257] : memref<10240xf32, #tpu.memory_space<vmem_shared>> -> memref<10240xf32, #tpu.memory_space<vmem_shared>>
      tpu.enqueue_indirect_dma source(%arg5 : memref<64xf32, #tpu.memory_space<vmem>>) target(%dma_start3A_258 : memref<10240xf32, #tpu.memory_space<vmem_shared>>) offsets(%dma_start3A_256 : memref<64xi32, #tpu.memory_space<vmem>>) semaphore(%arg8 : memref<!tpu.dma_semaphore, #tpu.memory_space<semaphore_mem>>) {add = true}
      %dma_start3A_259 = arith.constant 10 : i32
      %dma_start3A_260 = arith.constant 0 : i32
      %dma_start3A_261 = tpu.memref_slice %arg4[%dma_start3A_259, %dma_start3A_260] : memref<16x64xi32, #tpu.memory_space<vmem>> -> memref<1x64xi32, #tpu.memory_space<vmem>>
      %dma_start3A_262 = tpu.memref_squeeze %dma_start3A_261 : memref<1x64xi32, #tpu.memory_space<vmem>> -> memref<64xi32, #tpu.memory_space<vmem>>
      %dma_start3A_263 = arith.constant 0 : i32
      %dma_start3A_264 = tpu.memref_slice %arg7[%dma_start3A_263] : memref<10240xf32, #tpu.memory_space<vmem_shared>> -> memref<10240xf32, #tpu.memory_space<vmem_shared>>
      tpu.enqueue_indirect_dma source(%arg5 : memref<64xf32, #tpu.memory_space<vmem>>) target(%dma_start3A_264 : memref<10240xf32, #tpu.memory_space<vmem_shared>>) offsets(%dma_start3A_262 : memref<64xi32, #tpu.memory_space<vmem>>) semaphore(%arg8 : memref<!tpu.dma_semaphore, #tpu.memory_space<semaphore_mem>>) {add = true}
      %dma_start3A_265 = arith.constant 11 : i32
      %dma_start3A_266 = arith.constant 0 : i32
      %dma_start3A_267 = tpu.memref_slice %arg4[%dma_start3A_265, %dma_start3A_266] : memref<16x64xi32, #tpu.memory_space<vmem>> -> memref<1x64xi32, #tpu.memory_space<vmem>>
      %dma_start3A_268 = tpu.memref_squeeze %dma_start3A_267 : memref<1x64xi32, #tpu.memory_space<vmem>> -> memref<64xi32, #tpu.memory_space<vmem>>
      %dma_start3A_269 = arith.constant 0 : i32
      %dma_start3A_270 = tpu.memref_slice %arg7[%dma_start3A_269] : memref<10240xf32, #tpu.memory_space<vmem_shared>> -> memref<10240xf32, #tpu.memory_space<vmem_shared>>
      tpu.enqueue_indirect_dma source(%arg5 : memref<64xf32, #tpu.memory_space<vmem>>) target(%dma_start3A_270 : memref<10240xf32, #tpu.memory_space<vmem_shared>>) offsets(%dma_start3A_268 : memref<64xi32, #tpu.memory_space<vmem>>) semaphore(%arg8 : memref<!tpu.dma_semaphore, #tpu.memory_space<semaphore_mem>>) {add = true}
      %dma_start3A_271 = arith.constant 12 : i32
      %dma_start3A_272 = arith.constant 0 : i32
      %dma_start3A_273 = tpu.memref_slice %arg4[%dma_start3A_271, %dma_start3A_272] : memref<16x64xi32, #tpu.memory_space<vmem>> -> memref<1x64xi32, #tpu.memory_space<vmem>>
      %dma_start3A_274 = tpu.memref_squeeze %dma_start3A_273 : memref<1x64xi32, #tpu.memory_space<vmem>> -> memref<64xi32, #tpu.memory_space<vmem>>
      %dma_start3A_275 = arith.constant 0 : i32
      %dma_start3A_276 = tpu.memref_slice %arg7[%dma_start3A_275] : memref<10240xf32, #tpu.memory_space<vmem_shared>> -> memref<10240xf32, #tpu.memory_space<vmem_shared>>
      tpu.enqueue_indirect_dma source(%arg5 : memref<64xf32, #tpu.memory_space<vmem>>) target(%dma_start3A_276 : memref<10240xf32, #tpu.memory_space<vmem_shared>>) offsets(%dma_start3A_274 : memref<64xi32, #tpu.memory_space<vmem>>) semaphore(%arg8 : memref<!tpu.dma_semaphore, #tpu.memory_space<semaphore_mem>>) {add = true}
      %dma_start3A_277 = arith.constant 13 : i32
      %dma_start3A_278 = arith.constant 0 : i32
      %dma_start3A_279 = tpu.memref_slice %arg4[%dma_start3A_277, %dma_start3A_278] : memref<16x64xi32, #tpu.memory_space<vmem>> -> memref<1x64xi32, #tpu.memory_space<vmem>>
      %dma_start3A_280 = tpu.memref_squeeze %dma_start3A_279 : memref<1x64xi32, #tpu.memory_space<vmem>> -> memref<64xi32, #tpu.memory_space<vmem>>
      %dma_start3A_281 = arith.constant 0 : i32
      %dma_start3A_282 = tpu.memref_slice %arg7[%dma_start3A_281] : memref<10240xf32, #tpu.memory_space<vmem_shared>> -> memref<10240xf32, #tpu.memory_space<vmem_shared>>
      tpu.enqueue_indirect_dma source(%arg5 : memref<64xf32, #tpu.memory_space<vmem>>) target(%dma_start3A_282 : memref<10240xf32, #tpu.memory_space<vmem_shared>>) offsets(%dma_start3A_280 : memref<64xi32, #tpu.memory_space<vmem>>) semaphore(%arg8 : memref<!tpu.dma_semaphore, #tpu.memory_space<semaphore_mem>>) {add = true}
      %dma_start3A_283 = arith.constant 14 : i32
      %dma_start3A_284 = arith.constant 0 : i32
      %dma_start3A_285 = tpu.memref_slice %arg4[%dma_start3A_283, %dma_start3A_284] : memref<16x64xi32, #tpu.memory_space<vmem>> -> memref<1x64xi32, #tpu.memory_space<vmem>>
      %dma_start3A_286 = tpu.memref_squeeze %dma_start3A_285 : memref<1x64xi32, #tpu.memory_space<vmem>> -> memref<64xi32, #tpu.memory_space<vmem>>
      %dma_start3A_287 = arith.constant 0 : i32
      %dma_start3A_288 = tpu.memref_slice %arg7[%dma_start3A_287] : memref<10240xf32, #tpu.memory_space<vmem_shared>> -> memref<10240xf32, #tpu.memory_space<vmem_shared>>
      tpu.enqueue_indirect_dma source(%arg5 : memref<64xf32, #tpu.memory_space<vmem>>) target(%dma_start3A_288 : memref<10240xf32, #tpu.memory_space<vmem_shared>>) offsets(%dma_start3A_286 : memref<64xi32, #tpu.memory_space<vmem>>) semaphore(%arg8 : memref<!tpu.dma_semaphore, #tpu.memory_space<semaphore_mem>>) {add = true}
      %dma_start3A_289 = arith.constant 15 : i32
      %dma_start3A_290 = arith.constant 0 : i32
      %dma_start3A_291 = tpu.memref_slice %arg4[%dma_start3A_289, %dma_start3A_290] : memref<16x64xi32, #tpu.memory_space<vmem>> -> memref<1x64xi32, #tpu.memory_space<vmem>>
      %dma_start3A_292 = tpu.memref_squeeze %dma_start3A_291 : memref<1x64xi32, #tpu.memory_space<vmem>> -> memref<64xi32, #tpu.memory_space<vmem>>
      %dma_start3A_293 = arith.constant 0 : i32
      %dma_start3A_294 = tpu.memref_slice %arg7[%dma_start3A_293] : memref<10240xf32, #tpu.memory_space<vmem_shared>> -> memref<10240xf32, #tpu.memory_space<vmem_shared>>
      tpu.enqueue_indirect_dma source(%arg5 : memref<64xf32, #tpu.memory_space<vmem>>) target(%dma_start3A_294 : memref<10240xf32, #tpu.memory_space<vmem_shared>>) offsets(%dma_start3A_292 : memref<64xi32, #tpu.memory_space<vmem>>) semaphore(%arg8 : memref<!tpu.dma_semaphore, #tpu.memory_space<semaphore_mem>>) {add = true}
      %dma_wait3A = arith.constant 0 : i32
      %dma_wait3A_295 = arith.constant 0 : i32
      %dma_wait3A_296 = tpu.memref_slice %arg4[%dma_wait3A, %dma_wait3A_295] : memref<16x64xi32, #tpu.memory_space<vmem>> -> memref<1x64xi32, #tpu.memory_space<vmem>>
      %dma_wait3A_297 = tpu.memref_squeeze %dma_wait3A_296 : memref<1x64xi32, #tpu.memory_space<vmem>> -> memref<64xi32, #tpu.memory_space<vmem>>
      %dma_wait3A_298 = arith.constant 0 : i32
      %dma_wait3A_299 = tpu.memref_slice %arg7[%dma_wait3A_298] : memref<10240xf32, #tpu.memory_space<vmem_shared>> -> memref<10240xf32, #tpu.memory_space<vmem_shared>>
      tpu.wait_indirect_dma semaphore(%arg8 : memref<!tpu.dma_semaphore, #tpu.memory_space<semaphore_mem>>) src(%arg5 : memref<64xf32, #tpu.memory_space<vmem>>) dst(%dma_wait3A_299 : memref<10240xf32, #tpu.memory_space<vmem_shared>>)
      %dma_wait3A_300 = arith.constant 1 : i32
      %dma_wait3A_301 = arith.constant 0 : i32
      %dma_wait3A_302 = tpu.memref_slice %arg4[%dma_wait3A_300, %dma_wait3A_301] : memref<16x64xi32, #tpu.memory_space<vmem>> -> memref<1x64xi32, #tpu.memory_space<vmem>>
      %dma_wait3A_303 = tpu.memref_squeeze %dma_wait3A_302 : memref<1x64xi32, #tpu.memory_space<vmem>> -> memref<64xi32, #tpu.memory_space<vmem>>
      %dma_wait3A_304 = arith.constant 0 : i32
      %dma_wait3A_305 = tpu.memref_slice %arg7[%dma_wait3A_304] : memref<10240xf32, #tpu.memory_space<vmem_shared>> -> memref<10240xf32, #tpu.memory_space<vmem_shared>>
      tpu.wait_indirect_dma semaphore(%arg8 : memref<!tpu.dma_semaphore, #tpu.memory_space<semaphore_mem>>) src(%arg5 : memref<64xf32, #tpu.memory_space<vmem>>) dst(%dma_wait3A_305 : memref<10240xf32, #tpu.memory_space<vmem_shared>>)
      %dma_wait3A_306 = arith.constant 2 : i32
      %dma_wait3A_307 = arith.constant 0 : i32
      %dma_wait3A_308 = tpu.memref_slice %arg4[%dma_wait3A_306, %dma_wait3A_307] : memref<16x64xi32, #tpu.memory_space<vmem>> -> memref<1x64xi32, #tpu.memory_space<vmem>>
      %dma_wait3A_309 = tpu.memref_squeeze %dma_wait3A_308 : memref<1x64xi32, #tpu.memory_space<vmem>> -> memref<64xi32, #tpu.memory_space<vmem>>
      %dma_wait3A_310 = arith.constant 0 : i32
      %dma_wait3A_311 = tpu.memref_slice %arg7[%dma_wait3A_310] : memref<10240xf32, #tpu.memory_space<vmem_shared>> -> memref<10240xf32, #tpu.memory_space<vmem_shared>>
      tpu.wait_indirect_dma semaphore(%arg8 : memref<!tpu.dma_semaphore, #tpu.memory_space<semaphore_mem>>) src(%arg5 : memref<64xf32, #tpu.memory_space<vmem>>) dst(%dma_wait3A_311 : memref<10240xf32, #tpu.memory_space<vmem_shared>>)
      %dma_wait3A_312 = arith.constant 3 : i32
      %dma_wait3A_313 = arith.constant 0 : i32
      %dma_wait3A_314 = tpu.memref_slice %arg4[%dma_wait3A_312, %dma_wait3A_313] : memref<16x64xi32, #tpu.memory_space<vmem>> -> memref<1x64xi32, #tpu.memory_space<vmem>>
      %dma_wait3A_315 = tpu.memref_squeeze %dma_wait3A_314 : memref<1x64xi32, #tpu.memory_space<vmem>> -> memref<64xi32, #tpu.memory_space<vmem>>
      %dma_wait3A_316 = arith.constant 0 : i32
      %dma_wait3A_317 = tpu.memref_slice %arg7[%dma_wait3A_316] : memref<10240xf32, #tpu.memory_space<vmem_shared>> -> memref<10240xf32, #tpu.memory_space<vmem_shared>>
      tpu.wait_indirect_dma semaphore(%arg8 : memref<!tpu.dma_semaphore, #tpu.memory_space<semaphore_mem>>) src(%arg5 : memref<64xf32, #tpu.memory_space<vmem>>) dst(%dma_wait3A_317 : memref<10240xf32, #tpu.memory_space<vmem_shared>>)
      %dma_wait3A_318 = arith.constant 4 : i32
      %dma_wait3A_319 = arith.constant 0 : i32
      %dma_wait3A_320 = tpu.memref_slice %arg4[%dma_wait3A_318, %dma_wait3A_319] : memref<16x64xi32, #tpu.memory_space<vmem>> -> memref<1x64xi32, #tpu.memory_space<vmem>>
      %dma_wait3A_321 = tpu.memref_squeeze %dma_wait3A_320 : memref<1x64xi32, #tpu.memory_space<vmem>> -> memref<64xi32, #tpu.memory_space<vmem>>
      %dma_wait3A_322 = arith.constant 0 : i32
      %dma_wait3A_323 = tpu.memref_slice %arg7[%dma_wait3A_322] : memref<10240xf32, #tpu.memory_space<vmem_shared>> -> memref<10240xf32, #tpu.memory_space<vmem_shared>>
      tpu.wait_indirect_dma semaphore(%arg8 : memref<!tpu.dma_semaphore, #tpu.memory_space<semaphore_mem>>) src(%arg5 : memref<64xf32, #tpu.memory_space<vmem>>) dst(%dma_wait3A_323 : memref<10240xf32, #tpu.memory_space<vmem_shared>>)
      %dma_wait3A_324 = arith.constant 5 : i32
      %dma_wait3A_325 = arith.constant 0 : i32
      %dma_wait3A_326 = tpu.memref_slice %arg4[%dma_wait3A_324, %dma_wait3A_325] : memref<16x64xi32, #tpu.memory_space<vmem>> -> memref<1x64xi32, #tpu.memory_space<vmem>>
      %dma_wait3A_327 = tpu.memref_squeeze %dma_wait3A_326 : memref<1x64xi32, #tpu.memory_space<vmem>> -> memref<64xi32, #tpu.memory_space<vmem>>
      %dma_wait3A_328 = arith.constant 0 : i32
      %dma_wait3A_329 = tpu.memref_slice %arg7[%dma_wait3A_328] : memref<10240xf32, #tpu.memory_space<vmem_shared>> -> memref<10240xf32, #tpu.memory_space<vmem_shared>>
      tpu.wait_indirect_dma semaphore(%arg8 : memref<!tpu.dma_semaphore, #tpu.memory_space<semaphore_mem>>) src(%arg5 : memref<64xf32, #tpu.memory_space<vmem>>) dst(%dma_wait3A_329 : memref<10240xf32, #tpu.memory_space<vmem_shared>>)
      %dma_wait3A_330 = arith.constant 6 : i32
      %dma_wait3A_331 = arith.constant 0 : i32
      %dma_wait3A_332 = tpu.memref_slice %arg4[%dma_wait3A_330, %dma_wait3A_331] : memref<16x64xi32, #tpu.memory_space<vmem>> -> memref<1x64xi32, #tpu.memory_space<vmem>>
      %dma_wait3A_333 = tpu.memref_squeeze %dma_wait3A_332 : memref<1x64xi32, #tpu.memory_space<vmem>> -> memref<64xi32, #tpu.memory_space<vmem>>
      %dma_wait3A_334 = arith.constant 0 : i32
      %dma_wait3A_335 = tpu.memref_slice %arg7[%dma_wait3A_334] : memref<10240xf32, #tpu.memory_space<vmem_shared>> -> memref<10240xf32, #tpu.memory_space<vmem_shared>>
      tpu.wait_indirect_dma semaphore(%arg8 : memref<!tpu.dma_semaphore, #tpu.memory_space<semaphore_mem>>) src(%arg5 : memref<64xf32, #tpu.memory_space<vmem>>) dst(%dma_wait3A_335 : memref<10240xf32, #tpu.memory_space<vmem_shared>>)
      %dma_wait3A_336 = arith.constant 7 : i32
      %dma_wait3A_337 = arith.constant 0 : i32
      %dma_wait3A_338 = tpu.memref_slice %arg4[%dma_wait3A_336, %dma_wait3A_337] : memref<16x64xi32, #tpu.memory_space<vmem>> -> memref<1x64xi32, #tpu.memory_space<vmem>>
      %dma_wait3A_339 = tpu.memref_squeeze %dma_wait3A_338 : memref<1x64xi32, #tpu.memory_space<vmem>> -> memref<64xi32, #tpu.memory_space<vmem>>
      %dma_wait3A_340 = arith.constant 0 : i32
      %dma_wait3A_341 = tpu.memref_slice %arg7[%dma_wait3A_340] : memref<10240xf32, #tpu.memory_space<vmem_shared>> -> memref<10240xf32, #tpu.memory_space<vmem_shared>>
      tpu.wait_indirect_dma semaphore(%arg8 : memref<!tpu.dma_semaphore, #tpu.memory_space<semaphore_mem>>) src(%arg5 : memref<64xf32, #tpu.memory_space<vmem>>) dst(%dma_wait3A_341 : memref<10240xf32, #tpu.memory_space<vmem_shared>>)
      %dma_wait3A_342 = arith.constant 8 : i32
      %dma_wait3A_343 = arith.constant 0 : i32
      %dma_wait3A_344 = tpu.memref_slice %arg4[%dma_wait3A_342, %dma_wait3A_343] : memref<16x64xi32, #tpu.memory_space<vmem>> -> memref<1x64xi32, #tpu.memory_space<vmem>>
      %dma_wait3A_345 = tpu.memref_squeeze %dma_wait3A_344 : memref<1x64xi32, #tpu.memory_space<vmem>> -> memref<64xi32, #tpu.memory_space<vmem>>
      %dma_wait3A_346 = arith.constant 0 : i32
      %dma_wait3A_347 = tpu.memref_slice %arg7[%dma_wait3A_346] : memref<10240xf32, #tpu.memory_space<vmem_shared>> -> memref<10240xf32, #tpu.memory_space<vmem_shared>>
      tpu.wait_indirect_dma semaphore(%arg8 : memref<!tpu.dma_semaphore, #tpu.memory_space<semaphore_mem>>) src(%arg5 : memref<64xf32, #tpu.memory_space<vmem>>) dst(%dma_wait3A_347 : memref<10240xf32, #tpu.memory_space<vmem_shared>>)
      %dma_wait3A_348 = arith.constant 9 : i32
      %dma_wait3A_349 = arith.constant 0 : i32
      %dma_wait3A_350 = tpu.memref_slice %arg4[%dma_wait3A_348, %dma_wait3A_349] : memref<16x64xi32, #tpu.memory_space<vmem>> -> memref<1x64xi32, #tpu.memory_space<vmem>>
      %dma_wait3A_351 = tpu.memref_squeeze %dma_wait3A_350 : memref<1x64xi32, #tpu.memory_space<vmem>> -> memref<64xi32, #tpu.memory_space<vmem>>
      %dma_wait3A_352 = arith.constant 0 : i32
      %dma_wait3A_353 = tpu.memref_slice %arg7[%dma_wait3A_352] : memref<10240xf32, #tpu.memory_space<vmem_shared>> -> memref<10240xf32, #tpu.memory_space<vmem_shared>>
      tpu.wait_indirect_dma semaphore(%arg8 : memref<!tpu.dma_semaphore, #tpu.memory_space<semaphore_mem>>) src(%arg5 : memref<64xf32, #tpu.memory_space<vmem>>) dst(%dma_wait3A_353 : memref<10240xf32, #tpu.memory_space<vmem_shared>>)
      %dma_wait3A_354 = arith.constant 10 : i32
      %dma_wait3A_355 = arith.constant 0 : i32
      %dma_wait3A_356 = tpu.memref_slice %arg4[%dma_wait3A_354, %dma_wait3A_355] : memref<16x64xi32, #tpu.memory_space<vmem>> -> memref<1x64xi32, #tpu.memory_space<vmem>>
      %dma_wait3A_357 = tpu.memref_squeeze %dma_wait3A_356 : memref<1x64xi32, #tpu.memory_space<vmem>> -> memref<64xi32, #tpu.memory_space<vmem>>
      %dma_wait3A_358 = arith.constant 0 : i32
      %dma_wait3A_359 = tpu.memref_slice %arg7[%dma_wait3A_358] : memref<10240xf32, #tpu.memory_space<vmem_shared>> -> memref<10240xf32, #tpu.memory_space<vmem_shared>>
      tpu.wait_indirect_dma semaphore(%arg8 : memref<!tpu.dma_semaphore, #tpu.memory_space<semaphore_mem>>) src(%arg5 : memref<64xf32, #tpu.memory_space<vmem>>) dst(%dma_wait3A_359 : memref<10240xf32, #tpu.memory_space<vmem_shared>>)
      %dma_wait3A_360 = arith.constant 11 : i32
      %dma_wait3A_361 = arith.constant 0 : i32
      %dma_wait3A_362 = tpu.memref_slice %arg4[%dma_wait3A_360, %dma_wait3A_361] : memref<16x64xi32, #tpu.memory_space<vmem>> -> memref<1x64xi32, #tpu.memory_space<vmem>>
      %dma_wait3A_363 = tpu.memref_squeeze %dma_wait3A_362 : memref<1x64xi32, #tpu.memory_space<vmem>> -> memref<64xi32, #tpu.memory_space<vmem>>
      %dma_wait3A_364 = arith.constant 0 : i32
      %dma_wait3A_365 = tpu.memref_slice %arg7[%dma_wait3A_364] : memref<10240xf32, #tpu.memory_space<vmem_shared>> -> memref<10240xf32, #tpu.memory_space<vmem_shared>>
      tpu.wait_indirect_dma semaphore(%arg8 : memref<!tpu.dma_semaphore, #tpu.memory_space<semaphore_mem>>) src(%arg5 : memref<64xf32, #tpu.memory_space<vmem>>) dst(%dma_wait3A_365 : memref<10240xf32, #tpu.memory_space<vmem_shared>>)
      %dma_wait3A_366 = arith.constant 12 : i32
      %dma_wait3A_367 = arith.constant 0 : i32
      %dma_wait3A_368 = tpu.memref_slice %arg4[%dma_wait3A_366, %dma_wait3A_367] : memref<16x64xi32, #tpu.memory_space<vmem>> -> memref<1x64xi32, #tpu.memory_space<vmem>>
      %dma_wait3A_369 = tpu.memref_squeeze %dma_wait3A_368 : memref<1x64xi32, #tpu.memory_space<vmem>> -> memref<64xi32, #tpu.memory_space<vmem>>
      %dma_wait3A_370 = arith.constant 0 : i32
      %dma_wait3A_371 = tpu.memref_slice %arg7[%dma_wait3A_370] : memref<10240xf32, #tpu.memory_space<vmem_shared>> -> memref<10240xf32, #tpu.memory_space<vmem_shared>>
      tpu.wait_indirect_dma semaphore(%arg8 : memref<!tpu.dma_semaphore, #tpu.memory_space<semaphore_mem>>) src(%arg5 : memref<64xf32, #tpu.memory_space<vmem>>) dst(%dma_wait3A_371 : memref<10240xf32, #tpu.memory_space<vmem_shared>>)
      %dma_wait3A_372 = arith.constant 13 : i32
      %dma_wait3A_373 = arith.constant 0 : i32
      %dma_wait3A_374 = tpu.memref_slice %arg4[%dma_wait3A_372, %dma_wait3A_373] : memref<16x64xi32, #tpu.memory_space<vmem>> -> memref<1x64xi32, #tpu.memory_space<vmem>>
      %dma_wait3A_375 = tpu.memref_squeeze %dma_wait3A_374 : memref<1x64xi32, #tpu.memory_space<vmem>> -> memref<64xi32, #tpu.memory_space<vmem>>
      %dma_wait3A_376 = arith.constant 0 : i32
      %dma_wait3A_377 = tpu.memref_slice %arg7[%dma_wait3A_376] : memref<10240xf32, #tpu.memory_space<vmem_shared>> -> memref<10240xf32, #tpu.memory_space<vmem_shared>>
      tpu.wait_indirect_dma semaphore(%arg8 : memref<!tpu.dma_semaphore, #tpu.memory_space<semaphore_mem>>) src(%arg5 : memref<64xf32, #tpu.memory_space<vmem>>) dst(%dma_wait3A_377 : memref<10240xf32, #tpu.memory_space<vmem_shared>>)
      %dma_wait3A_378 = arith.constant 14 : i32
      %dma_wait3A_379 = arith.constant 0 : i32
      %dma_wait3A_380 = tpu.memref_slice %arg4[%dma_wait3A_378, %dma_wait3A_379] : memref<16x64xi32, #tpu.memory_space<vmem>> -> memref<1x64xi32, #tpu.memory_space<vmem>>
      %dma_wait3A_381 = tpu.memref_squeeze %dma_wait3A_380 : memref<1x64xi32, #tpu.memory_space<vmem>> -> memref<64xi32, #tpu.memory_space<vmem>>
      %dma_wait3A_382 = arith.constant 0 : i32
      %dma_wait3A_383 = tpu.memref_slice %arg7[%dma_wait3A_382] : memref<10240xf32, #tpu.memory_space<vmem_shared>> -> memref<10240xf32, #tpu.memory_space<vmem_shared>>
      tpu.wait_indirect_dma semaphore(%arg8 : memref<!tpu.dma_semaphore, #tpu.memory_space<semaphore_mem>>) src(%arg5 : memref<64xf32, #tpu.memory_space<vmem>>) dst(%dma_wait3A_383 : memref<10240xf32, #tpu.memory_space<vmem_shared>>)
      %dma_wait3A_384 = arith.constant 15 : i32
      %dma_wait3A_385 = arith.constant 0 : i32
      %dma_wait3A_386 = tpu.memref_slice %arg4[%dma_wait3A_384, %dma_wait3A_385] : memref<16x64xi32, #tpu.memory_space<vmem>> -> memref<1x64xi32, #tpu.memory_space<vmem>>
      %dma_wait3A_387 = tpu.memref_squeeze %dma_wait3A_386 : memref<1x64xi32, #tpu.memory_space<vmem>> -> memref<64xi32, #tpu.memory_space<vmem>>
      %dma_wait3A_388 = arith.constant 0 : i32
      %dma_wait3A_389 = tpu.memref_slice %arg7[%dma_wait3A_388] : memref<10240xf32, #tpu.memory_space<vmem_shared>> -> memref<10240xf32, #tpu.memory_space<vmem_shared>>
      tpu.wait_indirect_dma semaphore(%arg8 : memref<!tpu.dma_semaphore, #tpu.memory_space<semaphore_mem>>) src(%arg5 : memref<64xf32, #tpu.memory_space<vmem>>) dst(%dma_wait3A_389 : memref<10240xf32, #tpu.memory_space<vmem_shared>>)
    }
    %scan3A_187 = arith.constant 10 : i32
    %barrier3A_188 = arith.constant 0 : index
    tpu.barrier barrier_id(%barrier3A_188)
    %mul3A_189 = arith.constant 640 : i32
    %mul3A_190 = arith.muli %arg1, %mul3A_189 : i32
    "tpu.region"() ({
      %run_scoped3A = tpu.sem_alloc : memref<!tpu.dma_semaphore, #tpu.memory_space<semaphore_mem>>
      %dma_start3A = tpu.memref_slice %arg7[%mul3A_190] : memref<10240xf32, #tpu.memory_space<vmem_shared>> -> memref<640xf32, #tpu.memory_space<vmem_shared>>
      %dma_start3A_196 = tpu.memref_slice %arg7[%mul3A_190] : memref<10240xf32, #tpu.memory_space<vmem_shared>> -> memref<640xf32, #tpu.memory_space<vmem_shared>>
      tpu.enqueue_dma source(%dma_start3A_196 : memref<640xf32, #tpu.memory_space<vmem_shared>>) target(%arg6 : memref<640xf32, #tpu.memory_space<vmem>>) target_semaphore(%run_scoped3A : memref<!tpu.dma_semaphore, #tpu.memory_space<semaphore_mem>>)
      %dma_wait3A = tpu.memref_slice %arg7[%mul3A_190] : memref<10240xf32, #tpu.memory_space<vmem_shared>> -> memref<640xf32, #tpu.memory_space<vmem_shared>>
      %dma_wait3A_197 = tpu.memref_slice %arg7[%mul3A_190] : memref<10240xf32, #tpu.memory_space<vmem_shared>> -> memref<640xf32, #tpu.memory_space<vmem_shared>>
      tpu.wait_dma2 semaphore(%run_scoped3A : memref<!tpu.dma_semaphore, #tpu.memory_space<semaphore_mem>>) src(%dma_wait3A_197 : memref<640xf32, #tpu.memory_space<vmem_shared>>) dst(%arg6 : memref<640xf32, #tpu.memory_space<vmem>>)
      tpu.yield
    }) : () -> ()
    %mul3A_191 = arith.constant 10240 : i32
    %mul3A_192 = arith.muli %arg0, %mul3A_191 : i32
    %mul3A_193 = arith.constant 640 : i32
    %mul3A_194 = arith.muli %arg1, %mul3A_193 : i32
    %add3A_195 = arith.addi %mul3A_192, %mul3A_194 : i32
    "tpu.region"() ({
      %run_scoped3A = tpu.sem_alloc : memref<!tpu.dma_semaphore, #tpu.memory_space<semaphore_mem>>
      %dma_start3A = tpu.memref_slice %arg3[%add3A_195] : memref<20480xf32, #tpu.memory_space<hbm>> -> memref<640xf32, #tpu.memory_space<hbm>>
      %dma_start3A_196 = tpu.memref_slice %arg3[%add3A_195] : memref<20480xf32, #tpu.memory_space<hbm>> -> memref<640xf32, #tpu.memory_space<hbm>>
      tpu.enqueue_dma source(%arg6 : memref<640xf32, #tpu.memory_space<vmem>>) target(%dma_start3A_196 : memref<640xf32, #tpu.memory_space<hbm>>) target_semaphore(%run_scoped3A : memref<!tpu.dma_semaphore, #tpu.memory_space<semaphore_mem>>)
      %dma_wait3A = tpu.memref_slice %arg3[%add3A_195] : memref<20480xf32, #tpu.memory_space<hbm>> -> memref<640xf32, #tpu.memory_space<hbm>>
      %dma_wait3A_197 = tpu.memref_slice %arg3[%add3A_195] : memref<20480xf32, #tpu.memory_space<hbm>> -> memref<640xf32, #tpu.memory_space<hbm>>
      tpu.wait_dma2 semaphore(%run_scoped3A : memref<!tpu.dma_semaphore, #tpu.memory_space<semaphore_mem>>) src(%arg6 : memref<640xf32, #tpu.memory_space<vmem>>) dst(%dma_wait3A_197 : memref<640xf32, #tpu.memory_space<hbm>>)
      tpu.yield
    }) : () -> ()
    return
  }
}

#map = affine_map<(d0, d1) -> (0, 0)>
module attributes {stable_mosaic.version = 14 : i64} {
  func.func @prop_kernel(%arg0: i32, %arg1: i32, %arg2: memref<10000x128xf32, #tpu.memory_space<hbm>>, %arg3: memref<5120x64xi32, #tpu.memory_space<hbm>>, %arg4: memref<5120x64xi32, #tpu.memory_space<hbm>>, %arg5: memref<20480x128xf32, #tpu.memory_space<hbm>>, %arg6: memref<16x64xi32, #tpu.memory_space<vmem>>, %arg7: memref<16x64xi32, #tpu.memory_space<vmem>>, %arg8: memref<4x64x128xf32, #tpu.memory_space<vmem>>, %arg9: memref<16x128xf32, #tpu.memory_space<vmem>>, %arg10: memref<10240x128xf32, #tpu.memory_space<vmem_shared>>, %arg11: memref<!tpu.dma_semaphore, #tpu.memory_space<semaphore_mem>>, %arg12: memref<!tpu.dma_semaphore, #tpu.memory_space<semaphore_mem>>, %arg13: memref<!tpu.dma_semaphore, #tpu.memory_space<semaphore_mem>>, %arg14: memref<!tpu.dma_semaphore, #tpu.memory_space<semaphore_mem>>, %arg15: memref<!tpu.dma_semaphore, #tpu.memory_space<semaphore_mem>>, %arg16: memref<!tpu.dma_semaphore, #tpu.memory_space<semaphore_mem>>, %arg17: memref<!tpu.dma_semaphore, #tpu.memory_space<semaphore_mem>>, %arg18: memref<!tpu.dma_semaphore, #tpu.memory_space<semaphore_mem>>, %arg19: memref<!tpu.dma_semaphore, #tpu.memory_space<semaphore_mem>>) attributes {dimension_semantics = [#tpu.dimension_semantics<core_parallel>, #tpu.dimension_semantics<subcore_parallel>], iteration_bounds = array<i64: 2, 16>, scalar_prefetch = 0 : i64, scratch_operands = 14 : i64, tpu.core_type = #tpu.core_type<sc_vector_subcore>, window_params = [{transform_indices = #map}, {transform_indices = #map}, {transform_indices = #map}, {transform_indices = #map}]} {
    %broadcast_in_dim3A = arith.constant 0.000000e+00 : f32
    %broadcast_in_dim3A_0 = vector.broadcast %broadcast_in_dim3A : f32 to vector<16xf32>
    %swap3A = arith.constant 0 : i32
    %swap3A_1 = arith.index_cast %swap3A : i32 to index
    %swap3A_2 = arith.constant 0 : index
    %swap3A_3 = tpu.vector_load %arg9[%swap3A_1, %swap3A_2] {strides = array<i32>} : memref<16x128xf32, #tpu.memory_space<vmem>>, vector<1x16xf32>,
    %swap3A_4 = vector.shape_cast %swap3A_3 : vector<1x16xf32> to vector<16xf32>
    %swap3A_5 = vector.shape_cast %broadcast_in_dim3A_0 : vector<16xf32> to vector<1x16xf32>
    tpu.vector_store %arg9[%swap3A_1, %swap3A_2], %swap3A_5 {strides = array<i32>} : memref<16x128xf32, #tpu.memory_space<vmem>>, vector<1x16xf32>,
    %swap3A_6 = arith.constant 0 : i32
    %swap3A_7 = arith.index_cast %swap3A_6 : i32 to index
    %swap3A_8 = arith.constant 16 : index
    %swap3A_9 = tpu.vector_load %arg9[%swap3A_7, %swap3A_8] {strides = array<i32>} : memref<16x128xf32, #tpu.memory_space<vmem>>, vector<1x16xf32>,
    %swap3A_10 = vector.shape_cast %swap3A_9 : vector<1x16xf32> to vector<16xf32>
    %swap3A_11 = vector.shape_cast %broadcast_in_dim3A_0 : vector<16xf32> to vector<1x16xf32>
    tpu.vector_store %arg9[%swap3A_7, %swap3A_8], %swap3A_11 {strides = array<i32>} : memref<16x128xf32, #tpu.memory_space<vmem>>, vector<1x16xf32>,
    %swap3A_12 = arith.constant 0 : i32
    %swap3A_13 = arith.index_cast %swap3A_12 : i32 to index
    %swap3A_14 = arith.constant 32 : index
    %swap3A_15 = tpu.vector_load %arg9[%swap3A_13, %swap3A_14] {strides = array<i32>} : memref<16x128xf32, #tpu.memory_space<vmem>>, vector<1x16xf32>,
    %swap3A_16 = vector.shape_cast %swap3A_15 : vector<1x16xf32> to vector<16xf32>
    %swap3A_17 = vector.shape_cast %broadcast_in_dim3A_0 : vector<16xf32> to vector<1x16xf32>
    tpu.vector_store %arg9[%swap3A_13, %swap3A_14], %swap3A_17 {strides = array<i32>} : memref<16x128xf32, #tpu.memory_space<vmem>>, vector<1x16xf32>,
    %swap3A_18 = arith.constant 0 : i32
    %swap3A_19 = arith.index_cast %swap3A_18 : i32 to index
    %swap3A_20 = arith.constant 48 : index
    %swap3A_21 = tpu.vector_load %arg9[%swap3A_19, %swap3A_20] {strides = array<i32>} : memref<16x128xf32, #tpu.memory_space<vmem>>, vector<1x16xf32>,
    %swap3A_22 = vector.shape_cast %swap3A_21 : vector<1x16xf32> to vector<16xf32>
    %swap3A_23 = vector.shape_cast %broadcast_in_dim3A_0 : vector<16xf32> to vector<1x16xf32>
    tpu.vector_store %arg9[%swap3A_19, %swap3A_20], %swap3A_23 {strides = array<i32>} : memref<16x128xf32, #tpu.memory_space<vmem>>, vector<1x16xf32>,
    %swap3A_24 = arith.constant 0 : i32
    %swap3A_25 = arith.index_cast %swap3A_24 : i32 to index
    %swap3A_26 = arith.constant 64 : index
    %swap3A_27 = tpu.vector_load %arg9[%swap3A_25, %swap3A_26] {strides = array<i32>} : memref<16x128xf32, #tpu.memory_space<vmem>>, vector<1x16xf32>,
    %swap3A_28 = vector.shape_cast %swap3A_27 : vector<1x16xf32> to vector<16xf32>
    %swap3A_29 = vector.shape_cast %broadcast_in_dim3A_0 : vector<16xf32> to vector<1x16xf32>
    tpu.vector_store %arg9[%swap3A_25, %swap3A_26], %swap3A_29 {strides = array<i32>} : memref<16x128xf32, #tpu.memory_space<vmem>>, vector<1x16xf32>,
    %swap3A_30 = arith.constant 0 : i32
    %swap3A_31 = arith.index_cast %swap3A_30 : i32 to index
    %swap3A_32 = arith.constant 80 : index
    %swap3A_33 = tpu.vector_load %arg9[%swap3A_31, %swap3A_32] {strides = array<i32>} : memref<16x128xf32, #tpu.memory_space<vmem>>, vector<1x16xf32>,
    %swap3A_34 = vector.shape_cast %swap3A_33 : vector<1x16xf32> to vector<16xf32>
    %swap3A_35 = vector.shape_cast %broadcast_in_dim3A_0 : vector<16xf32> to vector<1x16xf32>
    tpu.vector_store %arg9[%swap3A_31, %swap3A_32], %swap3A_35 {strides = array<i32>} : memref<16x128xf32, #tpu.memory_space<vmem>>, vector<1x16xf32>,
    %swap3A_36 = arith.constant 0 : i32
    %swap3A_37 = arith.index_cast %swap3A_36 : i32 to index
    %swap3A_38 = arith.constant 96 : index
    %swap3A_39 = tpu.vector_load %arg9[%swap3A_37, %swap3A_38] {strides = array<i32>} : memref<16x128xf32, #tpu.memory_space<vmem>>, vector<1x16xf32>,
    %swap3A_40 = vector.shape_cast %swap3A_39 : vector<1x16xf32> to vector<16xf32>
    %swap3A_41 = vector.shape_cast %broadcast_in_dim3A_0 : vector<16xf32> to vector<1x16xf32>
    tpu.vector_store %arg9[%swap3A_37, %swap3A_38], %swap3A_41 {strides = array<i32>} : memref<16x128xf32, #tpu.memory_space<vmem>>, vector<1x16xf32>,
    %swap3A_42 = arith.constant 0 : i32
    %swap3A_43 = arith.index_cast %swap3A_42 : i32 to index
    %swap3A_44 = arith.constant 112 : index
    %swap3A_45 = tpu.vector_load %arg9[%swap3A_43, %swap3A_44] {strides = array<i32>} : memref<16x128xf32, #tpu.memory_space<vmem>>, vector<1x16xf32>,
    %swap3A_46 = vector.shape_cast %swap3A_45 : vector<1x16xf32> to vector<16xf32>
    %swap3A_47 = vector.shape_cast %broadcast_in_dim3A_0 : vector<16xf32> to vector<1x16xf32>
    tpu.vector_store %arg9[%swap3A_43, %swap3A_44], %swap3A_47 {strides = array<i32>} : memref<16x128xf32, #tpu.memory_space<vmem>>, vector<1x16xf32>,
    %swap3A_48 = arith.constant 1 : i32
    %swap3A_49 = arith.index_cast %swap3A_48 : i32 to index
    %swap3A_50 = arith.constant 0 : index
    %swap3A_51 = tpu.vector_load %arg9[%swap3A_49, %swap3A_50] {strides = array<i32>} : memref<16x128xf32, #tpu.memory_space<vmem>>, vector<1x16xf32>,
    %swap3A_52 = vector.shape_cast %swap3A_51 : vector<1x16xf32> to vector<16xf32>
    %swap3A_53 = vector.shape_cast %broadcast_in_dim3A_0 : vector<16xf32> to vector<1x16xf32>
    tpu.vector_store %arg9[%swap3A_49, %swap3A_50], %swap3A_53 {strides = array<i32>} : memref<16x128xf32, #tpu.memory_space<vmem>>, vector<1x16xf32>,
    %swap3A_54 = arith.constant 1 : i32
    %swap3A_55 = arith.index_cast %swap3A_54 : i32 to index
    %swap3A_56 = arith.constant 16 : index
    %swap3A_57 = tpu.vector_load %arg9[%swap3A_55, %swap3A_56] {strides = array<i32>} : memref<16x128xf32, #tpu.memory_space<vmem>>, vector<1x16xf32>,
    %swap3A_58 = vector.shape_cast %swap3A_57 : vector<1x16xf32> to vector<16xf32>
    %swap3A_59 = vector.shape_cast %broadcast_in_dim3A_0 : vector<16xf32> to vector<1x16xf32>
    tpu.vector_store %arg9[%swap3A_55, %swap3A_56], %swap3A_59 {strides = array<i32>} : memref<16x128xf32, #tpu.memory_space<vmem>>, vector<1x16xf32>,
    %swap3A_60 = arith.constant 1 : i32
    %swap3A_61 = arith.index_cast %swap3A_60 : i32 to index
    %swap3A_62 = arith.constant 32 : index
    %swap3A_63 = tpu.vector_load %arg9[%swap3A_61, %swap3A_62] {strides = array<i32>} : memref<16x128xf32, #tpu.memory_space<vmem>>, vector<1x16xf32>,
    %swap3A_64 = vector.shape_cast %swap3A_63 : vector<1x16xf32> to vector<16xf32>
    %swap3A_65 = vector.shape_cast %broadcast_in_dim3A_0 : vector<16xf32> to vector<1x16xf32>
    tpu.vector_store %arg9[%swap3A_61, %swap3A_62], %swap3A_65 {strides = array<i32>} : memref<16x128xf32, #tpu.memory_space<vmem>>, vector<1x16xf32>,
    %swap3A_66 = arith.constant 1 : i32
    %swap3A_67 = arith.index_cast %swap3A_66 : i32 to index
    %swap3A_68 = arith.constant 48 : index
    %swap3A_69 = tpu.vector_load %arg9[%swap3A_67, %swap3A_68] {strides = array<i32>} : memref<16x128xf32, #tpu.memory_space<vmem>>, vector<1x16xf32>,
    %swap3A_70 = vector.shape_cast %swap3A_69 : vector<1x16xf32> to vector<16xf32>
    %swap3A_71 = vector.shape_cast %broadcast_in_dim3A_0 : vector<16xf32> to vector<1x16xf32>
    tpu.vector_store %arg9[%swap3A_67, %swap3A_68], %swap3A_71 {strides = array<i32>} : memref<16x128xf32, #tpu.memory_space<vmem>>, vector<1x16xf32>,
    %swap3A_72 = arith.constant 1 : i32
    %swap3A_73 = arith.index_cast %swap3A_72 : i32 to index
    %swap3A_74 = arith.constant 64 : index
    %swap3A_75 = tpu.vector_load %arg9[%swap3A_73, %swap3A_74] {strides = array<i32>} : memref<16x128xf32, #tpu.memory_space<vmem>>, vector<1x16xf32>,
    %swap3A_76 = vector.shape_cast %swap3A_75 : vector<1x16xf32> to vector<16xf32>
    %swap3A_77 = vector.shape_cast %broadcast_in_dim3A_0 : vector<16xf32> to vector<1x16xf32>
    tpu.vector_store %arg9[%swap3A_73, %swap3A_74], %swap3A_77 {strides = array<i32>} : memref<16x128xf32, #tpu.memory_space<vmem>>, vector<1x16xf32>,
    %swap3A_78 = arith.constant 1 : i32
    %swap3A_79 = arith.index_cast %swap3A_78 : i32 to index
    %swap3A_80 = arith.constant 80 : index
    %swap3A_81 = tpu.vector_load %arg9[%swap3A_79, %swap3A_80] {strides = array<i32>} : memref<16x128xf32, #tpu.memory_space<vmem>>, vector<1x16xf32>,
    %swap3A_82 = vector.shape_cast %swap3A_81 : vector<1x16xf32> to vector<16xf32>
    %swap3A_83 = vector.shape_cast %broadcast_in_dim3A_0 : vector<16xf32> to vector<1x16xf32>
    tpu.vector_store %arg9[%swap3A_79, %swap3A_80], %swap3A_83 {strides = array<i32>} : memref<16x128xf32, #tpu.memory_space<vmem>>, vector<1x16xf32>,
    %swap3A_84 = arith.constant 1 : i32
    %swap3A_85 = arith.index_cast %swap3A_84 : i32 to index
    %swap3A_86 = arith.constant 96 : index
    %swap3A_87 = tpu.vector_load %arg9[%swap3A_85, %swap3A_86] {strides = array<i32>} : memref<16x128xf32, #tpu.memory_space<vmem>>, vector<1x16xf32>,
    %swap3A_88 = vector.shape_cast %swap3A_87 : vector<1x16xf32> to vector<16xf32>
    %swap3A_89 = vector.shape_cast %broadcast_in_dim3A_0 : vector<16xf32> to vector<1x16xf32>
    tpu.vector_store %arg9[%swap3A_85, %swap3A_86], %swap3A_89 {strides = array<i32>} : memref<16x128xf32, #tpu.memory_space<vmem>>, vector<1x16xf32>,
    %swap3A_90 = arith.constant 1 : i32
    %swap3A_91 = arith.index_cast %swap3A_90 : i32 to index
    %swap3A_92 = arith.constant 112 : index
    %swap3A_93 = tpu.vector_load %arg9[%swap3A_91, %swap3A_92] {strides = array<i32>} : memref<16x128xf32, #tpu.memory_space<vmem>>, vector<1x16xf32>,
    %swap3A_94 = vector.shape_cast %swap3A_93 : vector<1x16xf32> to vector<16xf32>
    %swap3A_95 = vector.shape_cast %broadcast_in_dim3A_0 : vector<16xf32> to vector<1x16xf32>
    tpu.vector_store %arg9[%swap3A_91, %swap3A_92], %swap3A_95 {strides = array<i32>} : memref<16x128xf32, #tpu.memory_space<vmem>>, vector<1x16xf32>,
    %swap3A_96 = arith.constant 2 : i32
    %swap3A_97 = arith.index_cast %swap3A_96 : i32 to index
    %swap3A_98 = arith.constant 0 : index
    %swap3A_99 = tpu.vector_load %arg9[%swap3A_97, %swap3A_98] {strides = array<i32>} : memref<16x128xf32, #tpu.memory_space<vmem>>, vector<1x16xf32>,
    %swap3A_100 = vector.shape_cast %swap3A_99 : vector<1x16xf32> to vector<16xf32>
    %swap3A_101 = vector.shape_cast %broadcast_in_dim3A_0 : vector<16xf32> to vector<1x16xf32>
    tpu.vector_store %arg9[%swap3A_97, %swap3A_98], %swap3A_101 {strides = array<i32>} : memref<16x128xf32, #tpu.memory_space<vmem>>, vector<1x16xf32>,
    %swap3A_102 = arith.constant 2 : i32
    %swap3A_103 = arith.index_cast %swap3A_102 : i32 to index
    %swap3A_104 = arith.constant 16 : index
    %swap3A_105 = tpu.vector_load %arg9[%swap3A_103, %swap3A_104] {strides = array<i32>} : memref<16x128xf32, #tpu.memory_space<vmem>>, vector<1x16xf32>,
    %swap3A_106 = vector.shape_cast %swap3A_105 : vector<1x16xf32> to vector<16xf32>
    %swap3A_107 = vector.shape_cast %broadcast_in_dim3A_0 : vector<16xf32> to vector<1x16xf32>
    tpu.vector_store %arg9[%swap3A_103, %swap3A_104], %swap3A_107 {strides = array<i32>} : memref<16x128xf32, #tpu.memory_space<vmem>>, vector<1x16xf32>,
    %swap3A_108 = arith.constant 2 : i32
    %swap3A_109 = arith.index_cast %swap3A_108 : i32 to index
    %swap3A_110 = arith.constant 32 : index
    %swap3A_111 = tpu.vector_load %arg9[%swap3A_109, %swap3A_110] {strides = array<i32>} : memref<16x128xf32, #tpu.memory_space<vmem>>, vector<1x16xf32>,
    %swap3A_112 = vector.shape_cast %swap3A_111 : vector<1x16xf32> to vector<16xf32>
    %swap3A_113 = vector.shape_cast %broadcast_in_dim3A_0 : vector<16xf32> to vector<1x16xf32>
    tpu.vector_store %arg9[%swap3A_109, %swap3A_110], %swap3A_113 {strides = array<i32>} : memref<16x128xf32, #tpu.memory_space<vmem>>, vector<1x16xf32>,
    %swap3A_114 = arith.constant 2 : i32
    %swap3A_115 = arith.index_cast %swap3A_114 : i32 to index
    %swap3A_116 = arith.constant 48 : index
    %swap3A_117 = tpu.vector_load %arg9[%swap3A_115, %swap3A_116] {strides = array<i32>} : memref<16x128xf32, #tpu.memory_space<vmem>>, vector<1x16xf32>,
    %swap3A_118 = vector.shape_cast %swap3A_117 : vector<1x16xf32> to vector<16xf32>
    %swap3A_119 = vector.shape_cast %broadcast_in_dim3A_0 : vector<16xf32> to vector<1x16xf32>
    tpu.vector_store %arg9[%swap3A_115, %swap3A_116], %swap3A_119 {strides = array<i32>} : memref<16x128xf32, #tpu.memory_space<vmem>>, vector<1x16xf32>,
    %swap3A_120 = arith.constant 2 : i32
    %swap3A_121 = arith.index_cast %swap3A_120 : i32 to index
    %swap3A_122 = arith.constant 64 : index
    %swap3A_123 = tpu.vector_load %arg9[%swap3A_121, %swap3A_122] {strides = array<i32>} : memref<16x128xf32, #tpu.memory_space<vmem>>, vector<1x16xf32>,
    %swap3A_124 = vector.shape_cast %swap3A_123 : vector<1x16xf32> to vector<16xf32>
    %swap3A_125 = vector.shape_cast %broadcast_in_dim3A_0 : vector<16xf32> to vector<1x16xf32>
    tpu.vector_store %arg9[%swap3A_121, %swap3A_122], %swap3A_125 {strides = array<i32>} : memref<16x128xf32, #tpu.memory_space<vmem>>, vector<1x16xf32>,
    %swap3A_126 = arith.constant 2 : i32
    %swap3A_127 = arith.index_cast %swap3A_126 : i32 to index
    %swap3A_128 = arith.constant 80 : index
    %swap3A_129 = tpu.vector_load %arg9[%swap3A_127, %swap3A_128] {strides = array<i32>} : memref<16x128xf32, #tpu.memory_space<vmem>>, vector<1x16xf32>,
    %swap3A_130 = vector.shape_cast %swap3A_129 : vector<1x16xf32> to vector<16xf32>
    %swap3A_131 = vector.shape_cast %broadcast_in_dim3A_0 : vector<16xf32> to vector<1x16xf32>
    tpu.vector_store %arg9[%swap3A_127, %swap3A_128], %swap3A_131 {strides = array<i32>} : memref<16x128xf32, #tpu.memory_space<vmem>>, vector<1x16xf32>,
    %swap3A_132 = arith.constant 2 : i32
    %swap3A_133 = arith.index_cast %swap3A_132 : i32 to index
    %swap3A_134 = arith.constant 96 : index
    %swap3A_135 = tpu.vector_load %arg9[%swap3A_133, %swap3A_134] {strides = array<i32>} : memref<16x128xf32, #tpu.memory_space<vmem>>, vector<1x16xf32>,
    %swap3A_136 = vector.shape_cast %swap3A_135 : vector<1x16xf32> to vector<16xf32>
    %swap3A_137 = vector.shape_cast %broadcast_in_dim3A_0 : vector<16xf32> to vector<1x16xf32>
    tpu.vector_store %arg9[%swap3A_133, %swap3A_134], %swap3A_137 {strides = array<i32>} : memref<16x128xf32, #tpu.memory_space<vmem>>, vector<1x16xf32>,
    %swap3A_138 = arith.constant 2 : i32
    %swap3A_139 = arith.index_cast %swap3A_138 : i32 to index
    %swap3A_140 = arith.constant 112 : index
    %swap3A_141 = tpu.vector_load %arg9[%swap3A_139, %swap3A_140] {strides = array<i32>} : memref<16x128xf32, #tpu.memory_space<vmem>>, vector<1x16xf32>,
    %swap3A_142 = vector.shape_cast %swap3A_141 : vector<1x16xf32> to vector<16xf32>
    %swap3A_143 = vector.shape_cast %broadcast_in_dim3A_0 : vector<16xf32> to vector<1x16xf32>
    tpu.vector_store %arg9[%swap3A_139, %swap3A_140], %swap3A_143 {strides = array<i32>} : memref<16x128xf32, #tpu.memory_space<vmem>>, vector<1x16xf32>,
    %swap3A_144 = arith.constant 3 : i32
    %swap3A_145 = arith.index_cast %swap3A_144 : i32 to index
    %swap3A_146 = arith.constant 0 : index
    %swap3A_147 = tpu.vector_load %arg9[%swap3A_145, %swap3A_146] {strides = array<i32>} : memref<16x128xf32, #tpu.memory_space<vmem>>, vector<1x16xf32>,
    %swap3A_148 = vector.shape_cast %swap3A_147 : vector<1x16xf32> to vector<16xf32>
    %swap3A_149 = vector.shape_cast %broadcast_in_dim3A_0 : vector<16xf32> to vector<1x16xf32>
    tpu.vector_store %arg9[%swap3A_145, %swap3A_146], %swap3A_149 {strides = array<i32>} : memref<16x128xf32, #tpu.memory_space<vmem>>, vector<1x16xf32>,
    %swap3A_150 = arith.constant 3 : i32
    %swap3A_151 = arith.index_cast %swap3A_150 : i32 to index
    %swap3A_152 = arith.constant 16 : index
    %swap3A_153 = tpu.vector_load %arg9[%swap3A_151, %swap3A_152] {strides = array<i32>} : memref<16x128xf32, #tpu.memory_space<vmem>>, vector<1x16xf32>,
    %swap3A_154 = vector.shape_cast %swap3A_153 : vector<1x16xf32> to vector<16xf32>
    %swap3A_155 = vector.shape_cast %broadcast_in_dim3A_0 : vector<16xf32> to vector<1x16xf32>
    tpu.vector_store %arg9[%swap3A_151, %swap3A_152], %swap3A_155 {strides = array<i32>} : memref<16x128xf32, #tpu.memory_space<vmem>>, vector<1x16xf32>,
    %swap3A_156 = arith.constant 3 : i32
    %swap3A_157 = arith.index_cast %swap3A_156 : i32 to index
    %swap3A_158 = arith.constant 32 : index
    %swap3A_159 = tpu.vector_load %arg9[%swap3A_157, %swap3A_158] {strides = array<i32>} : memref<16x128xf32, #tpu.memory_space<vmem>>, vector<1x16xf32>,
    %swap3A_160 = vector.shape_cast %swap3A_159 : vector<1x16xf32> to vector<16xf32>
    %swap3A_161 = vector.shape_cast %broadcast_in_dim3A_0 : vector<16xf32> to vector<1x16xf32>
    tpu.vector_store %arg9[%swap3A_157, %swap3A_158], %swap3A_161 {strides = array<i32>} : memref<16x128xf32, #tpu.memory_space<vmem>>, vector<1x16xf32>,
    %swap3A_162 = arith.constant 3 : i32
    %swap3A_163 = arith.index_cast %swap3A_162 : i32 to index
    %swap3A_164 = arith.constant 48 : index
    %swap3A_165 = tpu.vector_load %arg9[%swap3A_163, %swap3A_164] {strides = array<i32>} : memref<16x128xf32, #tpu.memory_space<vmem>>, vector<1x16xf32>,
    %swap3A_166 = vector.shape_cast %swap3A_165 : vector<1x16xf32> to vector<16xf32>
    %swap3A_167 = vector.shape_cast %broadcast_in_dim3A_0 : vector<16xf32> to vector<1x16xf32>
    tpu.vector_store %arg9[%swap3A_163, %swap3A_164], %swap3A_167 {strides = array<i32>} : memref<16x128xf32, #tpu.memory_space<vmem>>, vector<1x16xf32>,
    %swap3A_168 = arith.constant 3 : i32
    %swap3A_169 = arith.index_cast %swap3A_168 : i32 to index
    %swap3A_170 = arith.constant 64 : index
    %swap3A_171 = tpu.vector_load %arg9[%swap3A_169, %swap3A_170] {strides = array<i32>} : memref<16x128xf32, #tpu.memory_space<vmem>>, vector<1x16xf32>,
    %swap3A_172 = vector.shape_cast %swap3A_171 : vector<1x16xf32> to vector<16xf32>
    %swap3A_173 = vector.shape_cast %broadcast_in_dim3A_0 : vector<16xf32> to vector<1x16xf32>
    tpu.vector_store %arg9[%swap3A_169, %swap3A_170], %swap3A_173 {strides = array<i32>} : memref<16x128xf32, #tpu.memory_space<vmem>>, vector<1x16xf32>,
    %swap3A_174 = arith.constant 3 : i32
    %swap3A_175 = arith.index_cast %swap3A_174 : i32 to index
    %swap3A_176 = arith.constant 80 : index
    %swap3A_177 = tpu.vector_load %arg9[%swap3A_175, %swap3A_176] {strides = array<i32>} : memref<16x128xf32, #tpu.memory_space<vmem>>, vector<1x16xf32>,
    %swap3A_178 = vector.shape_cast %swap3A_177 : vector<1x16xf32> to vector<16xf32>
    %swap3A_179 = vector.shape_cast %broadcast_in_dim3A_0 : vector<16xf32> to vector<1x16xf32>
    tpu.vector_store %arg9[%swap3A_175, %swap3A_176], %swap3A_179 {strides = array<i32>} : memref<16x128xf32, #tpu.memory_space<vmem>>, vector<1x16xf32>,
    %swap3A_180 = arith.constant 3 : i32
    %swap3A_181 = arith.index_cast %swap3A_180 : i32 to index
    %swap3A_182 = arith.constant 96 : index
    %swap3A_183 = tpu.vector_load %arg9[%swap3A_181, %swap3A_182] {strides = array<i32>} : memref<16x128xf32, #tpu.memory_space<vmem>>, vector<1x16xf32>,
    %swap3A_184 = vector.shape_cast %swap3A_183 : vector<1x16xf32> to vector<16xf32>
    %swap3A_185 = vector.shape_cast %broadcast_in_dim3A_0 : vector<16xf32> to vector<1x16xf32>
    tpu.vector_store %arg9[%swap3A_181, %swap3A_182], %swap3A_185 {strides = array<i32>} : memref<16x128xf32, #tpu.memory_space<vmem>>, vector<1x16xf32>,
    %swap3A_186 = arith.constant 3 : i32
    %swap3A_187 = arith.index_cast %swap3A_186 : i32 to index
    %swap3A_188 = arith.constant 112 : index
    %swap3A_189 = tpu.vector_load %arg9[%swap3A_187, %swap3A_188] {strides = array<i32>} : memref<16x128xf32, #tpu.memory_space<vmem>>, vector<1x16xf32>,
    %swap3A_190 = vector.shape_cast %swap3A_189 : vector<1x16xf32> to vector<16xf32>
    %swap3A_191 = vector.shape_cast %broadcast_in_dim3A_0 : vector<16xf32> to vector<1x16xf32>
    tpu.vector_store %arg9[%swap3A_187, %swap3A_188], %swap3A_191 {strides = array<i32>} : memref<16x128xf32, #tpu.memory_space<vmem>>, vector<1x16xf32>,
    %swap3A_192 = arith.constant 4 : i32
    %swap3A_193 = arith.index_cast %swap3A_192 : i32 to index
    %swap3A_194 = arith.constant 0 : index
    %swap3A_195 = tpu.vector_load %arg9[%swap3A_193, %swap3A_194] {strides = array<i32>} : memref<16x128xf32, #tpu.memory_space<vmem>>, vector<1x16xf32>,
    %swap3A_196 = vector.shape_cast %swap3A_195 : vector<1x16xf32> to vector<16xf32>
    %swap3A_197 = vector.shape_cast %broadcast_in_dim3A_0 : vector<16xf32> to vector<1x16xf32>
    tpu.vector_store %arg9[%swap3A_193, %swap3A_194], %swap3A_197 {strides = array<i32>} : memref<16x128xf32, #tpu.memory_space<vmem>>, vector<1x16xf32>,
    %swap3A_198 = arith.constant 4 : i32
    %swap3A_199 = arith.index_cast %swap3A_198 : i32 to index
    %swap3A_200 = arith.constant 16 : index
    %swap3A_201 = tpu.vector_load %arg9[%swap3A_199, %swap3A_200] {strides = array<i32>} : memref<16x128xf32, #tpu.memory_space<vmem>>, vector<1x16xf32>,
    %swap3A_202 = vector.shape_cast %swap3A_201 : vector<1x16xf32> to vector<16xf32>
    %swap3A_203 = vector.shape_cast %broadcast_in_dim3A_0 : vector<16xf32> to vector<1x16xf32>
    tpu.vector_store %arg9[%swap3A_199, %swap3A_200], %swap3A_203 {strides = array<i32>} : memref<16x128xf32, #tpu.memory_space<vmem>>, vector<1x16xf32>,
    %swap3A_204 = arith.constant 4 : i32
    %swap3A_205 = arith.index_cast %swap3A_204 : i32 to index
    %swap3A_206 = arith.constant 32 : index
    %swap3A_207 = tpu.vector_load %arg9[%swap3A_205, %swap3A_206] {strides = array<i32>} : memref<16x128xf32, #tpu.memory_space<vmem>>, vector<1x16xf32>,
    %swap3A_208 = vector.shape_cast %swap3A_207 : vector<1x16xf32> to vector<16xf32>
    %swap3A_209 = vector.shape_cast %broadcast_in_dim3A_0 : vector<16xf32> to vector<1x16xf32>
    tpu.vector_store %arg9[%swap3A_205, %swap3A_206], %swap3A_209 {strides = array<i32>} : memref<16x128xf32, #tpu.memory_space<vmem>>, vector<1x16xf32>,
    %swap3A_210 = arith.constant 4 : i32
    %swap3A_211 = arith.index_cast %swap3A_210 : i32 to index
    %swap3A_212 = arith.constant 48 : index
    %swap3A_213 = tpu.vector_load %arg9[%swap3A_211, %swap3A_212] {strides = array<i32>} : memref<16x128xf32, #tpu.memory_space<vmem>>, vector<1x16xf32>,
    %swap3A_214 = vector.shape_cast %swap3A_213 : vector<1x16xf32> to vector<16xf32>
    %swap3A_215 = vector.shape_cast %broadcast_in_dim3A_0 : vector<16xf32> to vector<1x16xf32>
    tpu.vector_store %arg9[%swap3A_211, %swap3A_212], %swap3A_215 {strides = array<i32>} : memref<16x128xf32, #tpu.memory_space<vmem>>, vector<1x16xf32>,
    %swap3A_216 = arith.constant 4 : i32
    %swap3A_217 = arith.index_cast %swap3A_216 : i32 to index
    %swap3A_218 = arith.constant 64 : index
    %swap3A_219 = tpu.vector_load %arg9[%swap3A_217, %swap3A_218] {strides = array<i32>} : memref<16x128xf32, #tpu.memory_space<vmem>>, vector<1x16xf32>,
    %swap3A_220 = vector.shape_cast %swap3A_219 : vector<1x16xf32> to vector<16xf32>
    %swap3A_221 = vector.shape_cast %broadcast_in_dim3A_0 : vector<16xf32> to vector<1x16xf32>
    tpu.vector_store %arg9[%swap3A_217, %swap3A_218], %swap3A_221 {strides = array<i32>} : memref<16x128xf32, #tpu.memory_space<vmem>>, vector<1x16xf32>,
    %swap3A_222 = arith.constant 4 : i32
    %swap3A_223 = arith.index_cast %swap3A_222 : i32 to index
    %swap3A_224 = arith.constant 80 : index
    %swap3A_225 = tpu.vector_load %arg9[%swap3A_223, %swap3A_224] {strides = array<i32>} : memref<16x128xf32, #tpu.memory_space<vmem>>, vector<1x16xf32>,
    %swap3A_226 = vector.shape_cast %swap3A_225 : vector<1x16xf32> to vector<16xf32>
    %swap3A_227 = vector.shape_cast %broadcast_in_dim3A_0 : vector<16xf32> to vector<1x16xf32>
    tpu.vector_store %arg9[%swap3A_223, %swap3A_224], %swap3A_227 {strides = array<i32>} : memref<16x128xf32, #tpu.memory_space<vmem>>, vector<1x16xf32>,
    %swap3A_228 = arith.constant 4 : i32
    %swap3A_229 = arith.index_cast %swap3A_228 : i32 to index
    %swap3A_230 = arith.constant 96 : index
    %swap3A_231 = tpu.vector_load %arg9[%swap3A_229, %swap3A_230] {strides = array<i32>} : memref<16x128xf32, #tpu.memory_space<vmem>>, vector<1x16xf32>,
    %swap3A_232 = vector.shape_cast %swap3A_231 : vector<1x16xf32> to vector<16xf32>
    %swap3A_233 = vector.shape_cast %broadcast_in_dim3A_0 : vector<16xf32> to vector<1x16xf32>
    tpu.vector_store %arg9[%swap3A_229, %swap3A_230], %swap3A_233 {strides = array<i32>} : memref<16x128xf32, #tpu.memory_space<vmem>>, vector<1x16xf32>,
    %swap3A_234 = arith.constant 4 : i32
    %swap3A_235 = arith.index_cast %swap3A_234 : i32 to index
    %swap3A_236 = arith.constant 112 : index
    %swap3A_237 = tpu.vector_load %arg9[%swap3A_235, %swap3A_236] {strides = array<i32>} : memref<16x128xf32, #tpu.memory_space<vmem>>, vector<1x16xf32>,
    %swap3A_238 = vector.shape_cast %swap3A_237 : vector<1x16xf32> to vector<16xf32>
    %swap3A_239 = vector.shape_cast %broadcast_in_dim3A_0 : vector<16xf32> to vector<1x16xf32>
    tpu.vector_store %arg9[%swap3A_235, %swap3A_236], %swap3A_239 {strides = array<i32>} : memref<16x128xf32, #tpu.memory_space<vmem>>, vector<1x16xf32>,
    %swap3A_240 = arith.constant 5 : i32
    %swap3A_241 = arith.index_cast %swap3A_240 : i32 to index
    %swap3A_242 = arith.constant 0 : index
    %swap3A_243 = tpu.vector_load %arg9[%swap3A_241, %swap3A_242] {strides = array<i32>} : memref<16x128xf32, #tpu.memory_space<vmem>>, vector<1x16xf32>,
    %swap3A_244 = vector.shape_cast %swap3A_243 : vector<1x16xf32> to vector<16xf32>
    %swap3A_245 = vector.shape_cast %broadcast_in_dim3A_0 : vector<16xf32> to vector<1x16xf32>
    tpu.vector_store %arg9[%swap3A_241, %swap3A_242], %swap3A_245 {strides = array<i32>} : memref<16x128xf32, #tpu.memory_space<vmem>>, vector<1x16xf32>,
    %swap3A_246 = arith.constant 5 : i32
    %swap3A_247 = arith.index_cast %swap3A_246 : i32 to index
    %swap3A_248 = arith.constant 16 : index
    %swap3A_249 = tpu.vector_load %arg9[%swap3A_247, %swap3A_248] {strides = array<i32>} : memref<16x128xf32, #tpu.memory_space<vmem>>, vector<1x16xf32>,
    %swap3A_250 = vector.shape_cast %swap3A_249 : vector<1x16xf32> to vector<16xf32>
    %swap3A_251 = vector.shape_cast %broadcast_in_dim3A_0 : vector<16xf32> to vector<1x16xf32>
    tpu.vector_store %arg9[%swap3A_247, %swap3A_248], %swap3A_251 {strides = array<i32>} : memref<16x128xf32, #tpu.memory_space<vmem>>, vector<1x16xf32>,
    %swap3A_252 = arith.constant 5 : i32
    %swap3A_253 = arith.index_cast %swap3A_252 : i32 to index
    %swap3A_254 = arith.constant 32 : index
    %swap3A_255 = tpu.vector_load %arg9[%swap3A_253, %swap3A_254] {strides = array<i32>} : memref<16x128xf32, #tpu.memory_space<vmem>>, vector<1x16xf32>,
    %swap3A_256 = vector.shape_cast %swap3A_255 : vector<1x16xf32> to vector<16xf32>
    %swap3A_257 = vector.shape_cast %broadcast_in_dim3A_0 : vector<16xf32> to vector<1x16xf32>
    tpu.vector_store %arg9[%swap3A_253, %swap3A_254], %swap3A_257 {strides = array<i32>} : memref<16x128xf32, #tpu.memory_space<vmem>>, vector<1x16xf32>,
    %swap3A_258 = arith.constant 5 : i32
    %swap3A_259 = arith.index_cast %swap3A_258 : i32 to index
    %swap3A_260 = arith.constant 48 : index
    %swap3A_261 = tpu.vector_load %arg9[%swap3A_259, %swap3A_260] {strides = array<i32>} : memref<16x128xf32, #tpu.memory_space<vmem>>, vector<1x16xf32>,
    %swap3A_262 = vector.shape_cast %swap3A_261 : vector<1x16xf32> to vector<16xf32>
    %swap3A_263 = vector.shape_cast %broadcast_in_dim3A_0 : vector<16xf32> to vector<1x16xf32>
    tpu.vector_store %arg9[%swap3A_259, %swap3A_260], %swap3A_263 {strides = array<i32>} : memref<16x128xf32, #tpu.memory_space<vmem>>, vector<1x16xf32>,
    %swap3A_264 = arith.constant 5 : i32
    %swap3A_265 = arith.index_cast %swap3A_264 : i32 to index
    %swap3A_266 = arith.constant 64 : index
    %swap3A_267 = tpu.vector_load %arg9[%swap3A_265, %swap3A_266] {strides = array<i32>} : memref<16x128xf32, #tpu.memory_space<vmem>>, vector<1x16xf32>,
    %swap3A_268 = vector.shape_cast %swap3A_267 : vector<1x16xf32> to vector<16xf32>
    %swap3A_269 = vector.shape_cast %broadcast_in_dim3A_0 : vector<16xf32> to vector<1x16xf32>
    tpu.vector_store %arg9[%swap3A_265, %swap3A_266], %swap3A_269 {strides = array<i32>} : memref<16x128xf32, #tpu.memory_space<vmem>>, vector<1x16xf32>,
    %swap3A_270 = arith.constant 5 : i32
    %swap3A_271 = arith.index_cast %swap3A_270 : i32 to index
    %swap3A_272 = arith.constant 80 : index
    %swap3A_273 = tpu.vector_load %arg9[%swap3A_271, %swap3A_272] {strides = array<i32>} : memref<16x128xf32, #tpu.memory_space<vmem>>, vector<1x16xf32>,
    %swap3A_274 = vector.shape_cast %swap3A_273 : vector<1x16xf32> to vector<16xf32>
    %swap3A_275 = vector.shape_cast %broadcast_in_dim3A_0 : vector<16xf32> to vector<1x16xf32>
    tpu.vector_store %arg9[%swap3A_271, %swap3A_272], %swap3A_275 {strides = array<i32>} : memref<16x128xf32, #tpu.memory_space<vmem>>, vector<1x16xf32>,
    %swap3A_276 = arith.constant 5 : i32
    %swap3A_277 = arith.index_cast %swap3A_276 : i32 to index
    %swap3A_278 = arith.constant 96 : index
    %swap3A_279 = tpu.vector_load %arg9[%swap3A_277, %swap3A_278] {strides = array<i32>} : memref<16x128xf32, #tpu.memory_space<vmem>>, vector<1x16xf32>,
    %swap3A_280 = vector.shape_cast %swap3A_279 : vector<1x16xf32> to vector<16xf32>
    %swap3A_281 = vector.shape_cast %broadcast_in_dim3A_0 : vector<16xf32> to vector<1x16xf32>
    tpu.vector_store %arg9[%swap3A_277, %swap3A_278], %swap3A_281 {strides = array<i32>} : memref<16x128xf32, #tpu.memory_space<vmem>>, vector<1x16xf32>,
    %swap3A_282 = arith.constant 5 : i32
    %swap3A_283 = arith.index_cast %swap3A_282 : i32 to index
    %swap3A_284 = arith.constant 112 : index
    %swap3A_285 = tpu.vector_load %arg9[%swap3A_283, %swap3A_284] {strides = array<i32>} : memref<16x128xf32, #tpu.memory_space<vmem>>, vector<1x16xf32>,
    %swap3A_286 = vector.shape_cast %swap3A_285 : vector<1x16xf32> to vector<16xf32>
    %swap3A_287 = vector.shape_cast %broadcast_in_dim3A_0 : vector<16xf32> to vector<1x16xf32>
    tpu.vector_store %arg9[%swap3A_283, %swap3A_284], %swap3A_287 {strides = array<i32>} : memref<16x128xf32, #tpu.memory_space<vmem>>, vector<1x16xf32>,
    %swap3A_288 = arith.constant 6 : i32
    %swap3A_289 = arith.index_cast %swap3A_288 : i32 to index
    %swap3A_290 = arith.constant 0 : index
    %swap3A_291 = tpu.vector_load %arg9[%swap3A_289, %swap3A_290] {strides = array<i32>} : memref<16x128xf32, #tpu.memory_space<vmem>>, vector<1x16xf32>,
    %swap3A_292 = vector.shape_cast %swap3A_291 : vector<1x16xf32> to vector<16xf32>
    %swap3A_293 = vector.shape_cast %broadcast_in_dim3A_0 : vector<16xf32> to vector<1x16xf32>
    tpu.vector_store %arg9[%swap3A_289, %swap3A_290], %swap3A_293 {strides = array<i32>} : memref<16x128xf32, #tpu.memory_space<vmem>>, vector<1x16xf32>,
    %swap3A_294 = arith.constant 6 : i32
    %swap3A_295 = arith.index_cast %swap3A_294 : i32 to index
    %swap3A_296 = arith.constant 16 : index
    %swap3A_297 = tpu.vector_load %arg9[%swap3A_295, %swap3A_296] {strides = array<i32>} : memref<16x128xf32, #tpu.memory_space<vmem>>, vector<1x16xf32>,
    %swap3A_298 = vector.shape_cast %swap3A_297 : vector<1x16xf32> to vector<16xf32>
    %swap3A_299 = vector.shape_cast %broadcast_in_dim3A_0 : vector<16xf32> to vector<1x16xf32>
    tpu.vector_store %arg9[%swap3A_295, %swap3A_296], %swap3A_299 {strides = array<i32>} : memref<16x128xf32, #tpu.memory_space<vmem>>, vector<1x16xf32>,
    %swap3A_300 = arith.constant 6 : i32
    %swap3A_301 = arith.index_cast %swap3A_300 : i32 to index
    %swap3A_302 = arith.constant 32 : index
    %swap3A_303 = tpu.vector_load %arg9[%swap3A_301, %swap3A_302] {strides = array<i32>} : memref<16x128xf32, #tpu.memory_space<vmem>>, vector<1x16xf32>,
    %swap3A_304 = vector.shape_cast %swap3A_303 : vector<1x16xf32> to vector<16xf32>
    %swap3A_305 = vector.shape_cast %broadcast_in_dim3A_0 : vector<16xf32> to vector<1x16xf32>
    tpu.vector_store %arg9[%swap3A_301, %swap3A_302], %swap3A_305 {strides = array<i32>} : memref<16x128xf32, #tpu.memory_space<vmem>>, vector<1x16xf32>,
    %swap3A_306 = arith.constant 6 : i32
    %swap3A_307 = arith.index_cast %swap3A_306 : i32 to index
    %swap3A_308 = arith.constant 48 : index
    %swap3A_309 = tpu.vector_load %arg9[%swap3A_307, %swap3A_308] {strides = array<i32>} : memref<16x128xf32, #tpu.memory_space<vmem>>, vector<1x16xf32>,
    %swap3A_310 = vector.shape_cast %swap3A_309 : vector<1x16xf32> to vector<16xf32>
    %swap3A_311 = vector.shape_cast %broadcast_in_dim3A_0 : vector<16xf32> to vector<1x16xf32>
    tpu.vector_store %arg9[%swap3A_307, %swap3A_308], %swap3A_311 {strides = array<i32>} : memref<16x128xf32, #tpu.memory_space<vmem>>, vector<1x16xf32>,
    %swap3A_312 = arith.constant 6 : i32
    %swap3A_313 = arith.index_cast %swap3A_312 : i32 to index
    %swap3A_314 = arith.constant 64 : index
    %swap3A_315 = tpu.vector_load %arg9[%swap3A_313, %swap3A_314] {strides = array<i32>} : memref<16x128xf32, #tpu.memory_space<vmem>>, vector<1x16xf32>,
    %swap3A_316 = vector.shape_cast %swap3A_315 : vector<1x16xf32> to vector<16xf32>
    %swap3A_317 = vector.shape_cast %broadcast_in_dim3A_0 : vector<16xf32> to vector<1x16xf32>
    tpu.vector_store %arg9[%swap3A_313, %swap3A_314], %swap3A_317 {strides = array<i32>} : memref<16x128xf32, #tpu.memory_space<vmem>>, vector<1x16xf32>,
    %swap3A_318 = arith.constant 6 : i32
    %swap3A_319 = arith.index_cast %swap3A_318 : i32 to index
    %swap3A_320 = arith.constant 80 : index
    %swap3A_321 = tpu.vector_load %arg9[%swap3A_319, %swap3A_320] {strides = array<i32>} : memref<16x128xf32, #tpu.memory_space<vmem>>, vector<1x16xf32>,
    %swap3A_322 = vector.shape_cast %swap3A_321 : vector<1x16xf32> to vector<16xf32>
    %swap3A_323 = vector.shape_cast %broadcast_in_dim3A_0 : vector<16xf32> to vector<1x16xf32>
    tpu.vector_store %arg9[%swap3A_319, %swap3A_320], %swap3A_323 {strides = array<i32>} : memref<16x128xf32, #tpu.memory_space<vmem>>, vector<1x16xf32>,
    %swap3A_324 = arith.constant 6 : i32
    %swap3A_325 = arith.index_cast %swap3A_324 : i32 to index
    %swap3A_326 = arith.constant 96 : index
    %swap3A_327 = tpu.vector_load %arg9[%swap3A_325, %swap3A_326] {strides = array<i32>} : memref<16x128xf32, #tpu.memory_space<vmem>>, vector<1x16xf32>,
    %swap3A_328 = vector.shape_cast %swap3A_327 : vector<1x16xf32> to vector<16xf32>
    %swap3A_329 = vector.shape_cast %broadcast_in_dim3A_0 : vector<16xf32> to vector<1x16xf32>
    tpu.vector_store %arg9[%swap3A_325, %swap3A_326], %swap3A_329 {strides = array<i32>} : memref<16x128xf32, #tpu.memory_space<vmem>>, vector<1x16xf32>,
    %swap3A_330 = arith.constant 6 : i32
    %swap3A_331 = arith.index_cast %swap3A_330 : i32 to index
    %swap3A_332 = arith.constant 112 : index
    %swap3A_333 = tpu.vector_load %arg9[%swap3A_331, %swap3A_332] {strides = array<i32>} : memref<16x128xf32, #tpu.memory_space<vmem>>, vector<1x16xf32>,
    %swap3A_334 = vector.shape_cast %swap3A_333 : vector<1x16xf32> to vector<16xf32>
    %swap3A_335 = vector.shape_cast %broadcast_in_dim3A_0 : vector<16xf32> to vector<1x16xf32>
    tpu.vector_store %arg9[%swap3A_331, %swap3A_332], %swap3A_335 {strides = array<i32>} : memref<16x128xf32, #tpu.memory_space<vmem>>, vector<1x16xf32>,
    %swap3A_336 = arith.constant 7 : i32
    %swap3A_337 = arith.index_cast %swap3A_336 : i32 to index
    %swap3A_338 = arith.constant 0 : index
    %swap3A_339 = tpu.vector_load %arg9[%swap3A_337, %swap3A_338] {strides = array<i32>} : memref<16x128xf32, #tpu.memory_space<vmem>>, vector<1x16xf32>,
    %swap3A_340 = vector.shape_cast %swap3A_339 : vector<1x16xf32> to vector<16xf32>
    %swap3A_341 = vector.shape_cast %broadcast_in_dim3A_0 : vector<16xf32> to vector<1x16xf32>
    tpu.vector_store %arg9[%swap3A_337, %swap3A_338], %swap3A_341 {strides = array<i32>} : memref<16x128xf32, #tpu.memory_space<vmem>>, vector<1x16xf32>,
    %swap3A_342 = arith.constant 7 : i32
    %swap3A_343 = arith.index_cast %swap3A_342 : i32 to index
    %swap3A_344 = arith.constant 16 : index
    %swap3A_345 = tpu.vector_load %arg9[%swap3A_343, %swap3A_344] {strides = array<i32>} : memref<16x128xf32, #tpu.memory_space<vmem>>, vector<1x16xf32>,
    %swap3A_346 = vector.shape_cast %swap3A_345 : vector<1x16xf32> to vector<16xf32>
    %swap3A_347 = vector.shape_cast %broadcast_in_dim3A_0 : vector<16xf32> to vector<1x16xf32>
    tpu.vector_store %arg9[%swap3A_343, %swap3A_344], %swap3A_347 {strides = array<i32>} : memref<16x128xf32, #tpu.memory_space<vmem>>, vector<1x16xf32>,
    %swap3A_348 = arith.constant 7 : i32
    %swap3A_349 = arith.index_cast %swap3A_348 : i32 to index
    %swap3A_350 = arith.constant 32 : index
    %swap3A_351 = tpu.vector_load %arg9[%swap3A_349, %swap3A_350] {strides = array<i32>} : memref<16x128xf32, #tpu.memory_space<vmem>>, vector<1x16xf32>,
    %swap3A_352 = vector.shape_cast %swap3A_351 : vector<1x16xf32> to vector<16xf32>
    %swap3A_353 = vector.shape_cast %broadcast_in_dim3A_0 : vector<16xf32> to vector<1x16xf32>
    tpu.vector_store %arg9[%swap3A_349, %swap3A_350], %swap3A_353 {strides = array<i32>} : memref<16x128xf32, #tpu.memory_space<vmem>>, vector<1x16xf32>,
    %swap3A_354 = arith.constant 7 : i32
    %swap3A_355 = arith.index_cast %swap3A_354 : i32 to index
    %swap3A_356 = arith.constant 48 : index
    %swap3A_357 = tpu.vector_load %arg9[%swap3A_355, %swap3A_356] {strides = array<i32>} : memref<16x128xf32, #tpu.memory_space<vmem>>, vector<1x16xf32>,
    %swap3A_358 = vector.shape_cast %swap3A_357 : vector<1x16xf32> to vector<16xf32>
    %swap3A_359 = vector.shape_cast %broadcast_in_dim3A_0 : vector<16xf32> to vector<1x16xf32>
    tpu.vector_store %arg9[%swap3A_355, %swap3A_356], %swap3A_359 {strides = array<i32>} : memref<16x128xf32, #tpu.memory_space<vmem>>, vector<1x16xf32>,
    %swap3A_360 = arith.constant 7 : i32
    %swap3A_361 = arith.index_cast %swap3A_360 : i32 to index
    %swap3A_362 = arith.constant 64 : index
    %swap3A_363 = tpu.vector_load %arg9[%swap3A_361, %swap3A_362] {strides = array<i32>} : memref<16x128xf32, #tpu.memory_space<vmem>>, vector<1x16xf32>,
    %swap3A_364 = vector.shape_cast %swap3A_363 : vector<1x16xf32> to vector<16xf32>
    %swap3A_365 = vector.shape_cast %broadcast_in_dim3A_0 : vector<16xf32> to vector<1x16xf32>
    tpu.vector_store %arg9[%swap3A_361, %swap3A_362], %swap3A_365 {strides = array<i32>} : memref<16x128xf32, #tpu.memory_space<vmem>>, vector<1x16xf32>,
    %swap3A_366 = arith.constant 7 : i32
    %swap3A_367 = arith.index_cast %swap3A_366 : i32 to index
    %swap3A_368 = arith.constant 80 : index
    %swap3A_369 = tpu.vector_load %arg9[%swap3A_367, %swap3A_368] {strides = array<i32>} : memref<16x128xf32, #tpu.memory_space<vmem>>, vector<1x16xf32>,
    %swap3A_370 = vector.shape_cast %swap3A_369 : vector<1x16xf32> to vector<16xf32>
    %swap3A_371 = vector.shape_cast %broadcast_in_dim3A_0 : vector<16xf32> to vector<1x16xf32>
    tpu.vector_store %arg9[%swap3A_367, %swap3A_368], %swap3A_371 {strides = array<i32>} : memref<16x128xf32, #tpu.memory_space<vmem>>, vector<1x16xf32>,
    %swap3A_372 = arith.constant 7 : i32
    %swap3A_373 = arith.index_cast %swap3A_372 : i32 to index
    %swap3A_374 = arith.constant 96 : index
    %swap3A_375 = tpu.vector_load %arg9[%swap3A_373, %swap3A_374] {strides = array<i32>} : memref<16x128xf32, #tpu.memory_space<vmem>>, vector<1x16xf32>,
    %swap3A_376 = vector.shape_cast %swap3A_375 : vector<1x16xf32> to vector<16xf32>
    %swap3A_377 = vector.shape_cast %broadcast_in_dim3A_0 : vector<16xf32> to vector<1x16xf32>
    tpu.vector_store %arg9[%swap3A_373, %swap3A_374], %swap3A_377 {strides = array<i32>} : memref<16x128xf32, #tpu.memory_space<vmem>>, vector<1x16xf32>,
    %swap3A_378 = arith.constant 7 : i32
    %swap3A_379 = arith.index_cast %swap3A_378 : i32 to index
    %swap3A_380 = arith.constant 112 : index
    %swap3A_381 = tpu.vector_load %arg9[%swap3A_379, %swap3A_380] {strides = array<i32>} : memref<16x128xf32, #tpu.memory_space<vmem>>, vector<1x16xf32>,
    %swap3A_382 = vector.shape_cast %swap3A_381 : vector<1x16xf32> to vector<16xf32>
    %swap3A_383 = vector.shape_cast %broadcast_in_dim3A_0 : vector<16xf32> to vector<1x16xf32>
    tpu.vector_store %arg9[%swap3A_379, %swap3A_380], %swap3A_383 {strides = array<i32>} : memref<16x128xf32, #tpu.memory_space<vmem>>, vector<1x16xf32>,
    %swap3A_384 = arith.constant 8 : i32
    %swap3A_385 = arith.index_cast %swap3A_384 : i32 to index
    %swap3A_386 = arith.constant 0 : index
    %swap3A_387 = tpu.vector_load %arg9[%swap3A_385, %swap3A_386] {strides = array<i32>} : memref<16x128xf32, #tpu.memory_space<vmem>>, vector<1x16xf32>,
    %swap3A_388 = vector.shape_cast %swap3A_387 : vector<1x16xf32> to vector<16xf32>
    %swap3A_389 = vector.shape_cast %broadcast_in_dim3A_0 : vector<16xf32> to vector<1x16xf32>
    tpu.vector_store %arg9[%swap3A_385, %swap3A_386], %swap3A_389 {strides = array<i32>} : memref<16x128xf32, #tpu.memory_space<vmem>>, vector<1x16xf32>,
    %swap3A_390 = arith.constant 8 : i32
    %swap3A_391 = arith.index_cast %swap3A_390 : i32 to index
    %swap3A_392 = arith.constant 16 : index
    %swap3A_393 = tpu.vector_load %arg9[%swap3A_391, %swap3A_392] {strides = array<i32>} : memref<16x128xf32, #tpu.memory_space<vmem>>, vector<1x16xf32>,
    %swap3A_394 = vector.shape_cast %swap3A_393 : vector<1x16xf32> to vector<16xf32>
    %swap3A_395 = vector.shape_cast %broadcast_in_dim3A_0 : vector<16xf32> to vector<1x16xf32>
    tpu.vector_store %arg9[%swap3A_391, %swap3A_392], %swap3A_395 {strides = array<i32>} : memref<16x128xf32, #tpu.memory_space<vmem>>, vector<1x16xf32>,
    %swap3A_396 = arith.constant 8 : i32
    %swap3A_397 = arith.index_cast %swap3A_396 : i32 to index
    %swap3A_398 = arith.constant 32 : index
    %swap3A_399 = tpu.vector_load %arg9[%swap3A_397, %swap3A_398] {strides = array<i32>} : memref<16x128xf32, #tpu.memory_space<vmem>>, vector<1x16xf32>,
    %swap3A_400 = vector.shape_cast %swap3A_399 : vector<1x16xf32> to vector<16xf32>
    %swap3A_401 = vector.shape_cast %broadcast_in_dim3A_0 : vector<16xf32> to vector<1x16xf32>
    tpu.vector_store %arg9[%swap3A_397, %swap3A_398], %swap3A_401 {strides = array<i32>} : memref<16x128xf32, #tpu.memory_space<vmem>>, vector<1x16xf32>,
    %swap3A_402 = arith.constant 8 : i32
    %swap3A_403 = arith.index_cast %swap3A_402 : i32 to index
    %swap3A_404 = arith.constant 48 : index
    %swap3A_405 = tpu.vector_load %arg9[%swap3A_403, %swap3A_404] {strides = array<i32>} : memref<16x128xf32, #tpu.memory_space<vmem>>, vector<1x16xf32>,
    %swap3A_406 = vector.shape_cast %swap3A_405 : vector<1x16xf32> to vector<16xf32>
    %swap3A_407 = vector.shape_cast %broadcast_in_dim3A_0 : vector<16xf32> to vector<1x16xf32>
    tpu.vector_store %arg9[%swap3A_403, %swap3A_404], %swap3A_407 {strides = array<i32>} : memref<16x128xf32, #tpu.memory_space<vmem>>, vector<1x16xf32>,
    %swap3A_408 = arith.constant 8 : i32
    %swap3A_409 = arith.index_cast %swap3A_408 : i32 to index
    %swap3A_410 = arith.constant 64 : index
    %swap3A_411 = tpu.vector_load %arg9[%swap3A_409, %swap3A_410] {strides = array<i32>} : memref<16x128xf32, #tpu.memory_space<vmem>>, vector<1x16xf32>,
    %swap3A_412 = vector.shape_cast %swap3A_411 : vector<1x16xf32> to vector<16xf32>
    %swap3A_413 = vector.shape_cast %broadcast_in_dim3A_0 : vector<16xf32> to vector<1x16xf32>
    tpu.vector_store %arg9[%swap3A_409, %swap3A_410], %swap3A_413 {strides = array<i32>} : memref<16x128xf32, #tpu.memory_space<vmem>>, vector<1x16xf32>,
    %swap3A_414 = arith.constant 8 : i32
    %swap3A_415 = arith.index_cast %swap3A_414 : i32 to index
    %swap3A_416 = arith.constant 80 : index
    %swap3A_417 = tpu.vector_load %arg9[%swap3A_415, %swap3A_416] {strides = array<i32>} : memref<16x128xf32, #tpu.memory_space<vmem>>, vector<1x16xf32>,
    %swap3A_418 = vector.shape_cast %swap3A_417 : vector<1x16xf32> to vector<16xf32>
    %swap3A_419 = vector.shape_cast %broadcast_in_dim3A_0 : vector<16xf32> to vector<1x16xf32>
    tpu.vector_store %arg9[%swap3A_415, %swap3A_416], %swap3A_419 {strides = array<i32>} : memref<16x128xf32, #tpu.memory_space<vmem>>, vector<1x16xf32>,
    %swap3A_420 = arith.constant 8 : i32
    %swap3A_421 = arith.index_cast %swap3A_420 : i32 to index
    %swap3A_422 = arith.constant 96 : index
    %swap3A_423 = tpu.vector_load %arg9[%swap3A_421, %swap3A_422] {strides = array<i32>} : memref<16x128xf32, #tpu.memory_space<vmem>>, vector<1x16xf32>,
    %swap3A_424 = vector.shape_cast %swap3A_423 : vector<1x16xf32> to vector<16xf32>
    %swap3A_425 = vector.shape_cast %broadcast_in_dim3A_0 : vector<16xf32> to vector<1x16xf32>
    tpu.vector_store %arg9[%swap3A_421, %swap3A_422], %swap3A_425 {strides = array<i32>} : memref<16x128xf32, #tpu.memory_space<vmem>>, vector<1x16xf32>,
    %swap3A_426 = arith.constant 8 : i32
    %swap3A_427 = arith.index_cast %swap3A_426 : i32 to index
    %swap3A_428 = arith.constant 112 : index
    %swap3A_429 = tpu.vector_load %arg9[%swap3A_427, %swap3A_428] {strides = array<i32>} : memref<16x128xf32, #tpu.memory_space<vmem>>, vector<1x16xf32>,
    %swap3A_430 = vector.shape_cast %swap3A_429 : vector<1x16xf32> to vector<16xf32>
    %swap3A_431 = vector.shape_cast %broadcast_in_dim3A_0 : vector<16xf32> to vector<1x16xf32>
    tpu.vector_store %arg9[%swap3A_427, %swap3A_428], %swap3A_431 {strides = array<i32>} : memref<16x128xf32, #tpu.memory_space<vmem>>, vector<1x16xf32>,
    %swap3A_432 = arith.constant 9 : i32
    %swap3A_433 = arith.index_cast %swap3A_432 : i32 to index
    %swap3A_434 = arith.constant 0 : index
    %swap3A_435 = tpu.vector_load %arg9[%swap3A_433, %swap3A_434] {strides = array<i32>} : memref<16x128xf32, #tpu.memory_space<vmem>>, vector<1x16xf32>,
    %swap3A_436 = vector.shape_cast %swap3A_435 : vector<1x16xf32> to vector<16xf32>
    %swap3A_437 = vector.shape_cast %broadcast_in_dim3A_0 : vector<16xf32> to vector<1x16xf32>
    tpu.vector_store %arg9[%swap3A_433, %swap3A_434], %swap3A_437 {strides = array<i32>} : memref<16x128xf32, #tpu.memory_space<vmem>>, vector<1x16xf32>,
    %swap3A_438 = arith.constant 9 : i32
    %swap3A_439 = arith.index_cast %swap3A_438 : i32 to index
    %swap3A_440 = arith.constant 16 : index
    %swap3A_441 = tpu.vector_load %arg9[%swap3A_439, %swap3A_440] {strides = array<i32>} : memref<16x128xf32, #tpu.memory_space<vmem>>, vector<1x16xf32>,
    %swap3A_442 = vector.shape_cast %swap3A_441 : vector<1x16xf32> to vector<16xf32>
    %swap3A_443 = vector.shape_cast %broadcast_in_dim3A_0 : vector<16xf32> to vector<1x16xf32>
    tpu.vector_store %arg9[%swap3A_439, %swap3A_440], %swap3A_443 {strides = array<i32>} : memref<16x128xf32, #tpu.memory_space<vmem>>, vector<1x16xf32>,
    %swap3A_444 = arith.constant 9 : i32
    %swap3A_445 = arith.index_cast %swap3A_444 : i32 to index
    %swap3A_446 = arith.constant 32 : index
    %swap3A_447 = tpu.vector_load %arg9[%swap3A_445, %swap3A_446] {strides = array<i32>} : memref<16x128xf32, #tpu.memory_space<vmem>>, vector<1x16xf32>,
    %swap3A_448 = vector.shape_cast %swap3A_447 : vector<1x16xf32> to vector<16xf32>
    %swap3A_449 = vector.shape_cast %broadcast_in_dim3A_0 : vector<16xf32> to vector<1x16xf32>
    tpu.vector_store %arg9[%swap3A_445, %swap3A_446], %swap3A_449 {strides = array<i32>} : memref<16x128xf32, #tpu.memory_space<vmem>>, vector<1x16xf32>,
    %swap3A_450 = arith.constant 9 : i32
    %swap3A_451 = arith.index_cast %swap3A_450 : i32 to index
    %swap3A_452 = arith.constant 48 : index
    %swap3A_453 = tpu.vector_load %arg9[%swap3A_451, %swap3A_452] {strides = array<i32>} : memref<16x128xf32, #tpu.memory_space<vmem>>, vector<1x16xf32>,
    %swap3A_454 = vector.shape_cast %swap3A_453 : vector<1x16xf32> to vector<16xf32>
    %swap3A_455 = vector.shape_cast %broadcast_in_dim3A_0 : vector<16xf32> to vector<1x16xf32>
    tpu.vector_store %arg9[%swap3A_451, %swap3A_452], %swap3A_455 {strides = array<i32>} : memref<16x128xf32, #tpu.memory_space<vmem>>, vector<1x16xf32>,
    %swap3A_456 = arith.constant 9 : i32
    %swap3A_457 = arith.index_cast %swap3A_456 : i32 to index
    %swap3A_458 = arith.constant 64 : index
    %swap3A_459 = tpu.vector_load %arg9[%swap3A_457, %swap3A_458] {strides = array<i32>} : memref<16x128xf32, #tpu.memory_space<vmem>>, vector<1x16xf32>,
    %swap3A_460 = vector.shape_cast %swap3A_459 : vector<1x16xf32> to vector<16xf32>
    %swap3A_461 = vector.shape_cast %broadcast_in_dim3A_0 : vector<16xf32> to vector<1x16xf32>
    tpu.vector_store %arg9[%swap3A_457, %swap3A_458], %swap3A_461 {strides = array<i32>} : memref<16x128xf32, #tpu.memory_space<vmem>>, vector<1x16xf32>,
    %swap3A_462 = arith.constant 9 : i32
    %swap3A_463 = arith.index_cast %swap3A_462 : i32 to index
    %swap3A_464 = arith.constant 80 : index
    %swap3A_465 = tpu.vector_load %arg9[%swap3A_463, %swap3A_464] {strides = array<i32>} : memref<16x128xf32, #tpu.memory_space<vmem>>, vector<1x16xf32>,
    %swap3A_466 = vector.shape_cast %swap3A_465 : vector<1x16xf32> to vector<16xf32>
    %swap3A_467 = vector.shape_cast %broadcast_in_dim3A_0 : vector<16xf32> to vector<1x16xf32>
    tpu.vector_store %arg9[%swap3A_463, %swap3A_464], %swap3A_467 {strides = array<i32>} : memref<16x128xf32, #tpu.memory_space<vmem>>, vector<1x16xf32>,
    %swap3A_468 = arith.constant 9 : i32
    %swap3A_469 = arith.index_cast %swap3A_468 : i32 to index
    %swap3A_470 = arith.constant 96 : index
    %swap3A_471 = tpu.vector_load %arg9[%swap3A_469, %swap3A_470] {strides = array<i32>} : memref<16x128xf32, #tpu.memory_space<vmem>>, vector<1x16xf32>,
    %swap3A_472 = vector.shape_cast %swap3A_471 : vector<1x16xf32> to vector<16xf32>
    %swap3A_473 = vector.shape_cast %broadcast_in_dim3A_0 : vector<16xf32> to vector<1x16xf32>
    tpu.vector_store %arg9[%swap3A_469, %swap3A_470], %swap3A_473 {strides = array<i32>} : memref<16x128xf32, #tpu.memory_space<vmem>>, vector<1x16xf32>,
    %swap3A_474 = arith.constant 9 : i32
    %swap3A_475 = arith.index_cast %swap3A_474 : i32 to index
    %swap3A_476 = arith.constant 112 : index
    %swap3A_477 = tpu.vector_load %arg9[%swap3A_475, %swap3A_476] {strides = array<i32>} : memref<16x128xf32, #tpu.memory_space<vmem>>, vector<1x16xf32>,
    %swap3A_478 = vector.shape_cast %swap3A_477 : vector<1x16xf32> to vector<16xf32>
    %swap3A_479 = vector.shape_cast %broadcast_in_dim3A_0 : vector<16xf32> to vector<1x16xf32>
    tpu.vector_store %arg9[%swap3A_475, %swap3A_476], %swap3A_479 {strides = array<i32>} : memref<16x128xf32, #tpu.memory_space<vmem>>, vector<1x16xf32>,
    %swap3A_480 = arith.constant 10 : i32
    %swap3A_481 = arith.index_cast %swap3A_480 : i32 to index
    %swap3A_482 = arith.constant 0 : index
    %swap3A_483 = tpu.vector_load %arg9[%swap3A_481, %swap3A_482] {strides = array<i32>} : memref<16x128xf32, #tpu.memory_space<vmem>>, vector<1x16xf32>,
    %swap3A_484 = vector.shape_cast %swap3A_483 : vector<1x16xf32> to vector<16xf32>
    %swap3A_485 = vector.shape_cast %broadcast_in_dim3A_0 : vector<16xf32> to vector<1x16xf32>
    tpu.vector_store %arg9[%swap3A_481, %swap3A_482], %swap3A_485 {strides = array<i32>} : memref<16x128xf32, #tpu.memory_space<vmem>>, vector<1x16xf32>,
    %swap3A_486 = arith.constant 10 : i32
    %swap3A_487 = arith.index_cast %swap3A_486 : i32 to index
    %swap3A_488 = arith.constant 16 : index
    %swap3A_489 = tpu.vector_load %arg9[%swap3A_487, %swap3A_488] {strides = array<i32>} : memref<16x128xf32, #tpu.memory_space<vmem>>, vector<1x16xf32>,
    %swap3A_490 = vector.shape_cast %swap3A_489 : vector<1x16xf32> to vector<16xf32>
    %swap3A_491 = vector.shape_cast %broadcast_in_dim3A_0 : vector<16xf32> to vector<1x16xf32>
    tpu.vector_store %arg9[%swap3A_487, %swap3A_488], %swap3A_491 {strides = array<i32>} : memref<16x128xf32, #tpu.memory_space<vmem>>, vector<1x16xf32>,
    %swap3A_492 = arith.constant 10 : i32
    %swap3A_493 = arith.index_cast %swap3A_492 : i32 to index
    %swap3A_494 = arith.constant 32 : index
    %swap3A_495 = tpu.vector_load %arg9[%swap3A_493, %swap3A_494] {strides = array<i32>} : memref<16x128xf32, #tpu.memory_space<vmem>>, vector<1x16xf32>,
    %swap3A_496 = vector.shape_cast %swap3A_495 : vector<1x16xf32> to vector<16xf32>
    %swap3A_497 = vector.shape_cast %broadcast_in_dim3A_0 : vector<16xf32> to vector<1x16xf32>
    tpu.vector_store %arg9[%swap3A_493, %swap3A_494], %swap3A_497 {strides = array<i32>} : memref<16x128xf32, #tpu.memory_space<vmem>>, vector<1x16xf32>,
    %swap3A_498 = arith.constant 10 : i32
    %swap3A_499 = arith.index_cast %swap3A_498 : i32 to index
    %swap3A_500 = arith.constant 48 : index
    %swap3A_501 = tpu.vector_load %arg9[%swap3A_499, %swap3A_500] {strides = array<i32>} : memref<16x128xf32, #tpu.memory_space<vmem>>, vector<1x16xf32>,
    %swap3A_502 = vector.shape_cast %swap3A_501 : vector<1x16xf32> to vector<16xf32>
    %swap3A_503 = vector.shape_cast %broadcast_in_dim3A_0 : vector<16xf32> to vector<1x16xf32>
    tpu.vector_store %arg9[%swap3A_499, %swap3A_500], %swap3A_503 {strides = array<i32>} : memref<16x128xf32, #tpu.memory_space<vmem>>, vector<1x16xf32>,
    %swap3A_504 = arith.constant 10 : i32
    %swap3A_505 = arith.index_cast %swap3A_504 : i32 to index
    %swap3A_506 = arith.constant 64 : index
    %swap3A_507 = tpu.vector_load %arg9[%swap3A_505, %swap3A_506] {strides = array<i32>} : memref<16x128xf32, #tpu.memory_space<vmem>>, vector<1x16xf32>,
    %swap3A_508 = vector.shape_cast %swap3A_507 : vector<1x16xf32> to vector<16xf32>
    %swap3A_509 = vector.shape_cast %broadcast_in_dim3A_0 : vector<16xf32> to vector<1x16xf32>
    tpu.vector_store %arg9[%swap3A_505, %swap3A_506], %swap3A_509 {strides = array<i32>} : memref<16x128xf32, #tpu.memory_space<vmem>>, vector<1x16xf32>,
    %swap3A_510 = arith.constant 10 : i32
    %swap3A_511 = arith.index_cast %swap3A_510 : i32 to index
    %swap3A_512 = arith.constant 80 : index
    %swap3A_513 = tpu.vector_load %arg9[%swap3A_511, %swap3A_512] {strides = array<i32>} : memref<16x128xf32, #tpu.memory_space<vmem>>, vector<1x16xf32>,
    %swap3A_514 = vector.shape_cast %swap3A_513 : vector<1x16xf32> to vector<16xf32>
    %swap3A_515 = vector.shape_cast %broadcast_in_dim3A_0 : vector<16xf32> to vector<1x16xf32>
    tpu.vector_store %arg9[%swap3A_511, %swap3A_512], %swap3A_515 {strides = array<i32>} : memref<16x128xf32, #tpu.memory_space<vmem>>, vector<1x16xf32>,
    %swap3A_516 = arith.constant 10 : i32
    %swap3A_517 = arith.index_cast %swap3A_516 : i32 to index
    %swap3A_518 = arith.constant 96 : index
    %swap3A_519 = tpu.vector_load %arg9[%swap3A_517, %swap3A_518] {strides = array<i32>} : memref<16x128xf32, #tpu.memory_space<vmem>>, vector<1x16xf32>,
    %swap3A_520 = vector.shape_cast %swap3A_519 : vector<1x16xf32> to vector<16xf32>
    %swap3A_521 = vector.shape_cast %broadcast_in_dim3A_0 : vector<16xf32> to vector<1x16xf32>
    tpu.vector_store %arg9[%swap3A_517, %swap3A_518], %swap3A_521 {strides = array<i32>} : memref<16x128xf32, #tpu.memory_space<vmem>>, vector<1x16xf32>,
    %swap3A_522 = arith.constant 10 : i32
    %swap3A_523 = arith.index_cast %swap3A_522 : i32 to index
    %swap3A_524 = arith.constant 112 : index
    %swap3A_525 = tpu.vector_load %arg9[%swap3A_523, %swap3A_524] {strides = array<i32>} : memref<16x128xf32, #tpu.memory_space<vmem>>, vector<1x16xf32>,
    %swap3A_526 = vector.shape_cast %swap3A_525 : vector<1x16xf32> to vector<16xf32>
    %swap3A_527 = vector.shape_cast %broadcast_in_dim3A_0 : vector<16xf32> to vector<1x16xf32>
    tpu.vector_store %arg9[%swap3A_523, %swap3A_524], %swap3A_527 {strides = array<i32>} : memref<16x128xf32, #tpu.memory_space<vmem>>, vector<1x16xf32>,
    %swap3A_528 = arith.constant 11 : i32
    %swap3A_529 = arith.index_cast %swap3A_528 : i32 to index
    %swap3A_530 = arith.constant 0 : index
    %swap3A_531 = tpu.vector_load %arg9[%swap3A_529, %swap3A_530] {strides = array<i32>} : memref<16x128xf32, #tpu.memory_space<vmem>>, vector<1x16xf32>,
    %swap3A_532 = vector.shape_cast %swap3A_531 : vector<1x16xf32> to vector<16xf32>
    %swap3A_533 = vector.shape_cast %broadcast_in_dim3A_0 : vector<16xf32> to vector<1x16xf32>
    tpu.vector_store %arg9[%swap3A_529, %swap3A_530], %swap3A_533 {strides = array<i32>} : memref<16x128xf32, #tpu.memory_space<vmem>>, vector<1x16xf32>,
    %swap3A_534 = arith.constant 11 : i32
    %swap3A_535 = arith.index_cast %swap3A_534 : i32 to index
    %swap3A_536 = arith.constant 16 : index
    %swap3A_537 = tpu.vector_load %arg9[%swap3A_535, %swap3A_536] {strides = array<i32>} : memref<16x128xf32, #tpu.memory_space<vmem>>, vector<1x16xf32>,
    %swap3A_538 = vector.shape_cast %swap3A_537 : vector<1x16xf32> to vector<16xf32>
    %swap3A_539 = vector.shape_cast %broadcast_in_dim3A_0 : vector<16xf32> to vector<1x16xf32>
    tpu.vector_store %arg9[%swap3A_535, %swap3A_536], %swap3A_539 {strides = array<i32>} : memref<16x128xf32, #tpu.memory_space<vmem>>, vector<1x16xf32>,
    %swap3A_540 = arith.constant 11 : i32
    %swap3A_541 = arith.index_cast %swap3A_540 : i32 to index
    %swap3A_542 = arith.constant 32 : index
    %swap3A_543 = tpu.vector_load %arg9[%swap3A_541, %swap3A_542] {strides = array<i32>} : memref<16x128xf32, #tpu.memory_space<vmem>>, vector<1x16xf32>,
    %swap3A_544 = vector.shape_cast %swap3A_543 : vector<1x16xf32> to vector<16xf32>
    %swap3A_545 = vector.shape_cast %broadcast_in_dim3A_0 : vector<16xf32> to vector<1x16xf32>
    tpu.vector_store %arg9[%swap3A_541, %swap3A_542], %swap3A_545 {strides = array<i32>} : memref<16x128xf32, #tpu.memory_space<vmem>>, vector<1x16xf32>,
    %swap3A_546 = arith.constant 11 : i32
    %swap3A_547 = arith.index_cast %swap3A_546 : i32 to index
    %swap3A_548 = arith.constant 48 : index
    %swap3A_549 = tpu.vector_load %arg9[%swap3A_547, %swap3A_548] {strides = array<i32>} : memref<16x128xf32, #tpu.memory_space<vmem>>, vector<1x16xf32>,
    %swap3A_550 = vector.shape_cast %swap3A_549 : vector<1x16xf32> to vector<16xf32>
    %swap3A_551 = vector.shape_cast %broadcast_in_dim3A_0 : vector<16xf32> to vector<1x16xf32>
    tpu.vector_store %arg9[%swap3A_547, %swap3A_548], %swap3A_551 {strides = array<i32>} : memref<16x128xf32, #tpu.memory_space<vmem>>, vector<1x16xf32>,
    %swap3A_552 = arith.constant 11 : i32
    %swap3A_553 = arith.index_cast %swap3A_552 : i32 to index
    %swap3A_554 = arith.constant 64 : index
    %swap3A_555 = tpu.vector_load %arg9[%swap3A_553, %swap3A_554] {strides = array<i32>} : memref<16x128xf32, #tpu.memory_space<vmem>>, vector<1x16xf32>,
    %swap3A_556 = vector.shape_cast %swap3A_555 : vector<1x16xf32> to vector<16xf32>
    %swap3A_557 = vector.shape_cast %broadcast_in_dim3A_0 : vector<16xf32> to vector<1x16xf32>
    tpu.vector_store %arg9[%swap3A_553, %swap3A_554], %swap3A_557 {strides = array<i32>} : memref<16x128xf32, #tpu.memory_space<vmem>>, vector<1x16xf32>,
    %swap3A_558 = arith.constant 11 : i32
    %swap3A_559 = arith.index_cast %swap3A_558 : i32 to index
    %swap3A_560 = arith.constant 80 : index
    %swap3A_561 = tpu.vector_load %arg9[%swap3A_559, %swap3A_560] {strides = array<i32>} : memref<16x128xf32, #tpu.memory_space<vmem>>, vector<1x16xf32>,
    %swap3A_562 = vector.shape_cast %swap3A_561 : vector<1x16xf32> to vector<16xf32>
    %swap3A_563 = vector.shape_cast %broadcast_in_dim3A_0 : vector<16xf32> to vector<1x16xf32>
    tpu.vector_store %arg9[%swap3A_559, %swap3A_560], %swap3A_563 {strides = array<i32>} : memref<16x128xf32, #tpu.memory_space<vmem>>, vector<1x16xf32>,
    %swap3A_564 = arith.constant 11 : i32
    %swap3A_565 = arith.index_cast %swap3A_564 : i32 to index
    %swap3A_566 = arith.constant 96 : index
    %swap3A_567 = tpu.vector_load %arg9[%swap3A_565, %swap3A_566] {strides = array<i32>} : memref<16x128xf32, #tpu.memory_space<vmem>>, vector<1x16xf32>,
    %swap3A_568 = vector.shape_cast %swap3A_567 : vector<1x16xf32> to vector<16xf32>
    %swap3A_569 = vector.shape_cast %broadcast_in_dim3A_0 : vector<16xf32> to vector<1x16xf32>
    tpu.vector_store %arg9[%swap3A_565, %swap3A_566], %swap3A_569 {strides = array<i32>} : memref<16x128xf32, #tpu.memory_space<vmem>>, vector<1x16xf32>,
    %swap3A_570 = arith.constant 11 : i32
    %swap3A_571 = arith.index_cast %swap3A_570 : i32 to index
    %swap3A_572 = arith.constant 112 : index
    %swap3A_573 = tpu.vector_load %arg9[%swap3A_571, %swap3A_572] {strides = array<i32>} : memref<16x128xf32, #tpu.memory_space<vmem>>, vector<1x16xf32>,
    %swap3A_574 = vector.shape_cast %swap3A_573 : vector<1x16xf32> to vector<16xf32>
    %swap3A_575 = vector.shape_cast %broadcast_in_dim3A_0 : vector<16xf32> to vector<1x16xf32>
    tpu.vector_store %arg9[%swap3A_571, %swap3A_572], %swap3A_575 {strides = array<i32>} : memref<16x128xf32, #tpu.memory_space<vmem>>, vector<1x16xf32>,
    %swap3A_576 = arith.constant 12 : i32
    %swap3A_577 = arith.index_cast %swap3A_576 : i32 to index
    %swap3A_578 = arith.constant 0 : index
    %swap3A_579 = tpu.vector_load %arg9[%swap3A_577, %swap3A_578] {strides = array<i32>} : memref<16x128xf32, #tpu.memory_space<vmem>>, vector<1x16xf32>,
    %swap3A_580 = vector.shape_cast %swap3A_579 : vector<1x16xf32> to vector<16xf32>
    %swap3A_581 = vector.shape_cast %broadcast_in_dim3A_0 : vector<16xf32> to vector<1x16xf32>
    tpu.vector_store %arg9[%swap3A_577, %swap3A_578], %swap3A_581 {strides = array<i32>} : memref<16x128xf32, #tpu.memory_space<vmem>>, vector<1x16xf32>,
    %swap3A_582 = arith.constant 12 : i32
    %swap3A_583 = arith.index_cast %swap3A_582 : i32 to index
    %swap3A_584 = arith.constant 16 : index
    %swap3A_585 = tpu.vector_load %arg9[%swap3A_583, %swap3A_584] {strides = array<i32>} : memref<16x128xf32, #tpu.memory_space<vmem>>, vector<1x16xf32>,
    %swap3A_586 = vector.shape_cast %swap3A_585 : vector<1x16xf32> to vector<16xf32>
    %swap3A_587 = vector.shape_cast %broadcast_in_dim3A_0 : vector<16xf32> to vector<1x16xf32>
    tpu.vector_store %arg9[%swap3A_583, %swap3A_584], %swap3A_587 {strides = array<i32>} : memref<16x128xf32, #tpu.memory_space<vmem>>, vector<1x16xf32>,
    %swap3A_588 = arith.constant 12 : i32
    %swap3A_589 = arith.index_cast %swap3A_588 : i32 to index
    %swap3A_590 = arith.constant 32 : index
    %swap3A_591 = tpu.vector_load %arg9[%swap3A_589, %swap3A_590] {strides = array<i32>} : memref<16x128xf32, #tpu.memory_space<vmem>>, vector<1x16xf32>,
    %swap3A_592 = vector.shape_cast %swap3A_591 : vector<1x16xf32> to vector<16xf32>
    %swap3A_593 = vector.shape_cast %broadcast_in_dim3A_0 : vector<16xf32> to vector<1x16xf32>
    tpu.vector_store %arg9[%swap3A_589, %swap3A_590], %swap3A_593 {strides = array<i32>} : memref<16x128xf32, #tpu.memory_space<vmem>>, vector<1x16xf32>,
    %swap3A_594 = arith.constant 12 : i32
    %swap3A_595 = arith.index_cast %swap3A_594 : i32 to index
    %swap3A_596 = arith.constant 48 : index
    %swap3A_597 = tpu.vector_load %arg9[%swap3A_595, %swap3A_596] {strides = array<i32>} : memref<16x128xf32, #tpu.memory_space<vmem>>, vector<1x16xf32>,
    %swap3A_598 = vector.shape_cast %swap3A_597 : vector<1x16xf32> to vector<16xf32>
    %swap3A_599 = vector.shape_cast %broadcast_in_dim3A_0 : vector<16xf32> to vector<1x16xf32>
    tpu.vector_store %arg9[%swap3A_595, %swap3A_596], %swap3A_599 {strides = array<i32>} : memref<16x128xf32, #tpu.memory_space<vmem>>, vector<1x16xf32>,
    %swap3A_600 = arith.constant 12 : i32
    %swap3A_601 = arith.index_cast %swap3A_600 : i32 to index
    %swap3A_602 = arith.constant 64 : index
    %swap3A_603 = tpu.vector_load %arg9[%swap3A_601, %swap3A_602] {strides = array<i32>} : memref<16x128xf32, #tpu.memory_space<vmem>>, vector<1x16xf32>,
    %swap3A_604 = vector.shape_cast %swap3A_603 : vector<1x16xf32> to vector<16xf32>
    %swap3A_605 = vector.shape_cast %broadcast_in_dim3A_0 : vector<16xf32> to vector<1x16xf32>
    tpu.vector_store %arg9[%swap3A_601, %swap3A_602], %swap3A_605 {strides = array<i32>} : memref<16x128xf32, #tpu.memory_space<vmem>>, vector<1x16xf32>,
    %swap3A_606 = arith.constant 12 : i32
    %swap3A_607 = arith.index_cast %swap3A_606 : i32 to index
    %swap3A_608 = arith.constant 80 : index
    %swap3A_609 = tpu.vector_load %arg9[%swap3A_607, %swap3A_608] {strides = array<i32>} : memref<16x128xf32, #tpu.memory_space<vmem>>, vector<1x16xf32>,
    %swap3A_610 = vector.shape_cast %swap3A_609 : vector<1x16xf32> to vector<16xf32>
    %swap3A_611 = vector.shape_cast %broadcast_in_dim3A_0 : vector<16xf32> to vector<1x16xf32>
    tpu.vector_store %arg9[%swap3A_607, %swap3A_608], %swap3A_611 {strides = array<i32>} : memref<16x128xf32, #tpu.memory_space<vmem>>, vector<1x16xf32>,
    %swap3A_612 = arith.constant 12 : i32
    %swap3A_613 = arith.index_cast %swap3A_612 : i32 to index
    %swap3A_614 = arith.constant 96 : index
    %swap3A_615 = tpu.vector_load %arg9[%swap3A_613, %swap3A_614] {strides = array<i32>} : memref<16x128xf32, #tpu.memory_space<vmem>>, vector<1x16xf32>,
    %swap3A_616 = vector.shape_cast %swap3A_615 : vector<1x16xf32> to vector<16xf32>
    %swap3A_617 = vector.shape_cast %broadcast_in_dim3A_0 : vector<16xf32> to vector<1x16xf32>
    tpu.vector_store %arg9[%swap3A_613, %swap3A_614], %swap3A_617 {strides = array<i32>} : memref<16x128xf32, #tpu.memory_space<vmem>>, vector<1x16xf32>,
    %swap3A_618 = arith.constant 12 : i32
    %swap3A_619 = arith.index_cast %swap3A_618 : i32 to index
    %swap3A_620 = arith.constant 112 : index
    %swap3A_621 = tpu.vector_load %arg9[%swap3A_619, %swap3A_620] {strides = array<i32>} : memref<16x128xf32, #tpu.memory_space<vmem>>, vector<1x16xf32>,
    %swap3A_622 = vector.shape_cast %swap3A_621 : vector<1x16xf32> to vector<16xf32>
    %swap3A_623 = vector.shape_cast %broadcast_in_dim3A_0 : vector<16xf32> to vector<1x16xf32>
    tpu.vector_store %arg9[%swap3A_619, %swap3A_620], %swap3A_623 {strides = array<i32>} : memref<16x128xf32, #tpu.memory_space<vmem>>, vector<1x16xf32>,
    %swap3A_624 = arith.constant 13 : i32
    %swap3A_625 = arith.index_cast %swap3A_624 : i32 to index
    %swap3A_626 = arith.constant 0 : index
    %swap3A_627 = tpu.vector_load %arg9[%swap3A_625, %swap3A_626] {strides = array<i32>} : memref<16x128xf32, #tpu.memory_space<vmem>>, vector<1x16xf32>,
    %swap3A_628 = vector.shape_cast %swap3A_627 : vector<1x16xf32> to vector<16xf32>
    %swap3A_629 = vector.shape_cast %broadcast_in_dim3A_0 : vector<16xf32> to vector<1x16xf32>
    tpu.vector_store %arg9[%swap3A_625, %swap3A_626], %swap3A_629 {strides = array<i32>} : memref<16x128xf32, #tpu.memory_space<vmem>>, vector<1x16xf32>,
    %swap3A_630 = arith.constant 13 : i32
    %swap3A_631 = arith.index_cast %swap3A_630 : i32 to index
    %swap3A_632 = arith.constant 16 : index
    %swap3A_633 = tpu.vector_load %arg9[%swap3A_631, %swap3A_632] {strides = array<i32>} : memref<16x128xf32, #tpu.memory_space<vmem>>, vector<1x16xf32>,
    %swap3A_634 = vector.shape_cast %swap3A_633 : vector<1x16xf32> to vector<16xf32>
    %swap3A_635 = vector.shape_cast %broadcast_in_dim3A_0 : vector<16xf32> to vector<1x16xf32>
    tpu.vector_store %arg9[%swap3A_631, %swap3A_632], %swap3A_635 {strides = array<i32>} : memref<16x128xf32, #tpu.memory_space<vmem>>, vector<1x16xf32>,
    %swap3A_636 = arith.constant 13 : i32
    %swap3A_637 = arith.index_cast %swap3A_636 : i32 to index
    %swap3A_638 = arith.constant 32 : index
    %swap3A_639 = tpu.vector_load %arg9[%swap3A_637, %swap3A_638] {strides = array<i32>} : memref<16x128xf32, #tpu.memory_space<vmem>>, vector<1x16xf32>,
    %swap3A_640 = vector.shape_cast %swap3A_639 : vector<1x16xf32> to vector<16xf32>
    %swap3A_641 = vector.shape_cast %broadcast_in_dim3A_0 : vector<16xf32> to vector<1x16xf32>
    tpu.vector_store %arg9[%swap3A_637, %swap3A_638], %swap3A_641 {strides = array<i32>} : memref<16x128xf32, #tpu.memory_space<vmem>>, vector<1x16xf32>,
    %swap3A_642 = arith.constant 13 : i32
    %swap3A_643 = arith.index_cast %swap3A_642 : i32 to index
    %swap3A_644 = arith.constant 48 : index
    %swap3A_645 = tpu.vector_load %arg9[%swap3A_643, %swap3A_644] {strides = array<i32>} : memref<16x128xf32, #tpu.memory_space<vmem>>, vector<1x16xf32>,
    %swap3A_646 = vector.shape_cast %swap3A_645 : vector<1x16xf32> to vector<16xf32>
    %swap3A_647 = vector.shape_cast %broadcast_in_dim3A_0 : vector<16xf32> to vector<1x16xf32>
    tpu.vector_store %arg9[%swap3A_643, %swap3A_644], %swap3A_647 {strides = array<i32>} : memref<16x128xf32, #tpu.memory_space<vmem>>, vector<1x16xf32>,
    %swap3A_648 = arith.constant 13 : i32
    %swap3A_649 = arith.index_cast %swap3A_648 : i32 to index
    %swap3A_650 = arith.constant 64 : index
    %swap3A_651 = tpu.vector_load %arg9[%swap3A_649, %swap3A_650] {strides = array<i32>} : memref<16x128xf32, #tpu.memory_space<vmem>>, vector<1x16xf32>,
    %swap3A_652 = vector.shape_cast %swap3A_651 : vector<1x16xf32> to vector<16xf32>
    %swap3A_653 = vector.shape_cast %broadcast_in_dim3A_0 : vector<16xf32> to vector<1x16xf32>
    tpu.vector_store %arg9[%swap3A_649, %swap3A_650], %swap3A_653 {strides = array<i32>} : memref<16x128xf32, #tpu.memory_space<vmem>>, vector<1x16xf32>,
    %swap3A_654 = arith.constant 13 : i32
    %swap3A_655 = arith.index_cast %swap3A_654 : i32 to index
    %swap3A_656 = arith.constant 80 : index
    %swap3A_657 = tpu.vector_load %arg9[%swap3A_655, %swap3A_656] {strides = array<i32>} : memref<16x128xf32, #tpu.memory_space<vmem>>, vector<1x16xf32>,
    %swap3A_658 = vector.shape_cast %swap3A_657 : vector<1x16xf32> to vector<16xf32>
    %swap3A_659 = vector.shape_cast %broadcast_in_dim3A_0 : vector<16xf32> to vector<1x16xf32>
    tpu.vector_store %arg9[%swap3A_655, %swap3A_656], %swap3A_659 {strides = array<i32>} : memref<16x128xf32, #tpu.memory_space<vmem>>, vector<1x16xf32>,
    %swap3A_660 = arith.constant 13 : i32
    %swap3A_661 = arith.index_cast %swap3A_660 : i32 to index
    %swap3A_662 = arith.constant 96 : index
    %swap3A_663 = tpu.vector_load %arg9[%swap3A_661, %swap3A_662] {strides = array<i32>} : memref<16x128xf32, #tpu.memory_space<vmem>>, vector<1x16xf32>,
    %swap3A_664 = vector.shape_cast %swap3A_663 : vector<1x16xf32> to vector<16xf32>
    %swap3A_665 = vector.shape_cast %broadcast_in_dim3A_0 : vector<16xf32> to vector<1x16xf32>
    tpu.vector_store %arg9[%swap3A_661, %swap3A_662], %swap3A_665 {strides = array<i32>} : memref<16x128xf32, #tpu.memory_space<vmem>>, vector<1x16xf32>,
    %swap3A_666 = arith.constant 13 : i32
    %swap3A_667 = arith.index_cast %swap3A_666 : i32 to index
    %swap3A_668 = arith.constant 112 : index
    %swap3A_669 = tpu.vector_load %arg9[%swap3A_667, %swap3A_668] {strides = array<i32>} : memref<16x128xf32, #tpu.memory_space<vmem>>, vector<1x16xf32>,
    %swap3A_670 = vector.shape_cast %swap3A_669 : vector<1x16xf32> to vector<16xf32>
    %swap3A_671 = vector.shape_cast %broadcast_in_dim3A_0 : vector<16xf32> to vector<1x16xf32>
    tpu.vector_store %arg9[%swap3A_667, %swap3A_668], %swap3A_671 {strides = array<i32>} : memref<16x128xf32, #tpu.memory_space<vmem>>, vector<1x16xf32>,
    %swap3A_672 = arith.constant 14 : i32
    %swap3A_673 = arith.index_cast %swap3A_672 : i32 to index
    %swap3A_674 = arith.constant 0 : index
    %swap3A_675 = tpu.vector_load %arg9[%swap3A_673, %swap3A_674] {strides = array<i32>} : memref<16x128xf32, #tpu.memory_space<vmem>>, vector<1x16xf32>,
    %swap3A_676 = vector.shape_cast %swap3A_675 : vector<1x16xf32> to vector<16xf32>
    %swap3A_677 = vector.shape_cast %broadcast_in_dim3A_0 : vector<16xf32> to vector<1x16xf32>
    tpu.vector_store %arg9[%swap3A_673, %swap3A_674], %swap3A_677 {strides = array<i32>} : memref<16x128xf32, #tpu.memory_space<vmem>>, vector<1x16xf32>,
    %swap3A_678 = arith.constant 14 : i32
    %swap3A_679 = arith.index_cast %swap3A_678 : i32 to index
    %swap3A_680 = arith.constant 16 : index
    %swap3A_681 = tpu.vector_load %arg9[%swap3A_679, %swap3A_680] {strides = array<i32>} : memref<16x128xf32, #tpu.memory_space<vmem>>, vector<1x16xf32>,
    %swap3A_682 = vector.shape_cast %swap3A_681 : vector<1x16xf32> to vector<16xf32>
    %swap3A_683 = vector.shape_cast %broadcast_in_dim3A_0 : vector<16xf32> to vector<1x16xf32>
    tpu.vector_store %arg9[%swap3A_679, %swap3A_680], %swap3A_683 {strides = array<i32>} : memref<16x128xf32, #tpu.memory_space<vmem>>, vector<1x16xf32>,
    %swap3A_684 = arith.constant 14 : i32
    %swap3A_685 = arith.index_cast %swap3A_684 : i32 to index
    %swap3A_686 = arith.constant 32 : index
    %swap3A_687 = tpu.vector_load %arg9[%swap3A_685, %swap3A_686] {strides = array<i32>} : memref<16x128xf32, #tpu.memory_space<vmem>>, vector<1x16xf32>,
    %swap3A_688 = vector.shape_cast %swap3A_687 : vector<1x16xf32> to vector<16xf32>
    %swap3A_689 = vector.shape_cast %broadcast_in_dim3A_0 : vector<16xf32> to vector<1x16xf32>
    tpu.vector_store %arg9[%swap3A_685, %swap3A_686], %swap3A_689 {strides = array<i32>} : memref<16x128xf32, #tpu.memory_space<vmem>>, vector<1x16xf32>,
    %swap3A_690 = arith.constant 14 : i32
    %swap3A_691 = arith.index_cast %swap3A_690 : i32 to index
    %swap3A_692 = arith.constant 48 : index
    %swap3A_693 = tpu.vector_load %arg9[%swap3A_691, %swap3A_692] {strides = array<i32>} : memref<16x128xf32, #tpu.memory_space<vmem>>, vector<1x16xf32>,
    %swap3A_694 = vector.shape_cast %swap3A_693 : vector<1x16xf32> to vector<16xf32>
    %swap3A_695 = vector.shape_cast %broadcast_in_dim3A_0 : vector<16xf32> to vector<1x16xf32>
    tpu.vector_store %arg9[%swap3A_691, %swap3A_692], %swap3A_695 {strides = array<i32>} : memref<16x128xf32, #tpu.memory_space<vmem>>, vector<1x16xf32>,
    %swap3A_696 = arith.constant 14 : i32
    %swap3A_697 = arith.index_cast %swap3A_696 : i32 to index
    %swap3A_698 = arith.constant 64 : index
    %swap3A_699 = tpu.vector_load %arg9[%swap3A_697, %swap3A_698] {strides = array<i32>} : memref<16x128xf32, #tpu.memory_space<vmem>>, vector<1x16xf32>,
    %swap3A_700 = vector.shape_cast %swap3A_699 : vector<1x16xf32> to vector<16xf32>
    %swap3A_701 = vector.shape_cast %broadcast_in_dim3A_0 : vector<16xf32> to vector<1x16xf32>
    tpu.vector_store %arg9[%swap3A_697, %swap3A_698], %swap3A_701 {strides = array<i32>} : memref<16x128xf32, #tpu.memory_space<vmem>>, vector<1x16xf32>,
    %swap3A_702 = arith.constant 14 : i32
    %swap3A_703 = arith.index_cast %swap3A_702 : i32 to index
    %swap3A_704 = arith.constant 80 : index
    %swap3A_705 = tpu.vector_load %arg9[%swap3A_703, %swap3A_704] {strides = array<i32>} : memref<16x128xf32, #tpu.memory_space<vmem>>, vector<1x16xf32>,
    %swap3A_706 = vector.shape_cast %swap3A_705 : vector<1x16xf32> to vector<16xf32>
    %swap3A_707 = vector.shape_cast %broadcast_in_dim3A_0 : vector<16xf32> to vector<1x16xf32>
    tpu.vector_store %arg9[%swap3A_703, %swap3A_704], %swap3A_707 {strides = array<i32>} : memref<16x128xf32, #tpu.memory_space<vmem>>, vector<1x16xf32>,
    %swap3A_708 = arith.constant 14 : i32
    %swap3A_709 = arith.index_cast %swap3A_708 : i32 to index
    %swap3A_710 = arith.constant 96 : index
    %swap3A_711 = tpu.vector_load %arg9[%swap3A_709, %swap3A_710] {strides = array<i32>} : memref<16x128xf32, #tpu.memory_space<vmem>>, vector<1x16xf32>,
    %swap3A_712 = vector.shape_cast %swap3A_711 : vector<1x16xf32> to vector<16xf32>
    %swap3A_713 = vector.shape_cast %broadcast_in_dim3A_0 : vector<16xf32> to vector<1x16xf32>
    tpu.vector_store %arg9[%swap3A_709, %swap3A_710], %swap3A_713 {strides = array<i32>} : memref<16x128xf32, #tpu.memory_space<vmem>>, vector<1x16xf32>,
    %swap3A_714 = arith.constant 14 : i32
    %swap3A_715 = arith.index_cast %swap3A_714 : i32 to index
    %swap3A_716 = arith.constant 112 : index
    %swap3A_717 = tpu.vector_load %arg9[%swap3A_715, %swap3A_716] {strides = array<i32>} : memref<16x128xf32, #tpu.memory_space<vmem>>, vector<1x16xf32>,
    %swap3A_718 = vector.shape_cast %swap3A_717 : vector<1x16xf32> to vector<16xf32>
    %swap3A_719 = vector.shape_cast %broadcast_in_dim3A_0 : vector<16xf32> to vector<1x16xf32>
    tpu.vector_store %arg9[%swap3A_715, %swap3A_716], %swap3A_719 {strides = array<i32>} : memref<16x128xf32, #tpu.memory_space<vmem>>, vector<1x16xf32>,
    %swap3A_720 = arith.constant 15 : i32
    %swap3A_721 = arith.index_cast %swap3A_720 : i32 to index
    %swap3A_722 = arith.constant 0 : index
    %swap3A_723 = tpu.vector_load %arg9[%swap3A_721, %swap3A_722] {strides = array<i32>} : memref<16x128xf32, #tpu.memory_space<vmem>>, vector<1x16xf32>,
    %swap3A_724 = vector.shape_cast %swap3A_723 : vector<1x16xf32> to vector<16xf32>
    %swap3A_725 = vector.shape_cast %broadcast_in_dim3A_0 : vector<16xf32> to vector<1x16xf32>
    tpu.vector_store %arg9[%swap3A_721, %swap3A_722], %swap3A_725 {strides = array<i32>} : memref<16x128xf32, #tpu.memory_space<vmem>>, vector<1x16xf32>,
    %swap3A_726 = arith.constant 15 : i32
    %swap3A_727 = arith.index_cast %swap3A_726 : i32 to index
    %swap3A_728 = arith.constant 16 : index
    %swap3A_729 = tpu.vector_load %arg9[%swap3A_727, %swap3A_728] {strides = array<i32>} : memref<16x128xf32, #tpu.memory_space<vmem>>, vector<1x16xf32>,
    %swap3A_730 = vector.shape_cast %swap3A_729 : vector<1x16xf32> to vector<16xf32>
    %swap3A_731 = vector.shape_cast %broadcast_in_dim3A_0 : vector<16xf32> to vector<1x16xf32>
    tpu.vector_store %arg9[%swap3A_727, %swap3A_728], %swap3A_731 {strides = array<i32>} : memref<16x128xf32, #tpu.memory_space<vmem>>, vector<1x16xf32>,
    %swap3A_732 = arith.constant 15 : i32
    %swap3A_733 = arith.index_cast %swap3A_732 : i32 to index
    %swap3A_734 = arith.constant 32 : index
    %swap3A_735 = tpu.vector_load %arg9[%swap3A_733, %swap3A_734] {strides = array<i32>} : memref<16x128xf32, #tpu.memory_space<vmem>>, vector<1x16xf32>,
    %swap3A_736 = vector.shape_cast %swap3A_735 : vector<1x16xf32> to vector<16xf32>
    %swap3A_737 = vector.shape_cast %broadcast_in_dim3A_0 : vector<16xf32> to vector<1x16xf32>
    tpu.vector_store %arg9[%swap3A_733, %swap3A_734], %swap3A_737 {strides = array<i32>} : memref<16x128xf32, #tpu.memory_space<vmem>>, vector<1x16xf32>,
    %swap3A_738 = arith.constant 15 : i32
    %swap3A_739 = arith.index_cast %swap3A_738 : i32 to index
    %swap3A_740 = arith.constant 48 : index
    %swap3A_741 = tpu.vector_load %arg9[%swap3A_739, %swap3A_740] {strides = array<i32>} : memref<16x128xf32, #tpu.memory_space<vmem>>, vector<1x16xf32>,
    %swap3A_742 = vector.shape_cast %swap3A_741 : vector<1x16xf32> to vector<16xf32>
    %swap3A_743 = vector.shape_cast %broadcast_in_dim3A_0 : vector<16xf32> to vector<1x16xf32>
    tpu.vector_store %arg9[%swap3A_739, %swap3A_740], %swap3A_743 {strides = array<i32>} : memref<16x128xf32, #tpu.memory_space<vmem>>, vector<1x16xf32>,
    %swap3A_744 = arith.constant 15 : i32
    %swap3A_745 = arith.index_cast %swap3A_744 : i32 to index
    %swap3A_746 = arith.constant 64 : index
    %swap3A_747 = tpu.vector_load %arg9[%swap3A_745, %swap3A_746] {strides = array<i32>} : memref<16x128xf32, #tpu.memory_space<vmem>>, vector<1x16xf32>,
    %swap3A_748 = vector.shape_cast %swap3A_747 : vector<1x16xf32> to vector<16xf32>
    %swap3A_749 = vector.shape_cast %broadcast_in_dim3A_0 : vector<16xf32> to vector<1x16xf32>
    tpu.vector_store %arg9[%swap3A_745, %swap3A_746], %swap3A_749 {strides = array<i32>} : memref<16x128xf32, #tpu.memory_space<vmem>>, vector<1x16xf32>,
    %swap3A_750 = arith.constant 15 : i32
    %swap3A_751 = arith.index_cast %swap3A_750 : i32 to index
    %swap3A_752 = arith.constant 80 : index
    %swap3A_753 = tpu.vector_load %arg9[%swap3A_751, %swap3A_752] {strides = array<i32>} : memref<16x128xf32, #tpu.memory_space<vmem>>, vector<1x16xf32>,
    %swap3A_754 = vector.shape_cast %swap3A_753 : vector<1x16xf32> to vector<16xf32>
    %swap3A_755 = vector.shape_cast %broadcast_in_dim3A_0 : vector<16xf32> to vector<1x16xf32>
    tpu.vector_store %arg9[%swap3A_751, %swap3A_752], %swap3A_755 {strides = array<i32>} : memref<16x128xf32, #tpu.memory_space<vmem>>, vector<1x16xf32>,
    %swap3A_756 = arith.constant 15 : i32
    %swap3A_757 = arith.index_cast %swap3A_756 : i32 to index
    %swap3A_758 = arith.constant 96 : index
    %swap3A_759 = tpu.vector_load %arg9[%swap3A_757, %swap3A_758] {strides = array<i32>} : memref<16x128xf32, #tpu.memory_space<vmem>>, vector<1x16xf32>,
    %swap3A_760 = vector.shape_cast %swap3A_759 : vector<1x16xf32> to vector<16xf32>
    %swap3A_761 = vector.shape_cast %broadcast_in_dim3A_0 : vector<16xf32> to vector<1x16xf32>
    tpu.vector_store %arg9[%swap3A_757, %swap3A_758], %swap3A_761 {strides = array<i32>} : memref<16x128xf32, #tpu.memory_space<vmem>>, vector<1x16xf32>,
    %swap3A_762 = arith.constant 15 : i32
    %swap3A_763 = arith.index_cast %swap3A_762 : i32 to index
    %swap3A_764 = arith.constant 112 : index
    %swap3A_765 = tpu.vector_load %arg9[%swap3A_763, %swap3A_764] {strides = array<i32>} : memref<16x128xf32, #tpu.memory_space<vmem>>, vector<1x16xf32>,
    %swap3A_766 = vector.shape_cast %swap3A_765 : vector<1x16xf32> to vector<16xf32>
    %swap3A_767 = vector.shape_cast %broadcast_in_dim3A_0 : vector<16xf32> to vector<1x16xf32>
    tpu.vector_store %arg9[%swap3A_763, %swap3A_764], %swap3A_767 {strides = array<i32>} : memref<16x128xf32, #tpu.memory_space<vmem>>, vector<1x16xf32>,
    %mul3A = arith.constant 640 : i32
    %mul3A_768 = arith.muli %arg1, %mul3A : i32
    %add3A = arith.constant 0 : i32
    %add3A_769 = arith.addi %mul3A_768, %add3A : i32
    %dma_start3A = arith.constant 0 : i32
    %dma_start3A_770 = tpu.memref_slice %arg10[%add3A_769, %dma_start3A] : memref<10240x128xf32, #tpu.memory_space<vmem_shared>> -> memref<16x128xf32, #tpu.memory_space<vmem_shared>>
    %dma_start3A_771 = arith.constant 0 : i32
    %dma_start3A_772 = tpu.memref_slice %arg10[%add3A_769, %dma_start3A_771] : memref<10240x128xf32, #tpu.memory_space<vmem_shared>> -> memref<16x128xf32, #tpu.memory_space<vmem_shared>>
    tpu.enqueue_dma source(%arg9 : memref<16x128xf32, #tpu.memory_space<vmem>>) target(%dma_start3A_772 : memref<16x128xf32, #tpu.memory_space<vmem_shared>>) target_semaphore(%arg19 : memref<!tpu.dma_semaphore, #tpu.memory_space<semaphore_mem>>)
    %add3A_773 = arith.constant 16 : i32
    %add3A_774 = arith.addi %mul3A_768, %add3A_773 : i32
    %dma_start3A_775 = arith.constant 0 : i32
    %dma_start3A_776 = tpu.memref_slice %arg10[%add3A_774, %dma_start3A_775] : memref<10240x128xf32, #tpu.memory_space<vmem_shared>> -> memref<16x128xf32, #tpu.memory_space<vmem_shared>>
    %dma_start3A_777 = arith.constant 0 : i32
    %dma_start3A_778 = tpu.memref_slice %arg10[%add3A_774, %dma_start3A_777] : memref<10240x128xf32, #tpu.memory_space<vmem_shared>> -> memref<16x128xf32, #tpu.memory_space<vmem_shared>>
    tpu.enqueue_dma source(%arg9 : memref<16x128xf32, #tpu.memory_space<vmem>>) target(%dma_start3A_778 : memref<16x128xf32, #tpu.memory_space<vmem_shared>>) target_semaphore(%arg19 : memref<!tpu.dma_semaphore, #tpu.memory_space<semaphore_mem>>)
    %add3A_779 = arith.constant 32 : i32
    %add3A_780 = arith.addi %mul3A_768, %add3A_779 : i32
    %dma_start3A_781 = arith.constant 0 : i32
    %dma_start3A_782 = tpu.memref_slice %arg10[%add3A_780, %dma_start3A_781] : memref<10240x128xf32, #tpu.memory_space<vmem_shared>> -> memref<16x128xf32, #tpu.memory_space<vmem_shared>>
    %dma_start3A_783 = arith.constant 0 : i32
    %dma_start3A_784 = tpu.memref_slice %arg10[%add3A_780, %dma_start3A_783] : memref<10240x128xf32, #tpu.memory_space<vmem_shared>> -> memref<16x128xf32, #tpu.memory_space<vmem_shared>>
    tpu.enqueue_dma source(%arg9 : memref<16x128xf32, #tpu.memory_space<vmem>>) target(%dma_start3A_784 : memref<16x128xf32, #tpu.memory_space<vmem_shared>>) target_semaphore(%arg19 : memref<!tpu.dma_semaphore, #tpu.memory_space<semaphore_mem>>)
    %add3A_785 = arith.constant 48 : i32
    %add3A_786 = arith.addi %mul3A_768, %add3A_785 : i32
    %dma_start3A_787 = arith.constant 0 : i32
    %dma_start3A_788 = tpu.memref_slice %arg10[%add3A_786, %dma_start3A_787] : memref<10240x128xf32, #tpu.memory_space<vmem_shared>> -> memref<16x128xf32, #tpu.memory_space<vmem_shared>>
    %dma_start3A_789 = arith.constant 0 : i32
    %dma_start3A_790 = tpu.memref_slice %arg10[%add3A_786, %dma_start3A_789] : memref<10240x128xf32, #tpu.memory_space<vmem_shared>> -> memref<16x128xf32, #tpu.memory_space<vmem_shared>>
    tpu.enqueue_dma source(%arg9 : memref<16x128xf32, #tpu.memory_space<vmem>>) target(%dma_start3A_790 : memref<16x128xf32, #tpu.memory_space<vmem_shared>>) target_semaphore(%arg19 : memref<!tpu.dma_semaphore, #tpu.memory_space<semaphore_mem>>)
    %add3A_791 = arith.constant 64 : i32
    %add3A_792 = arith.addi %mul3A_768, %add3A_791 : i32
    %dma_start3A_793 = arith.constant 0 : i32
    %dma_start3A_794 = tpu.memref_slice %arg10[%add3A_792, %dma_start3A_793] : memref<10240x128xf32, #tpu.memory_space<vmem_shared>> -> memref<16x128xf32, #tpu.memory_space<vmem_shared>>
    %dma_start3A_795 = arith.constant 0 : i32
    %dma_start3A_796 = tpu.memref_slice %arg10[%add3A_792, %dma_start3A_795] : memref<10240x128xf32, #tpu.memory_space<vmem_shared>> -> memref<16x128xf32, #tpu.memory_space<vmem_shared>>
    tpu.enqueue_dma source(%arg9 : memref<16x128xf32, #tpu.memory_space<vmem>>) target(%dma_start3A_796 : memref<16x128xf32, #tpu.memory_space<vmem_shared>>) target_semaphore(%arg19 : memref<!tpu.dma_semaphore, #tpu.memory_space<semaphore_mem>>)
    %add3A_797 = arith.constant 80 : i32
    %add3A_798 = arith.addi %mul3A_768, %add3A_797 : i32
    %dma_start3A_799 = arith.constant 0 : i32
    %dma_start3A_800 = tpu.memref_slice %arg10[%add3A_798, %dma_start3A_799] : memref<10240x128xf32, #tpu.memory_space<vmem_shared>> -> memref<16x128xf32, #tpu.memory_space<vmem_shared>>
    %dma_start3A_801 = arith.constant 0 : i32
    %dma_start3A_802 = tpu.memref_slice %arg10[%add3A_798, %dma_start3A_801] : memref<10240x128xf32, #tpu.memory_space<vmem_shared>> -> memref<16x128xf32, #tpu.memory_space<vmem_shared>>
    tpu.enqueue_dma source(%arg9 : memref<16x128xf32, #tpu.memory_space<vmem>>) target(%dma_start3A_802 : memref<16x128xf32, #tpu.memory_space<vmem_shared>>) target_semaphore(%arg19 : memref<!tpu.dma_semaphore, #tpu.memory_space<semaphore_mem>>)
    %add3A_803 = arith.constant 96 : i32
    %add3A_804 = arith.addi %mul3A_768, %add3A_803 : i32
    %dma_start3A_805 = arith.constant 0 : i32
    %dma_start3A_806 = tpu.memref_slice %arg10[%add3A_804, %dma_start3A_805] : memref<10240x128xf32, #tpu.memory_space<vmem_shared>> -> memref<16x128xf32, #tpu.memory_space<vmem_shared>>
    %dma_start3A_807 = arith.constant 0 : i32
    %dma_start3A_808 = tpu.memref_slice %arg10[%add3A_804, %dma_start3A_807] : memref<10240x128xf32, #tpu.memory_space<vmem_shared>> -> memref<16x128xf32, #tpu.memory_space<vmem_shared>>
    tpu.enqueue_dma source(%arg9 : memref<16x128xf32, #tpu.memory_space<vmem>>) target(%dma_start3A_808 : memref<16x128xf32, #tpu.memory_space<vmem_shared>>) target_semaphore(%arg19 : memref<!tpu.dma_semaphore, #tpu.memory_space<semaphore_mem>>)
    %add3A_809 = arith.constant 112 : i32
    %add3A_810 = arith.addi %mul3A_768, %add3A_809 : i32
    %dma_start3A_811 = arith.constant 0 : i32
    %dma_start3A_812 = tpu.memref_slice %arg10[%add3A_810, %dma_start3A_811] : memref<10240x128xf32, #tpu.memory_space<vmem_shared>> -> memref<16x128xf32, #tpu.memory_space<vmem_shared>>
    %dma_start3A_813 = arith.constant 0 : i32
    %dma_start3A_814 = tpu.memref_slice %arg10[%add3A_810, %dma_start3A_813] : memref<10240x128xf32, #tpu.memory_space<vmem_shared>> -> memref<16x128xf32, #tpu.memory_space<vmem_shared>>
    tpu.enqueue_dma source(%arg9 : memref<16x128xf32, #tpu.memory_space<vmem>>) target(%dma_start3A_814 : memref<16x128xf32, #tpu.memory_space<vmem_shared>>) target_semaphore(%arg19 : memref<!tpu.dma_semaphore, #tpu.memory_space<semaphore_mem>>)
    %dma_wait3A = arith.constant 0 : i32
    %dma_wait3A_815 = tpu.memref_slice %arg10[%add3A_769, %dma_wait3A] : memref<10240x128xf32, #tpu.memory_space<vmem_shared>> -> memref<16x128xf32, #tpu.memory_space<vmem_shared>>
    %dma_wait3A_816 = arith.constant 0 : i32
    %dma_wait3A_817 = tpu.memref_slice %arg10[%add3A_769, %dma_wait3A_816] : memref<10240x128xf32, #tpu.memory_space<vmem_shared>> -> memref<16x128xf32, #tpu.memory_space<vmem_shared>>
    tpu.wait_dma2 semaphore(%arg19 : memref<!tpu.dma_semaphore, #tpu.memory_space<semaphore_mem>>) src(%arg9 : memref<16x128xf32, #tpu.memory_space<vmem>>) dst(%dma_wait3A_817 : memref<16x128xf32, #tpu.memory_space<vmem_shared>>)
    %dma_wait3A_818 = arith.constant 0 : i32
    %dma_wait3A_819 = tpu.memref_slice %arg10[%add3A_774, %dma_wait3A_818] : memref<10240x128xf32, #tpu.memory_space<vmem_shared>> -> memref<16x128xf32, #tpu.memory_space<vmem_shared>>
    %dma_wait3A_820 = arith.constant 0 : i32
    %dma_wait3A_821 = tpu.memref_slice %arg10[%add3A_774, %dma_wait3A_820] : memref<10240x128xf32, #tpu.memory_space<vmem_shared>> -> memref<16x128xf32, #tpu.memory_space<vmem_shared>>
    tpu.wait_dma2 semaphore(%arg19 : memref<!tpu.dma_semaphore, #tpu.memory_space<semaphore_mem>>) src(%arg9 : memref<16x128xf32, #tpu.memory_space<vmem>>) dst(%dma_wait3A_821 : memref<16x128xf32, #tpu.memory_space<vmem_shared>>)
    %dma_wait3A_822 = arith.constant 0 : i32
    %dma_wait3A_823 = tpu.memref_slice %arg10[%add3A_780, %dma_wait3A_822] : memref<10240x128xf32, #tpu.memory_space<vmem_shared>> -> memref<16x128xf32, #tpu.memory_space<vmem_shared>>
    %dma_wait3A_824 = arith.constant 0 : i32
    %dma_wait3A_825 = tpu.memref_slice %arg10[%add3A_780, %dma_wait3A_824] : memref<10240x128xf32, #tpu.memory_space<vmem_shared>> -> memref<16x128xf32, #tpu.memory_space<vmem_shared>>
    tpu.wait_dma2 semaphore(%arg19 : memref<!tpu.dma_semaphore, #tpu.memory_space<semaphore_mem>>) src(%arg9 : memref<16x128xf32, #tpu.memory_space<vmem>>) dst(%dma_wait3A_825 : memref<16x128xf32, #tpu.memory_space<vmem_shared>>)
    %dma_wait3A_826 = arith.constant 0 : i32
    %dma_wait3A_827 = tpu.memref_slice %arg10[%add3A_786, %dma_wait3A_826] : memref<10240x128xf32, #tpu.memory_space<vmem_shared>> -> memref<16x128xf32, #tpu.memory_space<vmem_shared>>
    %dma_wait3A_828 = arith.constant 0 : i32
    %dma_wait3A_829 = tpu.memref_slice %arg10[%add3A_786, %dma_wait3A_828] : memref<10240x128xf32, #tpu.memory_space<vmem_shared>> -> memref<16x128xf32, #tpu.memory_space<vmem_shared>>
    tpu.wait_dma2 semaphore(%arg19 : memref<!tpu.dma_semaphore, #tpu.memory_space<semaphore_mem>>) src(%arg9 : memref<16x128xf32, #tpu.memory_space<vmem>>) dst(%dma_wait3A_829 : memref<16x128xf32, #tpu.memory_space<vmem_shared>>)
    %dma_wait3A_830 = arith.constant 0 : i32
    %dma_wait3A_831 = tpu.memref_slice %arg10[%add3A_792, %dma_wait3A_830] : memref<10240x128xf32, #tpu.memory_space<vmem_shared>> -> memref<16x128xf32, #tpu.memory_space<vmem_shared>>
    %dma_wait3A_832 = arith.constant 0 : i32
    %dma_wait3A_833 = tpu.memref_slice %arg10[%add3A_792, %dma_wait3A_832] : memref<10240x128xf32, #tpu.memory_space<vmem_shared>> -> memref<16x128xf32, #tpu.memory_space<vmem_shared>>
    tpu.wait_dma2 semaphore(%arg19 : memref<!tpu.dma_semaphore, #tpu.memory_space<semaphore_mem>>) src(%arg9 : memref<16x128xf32, #tpu.memory_space<vmem>>) dst(%dma_wait3A_833 : memref<16x128xf32, #tpu.memory_space<vmem_shared>>)
    %dma_wait3A_834 = arith.constant 0 : i32
    %dma_wait3A_835 = tpu.memref_slice %arg10[%add3A_798, %dma_wait3A_834] : memref<10240x128xf32, #tpu.memory_space<vmem_shared>> -> memref<16x128xf32, #tpu.memory_space<vmem_shared>>
    %dma_wait3A_836 = arith.constant 0 : i32
    %dma_wait3A_837 = tpu.memref_slice %arg10[%add3A_798, %dma_wait3A_836] : memref<10240x128xf32, #tpu.memory_space<vmem_shared>> -> memref<16x128xf32, #tpu.memory_space<vmem_shared>>
    tpu.wait_dma2 semaphore(%arg19 : memref<!tpu.dma_semaphore, #tpu.memory_space<semaphore_mem>>) src(%arg9 : memref<16x128xf32, #tpu.memory_space<vmem>>) dst(%dma_wait3A_837 : memref<16x128xf32, #tpu.memory_space<vmem_shared>>)
    %dma_wait3A_838 = arith.constant 0 : i32
    %dma_wait3A_839 = tpu.memref_slice %arg10[%add3A_804, %dma_wait3A_838] : memref<10240x128xf32, #tpu.memory_space<vmem_shared>> -> memref<16x128xf32, #tpu.memory_space<vmem_shared>>
    %dma_wait3A_840 = arith.constant 0 : i32
    %dma_wait3A_841 = tpu.memref_slice %arg10[%add3A_804, %dma_wait3A_840] : memref<10240x128xf32, #tpu.memory_space<vmem_shared>> -> memref<16x128xf32, #tpu.memory_space<vmem_shared>>
    tpu.wait_dma2 semaphore(%arg19 : memref<!tpu.dma_semaphore, #tpu.memory_space<semaphore_mem>>) src(%arg9 : memref<16x128xf32, #tpu.memory_space<vmem>>) dst(%dma_wait3A_841 : memref<16x128xf32, #tpu.memory_space<vmem_shared>>)
    %dma_wait3A_842 = arith.constant 0 : i32
    %dma_wait3A_843 = tpu.memref_slice %arg10[%add3A_810, %dma_wait3A_842] : memref<10240x128xf32, #tpu.memory_space<vmem_shared>> -> memref<16x128xf32, #tpu.memory_space<vmem_shared>>
    %dma_wait3A_844 = arith.constant 0 : i32
    %dma_wait3A_845 = tpu.memref_slice %arg10[%add3A_810, %dma_wait3A_844] : memref<10240x128xf32, #tpu.memory_space<vmem_shared>> -> memref<16x128xf32, #tpu.memory_space<vmem_shared>>
    tpu.wait_dma2 semaphore(%arg19 : memref<!tpu.dma_semaphore, #tpu.memory_space<semaphore_mem>>) src(%arg9 : memref<16x128xf32, #tpu.memory_space<vmem>>) dst(%dma_wait3A_845 : memref<16x128xf32, #tpu.memory_space<vmem_shared>>)
    %add3A_846 = arith.constant 128 : i32
    %add3A_847 = arith.addi %mul3A_768, %add3A_846 : i32
    %dma_start3A_848 = arith.constant 0 : i32
    %dma_start3A_849 = tpu.memref_slice %arg10[%add3A_847, %dma_start3A_848] : memref<10240x128xf32, #tpu.memory_space<vmem_shared>> -> memref<16x128xf32, #tpu.memory_space<vmem_shared>>
    %dma_start3A_850 = arith.constant 0 : i32
    %dma_start3A_851 = tpu.memref_slice %arg10[%add3A_847, %dma_start3A_850] : memref<10240x128xf32, #tpu.memory_space<vmem_shared>> -> memref<16x128xf32, #tpu.memory_space<vmem_shared>>
    tpu.enqueue_dma source(%arg9 : memref<16x128xf32, #tpu.memory_space<vmem>>) target(%dma_start3A_851 : memref<16x128xf32, #tpu.memory_space<vmem_shared>>) target_semaphore(%arg19 : memref<!tpu.dma_semaphore, #tpu.memory_space<semaphore_mem>>)
    %add3A_852 = arith.constant 144 : i32
    %add3A_853 = arith.addi %mul3A_768, %add3A_852 : i32
    %dma_start3A_854 = arith.constant 0 : i32
    %dma_start3A_855 = tpu.memref_slice %arg10[%add3A_853, %dma_start3A_854] : memref<10240x128xf32, #tpu.memory_space<vmem_shared>> -> memref<16x128xf32, #tpu.memory_space<vmem_shared>>
    %dma_start3A_856 = arith.constant 0 : i32
    %dma_start3A_857 = tpu.memref_slice %arg10[%add3A_853, %dma_start3A_856] : memref<10240x128xf32, #tpu.memory_space<vmem_shared>> -> memref<16x128xf32, #tpu.memory_space<vmem_shared>>
    tpu.enqueue_dma source(%arg9 : memref<16x128xf32, #tpu.memory_space<vmem>>) target(%dma_start3A_857 : memref<16x128xf32, #tpu.memory_space<vmem_shared>>) target_semaphore(%arg19 : memref<!tpu.dma_semaphore, #tpu.memory_space<semaphore_mem>>)
    %add3A_858 = arith.constant 160 : i32
    %add3A_859 = arith.addi %mul3A_768, %add3A_858 : i32
    %dma_start3A_860 = arith.constant 0 : i32
    %dma_start3A_861 = tpu.memref_slice %arg10[%add3A_859, %dma_start3A_860] : memref<10240x128xf32, #tpu.memory_space<vmem_shared>> -> memref<16x128xf32, #tpu.memory_space<vmem_shared>>
    %dma_start3A_862 = arith.constant 0 : i32
    %dma_start3A_863 = tpu.memref_slice %arg10[%add3A_859, %dma_start3A_862] : memref<10240x128xf32, #tpu.memory_space<vmem_shared>> -> memref<16x128xf32, #tpu.memory_space<vmem_shared>>
    tpu.enqueue_dma source(%arg9 : memref<16x128xf32, #tpu.memory_space<vmem>>) target(%dma_start3A_863 : memref<16x128xf32, #tpu.memory_space<vmem_shared>>) target_semaphore(%arg19 : memref<!tpu.dma_semaphore, #tpu.memory_space<semaphore_mem>>)
    %add3A_864 = arith.constant 176 : i32
    %add3A_865 = arith.addi %mul3A_768, %add3A_864 : i32
    %dma_start3A_866 = arith.constant 0 : i32
    %dma_start3A_867 = tpu.memref_slice %arg10[%add3A_865, %dma_start3A_866] : memref<10240x128xf32, #tpu.memory_space<vmem_shared>> -> memref<16x128xf32, #tpu.memory_space<vmem_shared>>
    %dma_start3A_868 = arith.constant 0 : i32
    %dma_start3A_869 = tpu.memref_slice %arg10[%add3A_865, %dma_start3A_868] : memref<10240x128xf32, #tpu.memory_space<vmem_shared>> -> memref<16x128xf32, #tpu.memory_space<vmem_shared>>
    tpu.enqueue_dma source(%arg9 : memref<16x128xf32, #tpu.memory_space<vmem>>) target(%dma_start3A_869 : memref<16x128xf32, #tpu.memory_space<vmem_shared>>) target_semaphore(%arg19 : memref<!tpu.dma_semaphore, #tpu.memory_space<semaphore_mem>>)
    %add3A_870 = arith.constant 192 : i32
    %add3A_871 = arith.addi %mul3A_768, %add3A_870 : i32
    %dma_start3A_872 = arith.constant 0 : i32
    %dma_start3A_873 = tpu.memref_slice %arg10[%add3A_871, %dma_start3A_872] : memref<10240x128xf32, #tpu.memory_space<vmem_shared>> -> memref<16x128xf32, #tpu.memory_space<vmem_shared>>
    %dma_start3A_874 = arith.constant 0 : i32
    %dma_start3A_875 = tpu.memref_slice %arg10[%add3A_871, %dma_start3A_874] : memref<10240x128xf32, #tpu.memory_space<vmem_shared>> -> memref<16x128xf32, #tpu.memory_space<vmem_shared>>
    tpu.enqueue_dma source(%arg9 : memref<16x128xf32, #tpu.memory_space<vmem>>) target(%dma_start3A_875 : memref<16x128xf32, #tpu.memory_space<vmem_shared>>) target_semaphore(%arg19 : memref<!tpu.dma_semaphore, #tpu.memory_space<semaphore_mem>>)
    %add3A_876 = arith.constant 208 : i32
    %add3A_877 = arith.addi %mul3A_768, %add3A_876 : i32
    %dma_start3A_878 = arith.constant 0 : i32
    %dma_start3A_879 = tpu.memref_slice %arg10[%add3A_877, %dma_start3A_878] : memref<10240x128xf32, #tpu.memory_space<vmem_shared>> -> memref<16x128xf32, #tpu.memory_space<vmem_shared>>
    %dma_start3A_880 = arith.constant 0 : i32
    %dma_start3A_881 = tpu.memref_slice %arg10[%add3A_877, %dma_start3A_880] : memref<10240x128xf32, #tpu.memory_space<vmem_shared>> -> memref<16x128xf32, #tpu.memory_space<vmem_shared>>
    tpu.enqueue_dma source(%arg9 : memref<16x128xf32, #tpu.memory_space<vmem>>) target(%dma_start3A_881 : memref<16x128xf32, #tpu.memory_space<vmem_shared>>) target_semaphore(%arg19 : memref<!tpu.dma_semaphore, #tpu.memory_space<semaphore_mem>>)
    %add3A_882 = arith.constant 224 : i32
    %add3A_883 = arith.addi %mul3A_768, %add3A_882 : i32
    %dma_start3A_884 = arith.constant 0 : i32
    %dma_start3A_885 = tpu.memref_slice %arg10[%add3A_883, %dma_start3A_884] : memref<10240x128xf32, #tpu.memory_space<vmem_shared>> -> memref<16x128xf32, #tpu.memory_space<vmem_shared>>
    %dma_start3A_886 = arith.constant 0 : i32
    %dma_start3A_887 = tpu.memref_slice %arg10[%add3A_883, %dma_start3A_886] : memref<10240x128xf32, #tpu.memory_space<vmem_shared>> -> memref<16x128xf32, #tpu.memory_space<vmem_shared>>
    tpu.enqueue_dma source(%arg9 : memref<16x128xf32, #tpu.memory_space<vmem>>) target(%dma_start3A_887 : memref<16x128xf32, #tpu.memory_space<vmem_shared>>) target_semaphore(%arg19 : memref<!tpu.dma_semaphore, #tpu.memory_space<semaphore_mem>>)
    %add3A_888 = arith.constant 240 : i32
    %add3A_889 = arith.addi %mul3A_768, %add3A_888 : i32
    %dma_start3A_890 = arith.constant 0 : i32
    %dma_start3A_891 = tpu.memref_slice %arg10[%add3A_889, %dma_start3A_890] : memref<10240x128xf32, #tpu.memory_space<vmem_shared>> -> memref<16x128xf32, #tpu.memory_space<vmem_shared>>
    %dma_start3A_892 = arith.constant 0 : i32
    %dma_start3A_893 = tpu.memref_slice %arg10[%add3A_889, %dma_start3A_892] : memref<10240x128xf32, #tpu.memory_space<vmem_shared>> -> memref<16x128xf32, #tpu.memory_space<vmem_shared>>
    tpu.enqueue_dma source(%arg9 : memref<16x128xf32, #tpu.memory_space<vmem>>) target(%dma_start3A_893 : memref<16x128xf32, #tpu.memory_space<vmem_shared>>) target_semaphore(%arg19 : memref<!tpu.dma_semaphore, #tpu.memory_space<semaphore_mem>>)
    %dma_wait3A_894 = arith.constant 0 : i32
    %dma_wait3A_895 = tpu.memref_slice %arg10[%add3A_847, %dma_wait3A_894] : memref<10240x128xf32, #tpu.memory_space<vmem_shared>> -> memref<16x128xf32, #tpu.memory_space<vmem_shared>>
    %dma_wait3A_896 = arith.constant 0 : i32
    %dma_wait3A_897 = tpu.memref_slice %arg10[%add3A_847, %dma_wait3A_896] : memref<10240x128xf32, #tpu.memory_space<vmem_shared>> -> memref<16x128xf32, #tpu.memory_space<vmem_shared>>
    tpu.wait_dma2 semaphore(%arg19 : memref<!tpu.dma_semaphore, #tpu.memory_space<semaphore_mem>>) src(%arg9 : memref<16x128xf32, #tpu.memory_space<vmem>>) dst(%dma_wait3A_897 : memref<16x128xf32, #tpu.memory_space<vmem_shared>>)
    %dma_wait3A_898 = arith.constant 0 : i32
    %dma_wait3A_899 = tpu.memref_slice %arg10[%add3A_853, %dma_wait3A_898] : memref<10240x128xf32, #tpu.memory_space<vmem_shared>> -> memref<16x128xf32, #tpu.memory_space<vmem_shared>>
    %dma_wait3A_900 = arith.constant 0 : i32
    %dma_wait3A_901 = tpu.memref_slice %arg10[%add3A_853, %dma_wait3A_900] : memref<10240x128xf32, #tpu.memory_space<vmem_shared>> -> memref<16x128xf32, #tpu.memory_space<vmem_shared>>
    tpu.wait_dma2 semaphore(%arg19 : memref<!tpu.dma_semaphore, #tpu.memory_space<semaphore_mem>>) src(%arg9 : memref<16x128xf32, #tpu.memory_space<vmem>>) dst(%dma_wait3A_901 : memref<16x128xf32, #tpu.memory_space<vmem_shared>>)
    %dma_wait3A_902 = arith.constant 0 : i32
    %dma_wait3A_903 = tpu.memref_slice %arg10[%add3A_859, %dma_wait3A_902] : memref<10240x128xf32, #tpu.memory_space<vmem_shared>> -> memref<16x128xf32, #tpu.memory_space<vmem_shared>>
    %dma_wait3A_904 = arith.constant 0 : i32
    %dma_wait3A_905 = tpu.memref_slice %arg10[%add3A_859, %dma_wait3A_904] : memref<10240x128xf32, #tpu.memory_space<vmem_shared>> -> memref<16x128xf32, #tpu.memory_space<vmem_shared>>
    tpu.wait_dma2 semaphore(%arg19 : memref<!tpu.dma_semaphore, #tpu.memory_space<semaphore_mem>>) src(%arg9 : memref<16x128xf32, #tpu.memory_space<vmem>>) dst(%dma_wait3A_905 : memref<16x128xf32, #tpu.memory_space<vmem_shared>>)
    %dma_wait3A_906 = arith.constant 0 : i32
    %dma_wait3A_907 = tpu.memref_slice %arg10[%add3A_865, %dma_wait3A_906] : memref<10240x128xf32, #tpu.memory_space<vmem_shared>> -> memref<16x128xf32, #tpu.memory_space<vmem_shared>>
    %dma_wait3A_908 = arith.constant 0 : i32
    %dma_wait3A_909 = tpu.memref_slice %arg10[%add3A_865, %dma_wait3A_908] : memref<10240x128xf32, #tpu.memory_space<vmem_shared>> -> memref<16x128xf32, #tpu.memory_space<vmem_shared>>
    tpu.wait_dma2 semaphore(%arg19 : memref<!tpu.dma_semaphore, #tpu.memory_space<semaphore_mem>>) src(%arg9 : memref<16x128xf32, #tpu.memory_space<vmem>>) dst(%dma_wait3A_909 : memref<16x128xf32, #tpu.memory_space<vmem_shared>>)
    %dma_wait3A_910 = arith.constant 0 : i32
    %dma_wait3A_911 = tpu.memref_slice %arg10[%add3A_871, %dma_wait3A_910] : memref<10240x128xf32, #tpu.memory_space<vmem_shared>> -> memref<16x128xf32, #tpu.memory_space<vmem_shared>>
    %dma_wait3A_912 = arith.constant 0 : i32
    %dma_wait3A_913 = tpu.memref_slice %arg10[%add3A_871, %dma_wait3A_912] : memref<10240x128xf32, #tpu.memory_space<vmem_shared>> -> memref<16x128xf32, #tpu.memory_space<vmem_shared>>
    tpu.wait_dma2 semaphore(%arg19 : memref<!tpu.dma_semaphore, #tpu.memory_space<semaphore_mem>>) src(%arg9 : memref<16x128xf32, #tpu.memory_space<vmem>>) dst(%dma_wait3A_913 : memref<16x128xf32, #tpu.memory_space<vmem_shared>>)
    %dma_wait3A_914 = arith.constant 0 : i32
    %dma_wait3A_915 = tpu.memref_slice %arg10[%add3A_877, %dma_wait3A_914] : memref<10240x128xf32, #tpu.memory_space<vmem_shared>> -> memref<16x128xf32, #tpu.memory_space<vmem_shared>>
    %dma_wait3A_916 = arith.constant 0 : i32
    %dma_wait3A_917 = tpu.memref_slice %arg10[%add3A_877, %dma_wait3A_916] : memref<10240x128xf32, #tpu.memory_space<vmem_shared>> -> memref<16x128xf32, #tpu.memory_space<vmem_shared>>
    tpu.wait_dma2 semaphore(%arg19 : memref<!tpu.dma_semaphore, #tpu.memory_space<semaphore_mem>>) src(%arg9 : memref<16x128xf32, #tpu.memory_space<vmem>>) dst(%dma_wait3A_917 : memref<16x128xf32, #tpu.memory_space<vmem_shared>>)
    %dma_wait3A_918 = arith.constant 0 : i32
    %dma_wait3A_919 = tpu.memref_slice %arg10[%add3A_883, %dma_wait3A_918] : memref<10240x128xf32, #tpu.memory_space<vmem_shared>> -> memref<16x128xf32, #tpu.memory_space<vmem_shared>>
    %dma_wait3A_920 = arith.constant 0 : i32
    %dma_wait3A_921 = tpu.memref_slice %arg10[%add3A_883, %dma_wait3A_920] : memref<10240x128xf32, #tpu.memory_space<vmem_shared>> -> memref<16x128xf32, #tpu.memory_space<vmem_shared>>
    tpu.wait_dma2 semaphore(%arg19 : memref<!tpu.dma_semaphore, #tpu.memory_space<semaphore_mem>>) src(%arg9 : memref<16x128xf32, #tpu.memory_space<vmem>>) dst(%dma_wait3A_921 : memref<16x128xf32, #tpu.memory_space<vmem_shared>>)
    %dma_wait3A_922 = arith.constant 0 : i32
    %dma_wait3A_923 = tpu.memref_slice %arg10[%add3A_889, %dma_wait3A_922] : memref<10240x128xf32, #tpu.memory_space<vmem_shared>> -> memref<16x128xf32, #tpu.memory_space<vmem_shared>>
    %dma_wait3A_924 = arith.constant 0 : i32
    %dma_wait3A_925 = tpu.memref_slice %arg10[%add3A_889, %dma_wait3A_924] : memref<10240x128xf32, #tpu.memory_space<vmem_shared>> -> memref<16x128xf32, #tpu.memory_space<vmem_shared>>
    tpu.wait_dma2 semaphore(%arg19 : memref<!tpu.dma_semaphore, #tpu.memory_space<semaphore_mem>>) src(%arg9 : memref<16x128xf32, #tpu.memory_space<vmem>>) dst(%dma_wait3A_925 : memref<16x128xf32, #tpu.memory_space<vmem_shared>>)
    %add3A_926 = arith.constant 256 : i32
    %add3A_927 = arith.addi %mul3A_768, %add3A_926 : i32
    %dma_start3A_928 = arith.constant 0 : i32
    %dma_start3A_929 = tpu.memref_slice %arg10[%add3A_927, %dma_start3A_928] : memref<10240x128xf32, #tpu.memory_space<vmem_shared>> -> memref<16x128xf32, #tpu.memory_space<vmem_shared>>
    %dma_start3A_930 = arith.constant 0 : i32
    %dma_start3A_931 = tpu.memref_slice %arg10[%add3A_927, %dma_start3A_930] : memref<10240x128xf32, #tpu.memory_space<vmem_shared>> -> memref<16x128xf32, #tpu.memory_space<vmem_shared>>
    tpu.enqueue_dma source(%arg9 : memref<16x128xf32, #tpu.memory_space<vmem>>) target(%dma_start3A_931 : memref<16x128xf32, #tpu.memory_space<vmem_shared>>) target_semaphore(%arg19 : memref<!tpu.dma_semaphore, #tpu.memory_space<semaphore_mem>>)
    %add3A_932 = arith.constant 272 : i32
    %add3A_933 = arith.addi %mul3A_768, %add3A_932 : i32
    %dma_start3A_934 = arith.constant 0 : i32
    %dma_start3A_935 = tpu.memref_slice %arg10[%add3A_933, %dma_start3A_934] : memref<10240x128xf32, #tpu.memory_space<vmem_shared>> -> memref<16x128xf32, #tpu.memory_space<vmem_shared>>
    %dma_start3A_936 = arith.constant 0 : i32
    %dma_start3A_937 = tpu.memref_slice %arg10[%add3A_933, %dma_start3A_936] : memref<10240x128xf32, #tpu.memory_space<vmem_shared>> -> memref<16x128xf32, #tpu.memory_space<vmem_shared>>
    tpu.enqueue_dma source(%arg9 : memref<16x128xf32, #tpu.memory_space<vmem>>) target(%dma_start3A_937 : memref<16x128xf32, #tpu.memory_space<vmem_shared>>) target_semaphore(%arg19 : memref<!tpu.dma_semaphore, #tpu.memory_space<semaphore_mem>>)
    %add3A_938 = arith.constant 288 : i32
    %add3A_939 = arith.addi %mul3A_768, %add3A_938 : i32
    %dma_start3A_940 = arith.constant 0 : i32
    %dma_start3A_941 = tpu.memref_slice %arg10[%add3A_939, %dma_start3A_940] : memref<10240x128xf32, #tpu.memory_space<vmem_shared>> -> memref<16x128xf32, #tpu.memory_space<vmem_shared>>
    %dma_start3A_942 = arith.constant 0 : i32
    %dma_start3A_943 = tpu.memref_slice %arg10[%add3A_939, %dma_start3A_942] : memref<10240x128xf32, #tpu.memory_space<vmem_shared>> -> memref<16x128xf32, #tpu.memory_space<vmem_shared>>
    tpu.enqueue_dma source(%arg9 : memref<16x128xf32, #tpu.memory_space<vmem>>) target(%dma_start3A_943 : memref<16x128xf32, #tpu.memory_space<vmem_shared>>) target_semaphore(%arg19 : memref<!tpu.dma_semaphore, #tpu.memory_space<semaphore_mem>>)
    %add3A_944 = arith.constant 304 : i32
    %add3A_945 = arith.addi %mul3A_768, %add3A_944 : i32
    %dma_start3A_946 = arith.constant 0 : i32
    %dma_start3A_947 = tpu.memref_slice %arg10[%add3A_945, %dma_start3A_946] : memref<10240x128xf32, #tpu.memory_space<vmem_shared>> -> memref<16x128xf32, #tpu.memory_space<vmem_shared>>
    %dma_start3A_948 = arith.constant 0 : i32
    %dma_start3A_949 = tpu.memref_slice %arg10[%add3A_945, %dma_start3A_948] : memref<10240x128xf32, #tpu.memory_space<vmem_shared>> -> memref<16x128xf32, #tpu.memory_space<vmem_shared>>
    tpu.enqueue_dma source(%arg9 : memref<16x128xf32, #tpu.memory_space<vmem>>) target(%dma_start3A_949 : memref<16x128xf32, #tpu.memory_space<vmem_shared>>) target_semaphore(%arg19 : memref<!tpu.dma_semaphore, #tpu.memory_space<semaphore_mem>>)
    %add3A_950 = arith.constant 320 : i32
    %add3A_951 = arith.addi %mul3A_768, %add3A_950 : i32
    %dma_start3A_952 = arith.constant 0 : i32
    %dma_start3A_953 = tpu.memref_slice %arg10[%add3A_951, %dma_start3A_952] : memref<10240x128xf32, #tpu.memory_space<vmem_shared>> -> memref<16x128xf32, #tpu.memory_space<vmem_shared>>
    %dma_start3A_954 = arith.constant 0 : i32
    %dma_start3A_955 = tpu.memref_slice %arg10[%add3A_951, %dma_start3A_954] : memref<10240x128xf32, #tpu.memory_space<vmem_shared>> -> memref<16x128xf32, #tpu.memory_space<vmem_shared>>
    tpu.enqueue_dma source(%arg9 : memref<16x128xf32, #tpu.memory_space<vmem>>) target(%dma_start3A_955 : memref<16x128xf32, #tpu.memory_space<vmem_shared>>) target_semaphore(%arg19 : memref<!tpu.dma_semaphore, #tpu.memory_space<semaphore_mem>>)
    %add3A_956 = arith.constant 336 : i32
    %add3A_957 = arith.addi %mul3A_768, %add3A_956 : i32
    %dma_start3A_958 = arith.constant 0 : i32
    %dma_start3A_959 = tpu.memref_slice %arg10[%add3A_957, %dma_start3A_958] : memref<10240x128xf32, #tpu.memory_space<vmem_shared>> -> memref<16x128xf32, #tpu.memory_space<vmem_shared>>
    %dma_start3A_960 = arith.constant 0 : i32
    %dma_start3A_961 = tpu.memref_slice %arg10[%add3A_957, %dma_start3A_960] : memref<10240x128xf32, #tpu.memory_space<vmem_shared>> -> memref<16x128xf32, #tpu.memory_space<vmem_shared>>
    tpu.enqueue_dma source(%arg9 : memref<16x128xf32, #tpu.memory_space<vmem>>) target(%dma_start3A_961 : memref<16x128xf32, #tpu.memory_space<vmem_shared>>) target_semaphore(%arg19 : memref<!tpu.dma_semaphore, #tpu.memory_space<semaphore_mem>>)
    %add3A_962 = arith.constant 352 : i32
    %add3A_963 = arith.addi %mul3A_768, %add3A_962 : i32
    %dma_start3A_964 = arith.constant 0 : i32
    %dma_start3A_965 = tpu.memref_slice %arg10[%add3A_963, %dma_start3A_964] : memref<10240x128xf32, #tpu.memory_space<vmem_shared>> -> memref<16x128xf32, #tpu.memory_space<vmem_shared>>
    %dma_start3A_966 = arith.constant 0 : i32
    %dma_start3A_967 = tpu.memref_slice %arg10[%add3A_963, %dma_start3A_966] : memref<10240x128xf32, #tpu.memory_space<vmem_shared>> -> memref<16x128xf32, #tpu.memory_space<vmem_shared>>
    tpu.enqueue_dma source(%arg9 : memref<16x128xf32, #tpu.memory_space<vmem>>) target(%dma_start3A_967 : memref<16x128xf32, #tpu.memory_space<vmem_shared>>) target_semaphore(%arg19 : memref<!tpu.dma_semaphore, #tpu.memory_space<semaphore_mem>>)
    %add3A_968 = arith.constant 368 : i32
    %add3A_969 = arith.addi %mul3A_768, %add3A_968 : i32
    %dma_start3A_970 = arith.constant 0 : i32
    %dma_start3A_971 = tpu.memref_slice %arg10[%add3A_969, %dma_start3A_970] : memref<10240x128xf32, #tpu.memory_space<vmem_shared>> -> memref<16x128xf32, #tpu.memory_space<vmem_shared>>
    %dma_start3A_972 = arith.constant 0 : i32
    %dma_start3A_973 = tpu.memref_slice %arg10[%add3A_969, %dma_start3A_972] : memref<10240x128xf32, #tpu.memory_space<vmem_shared>> -> memref<16x128xf32, #tpu.memory_space<vmem_shared>>
    tpu.enqueue_dma source(%arg9 : memref<16x128xf32, #tpu.memory_space<vmem>>) target(%dma_start3A_973 : memref<16x128xf32, #tpu.memory_space<vmem_shared>>) target_semaphore(%arg19 : memref<!tpu.dma_semaphore, #tpu.memory_space<semaphore_mem>>)
    %dma_wait3A_974 = arith.constant 0 : i32
    %dma_wait3A_975 = tpu.memref_slice %arg10[%add3A_927, %dma_wait3A_974] : memref<10240x128xf32, #tpu.memory_space<vmem_shared>> -> memref<16x128xf32, #tpu.memory_space<vmem_shared>>
    %dma_wait3A_976 = arith.constant 0 : i32
    %dma_wait3A_977 = tpu.memref_slice %arg10[%add3A_927, %dma_wait3A_976] : memref<10240x128xf32, #tpu.memory_space<vmem_shared>> -> memref<16x128xf32, #tpu.memory_space<vmem_shared>>
    tpu.wait_dma2 semaphore(%arg19 : memref<!tpu.dma_semaphore, #tpu.memory_space<semaphore_mem>>) src(%arg9 : memref<16x128xf32, #tpu.memory_space<vmem>>) dst(%dma_wait3A_977 : memref<16x128xf32, #tpu.memory_space<vmem_shared>>)
    %dma_wait3A_978 = arith.constant 0 : i32
    %dma_wait3A_979 = tpu.memref_slice %arg10[%add3A_933, %dma_wait3A_978] : memref<10240x128xf32, #tpu.memory_space<vmem_shared>> -> memref<16x128xf32, #tpu.memory_space<vmem_shared>>
    %dma_wait3A_980 = arith.constant 0 : i32
    %dma_wait3A_981 = tpu.memref_slice %arg10[%add3A_933, %dma_wait3A_980] : memref<10240x128xf32, #tpu.memory_space<vmem_shared>> -> memref<16x128xf32, #tpu.memory_space<vmem_shared>>
    tpu.wait_dma2 semaphore(%arg19 : memref<!tpu.dma_semaphore, #tpu.memory_space<semaphore_mem>>) src(%arg9 : memref<16x128xf32, #tpu.memory_space<vmem>>) dst(%dma_wait3A_981 : memref<16x128xf32, #tpu.memory_space<vmem_shared>>)
    %dma_wait3A_982 = arith.constant 0 : i32
    %dma_wait3A_983 = tpu.memref_slice %arg10[%add3A_939, %dma_wait3A_982] : memref<10240x128xf32, #tpu.memory_space<vmem_shared>> -> memref<16x128xf32, #tpu.memory_space<vmem_shared>>
    %dma_wait3A_984 = arith.constant 0 : i32
    %dma_wait3A_985 = tpu.memref_slice %arg10[%add3A_939, %dma_wait3A_984] : memref<10240x128xf32, #tpu.memory_space<vmem_shared>> -> memref<16x128xf32, #tpu.memory_space<vmem_shared>>
    tpu.wait_dma2 semaphore(%arg19 : memref<!tpu.dma_semaphore, #tpu.memory_space<semaphore_mem>>) src(%arg9 : memref<16x128xf32, #tpu.memory_space<vmem>>) dst(%dma_wait3A_985 : memref<16x128xf32, #tpu.memory_space<vmem_shared>>)
    %dma_wait3A_986 = arith.constant 0 : i32
    %dma_wait3A_987 = tpu.memref_slice %arg10[%add3A_945, %dma_wait3A_986] : memref<10240x128xf32, #tpu.memory_space<vmem_shared>> -> memref<16x128xf32, #tpu.memory_space<vmem_shared>>
    %dma_wait3A_988 = arith.constant 0 : i32
    %dma_wait3A_989 = tpu.memref_slice %arg10[%add3A_945, %dma_wait3A_988] : memref<10240x128xf32, #tpu.memory_space<vmem_shared>> -> memref<16x128xf32, #tpu.memory_space<vmem_shared>>
    tpu.wait_dma2 semaphore(%arg19 : memref<!tpu.dma_semaphore, #tpu.memory_space<semaphore_mem>>) src(%arg9 : memref<16x128xf32, #tpu.memory_space<vmem>>) dst(%dma_wait3A_989 : memref<16x128xf32, #tpu.memory_space<vmem_shared>>)
    %dma_wait3A_990 = arith.constant 0 : i32
    %dma_wait3A_991 = tpu.memref_slice %arg10[%add3A_951, %dma_wait3A_990] : memref<10240x128xf32, #tpu.memory_space<vmem_shared>> -> memref<16x128xf32, #tpu.memory_space<vmem_shared>>
    %dma_wait3A_992 = arith.constant 0 : i32
    %dma_wait3A_993 = tpu.memref_slice %arg10[%add3A_951, %dma_wait3A_992] : memref<10240x128xf32, #tpu.memory_space<vmem_shared>> -> memref<16x128xf32, #tpu.memory_space<vmem_shared>>
    tpu.wait_dma2 semaphore(%arg19 : memref<!tpu.dma_semaphore, #tpu.memory_space<semaphore_mem>>) src(%arg9 : memref<16x128xf32, #tpu.memory_space<vmem>>) dst(%dma_wait3A_993 : memref<16x128xf32, #tpu.memory_space<vmem_shared>>)
    %dma_wait3A_994 = arith.constant 0 : i32
    %dma_wait3A_995 = tpu.memref_slice %arg10[%add3A_957, %dma_wait3A_994] : memref<10240x128xf32, #tpu.memory_space<vmem_shared>> -> memref<16x128xf32, #tpu.memory_space<vmem_shared>>
    %dma_wait3A_996 = arith.constant 0 : i32
    %dma_wait3A_997 = tpu.memref_slice %arg10[%add3A_957, %dma_wait3A_996] : memref<10240x128xf32, #tpu.memory_space<vmem_shared>> -> memref<16x128xf32, #tpu.memory_space<vmem_shared>>
    tpu.wait_dma2 semaphore(%arg19 : memref<!tpu.dma_semaphore, #tpu.memory_space<semaphore_mem>>) src(%arg9 : memref<16x128xf32, #tpu.memory_space<vmem>>) dst(%dma_wait3A_997 : memref<16x128xf32, #tpu.memory_space<vmem_shared>>)
    %dma_wait3A_998 = arith.constant 0 : i32
    %dma_wait3A_999 = tpu.memref_slice %arg10[%add3A_963, %dma_wait3A_998] : memref<10240x128xf32, #tpu.memory_space<vmem_shared>> -> memref<16x128xf32, #tpu.memory_space<vmem_shared>>
    %dma_wait3A_1000 = arith.constant 0 : i32
    %dma_wait3A_1001 = tpu.memref_slice %arg10[%add3A_963, %dma_wait3A_1000] : memref<10240x128xf32, #tpu.memory_space<vmem_shared>> -> memref<16x128xf32, #tpu.memory_space<vmem_shared>>
    tpu.wait_dma2 semaphore(%arg19 : memref<!tpu.dma_semaphore, #tpu.memory_space<semaphore_mem>>) src(%arg9 : memref<16x128xf32, #tpu.memory_space<vmem>>) dst(%dma_wait3A_1001 : memref<16x128xf32, #tpu.memory_space<vmem_shared>>)
    %dma_wait3A_1002 = arith.constant 0 : i32
    %dma_wait3A_1003 = tpu.memref_slice %arg10[%add3A_969, %dma_wait3A_1002] : memref<10240x128xf32, #tpu.memory_space<vmem_shared>> -> memref<16x128xf32, #tpu.memory_space<vmem_shared>>
    %dma_wait3A_1004 = arith.constant 0 : i32
    %dma_wait3A_1005 = tpu.memref_slice %arg10[%add3A_969, %dma_wait3A_1004] : memref<10240x128xf32, #tpu.memory_space<vmem_shared>> -> memref<16x128xf32, #tpu.memory_space<vmem_shared>>
    tpu.wait_dma2 semaphore(%arg19 : memref<!tpu.dma_semaphore, #tpu.memory_space<semaphore_mem>>) src(%arg9 : memref<16x128xf32, #tpu.memory_space<vmem>>) dst(%dma_wait3A_1005 : memref<16x128xf32, #tpu.memory_space<vmem_shared>>)
    %add3A_1006 = arith.constant 384 : i32
    %add3A_1007 = arith.addi %mul3A_768, %add3A_1006 : i32
    %dma_start3A_1008 = arith.constant 0 : i32
    %dma_start3A_1009 = tpu.memref_slice %arg10[%add3A_1007, %dma_start3A_1008] : memref<10240x128xf32, #tpu.memory_space<vmem_shared>> -> memref<16x128xf32, #tpu.memory_space<vmem_shared>>
    %dma_start3A_1010 = arith.constant 0 : i32
    %dma_start3A_1011 = tpu.memref_slice %arg10[%add3A_1007, %dma_start3A_1010] : memref<10240x128xf32, #tpu.memory_space<vmem_shared>> -> memref<16x128xf32, #tpu.memory_space<vmem_shared>>
    tpu.enqueue_dma source(%arg9 : memref<16x128xf32, #tpu.memory_space<vmem>>) target(%dma_start3A_1011 : memref<16x128xf32, #tpu.memory_space<vmem_shared>>) target_semaphore(%arg19 : memref<!tpu.dma_semaphore, #tpu.memory_space<semaphore_mem>>)
    %add3A_1012 = arith.constant 400 : i32
    %add3A_1013 = arith.addi %mul3A_768, %add3A_1012 : i32
    %dma_start3A_1014 = arith.constant 0 : i32
    %dma_start3A_1015 = tpu.memref_slice %arg10[%add3A_1013, %dma_start3A_1014] : memref<10240x128xf32, #tpu.memory_space<vmem_shared>> -> memref<16x128xf32, #tpu.memory_space<vmem_shared>>
    %dma_start3A_1016 = arith.constant 0 : i32
    %dma_start3A_1017 = tpu.memref_slice %arg10[%add3A_1013, %dma_start3A_1016] : memref<10240x128xf32, #tpu.memory_space<vmem_shared>> -> memref<16x128xf32, #tpu.memory_space<vmem_shared>>
    tpu.enqueue_dma source(%arg9 : memref<16x128xf32, #tpu.memory_space<vmem>>) target(%dma_start3A_1017 : memref<16x128xf32, #tpu.memory_space<vmem_shared>>) target_semaphore(%arg19 : memref<!tpu.dma_semaphore, #tpu.memory_space<semaphore_mem>>)
    %add3A_1018 = arith.constant 416 : i32
    %add3A_1019 = arith.addi %mul3A_768, %add3A_1018 : i32
    %dma_start3A_1020 = arith.constant 0 : i32
    %dma_start3A_1021 = tpu.memref_slice %arg10[%add3A_1019, %dma_start3A_1020] : memref<10240x128xf32, #tpu.memory_space<vmem_shared>> -> memref<16x128xf32, #tpu.memory_space<vmem_shared>>
    %dma_start3A_1022 = arith.constant 0 : i32
    %dma_start3A_1023 = tpu.memref_slice %arg10[%add3A_1019, %dma_start3A_1022] : memref<10240x128xf32, #tpu.memory_space<vmem_shared>> -> memref<16x128xf32, #tpu.memory_space<vmem_shared>>
    tpu.enqueue_dma source(%arg9 : memref<16x128xf32, #tpu.memory_space<vmem>>) target(%dma_start3A_1023 : memref<16x128xf32, #tpu.memory_space<vmem_shared>>) target_semaphore(%arg19 : memref<!tpu.dma_semaphore, #tpu.memory_space<semaphore_mem>>)
    %add3A_1024 = arith.constant 432 : i32
    %add3A_1025 = arith.addi %mul3A_768, %add3A_1024 : i32
    %dma_start3A_1026 = arith.constant 0 : i32
    %dma_start3A_1027 = tpu.memref_slice %arg10[%add3A_1025, %dma_start3A_1026] : memref<10240x128xf32, #tpu.memory_space<vmem_shared>> -> memref<16x128xf32, #tpu.memory_space<vmem_shared>>
    %dma_start3A_1028 = arith.constant 0 : i32
    %dma_start3A_1029 = tpu.memref_slice %arg10[%add3A_1025, %dma_start3A_1028] : memref<10240x128xf32, #tpu.memory_space<vmem_shared>> -> memref<16x128xf32, #tpu.memory_space<vmem_shared>>
    tpu.enqueue_dma source(%arg9 : memref<16x128xf32, #tpu.memory_space<vmem>>) target(%dma_start3A_1029 : memref<16x128xf32, #tpu.memory_space<vmem_shared>>) target_semaphore(%arg19 : memref<!tpu.dma_semaphore, #tpu.memory_space<semaphore_mem>>)
    %add3A_1030 = arith.constant 448 : i32
    %add3A_1031 = arith.addi %mul3A_768, %add3A_1030 : i32
    %dma_start3A_1032 = arith.constant 0 : i32
    %dma_start3A_1033 = tpu.memref_slice %arg10[%add3A_1031, %dma_start3A_1032] : memref<10240x128xf32, #tpu.memory_space<vmem_shared>> -> memref<16x128xf32, #tpu.memory_space<vmem_shared>>
    %dma_start3A_1034 = arith.constant 0 : i32
    %dma_start3A_1035 = tpu.memref_slice %arg10[%add3A_1031, %dma_start3A_1034] : memref<10240x128xf32, #tpu.memory_space<vmem_shared>> -> memref<16x128xf32, #tpu.memory_space<vmem_shared>>
    tpu.enqueue_dma source(%arg9 : memref<16x128xf32, #tpu.memory_space<vmem>>) target(%dma_start3A_1035 : memref<16x128xf32, #tpu.memory_space<vmem_shared>>) target_semaphore(%arg19 : memref<!tpu.dma_semaphore, #tpu.memory_space<semaphore_mem>>)
    %add3A_1036 = arith.constant 464 : i32
    %add3A_1037 = arith.addi %mul3A_768, %add3A_1036 : i32
    %dma_start3A_1038 = arith.constant 0 : i32
    %dma_start3A_1039 = tpu.memref_slice %arg10[%add3A_1037, %dma_start3A_1038] : memref<10240x128xf32, #tpu.memory_space<vmem_shared>> -> memref<16x128xf32, #tpu.memory_space<vmem_shared>>
    %dma_start3A_1040 = arith.constant 0 : i32
    %dma_start3A_1041 = tpu.memref_slice %arg10[%add3A_1037, %dma_start3A_1040] : memref<10240x128xf32, #tpu.memory_space<vmem_shared>> -> memref<16x128xf32, #tpu.memory_space<vmem_shared>>
    tpu.enqueue_dma source(%arg9 : memref<16x128xf32, #tpu.memory_space<vmem>>) target(%dma_start3A_1041 : memref<16x128xf32, #tpu.memory_space<vmem_shared>>) target_semaphore(%arg19 : memref<!tpu.dma_semaphore, #tpu.memory_space<semaphore_mem>>)
    %add3A_1042 = arith.constant 480 : i32
    %add3A_1043 = arith.addi %mul3A_768, %add3A_1042 : i32
    %dma_start3A_1044 = arith.constant 0 : i32
    %dma_start3A_1045 = tpu.memref_slice %arg10[%add3A_1043, %dma_start3A_1044] : memref<10240x128xf32, #tpu.memory_space<vmem_shared>> -> memref<16x128xf32, #tpu.memory_space<vmem_shared>>
    %dma_start3A_1046 = arith.constant 0 : i32
    %dma_start3A_1047 = tpu.memref_slice %arg10[%add3A_1043, %dma_start3A_1046] : memref<10240x128xf32, #tpu.memory_space<vmem_shared>> -> memref<16x128xf32, #tpu.memory_space<vmem_shared>>
    tpu.enqueue_dma source(%arg9 : memref<16x128xf32, #tpu.memory_space<vmem>>) target(%dma_start3A_1047 : memref<16x128xf32, #tpu.memory_space<vmem_shared>>) target_semaphore(%arg19 : memref<!tpu.dma_semaphore, #tpu.memory_space<semaphore_mem>>)
    %add3A_1048 = arith.constant 496 : i32
    %add3A_1049 = arith.addi %mul3A_768, %add3A_1048 : i32
    %dma_start3A_1050 = arith.constant 0 : i32
    %dma_start3A_1051 = tpu.memref_slice %arg10[%add3A_1049, %dma_start3A_1050] : memref<10240x128xf32, #tpu.memory_space<vmem_shared>> -> memref<16x128xf32, #tpu.memory_space<vmem_shared>>
    %dma_start3A_1052 = arith.constant 0 : i32
    %dma_start3A_1053 = tpu.memref_slice %arg10[%add3A_1049, %dma_start3A_1052] : memref<10240x128xf32, #tpu.memory_space<vmem_shared>> -> memref<16x128xf32, #tpu.memory_space<vmem_shared>>
    tpu.enqueue_dma source(%arg9 : memref<16x128xf32, #tpu.memory_space<vmem>>) target(%dma_start3A_1053 : memref<16x128xf32, #tpu.memory_space<vmem_shared>>) target_semaphore(%arg19 : memref<!tpu.dma_semaphore, #tpu.memory_space<semaphore_mem>>)
    %dma_wait3A_1054 = arith.constant 0 : i32
    %dma_wait3A_1055 = tpu.memref_slice %arg10[%add3A_1007, %dma_wait3A_1054] : memref<10240x128xf32, #tpu.memory_space<vmem_shared>> -> memref<16x128xf32, #tpu.memory_space<vmem_shared>>
    %dma_wait3A_1056 = arith.constant 0 : i32
    %dma_wait3A_1057 = tpu.memref_slice %arg10[%add3A_1007, %dma_wait3A_1056] : memref<10240x128xf32, #tpu.memory_space<vmem_shared>> -> memref<16x128xf32, #tpu.memory_space<vmem_shared>>
    tpu.wait_dma2 semaphore(%arg19 : memref<!tpu.dma_semaphore, #tpu.memory_space<semaphore_mem>>) src(%arg9 : memref<16x128xf32, #tpu.memory_space<vmem>>) dst(%dma_wait3A_1057 : memref<16x128xf32, #tpu.memory_space<vmem_shared>>)
    %dma_wait3A_1058 = arith.constant 0 : i32
    %dma_wait3A_1059 = tpu.memref_slice %arg10[%add3A_1013, %dma_wait3A_1058] : memref<10240x128xf32, #tpu.memory_space<vmem_shared>> -> memref<16x128xf32, #tpu.memory_space<vmem_shared>>
    %dma_wait3A_1060 = arith.constant 0 : i32
    %dma_wait3A_1061 = tpu.memref_slice %arg10[%add3A_1013, %dma_wait3A_1060] : memref<10240x128xf32, #tpu.memory_space<vmem_shared>> -> memref<16x128xf32, #tpu.memory_space<vmem_shared>>
    tpu.wait_dma2 semaphore(%arg19 : memref<!tpu.dma_semaphore, #tpu.memory_space<semaphore_mem>>) src(%arg9 : memref<16x128xf32, #tpu.memory_space<vmem>>) dst(%dma_wait3A_1061 : memref<16x128xf32, #tpu.memory_space<vmem_shared>>)
    %dma_wait3A_1062 = arith.constant 0 : i32
    %dma_wait3A_1063 = tpu.memref_slice %arg10[%add3A_1019, %dma_wait3A_1062] : memref<10240x128xf32, #tpu.memory_space<vmem_shared>> -> memref<16x128xf32, #tpu.memory_space<vmem_shared>>
    %dma_wait3A_1064 = arith.constant 0 : i32
    %dma_wait3A_1065 = tpu.memref_slice %arg10[%add3A_1019, %dma_wait3A_1064] : memref<10240x128xf32, #tpu.memory_space<vmem_shared>> -> memref<16x128xf32, #tpu.memory_space<vmem_shared>>
    tpu.wait_dma2 semaphore(%arg19 : memref<!tpu.dma_semaphore, #tpu.memory_space<semaphore_mem>>) src(%arg9 : memref<16x128xf32, #tpu.memory_space<vmem>>) dst(%dma_wait3A_1065 : memref<16x128xf32, #tpu.memory_space<vmem_shared>>)
    %dma_wait3A_1066 = arith.constant 0 : i32
    %dma_wait3A_1067 = tpu.memref_slice %arg10[%add3A_1025, %dma_wait3A_1066] : memref<10240x128xf32, #tpu.memory_space<vmem_shared>> -> memref<16x128xf32, #tpu.memory_space<vmem_shared>>
    %dma_wait3A_1068 = arith.constant 0 : i32
    %dma_wait3A_1069 = tpu.memref_slice %arg10[%add3A_1025, %dma_wait3A_1068] : memref<10240x128xf32, #tpu.memory_space<vmem_shared>> -> memref<16x128xf32, #tpu.memory_space<vmem_shared>>
    tpu.wait_dma2 semaphore(%arg19 : memref<!tpu.dma_semaphore, #tpu.memory_space<semaphore_mem>>) src(%arg9 : memref<16x128xf32, #tpu.memory_space<vmem>>) dst(%dma_wait3A_1069 : memref<16x128xf32, #tpu.memory_space<vmem_shared>>)
    %dma_wait3A_1070 = arith.constant 0 : i32
    %dma_wait3A_1071 = tpu.memref_slice %arg10[%add3A_1031, %dma_wait3A_1070] : memref<10240x128xf32, #tpu.memory_space<vmem_shared>> -> memref<16x128xf32, #tpu.memory_space<vmem_shared>>
    %dma_wait3A_1072 = arith.constant 0 : i32
    %dma_wait3A_1073 = tpu.memref_slice %arg10[%add3A_1031, %dma_wait3A_1072] : memref<10240x128xf32, #tpu.memory_space<vmem_shared>> -> memref<16x128xf32, #tpu.memory_space<vmem_shared>>
    tpu.wait_dma2 semaphore(%arg19 : memref<!tpu.dma_semaphore, #tpu.memory_space<semaphore_mem>>) src(%arg9 : memref<16x128xf32, #tpu.memory_space<vmem>>) dst(%dma_wait3A_1073 : memref<16x128xf32, #tpu.memory_space<vmem_shared>>)
    %dma_wait3A_1074 = arith.constant 0 : i32
    %dma_wait3A_1075 = tpu.memref_slice %arg10[%add3A_1037, %dma_wait3A_1074] : memref<10240x128xf32, #tpu.memory_space<vmem_shared>> -> memref<16x128xf32, #tpu.memory_space<vmem_shared>>
    %dma_wait3A_1076 = arith.constant 0 : i32
    %dma_wait3A_1077 = tpu.memref_slice %arg10[%add3A_1037, %dma_wait3A_1076] : memref<10240x128xf32, #tpu.memory_space<vmem_shared>> -> memref<16x128xf32, #tpu.memory_space<vmem_shared>>
    tpu.wait_dma2 semaphore(%arg19 : memref<!tpu.dma_semaphore, #tpu.memory_space<semaphore_mem>>) src(%arg9 : memref<16x128xf32, #tpu.memory_space<vmem>>) dst(%dma_wait3A_1077 : memref<16x128xf32, #tpu.memory_space<vmem_shared>>)
    %dma_wait3A_1078 = arith.constant 0 : i32
    %dma_wait3A_1079 = tpu.memref_slice %arg10[%add3A_1043, %dma_wait3A_1078] : memref<10240x128xf32, #tpu.memory_space<vmem_shared>> -> memref<16x128xf32, #tpu.memory_space<vmem_shared>>
    %dma_wait3A_1080 = arith.constant 0 : i32
    %dma_wait3A_1081 = tpu.memref_slice %arg10[%add3A_1043, %dma_wait3A_1080] : memref<10240x128xf32, #tpu.memory_space<vmem_shared>> -> memref<16x128xf32, #tpu.memory_space<vmem_shared>>
    tpu.wait_dma2 semaphore(%arg19 : memref<!tpu.dma_semaphore, #tpu.memory_space<semaphore_mem>>) src(%arg9 : memref<16x128xf32, #tpu.memory_space<vmem>>) dst(%dma_wait3A_1081 : memref<16x128xf32, #tpu.memory_space<vmem_shared>>)
    %dma_wait3A_1082 = arith.constant 0 : i32
    %dma_wait3A_1083 = tpu.memref_slice %arg10[%add3A_1049, %dma_wait3A_1082] : memref<10240x128xf32, #tpu.memory_space<vmem_shared>> -> memref<16x128xf32, #tpu.memory_space<vmem_shared>>
    %dma_wait3A_1084 = arith.constant 0 : i32
    %dma_wait3A_1085 = tpu.memref_slice %arg10[%add3A_1049, %dma_wait3A_1084] : memref<10240x128xf32, #tpu.memory_space<vmem_shared>> -> memref<16x128xf32, #tpu.memory_space<vmem_shared>>
    tpu.wait_dma2 semaphore(%arg19 : memref<!tpu.dma_semaphore, #tpu.memory_space<semaphore_mem>>) src(%arg9 : memref<16x128xf32, #tpu.memory_space<vmem>>) dst(%dma_wait3A_1085 : memref<16x128xf32, #tpu.memory_space<vmem_shared>>)
    %add3A_1086 = arith.constant 512 : i32
    %add3A_1087 = arith.addi %mul3A_768, %add3A_1086 : i32
    %dma_start3A_1088 = arith.constant 0 : i32
    %dma_start3A_1089 = tpu.memref_slice %arg10[%add3A_1087, %dma_start3A_1088] : memref<10240x128xf32, #tpu.memory_space<vmem_shared>> -> memref<16x128xf32, #tpu.memory_space<vmem_shared>>
    %dma_start3A_1090 = arith.constant 0 : i32
    %dma_start3A_1091 = tpu.memref_slice %arg10[%add3A_1087, %dma_start3A_1090] : memref<10240x128xf32, #tpu.memory_space<vmem_shared>> -> memref<16x128xf32, #tpu.memory_space<vmem_shared>>
    tpu.enqueue_dma source(%arg9 : memref<16x128xf32, #tpu.memory_space<vmem>>) target(%dma_start3A_1091 : memref<16x128xf32, #tpu.memory_space<vmem_shared>>) target_semaphore(%arg19 : memref<!tpu.dma_semaphore, #tpu.memory_space<semaphore_mem>>)
    %add3A_1092 = arith.constant 528 : i32
    %add3A_1093 = arith.addi %mul3A_768, %add3A_1092 : i32
    %dma_start3A_1094 = arith.constant 0 : i32
    %dma_start3A_1095 = tpu.memref_slice %arg10[%add3A_1093, %dma_start3A_1094] : memref<10240x128xf32, #tpu.memory_space<vmem_shared>> -> memref<16x128xf32, #tpu.memory_space<vmem_shared>>
    %dma_start3A_1096 = arith.constant 0 : i32
    %dma_start3A_1097 = tpu.memref_slice %arg10[%add3A_1093, %dma_start3A_1096] : memref<10240x128xf32, #tpu.memory_space<vmem_shared>> -> memref<16x128xf32, #tpu.memory_space<vmem_shared>>
    tpu.enqueue_dma source(%arg9 : memref<16x128xf32, #tpu.memory_space<vmem>>) target(%dma_start3A_1097 : memref<16x128xf32, #tpu.memory_space<vmem_shared>>) target_semaphore(%arg19 : memref<!tpu.dma_semaphore, #tpu.memory_space<semaphore_mem>>)
    %add3A_1098 = arith.constant 544 : i32
    %add3A_1099 = arith.addi %mul3A_768, %add3A_1098 : i32
    %dma_start3A_1100 = arith.constant 0 : i32
    %dma_start3A_1101 = tpu.memref_slice %arg10[%add3A_1099, %dma_start3A_1100] : memref<10240x128xf32, #tpu.memory_space<vmem_shared>> -> memref<16x128xf32, #tpu.memory_space<vmem_shared>>
    %dma_start3A_1102 = arith.constant 0 : i32
    %dma_start3A_1103 = tpu.memref_slice %arg10[%add3A_1099, %dma_start3A_1102] : memref<10240x128xf32, #tpu.memory_space<vmem_shared>> -> memref<16x128xf32, #tpu.memory_space<vmem_shared>>
    tpu.enqueue_dma source(%arg9 : memref<16x128xf32, #tpu.memory_space<vmem>>) target(%dma_start3A_1103 : memref<16x128xf32, #tpu.memory_space<vmem_shared>>) target_semaphore(%arg19 : memref<!tpu.dma_semaphore, #tpu.memory_space<semaphore_mem>>)
    %add3A_1104 = arith.constant 560 : i32
    %add3A_1105 = arith.addi %mul3A_768, %add3A_1104 : i32
    %dma_start3A_1106 = arith.constant 0 : i32
    %dma_start3A_1107 = tpu.memref_slice %arg10[%add3A_1105, %dma_start3A_1106] : memref<10240x128xf32, #tpu.memory_space<vmem_shared>> -> memref<16x128xf32, #tpu.memory_space<vmem_shared>>
    %dma_start3A_1108 = arith.constant 0 : i32
    %dma_start3A_1109 = tpu.memref_slice %arg10[%add3A_1105, %dma_start3A_1108] : memref<10240x128xf32, #tpu.memory_space<vmem_shared>> -> memref<16x128xf32, #tpu.memory_space<vmem_shared>>
    tpu.enqueue_dma source(%arg9 : memref<16x128xf32, #tpu.memory_space<vmem>>) target(%dma_start3A_1109 : memref<16x128xf32, #tpu.memory_space<vmem_shared>>) target_semaphore(%arg19 : memref<!tpu.dma_semaphore, #tpu.memory_space<semaphore_mem>>)
    %add3A_1110 = arith.constant 576 : i32
    %add3A_1111 = arith.addi %mul3A_768, %add3A_1110 : i32
    %dma_start3A_1112 = arith.constant 0 : i32
    %dma_start3A_1113 = tpu.memref_slice %arg10[%add3A_1111, %dma_start3A_1112] : memref<10240x128xf32, #tpu.memory_space<vmem_shared>> -> memref<16x128xf32, #tpu.memory_space<vmem_shared>>
    %dma_start3A_1114 = arith.constant 0 : i32
    %dma_start3A_1115 = tpu.memref_slice %arg10[%add3A_1111, %dma_start3A_1114] : memref<10240x128xf32, #tpu.memory_space<vmem_shared>> -> memref<16x128xf32, #tpu.memory_space<vmem_shared>>
    tpu.enqueue_dma source(%arg9 : memref<16x128xf32, #tpu.memory_space<vmem>>) target(%dma_start3A_1115 : memref<16x128xf32, #tpu.memory_space<vmem_shared>>) target_semaphore(%arg19 : memref<!tpu.dma_semaphore, #tpu.memory_space<semaphore_mem>>)
    %add3A_1116 = arith.constant 592 : i32
    %add3A_1117 = arith.addi %mul3A_768, %add3A_1116 : i32
    %dma_start3A_1118 = arith.constant 0 : i32
    %dma_start3A_1119 = tpu.memref_slice %arg10[%add3A_1117, %dma_start3A_1118] : memref<10240x128xf32, #tpu.memory_space<vmem_shared>> -> memref<16x128xf32, #tpu.memory_space<vmem_shared>>
    %dma_start3A_1120 = arith.constant 0 : i32
    %dma_start3A_1121 = tpu.memref_slice %arg10[%add3A_1117, %dma_start3A_1120] : memref<10240x128xf32, #tpu.memory_space<vmem_shared>> -> memref<16x128xf32, #tpu.memory_space<vmem_shared>>
    tpu.enqueue_dma source(%arg9 : memref<16x128xf32, #tpu.memory_space<vmem>>) target(%dma_start3A_1121 : memref<16x128xf32, #tpu.memory_space<vmem_shared>>) target_semaphore(%arg19 : memref<!tpu.dma_semaphore, #tpu.memory_space<semaphore_mem>>)
    %add3A_1122 = arith.constant 608 : i32
    %add3A_1123 = arith.addi %mul3A_768, %add3A_1122 : i32
    %dma_start3A_1124 = arith.constant 0 : i32
    %dma_start3A_1125 = tpu.memref_slice %arg10[%add3A_1123, %dma_start3A_1124] : memref<10240x128xf32, #tpu.memory_space<vmem_shared>> -> memref<16x128xf32, #tpu.memory_space<vmem_shared>>
    %dma_start3A_1126 = arith.constant 0 : i32
    %dma_start3A_1127 = tpu.memref_slice %arg10[%add3A_1123, %dma_start3A_1126] : memref<10240x128xf32, #tpu.memory_space<vmem_shared>> -> memref<16x128xf32, #tpu.memory_space<vmem_shared>>
    tpu.enqueue_dma source(%arg9 : memref<16x128xf32, #tpu.memory_space<vmem>>) target(%dma_start3A_1127 : memref<16x128xf32, #tpu.memory_space<vmem_shared>>) target_semaphore(%arg19 : memref<!tpu.dma_semaphore, #tpu.memory_space<semaphore_mem>>)
    %add3A_1128 = arith.constant 624 : i32
    %add3A_1129 = arith.addi %mul3A_768, %add3A_1128 : i32
    %dma_start3A_1130 = arith.constant 0 : i32
    %dma_start3A_1131 = tpu.memref_slice %arg10[%add3A_1129, %dma_start3A_1130] : memref<10240x128xf32, #tpu.memory_space<vmem_shared>> -> memref<16x128xf32, #tpu.memory_space<vmem_shared>>
    %dma_start3A_1132 = arith.constant 0 : i32
    %dma_start3A_1133 = tpu.memref_slice %arg10[%add3A_1129, %dma_start3A_1132] : memref<10240x128xf32, #tpu.memory_space<vmem_shared>> -> memref<16x128xf32, #tpu.memory_space<vmem_shared>>
    tpu.enqueue_dma source(%arg9 : memref<16x128xf32, #tpu.memory_space<vmem>>) target(%dma_start3A_1133 : memref<16x128xf32, #tpu.memory_space<vmem_shared>>) target_semaphore(%arg19 : memref<!tpu.dma_semaphore, #tpu.memory_space<semaphore_mem>>)
    %dma_wait3A_1134 = arith.constant 0 : i32
    %dma_wait3A_1135 = tpu.memref_slice %arg10[%add3A_1087, %dma_wait3A_1134] : memref<10240x128xf32, #tpu.memory_space<vmem_shared>> -> memref<16x128xf32, #tpu.memory_space<vmem_shared>>
    %dma_wait3A_1136 = arith.constant 0 : i32
    %dma_wait3A_1137 = tpu.memref_slice %arg10[%add3A_1087, %dma_wait3A_1136] : memref<10240x128xf32, #tpu.memory_space<vmem_shared>> -> memref<16x128xf32, #tpu.memory_space<vmem_shared>>
    tpu.wait_dma2 semaphore(%arg19 : memref<!tpu.dma_semaphore, #tpu.memory_space<semaphore_mem>>) src(%arg9 : memref<16x128xf32, #tpu.memory_space<vmem>>) dst(%dma_wait3A_1137 : memref<16x128xf32, #tpu.memory_space<vmem_shared>>)
    %dma_wait3A_1138 = arith.constant 0 : i32
    %dma_wait3A_1139 = tpu.memref_slice %arg10[%add3A_1093, %dma_wait3A_1138] : memref<10240x128xf32, #tpu.memory_space<vmem_shared>> -> memref<16x128xf32, #tpu.memory_space<vmem_shared>>
    %dma_wait3A_1140 = arith.constant 0 : i32
    %dma_wait3A_1141 = tpu.memref_slice %arg10[%add3A_1093, %dma_wait3A_1140] : memref<10240x128xf32, #tpu.memory_space<vmem_shared>> -> memref<16x128xf32, #tpu.memory_space<vmem_shared>>
    tpu.wait_dma2 semaphore(%arg19 : memref<!tpu.dma_semaphore, #tpu.memory_space<semaphore_mem>>) src(%arg9 : memref<16x128xf32, #tpu.memory_space<vmem>>) dst(%dma_wait3A_1141 : memref<16x128xf32, #tpu.memory_space<vmem_shared>>)
    %dma_wait3A_1142 = arith.constant 0 : i32
    %dma_wait3A_1143 = tpu.memref_slice %arg10[%add3A_1099, %dma_wait3A_1142] : memref<10240x128xf32, #tpu.memory_space<vmem_shared>> -> memref<16x128xf32, #tpu.memory_space<vmem_shared>>
    %dma_wait3A_1144 = arith.constant 0 : i32
    %dma_wait3A_1145 = tpu.memref_slice %arg10[%add3A_1099, %dma_wait3A_1144] : memref<10240x128xf32, #tpu.memory_space<vmem_shared>> -> memref<16x128xf32, #tpu.memory_space<vmem_shared>>
    tpu.wait_dma2 semaphore(%arg19 : memref<!tpu.dma_semaphore, #tpu.memory_space<semaphore_mem>>) src(%arg9 : memref<16x128xf32, #tpu.memory_space<vmem>>) dst(%dma_wait3A_1145 : memref<16x128xf32, #tpu.memory_space<vmem_shared>>)
    %dma_wait3A_1146 = arith.constant 0 : i32
    %dma_wait3A_1147 = tpu.memref_slice %arg10[%add3A_1105, %dma_wait3A_1146] : memref<10240x128xf32, #tpu.memory_space<vmem_shared>> -> memref<16x128xf32, #tpu.memory_space<vmem_shared>>
    %dma_wait3A_1148 = arith.constant 0 : i32
    %dma_wait3A_1149 = tpu.memref_slice %arg10[%add3A_1105, %dma_wait3A_1148] : memref<10240x128xf32, #tpu.memory_space<vmem_shared>> -> memref<16x128xf32, #tpu.memory_space<vmem_shared>>
    tpu.wait_dma2 semaphore(%arg19 : memref<!tpu.dma_semaphore, #tpu.memory_space<semaphore_mem>>) src(%arg9 : memref<16x128xf32, #tpu.memory_space<vmem>>) dst(%dma_wait3A_1149 : memref<16x128xf32, #tpu.memory_space<vmem_shared>>)
    %dma_wait3A_1150 = arith.constant 0 : i32
    %dma_wait3A_1151 = tpu.memref_slice %arg10[%add3A_1111, %dma_wait3A_1150] : memref<10240x128xf32, #tpu.memory_space<vmem_shared>> -> memref<16x128xf32, #tpu.memory_space<vmem_shared>>
    %dma_wait3A_1152 = arith.constant 0 : i32
    %dma_wait3A_1153 = tpu.memref_slice %arg10[%add3A_1111, %dma_wait3A_1152] : memref<10240x128xf32, #tpu.memory_space<vmem_shared>> -> memref<16x128xf32, #tpu.memory_space<vmem_shared>>
    tpu.wait_dma2 semaphore(%arg19 : memref<!tpu.dma_semaphore, #tpu.memory_space<semaphore_mem>>) src(%arg9 : memref<16x128xf32, #tpu.memory_space<vmem>>) dst(%dma_wait3A_1153 : memref<16x128xf32, #tpu.memory_space<vmem_shared>>)
    %dma_wait3A_1154 = arith.constant 0 : i32
    %dma_wait3A_1155 = tpu.memref_slice %arg10[%add3A_1117, %dma_wait3A_1154] : memref<10240x128xf32, #tpu.memory_space<vmem_shared>> -> memref<16x128xf32, #tpu.memory_space<vmem_shared>>
    %dma_wait3A_1156 = arith.constant 0 : i32
    %dma_wait3A_1157 = tpu.memref_slice %arg10[%add3A_1117, %dma_wait3A_1156] : memref<10240x128xf32, #tpu.memory_space<vmem_shared>> -> memref<16x128xf32, #tpu.memory_space<vmem_shared>>
    tpu.wait_dma2 semaphore(%arg19 : memref<!tpu.dma_semaphore, #tpu.memory_space<semaphore_mem>>) src(%arg9 : memref<16x128xf32, #tpu.memory_space<vmem>>) dst(%dma_wait3A_1157 : memref<16x128xf32, #tpu.memory_space<vmem_shared>>)
    %dma_wait3A_1158 = arith.constant 0 : i32
    %dma_wait3A_1159 = tpu.memref_slice %arg10[%add3A_1123, %dma_wait3A_1158] : memref<10240x128xf32, #tpu.memory_space<vmem_shared>> -> memref<16x128xf32, #tpu.memory_space<vmem_shared>>
    %dma_wait3A_1160 = arith.constant 0 : i32
    %dma_wait3A_1161 = tpu.memref_slice %arg10[%add3A_1123, %dma_wait3A_1160] : memref<10240x128xf32, #tpu.memory_space<vmem_shared>> -> memref<16x128xf32, #tpu.memory_space<vmem_shared>>
    tpu.wait_dma2 semaphore(%arg19 : memref<!tpu.dma_semaphore, #tpu.memory_space<semaphore_mem>>) src(%arg9 : memref<16x128xf32, #tpu.memory_space<vmem>>) dst(%dma_wait3A_1161 : memref<16x128xf32, #tpu.memory_space<vmem_shared>>)
    %dma_wait3A_1162 = arith.constant 0 : i32
    %dma_wait3A_1163 = tpu.memref_slice %arg10[%add3A_1129, %dma_wait3A_1162] : memref<10240x128xf32, #tpu.memory_space<vmem_shared>> -> memref<16x128xf32, #tpu.memory_space<vmem_shared>>
    %dma_wait3A_1164 = arith.constant 0 : i32
    %dma_wait3A_1165 = tpu.memref_slice %arg10[%add3A_1129, %dma_wait3A_1164] : memref<10240x128xf32, #tpu.memory_space<vmem_shared>> -> memref<16x128xf32, #tpu.memory_space<vmem_shared>>
    tpu.wait_dma2 semaphore(%arg19 : memref<!tpu.dma_semaphore, #tpu.memory_space<semaphore_mem>>) src(%arg9 : memref<16x128xf32, #tpu.memory_space<vmem>>) dst(%dma_wait3A_1165 : memref<16x128xf32, #tpu.memory_space<vmem_shared>>)
    %barrier3A = arith.constant 0 : index
    tpu.barrier barrier_id(%barrier3A)
    %mul3A_1166 = arith.constant 16 : i32
    %mul3A_1167 = arith.muli %arg0, %mul3A_1166 : i32
    %add3A_1168 = arith.addi %mul3A_1167, %arg1 : i32
    %mul3A_1169 = arith.constant 160 : i32
    %mul3A_1170 = arith.muli %add3A_1168, %mul3A_1169 : i32
    %scan3A = arith.constant 0 : i32
    %scan3A_1171 = arith.constant 0 : i32
    %scan3A_1172 = arith.constant 10 : i32
    %scan3A_1173 = arith.addi %scan3A_1171, %scan3A_1172 : i32
    %scan3A_1174 = arith.constant 1 : i32
    scf.for %scan3A_1767 = %scan3A_1171 to %scan3A_1173 step %scan3A_1174  : i32 {
      %mul3A_1768 = arith.constant 16 : i32
      %mul3A_1769 = arith.muli %scan3A_1767, %mul3A_1768 : i32
      %add3A_1770 = arith.addi %mul3A_1170, %mul3A_1769 : i32
      "tpu.region"() ({
        %run_scoped3A = tpu.sem_alloc : memref<!tpu.dma_semaphore, #tpu.memory_space<semaphore_mem>>
        %dma_start3A_2542 = arith.constant 0 : i32
        %dma_start3A_2543 = tpu.memref_slice %arg3[%add3A_1770, %dma_start3A_2542] : memref<5120x64xi32, #tpu.memory_space<hbm>> -> memref<16x64xi32, #tpu.memory_space<hbm>>
        %dma_start3A_2544 = arith.constant 0 : i32
        %dma_start3A_2545 = tpu.memref_slice %arg3[%add3A_1770, %dma_start3A_2544] : memref<5120x64xi32, #tpu.memory_space<hbm>> -> memref<16x64xi32, #tpu.memory_space<hbm>>
        tpu.enqueue_dma source(%dma_start3A_2545 : memref<16x64xi32, #tpu.memory_space<hbm>>) target(%arg6 : memref<16x64xi32, #tpu.memory_space<vmem>>) target_semaphore(%run_scoped3A : memref<!tpu.dma_semaphore, #tpu.memory_space<semaphore_mem>>)
        %dma_wait3A_2546 = arith.constant 0 : i32
        %dma_wait3A_2547 = tpu.memref_slice %arg3[%add3A_1770, %dma_wait3A_2546] : memref<5120x64xi32, #tpu.memory_space<hbm>> -> memref<16x64xi32, #tpu.memory_space<hbm>>
        %dma_wait3A_2548 = arith.constant 0 : i32
        %dma_wait3A_2549 = tpu.memref_slice %arg3[%add3A_1770, %dma_wait3A_2548] : memref<5120x64xi32, #tpu.memory_space<hbm>> -> memref<16x64xi32, #tpu.memory_space<hbm>>
        tpu.wait_dma2 semaphore(%run_scoped3A : memref<!tpu.dma_semaphore, #tpu.memory_space<semaphore_mem>>) src(%dma_wait3A_2549 : memref<16x64xi32, #tpu.memory_space<hbm>>) dst(%arg6 : memref<16x64xi32, #tpu.memory_space<vmem>>)
        tpu.yield
      }) : () -> ()
      %mul3A_1771 = arith.constant 16 : i32
      %mul3A_1772 = arith.muli %scan3A_1767, %mul3A_1771 : i32
      %add3A_1773 = arith.addi %mul3A_1170, %mul3A_1772 : i32
      "tpu.region"() ({
        %run_scoped3A = tpu.sem_alloc : memref<!tpu.dma_semaphore, #tpu.memory_space<semaphore_mem>>
        %dma_start3A_2542 = arith.constant 0 : i32
        %dma_start3A_2543 = tpu.memref_slice %arg4[%add3A_1773, %dma_start3A_2542] : memref<5120x64xi32, #tpu.memory_space<hbm>> -> memref<16x64xi32, #tpu.memory_space<hbm>>
        %dma_start3A_2544 = arith.constant 0 : i32
        %dma_start3A_2545 = tpu.memref_slice %arg4[%add3A_1773, %dma_start3A_2544] : memref<5120x64xi32, #tpu.memory_space<hbm>> -> memref<16x64xi32, #tpu.memory_space<hbm>>
        tpu.enqueue_dma source(%dma_start3A_2545 : memref<16x64xi32, #tpu.memory_space<hbm>>) target(%arg7 : memref<16x64xi32, #tpu.memory_space<vmem>>) target_semaphore(%run_scoped3A : memref<!tpu.dma_semaphore, #tpu.memory_space<semaphore_mem>>)
        %dma_wait3A_2546 = arith.constant 0 : i32
        %dma_wait3A_2547 = tpu.memref_slice %arg4[%add3A_1773, %dma_wait3A_2546] : memref<5120x64xi32, #tpu.memory_space<hbm>> -> memref<16x64xi32, #tpu.memory_space<hbm>>
        %dma_wait3A_2548 = arith.constant 0 : i32
        %dma_wait3A_2549 = tpu.memref_slice %arg4[%add3A_1773, %dma_wait3A_2548] : memref<5120x64xi32, #tpu.memory_space<hbm>> -> memref<16x64xi32, #tpu.memory_space<hbm>>
        tpu.wait_dma2 semaphore(%run_scoped3A : memref<!tpu.dma_semaphore, #tpu.memory_space<semaphore_mem>>) src(%dma_wait3A_2549 : memref<16x64xi32, #tpu.memory_space<hbm>>) dst(%arg7 : memref<16x64xi32, #tpu.memory_space<vmem>>)
        tpu.yield
      }) : () -> ()
      %dma_start3A_1774 = arith.constant 0 : i32
      %dma_start3A_1775 = arith.constant 0 : i32
      %dma_start3A_1776 = arith.constant 0 : i32
      %dma_start3A_1777 = arith.constant 0 : i32
      %dma_start3A_1778 = tpu.memref_slice %arg8[%dma_start3A_1775, %dma_start3A_1776, %dma_start3A_1777] : memref<4x64x128xf32, #tpu.memory_space<vmem>> -> memref<1x64x128xf32, #tpu.memory_space<vmem>>
      %dma_start3A_1779 = tpu.memref_squeeze %dma_start3A_1778 : memref<1x64x128xf32, #tpu.memory_space<vmem>> -> memref<64x128xf32, #tpu.memory_space<vmem>>
      %dma_start3A_1780 = arith.constant 0 : i32
      %dma_start3A_1781 = tpu.memref_slice %arg6[%dma_start3A_1774, %dma_start3A_1780] : memref<16x64xi32, #tpu.memory_space<vmem>> -> memref<1x64xi32, #tpu.memory_space<vmem>>
      %dma_start3A_1782 = tpu.memref_squeeze %dma_start3A_1781 : memref<1x64xi32, #tpu.memory_space<vmem>> -> memref<64xi32, #tpu.memory_space<vmem>>
      %dma_start3A_1783 = arith.constant 0 : i32
      %dma_start3A_1784 = arith.constant 0 : i32
      %dma_start3A_1785 = tpu.memref_slice %arg2[%dma_start3A_1783, %dma_start3A_1784] : memref<10000x128xf32, #tpu.memory_space<hbm>> -> memref<10000x128xf32, #tpu.memory_space<hbm>>
      tpu.enqueue_indirect_dma source(%dma_start3A_1785 : memref<10000x128xf32, #tpu.memory_space<hbm>>) target(%dma_start3A_1779 : memref<64x128xf32, #tpu.memory_space<vmem>>) offsets(%dma_start3A_1782 : memref<64xi32, #tpu.memory_space<vmem>>) semaphore(%arg11 : memref<!tpu.dma_semaphore, #tpu.memory_space<semaphore_mem>>)
      %dma_start3A_1786 = arith.constant 1 : i32
      %dma_start3A_1787 = arith.constant 1 : i32
      %dma_start3A_1788 = arith.constant 0 : i32
      %dma_start3A_1789 = arith.constant 0 : i32
      %dma_start3A_1790 = tpu.memref_slice %arg8[%dma_start3A_1787, %dma_start3A_1788, %dma_start3A_1789] : memref<4x64x128xf32, #tpu.memory_space<vmem>> -> memref<1x64x128xf32, #tpu.memory_space<vmem>>
      %dma_start3A_1791 = tpu.memref_squeeze %dma_start3A_1790 : memref<1x64x128xf32, #tpu.memory_space<vmem>> -> memref<64x128xf32, #tpu.memory_space<vmem>>
      %dma_start3A_1792 = arith.constant 0 : i32
      %dma_start3A_1793 = tpu.memref_slice %arg6[%dma_start3A_1786, %dma_start3A_1792] : memref<16x64xi32, #tpu.memory_space<vmem>> -> memref<1x64xi32, #tpu.memory_space<vmem>>
      %dma_start3A_1794 = tpu.memref_squeeze %dma_start3A_1793 : memref<1x64xi32, #tpu.memory_space<vmem>> -> memref<64xi32, #tpu.memory_space<vmem>>
      %dma_start3A_1795 = arith.constant 0 : i32
      %dma_start3A_1796 = arith.constant 0 : i32
      %dma_start3A_1797 = tpu.memref_slice %arg2[%dma_start3A_1795, %dma_start3A_1796] : memref<10000x128xf32, #tpu.memory_space<hbm>> -> memref<10000x128xf32, #tpu.memory_space<hbm>>
      tpu.enqueue_indirect_dma source(%dma_start3A_1797 : memref<10000x128xf32, #tpu.memory_space<hbm>>) target(%dma_start3A_1791 : memref<64x128xf32, #tpu.memory_space<vmem>>) offsets(%dma_start3A_1794 : memref<64xi32, #tpu.memory_space<vmem>>) semaphore(%arg12 : memref<!tpu.dma_semaphore, #tpu.memory_space<semaphore_mem>>)
      %dma_start3A_1798 = arith.constant 2 : i32
      %dma_start3A_1799 = arith.constant 2 : i32
      %dma_start3A_1800 = arith.constant 0 : i32
      %dma_start3A_1801 = arith.constant 0 : i32
      %dma_start3A_1802 = tpu.memref_slice %arg8[%dma_start3A_1799, %dma_start3A_1800, %dma_start3A_1801] : memref<4x64x128xf32, #tpu.memory_space<vmem>> -> memref<1x64x128xf32, #tpu.memory_space<vmem>>
      %dma_start3A_1803 = tpu.memref_squeeze %dma_start3A_1802 : memref<1x64x128xf32, #tpu.memory_space<vmem>> -> memref<64x128xf32, #tpu.memory_space<vmem>>
      %dma_start3A_1804 = arith.constant 0 : i32
      %dma_start3A_1805 = tpu.memref_slice %arg6[%dma_start3A_1798, %dma_start3A_1804] : memref<16x64xi32, #tpu.memory_space<vmem>> -> memref<1x64xi32, #tpu.memory_space<vmem>>
      %dma_start3A_1806 = tpu.memref_squeeze %dma_start3A_1805 : memref<1x64xi32, #tpu.memory_space<vmem>> -> memref<64xi32, #tpu.memory_space<vmem>>
      %dma_start3A_1807 = arith.constant 0 : i32
      %dma_start3A_1808 = arith.constant 0 : i32
      %dma_start3A_1809 = tpu.memref_slice %arg2[%dma_start3A_1807, %dma_start3A_1808] : memref<10000x128xf32, #tpu.memory_space<hbm>> -> memref<10000x128xf32, #tpu.memory_space<hbm>>
      tpu.enqueue_indirect_dma source(%dma_start3A_1809 : memref<10000x128xf32, #tpu.memory_space<hbm>>) target(%dma_start3A_1803 : memref<64x128xf32, #tpu.memory_space<vmem>>) offsets(%dma_start3A_1806 : memref<64xi32, #tpu.memory_space<vmem>>) semaphore(%arg13 : memref<!tpu.dma_semaphore, #tpu.memory_space<semaphore_mem>>)
      %dma_start3A_1810 = arith.constant 3 : i32
      %dma_start3A_1811 = arith.constant 3 : i32
      %dma_start3A_1812 = arith.constant 0 : i32
      %dma_start3A_1813 = arith.constant 0 : i32
      %dma_start3A_1814 = tpu.memref_slice %arg8[%dma_start3A_1811, %dma_start3A_1812, %dma_start3A_1813] : memref<4x64x128xf32, #tpu.memory_space<vmem>> -> memref<1x64x128xf32, #tpu.memory_space<vmem>>
      %dma_start3A_1815 = tpu.memref_squeeze %dma_start3A_1814 : memref<1x64x128xf32, #tpu.memory_space<vmem>> -> memref<64x128xf32, #tpu.memory_space<vmem>>
      %dma_start3A_1816 = arith.constant 0 : i32
      %dma_start3A_1817 = tpu.memref_slice %arg6[%dma_start3A_1810, %dma_start3A_1816] : memref<16x64xi32, #tpu.memory_space<vmem>> -> memref<1x64xi32, #tpu.memory_space<vmem>>
      %dma_start3A_1818 = tpu.memref_squeeze %dma_start3A_1817 : memref<1x64xi32, #tpu.memory_space<vmem>> -> memref<64xi32, #tpu.memory_space<vmem>>
      %dma_start3A_1819 = arith.constant 0 : i32
      %dma_start3A_1820 = arith.constant 0 : i32
      %dma_start3A_1821 = tpu.memref_slice %arg2[%dma_start3A_1819, %dma_start3A_1820] : memref<10000x128xf32, #tpu.memory_space<hbm>> -> memref<10000x128xf32, #tpu.memory_space<hbm>>
      tpu.enqueue_indirect_dma source(%dma_start3A_1821 : memref<10000x128xf32, #tpu.memory_space<hbm>>) target(%dma_start3A_1815 : memref<64x128xf32, #tpu.memory_space<vmem>>) offsets(%dma_start3A_1818 : memref<64xi32, #tpu.memory_space<vmem>>) semaphore(%arg14 : memref<!tpu.dma_semaphore, #tpu.memory_space<semaphore_mem>>)
      %dma_wait3A_1822 = arith.constant 0 : i32
      %dma_wait3A_1823 = arith.constant 0 : i32
      %dma_wait3A_1824 = arith.constant 0 : i32
      %dma_wait3A_1825 = arith.constant 0 : i32
      %dma_wait3A_1826 = tpu.memref_slice %arg8[%dma_wait3A_1823, %dma_wait3A_1824, %dma_wait3A_1825] : memref<4x64x128xf32, #tpu.memory_space<vmem>> -> memref<1x64x128xf32, #tpu.memory_space<vmem>>
      %dma_wait3A_1827 = tpu.memref_squeeze %dma_wait3A_1826 : memref<1x64x128xf32, #tpu.memory_space<vmem>> -> memref<64x128xf32, #tpu.memory_space<vmem>>
      %dma_wait3A_1828 = arith.constant 0 : i32
      %dma_wait3A_1829 = tpu.memref_slice %arg6[%dma_wait3A_1822, %dma_wait3A_1828] : memref<16x64xi32, #tpu.memory_space<vmem>> -> memref<1x64xi32, #tpu.memory_space<vmem>>
      %dma_wait3A_1830 = tpu.memref_squeeze %dma_wait3A_1829 : memref<1x64xi32, #tpu.memory_space<vmem>> -> memref<64xi32, #tpu.memory_space<vmem>>
      %dma_wait3A_1831 = arith.constant 0 : i32
      %dma_wait3A_1832 = arith.constant 0 : i32
      %dma_wait3A_1833 = tpu.memref_slice %arg2[%dma_wait3A_1831, %dma_wait3A_1832] : memref<10000x128xf32, #tpu.memory_space<hbm>> -> memref<10000x128xf32, #tpu.memory_space<hbm>>
      tpu.wait_indirect_dma semaphore(%arg11 : memref<!tpu.dma_semaphore, #tpu.memory_space<semaphore_mem>>) src(%dma_wait3A_1833 : memref<10000x128xf32, #tpu.memory_space<hbm>>) dst(%dma_wait3A_1827 : memref<64x128xf32, #tpu.memory_space<vmem>>)
      %dma_start3A_1834 = arith.constant 0 : i32
      %dma_start3A_1835 = arith.constant 0 : i32
      %dma_start3A_1836 = arith.constant 0 : i32
      %dma_start3A_1837 = arith.constant 0 : i32
      %dma_start3A_1838 = tpu.memref_slice %arg8[%dma_start3A_1834, %dma_start3A_1836, %dma_start3A_1837] : memref<4x64x128xf32, #tpu.memory_space<vmem>> -> memref<1x64x128xf32, #tpu.memory_space<vmem>>
      %dma_start3A_1839 = tpu.memref_squeeze %dma_start3A_1838 : memref<1x64x128xf32, #tpu.memory_space<vmem>> -> memref<64x128xf32, #tpu.memory_space<vmem>>
      %dma_start3A_1840 = arith.constant 0 : i32
      %dma_start3A_1841 = tpu.memref_slice %arg7[%dma_start3A_1835, %dma_start3A_1840] : memref<16x64xi32, #tpu.memory_space<vmem>> -> memref<1x64xi32, #tpu.memory_space<vmem>>
      %dma_start3A_1842 = tpu.memref_squeeze %dma_start3A_1841 : memref<1x64xi32, #tpu.memory_space<vmem>> -> memref<64xi32, #tpu.memory_space<vmem>>
      %dma_start3A_1843 = arith.constant 0 : i32
      %dma_start3A_1844 = arith.constant 0 : i32
      %dma_start3A_1845 = tpu.memref_slice %arg10[%dma_start3A_1843, %dma_start3A_1844] : memref<10240x128xf32, #tpu.memory_space<vmem_shared>> -> memref<10240x128xf32, #tpu.memory_space<vmem_shared>>
      tpu.enqueue_indirect_dma source(%dma_start3A_1839 : memref<64x128xf32, #tpu.memory_space<vmem>>) target(%dma_start3A_1845 : memref<10240x128xf32, #tpu.memory_space<vmem_shared>>) offsets(%dma_start3A_1842 : memref<64xi32, #tpu.memory_space<vmem>>) semaphore(%arg15 : memref<!tpu.dma_semaphore, #tpu.memory_space<semaphore_mem>>) {add = true}
      %dma_wait3A_1846 = arith.constant 0 : i32
      %dma_wait3A_1847 = arith.constant 0 : i32
      %dma_wait3A_1848 = arith.constant 0 : i32
      %dma_wait3A_1849 = arith.constant 0 : i32
      %dma_wait3A_1850 = tpu.memref_slice %arg8[%dma_wait3A_1846, %dma_wait3A_1848, %dma_wait3A_1849] : memref<4x64x128xf32, #tpu.memory_space<vmem>> -> memref<1x64x128xf32, #tpu.memory_space<vmem>>
      %dma_wait3A_1851 = tpu.memref_squeeze %dma_wait3A_1850 : memref<1x64x128xf32, #tpu.memory_space<vmem>> -> memref<64x128xf32, #tpu.memory_space<vmem>>
      %dma_wait3A_1852 = arith.constant 0 : i32
      %dma_wait3A_1853 = tpu.memref_slice %arg7[%dma_wait3A_1847, %dma_wait3A_1852] : memref<16x64xi32, #tpu.memory_space<vmem>> -> memref<1x64xi32, #tpu.memory_space<vmem>>
      %dma_wait3A_1854 = tpu.memref_squeeze %dma_wait3A_1853 : memref<1x64xi32, #tpu.memory_space<vmem>> -> memref<64xi32, #tpu.memory_space<vmem>>
      %dma_wait3A_1855 = arith.constant 0 : i32
      %dma_wait3A_1856 = arith.constant 0 : i32
      %dma_wait3A_1857 = tpu.memref_slice %arg10[%dma_wait3A_1855, %dma_wait3A_1856] : memref<10240x128xf32, #tpu.memory_space<vmem_shared>> -> memref<10240x128xf32, #tpu.memory_space<vmem_shared>>
      tpu.wait_indirect_dma semaphore(%arg15 : memref<!tpu.dma_semaphore, #tpu.memory_space<semaphore_mem>>) src(%dma_wait3A_1851 : memref<64x128xf32, #tpu.memory_space<vmem>>) dst(%dma_wait3A_1857 : memref<10240x128xf32, #tpu.memory_space<vmem_shared>>)
      %dma_start3A_1858 = arith.constant 4 : i32
      %dma_start3A_1859 = arith.constant 0 : i32
      %dma_start3A_1860 = arith.constant 0 : i32
      %dma_start3A_1861 = arith.constant 0 : i32
      %dma_start3A_1862 = tpu.memref_slice %arg8[%dma_start3A_1859, %dma_start3A_1860, %dma_start3A_1861] : memref<4x64x128xf32, #tpu.memory_space<vmem>> -> memref<1x64x128xf32, #tpu.memory_space<vmem>>
      %dma_start3A_1863 = tpu.memref_squeeze %dma_start3A_1862 : memref<1x64x128xf32, #tpu.memory_space<vmem>> -> memref<64x128xf32, #tpu.memory_space<vmem>>
      %dma_start3A_1864 = arith.constant 0 : i32
      %dma_start3A_1865 = tpu.memref_slice %arg6[%dma_start3A_1858, %dma_start3A_1864] : memref<16x64xi32, #tpu.memory_space<vmem>> -> memref<1x64xi32, #tpu.memory_space<vmem>>
      %dma_start3A_1866 = tpu.memref_squeeze %dma_start3A_1865 : memref<1x64xi32, #tpu.memory_space<vmem>> -> memref<64xi32, #tpu.memory_space<vmem>>
      %dma_start3A_1867 = arith.constant 0 : i32
      %dma_start3A_1868 = arith.constant 0 : i32
      %dma_start3A_1869 = tpu.memref_slice %arg2[%dma_start3A_1867, %dma_start3A_1868] : memref<10000x128xf32, #tpu.memory_space<hbm>> -> memref<10000x128xf32, #tpu.memory_space<hbm>>
      tpu.enqueue_indirect_dma source(%dma_start3A_1869 : memref<10000x128xf32, #tpu.memory_space<hbm>>) target(%dma_start3A_1863 : memref<64x128xf32, #tpu.memory_space<vmem>>) offsets(%dma_start3A_1866 : memref<64xi32, #tpu.memory_space<vmem>>) semaphore(%arg11 : memref<!tpu.dma_semaphore, #tpu.memory_space<semaphore_mem>>)
      %dma_wait3A_1870 = arith.constant 1 : i32
      %dma_wait3A_1871 = arith.constant 1 : i32
      %dma_wait3A_1872 = arith.constant 0 : i32
      %dma_wait3A_1873 = arith.constant 0 : i32
      %dma_wait3A_1874 = tpu.memref_slice %arg8[%dma_wait3A_1871, %dma_wait3A_1872, %dma_wait3A_1873] : memref<4x64x128xf32, #tpu.memory_space<vmem>> -> memref<1x64x128xf32, #tpu.memory_space<vmem>>
      %dma_wait3A_1875 = tpu.memref_squeeze %dma_wait3A_1874 : memref<1x64x128xf32, #tpu.memory_space<vmem>> -> memref<64x128xf32, #tpu.memory_space<vmem>>
      %dma_wait3A_1876 = arith.constant 0 : i32
      %dma_wait3A_1877 = tpu.memref_slice %arg6[%dma_wait3A_1870, %dma_wait3A_1876] : memref<16x64xi32, #tpu.memory_space<vmem>> -> memref<1x64xi32, #tpu.memory_space<vmem>>
      %dma_wait3A_1878 = tpu.memref_squeeze %dma_wait3A_1877 : memref<1x64xi32, #tpu.memory_space<vmem>> -> memref<64xi32, #tpu.memory_space<vmem>>
      %dma_wait3A_1879 = arith.constant 0 : i32
      %dma_wait3A_1880 = arith.constant 0 : i32
      %dma_wait3A_1881 = tpu.memref_slice %arg2[%dma_wait3A_1879, %dma_wait3A_1880] : memref<10000x128xf32, #tpu.memory_space<hbm>> -> memref<10000x128xf32, #tpu.memory_space<hbm>>
      tpu.wait_indirect_dma semaphore(%arg12 : memref<!tpu.dma_semaphore, #tpu.memory_space<semaphore_mem>>) src(%dma_wait3A_1881 : memref<10000x128xf32, #tpu.memory_space<hbm>>) dst(%dma_wait3A_1875 : memref<64x128xf32, #tpu.memory_space<vmem>>)
      %dma_start3A_1882 = arith.constant 1 : i32
      %dma_start3A_1883 = arith.constant 1 : i32
      %dma_start3A_1884 = arith.constant 0 : i32
      %dma_start3A_1885 = arith.constant 0 : i32
      %dma_start3A_1886 = tpu.memref_slice %arg8[%dma_start3A_1882, %dma_start3A_1884, %dma_start3A_1885] : memref<4x64x128xf32, #tpu.memory_space<vmem>> -> memref<1x64x128xf32, #tpu.memory_space<vmem>>
      %dma_start3A_1887 = tpu.memref_squeeze %dma_start3A_1886 : memref<1x64x128xf32, #tpu.memory_space<vmem>> -> memref<64x128xf32, #tpu.memory_space<vmem>>
      %dma_start3A_1888 = arith.constant 0 : i32
      %dma_start3A_1889 = tpu.memref_slice %arg7[%dma_start3A_1883, %dma_start3A_1888] : memref<16x64xi32, #tpu.memory_space<vmem>> -> memref<1x64xi32, #tpu.memory_space<vmem>>
      %dma_start3A_1890 = tpu.memref_squeeze %dma_start3A_1889 : memref<1x64xi32, #tpu.memory_space<vmem>> -> memref<64xi32, #tpu.memory_space<vmem>>
      %dma_start3A_1891 = arith.constant 0 : i32
      %dma_start3A_1892 = arith.constant 0 : i32
      %dma_start3A_1893 = tpu.memref_slice %arg10[%dma_start3A_1891, %dma_start3A_1892] : memref<10240x128xf32, #tpu.memory_space<vmem_shared>> -> memref<10240x128xf32, #tpu.memory_space<vmem_shared>>
      tpu.enqueue_indirect_dma source(%dma_start3A_1887 : memref<64x128xf32, #tpu.memory_space<vmem>>) target(%dma_start3A_1893 : memref<10240x128xf32, #tpu.memory_space<vmem_shared>>) offsets(%dma_start3A_1890 : memref<64xi32, #tpu.memory_space<vmem>>) semaphore(%arg16 : memref<!tpu.dma_semaphore, #tpu.memory_space<semaphore_mem>>) {add = true}
      %dma_wait3A_1894 = arith.constant 1 : i32
      %dma_wait3A_1895 = arith.constant 1 : i32
      %dma_wait3A_1896 = arith.constant 0 : i32
      %dma_wait3A_1897 = arith.constant 0 : i32
      %dma_wait3A_1898 = tpu.memref_slice %arg8[%dma_wait3A_1894, %dma_wait3A_1896, %dma_wait3A_1897] : memref<4x64x128xf32, #tpu.memory_space<vmem>> -> memref<1x64x128xf32, #tpu.memory_space<vmem>>
      %dma_wait3A_1899 = tpu.memref_squeeze %dma_wait3A_1898 : memref<1x64x128xf32, #tpu.memory_space<vmem>> -> memref<64x128xf32, #tpu.memory_space<vmem>>
      %dma_wait3A_1900 = arith.constant 0 : i32
      %dma_wait3A_1901 = tpu.memref_slice %arg7[%dma_wait3A_1895, %dma_wait3A_1900] : memref<16x64xi32, #tpu.memory_space<vmem>> -> memref<1x64xi32, #tpu.memory_space<vmem>>
      %dma_wait3A_1902 = tpu.memref_squeeze %dma_wait3A_1901 : memref<1x64xi32, #tpu.memory_space<vmem>> -> memref<64xi32, #tpu.memory_space<vmem>>
      %dma_wait3A_1903 = arith.constant 0 : i32
      %dma_wait3A_1904 = arith.constant 0 : i32
      %dma_wait3A_1905 = tpu.memref_slice %arg10[%dma_wait3A_1903, %dma_wait3A_1904] : memref<10240x128xf32, #tpu.memory_space<vmem_shared>> -> memref<10240x128xf32, #tpu.memory_space<vmem_shared>>
      tpu.wait_indirect_dma semaphore(%arg16 : memref<!tpu.dma_semaphore, #tpu.memory_space<semaphore_mem>>) src(%dma_wait3A_1899 : memref<64x128xf32, #tpu.memory_space<vmem>>) dst(%dma_wait3A_1905 : memref<10240x128xf32, #tpu.memory_space<vmem_shared>>)
      %dma_start3A_1906 = arith.constant 5 : i32
      %dma_start3A_1907 = arith.constant 1 : i32
      %dma_start3A_1908 = arith.constant 0 : i32
      %dma_start3A_1909 = arith.constant 0 : i32
      %dma_start3A_1910 = tpu.memref_slice %arg8[%dma_start3A_1907, %dma_start3A_1908, %dma_start3A_1909] : memref<4x64x128xf32, #tpu.memory_space<vmem>> -> memref<1x64x128xf32, #tpu.memory_space<vmem>>
      %dma_start3A_1911 = tpu.memref_squeeze %dma_start3A_1910 : memref<1x64x128xf32, #tpu.memory_space<vmem>> -> memref<64x128xf32, #tpu.memory_space<vmem>>
      %dma_start3A_1912 = arith.constant 0 : i32
      %dma_start3A_1913 = tpu.memref_slice %arg6[%dma_start3A_1906, %dma_start3A_1912] : memref<16x64xi32, #tpu.memory_space<vmem>> -> memref<1x64xi32, #tpu.memory_space<vmem>>
      %dma_start3A_1914 = tpu.memref_squeeze %dma_start3A_1913 : memref<1x64xi32, #tpu.memory_space<vmem>> -> memref<64xi32, #tpu.memory_space<vmem>>
      %dma_start3A_1915 = arith.constant 0 : i32
      %dma_start3A_1916 = arith.constant 0 : i32
      %dma_start3A_1917 = tpu.memref_slice %arg2[%dma_start3A_1915, %dma_start3A_1916] : memref<10000x128xf32, #tpu.memory_space<hbm>> -> memref<10000x128xf32, #tpu.memory_space<hbm>>
      tpu.enqueue_indirect_dma source(%dma_start3A_1917 : memref<10000x128xf32, #tpu.memory_space<hbm>>) target(%dma_start3A_1911 : memref<64x128xf32, #tpu.memory_space<vmem>>) offsets(%dma_start3A_1914 : memref<64xi32, #tpu.memory_space<vmem>>) semaphore(%arg12 : memref<!tpu.dma_semaphore, #tpu.memory_space<semaphore_mem>>)
      %dma_wait3A_1918 = arith.constant 2 : i32
      %dma_wait3A_1919 = arith.constant 2 : i32
      %dma_wait3A_1920 = arith.constant 0 : i32
      %dma_wait3A_1921 = arith.constant 0 : i32
      %dma_wait3A_1922 = tpu.memref_slice %arg8[%dma_wait3A_1919, %dma_wait3A_1920, %dma_wait3A_1921] : memref<4x64x128xf32, #tpu.memory_space<vmem>> -> memref<1x64x128xf32, #tpu.memory_space<vmem>>
      %dma_wait3A_1923 = tpu.memref_squeeze %dma_wait3A_1922 : memref<1x64x128xf32, #tpu.memory_space<vmem>> -> memref<64x128xf32, #tpu.memory_space<vmem>>
      %dma_wait3A_1924 = arith.constant 0 : i32
      %dma_wait3A_1925 = tpu.memref_slice %arg6[%dma_wait3A_1918, %dma_wait3A_1924] : memref<16x64xi32, #tpu.memory_space<vmem>> -> memref<1x64xi32, #tpu.memory_space<vmem>>
      %dma_wait3A_1926 = tpu.memref_squeeze %dma_wait3A_1925 : memref<1x64xi32, #tpu.memory_space<vmem>> -> memref<64xi32, #tpu.memory_space<vmem>>
      %dma_wait3A_1927 = arith.constant 0 : i32
      %dma_wait3A_1928 = arith.constant 0 : i32
      %dma_wait3A_1929 = tpu.memref_slice %arg2[%dma_wait3A_1927, %dma_wait3A_1928] : memref<10000x128xf32, #tpu.memory_space<hbm>> -> memref<10000x128xf32, #tpu.memory_space<hbm>>
      tpu.wait_indirect_dma semaphore(%arg13 : memref<!tpu.dma_semaphore, #tpu.memory_space<semaphore_mem>>) src(%dma_wait3A_1929 : memref<10000x128xf32, #tpu.memory_space<hbm>>) dst(%dma_wait3A_1923 : memref<64x128xf32, #tpu.memory_space<vmem>>)
      %dma_start3A_1930 = arith.constant 2 : i32
      %dma_start3A_1931 = arith.constant 2 : i32
      %dma_start3A_1932 = arith.constant 0 : i32
      %dma_start3A_1933 = arith.constant 0 : i32
      %dma_start3A_1934 = tpu.memref_slice %arg8[%dma_start3A_1930, %dma_start3A_1932, %dma_start3A_1933] : memref<4x64x128xf32, #tpu.memory_space<vmem>> -> memref<1x64x128xf32, #tpu.memory_space<vmem>>
      %dma_start3A_1935 = tpu.memref_squeeze %dma_start3A_1934 : memref<1x64x128xf32, #tpu.memory_space<vmem>> -> memref<64x128xf32, #tpu.memory_space<vmem>>
      %dma_start3A_1936 = arith.constant 0 : i32
      %dma_start3A_1937 = tpu.memref_slice %arg7[%dma_start3A_1931, %dma_start3A_1936] : memref<16x64xi32, #tpu.memory_space<vmem>> -> memref<1x64xi32, #tpu.memory_space<vmem>>
      %dma_start3A_1938 = tpu.memref_squeeze %dma_start3A_1937 : memref<1x64xi32, #tpu.memory_space<vmem>> -> memref<64xi32, #tpu.memory_space<vmem>>
      %dma_start3A_1939 = arith.constant 0 : i32
      %dma_start3A_1940 = arith.constant 0 : i32
      %dma_start3A_1941 = tpu.memref_slice %arg10[%dma_start3A_1939, %dma_start3A_1940] : memref<10240x128xf32, #tpu.memory_space<vmem_shared>> -> memref<10240x128xf32, #tpu.memory_space<vmem_shared>>
      tpu.enqueue_indirect_dma source(%dma_start3A_1935 : memref<64x128xf32, #tpu.memory_space<vmem>>) target(%dma_start3A_1941 : memref<10240x128xf32, #tpu.memory_space<vmem_shared>>) offsets(%dma_start3A_1938 : memref<64xi32, #tpu.memory_space<vmem>>) semaphore(%arg17 : memref<!tpu.dma_semaphore, #tpu.memory_space<semaphore_mem>>) {add = true}
      %dma_wait3A_1942 = arith.constant 2 : i32
      %dma_wait3A_1943 = arith.constant 2 : i32
      %dma_wait3A_1944 = arith.constant 0 : i32
      %dma_wait3A_1945 = arith.constant 0 : i32
      %dma_wait3A_1946 = tpu.memref_slice %arg8[%dma_wait3A_1942, %dma_wait3A_1944, %dma_wait3A_1945] : memref<4x64x128xf32, #tpu.memory_space<vmem>> -> memref<1x64x128xf32, #tpu.memory_space<vmem>>
      %dma_wait3A_1947 = tpu.memref_squeeze %dma_wait3A_1946 : memref<1x64x128xf32, #tpu.memory_space<vmem>> -> memref<64x128xf32, #tpu.memory_space<vmem>>
      %dma_wait3A_1948 = arith.constant 0 : i32
      %dma_wait3A_1949 = tpu.memref_slice %arg7[%dma_wait3A_1943, %dma_wait3A_1948] : memref<16x64xi32, #tpu.memory_space<vmem>> -> memref<1x64xi32, #tpu.memory_space<vmem>>
      %dma_wait3A_1950 = tpu.memref_squeeze %dma_wait3A_1949 : memref<1x64xi32, #tpu.memory_space<vmem>> -> memref<64xi32, #tpu.memory_space<vmem>>
      %dma_wait3A_1951 = arith.constant 0 : i32
      %dma_wait3A_1952 = arith.constant 0 : i32
      %dma_wait3A_1953 = tpu.memref_slice %arg10[%dma_wait3A_1951, %dma_wait3A_1952] : memref<10240x128xf32, #tpu.memory_space<vmem_shared>> -> memref<10240x128xf32, #tpu.memory_space<vmem_shared>>
      tpu.wait_indirect_dma semaphore(%arg17 : memref<!tpu.dma_semaphore, #tpu.memory_space<semaphore_mem>>) src(%dma_wait3A_1947 : memref<64x128xf32, #tpu.memory_space<vmem>>) dst(%dma_wait3A_1953 : memref<10240x128xf32, #tpu.memory_space<vmem_shared>>)
      %dma_start3A_1954 = arith.constant 6 : i32
      %dma_start3A_1955 = arith.constant 2 : i32
      %dma_start3A_1956 = arith.constant 0 : i32
      %dma_start3A_1957 = arith.constant 0 : i32
      %dma_start3A_1958 = tpu.memref_slice %arg8[%dma_start3A_1955, %dma_start3A_1956, %dma_start3A_1957] : memref<4x64x128xf32, #tpu.memory_space<vmem>> -> memref<1x64x128xf32, #tpu.memory_space<vmem>>
      %dma_start3A_1959 = tpu.memref_squeeze %dma_start3A_1958 : memref<1x64x128xf32, #tpu.memory_space<vmem>> -> memref<64x128xf32, #tpu.memory_space<vmem>>
      %dma_start3A_1960 = arith.constant 0 : i32
      %dma_start3A_1961 = tpu.memref_slice %arg6[%dma_start3A_1954, %dma_start3A_1960] : memref<16x64xi32, #tpu.memory_space<vmem>> -> memref<1x64xi32, #tpu.memory_space<vmem>>
      %dma_start3A_1962 = tpu.memref_squeeze %dma_start3A_1961 : memref<1x64xi32, #tpu.memory_space<vmem>> -> memref<64xi32, #tpu.memory_space<vmem>>
      %dma_start3A_1963 = arith.constant 0 : i32
      %dma_start3A_1964 = arith.constant 0 : i32
      %dma_start3A_1965 = tpu.memref_slice %arg2[%dma_start3A_1963, %dma_start3A_1964] : memref<10000x128xf32, #tpu.memory_space<hbm>> -> memref<10000x128xf32, #tpu.memory_space<hbm>>
      tpu.enqueue_indirect_dma source(%dma_start3A_1965 : memref<10000x128xf32, #tpu.memory_space<hbm>>) target(%dma_start3A_1959 : memref<64x128xf32, #tpu.memory_space<vmem>>) offsets(%dma_start3A_1962 : memref<64xi32, #tpu.memory_space<vmem>>) semaphore(%arg13 : memref<!tpu.dma_semaphore, #tpu.memory_space<semaphore_mem>>)
      %dma_wait3A_1966 = arith.constant 3 : i32
      %dma_wait3A_1967 = arith.constant 3 : i32
      %dma_wait3A_1968 = arith.constant 0 : i32
      %dma_wait3A_1969 = arith.constant 0 : i32
      %dma_wait3A_1970 = tpu.memref_slice %arg8[%dma_wait3A_1967, %dma_wait3A_1968, %dma_wait3A_1969] : memref<4x64x128xf32, #tpu.memory_space<vmem>> -> memref<1x64x128xf32, #tpu.memory_space<vmem>>
      %dma_wait3A_1971 = tpu.memref_squeeze %dma_wait3A_1970 : memref<1x64x128xf32, #tpu.memory_space<vmem>> -> memref<64x128xf32, #tpu.memory_space<vmem>>
      %dma_wait3A_1972 = arith.constant 0 : i32
      %dma_wait3A_1973 = tpu.memref_slice %arg6[%dma_wait3A_1966, %dma_wait3A_1972] : memref<16x64xi32, #tpu.memory_space<vmem>> -> memref<1x64xi32, #tpu.memory_space<vmem>>
      %dma_wait3A_1974 = tpu.memref_squeeze %dma_wait3A_1973 : memref<1x64xi32, #tpu.memory_space<vmem>> -> memref<64xi32, #tpu.memory_space<vmem>>
      %dma_wait3A_1975 = arith.constant 0 : i32
      %dma_wait3A_1976 = arith.constant 0 : i32
      %dma_wait3A_1977 = tpu.memref_slice %arg2[%dma_wait3A_1975, %dma_wait3A_1976] : memref<10000x128xf32, #tpu.memory_space<hbm>> -> memref<10000x128xf32, #tpu.memory_space<hbm>>
      tpu.wait_indirect_dma semaphore(%arg14 : memref<!tpu.dma_semaphore, #tpu.memory_space<semaphore_mem>>) src(%dma_wait3A_1977 : memref<10000x128xf32, #tpu.memory_space<hbm>>) dst(%dma_wait3A_1971 : memref<64x128xf32, #tpu.memory_space<vmem>>)
      %dma_start3A_1978 = arith.constant 3 : i32
      %dma_start3A_1979 = arith.constant 3 : i32
      %dma_start3A_1980 = arith.constant 0 : i32
      %dma_start3A_1981 = arith.constant 0 : i32
      %dma_start3A_1982 = tpu.memref_slice %arg8[%dma_start3A_1978, %dma_start3A_1980, %dma_start3A_1981] : memref<4x64x128xf32, #tpu.memory_space<vmem>> -> memref<1x64x128xf32, #tpu.memory_space<vmem>>
      %dma_start3A_1983 = tpu.memref_squeeze %dma_start3A_1982 : memref<1x64x128xf32, #tpu.memory_space<vmem>> -> memref<64x128xf32, #tpu.memory_space<vmem>>
      %dma_start3A_1984 = arith.constant 0 : i32
      %dma_start3A_1985 = tpu.memref_slice %arg7[%dma_start3A_1979, %dma_start3A_1984] : memref<16x64xi32, #tpu.memory_space<vmem>> -> memref<1x64xi32, #tpu.memory_space<vmem>>
      %dma_start3A_1986 = tpu.memref_squeeze %dma_start3A_1985 : memref<1x64xi32, #tpu.memory_space<vmem>> -> memref<64xi32, #tpu.memory_space<vmem>>
      %dma_start3A_1987 = arith.constant 0 : i32
      %dma_start3A_1988 = arith.constant 0 : i32
      %dma_start3A_1989 = tpu.memref_slice %arg10[%dma_start3A_1987, %dma_start3A_1988] : memref<10240x128xf32, #tpu.memory_space<vmem_shared>> -> memref<10240x128xf32, #tpu.memory_space<vmem_shared>>
      tpu.enqueue_indirect_dma source(%dma_start3A_1983 : memref<64x128xf32, #tpu.memory_space<vmem>>) target(%dma_start3A_1989 : memref<10240x128xf32, #tpu.memory_space<vmem_shared>>) offsets(%dma_start3A_1986 : memref<64xi32, #tpu.memory_space<vmem>>) semaphore(%arg18 : memref<!tpu.dma_semaphore, #tpu.memory_space<semaphore_mem>>) {add = true}
      %dma_wait3A_1990 = arith.constant 3 : i32
      %dma_wait3A_1991 = arith.constant 3 : i32
      %dma_wait3A_1992 = arith.constant 0 : i32
      %dma_wait3A_1993 = arith.constant 0 : i32
      %dma_wait3A_1994 = tpu.memref_slice %arg8[%dma_wait3A_1990, %dma_wait3A_1992, %dma_wait3A_1993] : memref<4x64x128xf32, #tpu.memory_space<vmem>> -> memref<1x64x128xf32, #tpu.memory_space<vmem>>
      %dma_wait3A_1995 = tpu.memref_squeeze %dma_wait3A_1994 : memref<1x64x128xf32, #tpu.memory_space<vmem>> -> memref<64x128xf32, #tpu.memory_space<vmem>>
      %dma_wait3A_1996 = arith.constant 0 : i32
      %dma_wait3A_1997 = tpu.memref_slice %arg7[%dma_wait3A_1991, %dma_wait3A_1996] : memref<16x64xi32, #tpu.memory_space<vmem>> -> memref<1x64xi32, #tpu.memory_space<vmem>>
      %dma_wait3A_1998 = tpu.memref_squeeze %dma_wait3A_1997 : memref<1x64xi32, #tpu.memory_space<vmem>> -> memref<64xi32, #tpu.memory_space<vmem>>
      %dma_wait3A_1999 = arith.constant 0 : i32
      %dma_wait3A_2000 = arith.constant 0 : i32
      %dma_wait3A_2001 = tpu.memref_slice %arg10[%dma_wait3A_1999, %dma_wait3A_2000] : memref<10240x128xf32, #tpu.memory_space<vmem_shared>> -> memref<10240x128xf32, #tpu.memory_space<vmem_shared>>
      tpu.wait_indirect_dma semaphore(%arg18 : memref<!tpu.dma_semaphore, #tpu.memory_space<semaphore_mem>>) src(%dma_wait3A_1995 : memref<64x128xf32, #tpu.memory_space<vmem>>) dst(%dma_wait3A_2001 : memref<10240x128xf32, #tpu.memory_space<vmem_shared>>)
      %dma_start3A_2002 = arith.constant 7 : i32
      %dma_start3A_2003 = arith.constant 3 : i32
      %dma_start3A_2004 = arith.constant 0 : i32
      %dma_start3A_2005 = arith.constant 0 : i32
      %dma_start3A_2006 = tpu.memref_slice %arg8[%dma_start3A_2003, %dma_start3A_2004, %dma_start3A_2005] : memref<4x64x128xf32, #tpu.memory_space<vmem>> -> memref<1x64x128xf32, #tpu.memory_space<vmem>>
      %dma_start3A_2007 = tpu.memref_squeeze %dma_start3A_2006 : memref<1x64x128xf32, #tpu.memory_space<vmem>> -> memref<64x128xf32, #tpu.memory_space<vmem>>
      %dma_start3A_2008 = arith.constant 0 : i32
      %dma_start3A_2009 = tpu.memref_slice %arg6[%dma_start3A_2002, %dma_start3A_2008] : memref<16x64xi32, #tpu.memory_space<vmem>> -> memref<1x64xi32, #tpu.memory_space<vmem>>
      %dma_start3A_2010 = tpu.memref_squeeze %dma_start3A_2009 : memref<1x64xi32, #tpu.memory_space<vmem>> -> memref<64xi32, #tpu.memory_space<vmem>>
      %dma_start3A_2011 = arith.constant 0 : i32
      %dma_start3A_2012 = arith.constant 0 : i32
      %dma_start3A_2013 = tpu.memref_slice %arg2[%dma_start3A_2011, %dma_start3A_2012] : memref<10000x128xf32, #tpu.memory_space<hbm>> -> memref<10000x128xf32, #tpu.memory_space<hbm>>
      tpu.enqueue_indirect_dma source(%dma_start3A_2013 : memref<10000x128xf32, #tpu.memory_space<hbm>>) target(%dma_start3A_2007 : memref<64x128xf32, #tpu.memory_space<vmem>>) offsets(%dma_start3A_2010 : memref<64xi32, #tpu.memory_space<vmem>>) semaphore(%arg14 : memref<!tpu.dma_semaphore, #tpu.memory_space<semaphore_mem>>)
      %dma_wait3A_2014 = arith.constant 4 : i32
      %dma_wait3A_2015 = arith.constant 0 : i32
      %dma_wait3A_2016 = arith.constant 0 : i32
      %dma_wait3A_2017 = arith.constant 0 : i32
      %dma_wait3A_2018 = tpu.memref_slice %arg8[%dma_wait3A_2015, %dma_wait3A_2016, %dma_wait3A_2017] : memref<4x64x128xf32, #tpu.memory_space<vmem>> -> memref<1x64x128xf32, #tpu.memory_space<vmem>>
      %dma_wait3A_2019 = tpu.memref_squeeze %dma_wait3A_2018 : memref<1x64x128xf32, #tpu.memory_space<vmem>> -> memref<64x128xf32, #tpu.memory_space<vmem>>
      %dma_wait3A_2020 = arith.constant 0 : i32
      %dma_wait3A_2021 = tpu.memref_slice %arg6[%dma_wait3A_2014, %dma_wait3A_2020] : memref<16x64xi32, #tpu.memory_space<vmem>> -> memref<1x64xi32, #tpu.memory_space<vmem>>
      %dma_wait3A_2022 = tpu.memref_squeeze %dma_wait3A_2021 : memref<1x64xi32, #tpu.memory_space<vmem>> -> memref<64xi32, #tpu.memory_space<vmem>>
      %dma_wait3A_2023 = arith.constant 0 : i32
      %dma_wait3A_2024 = arith.constant 0 : i32
      %dma_wait3A_2025 = tpu.memref_slice %arg2[%dma_wait3A_2023, %dma_wait3A_2024] : memref<10000x128xf32, #tpu.memory_space<hbm>> -> memref<10000x128xf32, #tpu.memory_space<hbm>>
      tpu.wait_indirect_dma semaphore(%arg11 : memref<!tpu.dma_semaphore, #tpu.memory_space<semaphore_mem>>) src(%dma_wait3A_2025 : memref<10000x128xf32, #tpu.memory_space<hbm>>) dst(%dma_wait3A_2019 : memref<64x128xf32, #tpu.memory_space<vmem>>)
      %dma_start3A_2026 = arith.constant 0 : i32
      %dma_start3A_2027 = arith.constant 4 : i32
      %dma_start3A_2028 = arith.constant 0 : i32
      %dma_start3A_2029 = arith.constant 0 : i32
      %dma_start3A_2030 = tpu.memref_slice %arg8[%dma_start3A_2026, %dma_start3A_2028, %dma_start3A_2029] : memref<4x64x128xf32, #tpu.memory_space<vmem>> -> memref<1x64x128xf32, #tpu.memory_space<vmem>>
      %dma_start3A_2031 = tpu.memref_squeeze %dma_start3A_2030 : memref<1x64x128xf32, #tpu.memory_space<vmem>> -> memref<64x128xf32, #tpu.memory_space<vmem>>
      %dma_start3A_2032 = arith.constant 0 : i32
      %dma_start3A_2033 = tpu.memref_slice %arg7[%dma_start3A_2027, %dma_start3A_2032] : memref<16x64xi32, #tpu.memory_space<vmem>> -> memref<1x64xi32, #tpu.memory_space<vmem>>
      %dma_start3A_2034 = tpu.memref_squeeze %dma_start3A_2033 : memref<1x64xi32, #tpu.memory_space<vmem>> -> memref<64xi32, #tpu.memory_space<vmem>>
      %dma_start3A_2035 = arith.constant 0 : i32
      %dma_start3A_2036 = arith.constant 0 : i32
      %dma_start3A_2037 = tpu.memref_slice %arg10[%dma_start3A_2035, %dma_start3A_2036] : memref<10240x128xf32, #tpu.memory_space<vmem_shared>> -> memref<10240x128xf32, #tpu.memory_space<vmem_shared>>
      tpu.enqueue_indirect_dma source(%dma_start3A_2031 : memref<64x128xf32, #tpu.memory_space<vmem>>) target(%dma_start3A_2037 : memref<10240x128xf32, #tpu.memory_space<vmem_shared>>) offsets(%dma_start3A_2034 : memref<64xi32, #tpu.memory_space<vmem>>) semaphore(%arg15 : memref<!tpu.dma_semaphore, #tpu.memory_space<semaphore_mem>>) {add = true}
      %dma_wait3A_2038 = arith.constant 0 : i32
      %dma_wait3A_2039 = arith.constant 4 : i32
      %dma_wait3A_2040 = arith.constant 0 : i32
      %dma_wait3A_2041 = arith.constant 0 : i32
      %dma_wait3A_2042 = tpu.memref_slice %arg8[%dma_wait3A_2038, %dma_wait3A_2040, %dma_wait3A_2041] : memref<4x64x128xf32, #tpu.memory_space<vmem>> -> memref<1x64x128xf32, #tpu.memory_space<vmem>>
      %dma_wait3A_2043 = tpu.memref_squeeze %dma_wait3A_2042 : memref<1x64x128xf32, #tpu.memory_space<vmem>> -> memref<64x128xf32, #tpu.memory_space<vmem>>
      %dma_wait3A_2044 = arith.constant 0 : i32
      %dma_wait3A_2045 = tpu.memref_slice %arg7[%dma_wait3A_2039, %dma_wait3A_2044] : memref<16x64xi32, #tpu.memory_space<vmem>> -> memref<1x64xi32, #tpu.memory_space<vmem>>
      %dma_wait3A_2046 = tpu.memref_squeeze %dma_wait3A_2045 : memref<1x64xi32, #tpu.memory_space<vmem>> -> memref<64xi32, #tpu.memory_space<vmem>>
      %dma_wait3A_2047 = arith.constant 0 : i32
      %dma_wait3A_2048 = arith.constant 0 : i32
      %dma_wait3A_2049 = tpu.memref_slice %arg10[%dma_wait3A_2047, %dma_wait3A_2048] : memref<10240x128xf32, #tpu.memory_space<vmem_shared>> -> memref<10240x128xf32, #tpu.memory_space<vmem_shared>>
      tpu.wait_indirect_dma semaphore(%arg15 : memref<!tpu.dma_semaphore, #tpu.memory_space<semaphore_mem>>) src(%dma_wait3A_2043 : memref<64x128xf32, #tpu.memory_space<vmem>>) dst(%dma_wait3A_2049 : memref<10240x128xf32, #tpu.memory_space<vmem_shared>>)
      %dma_start3A_2050 = arith.constant 8 : i32
      %dma_start3A_2051 = arith.constant 0 : i32
      %dma_start3A_2052 = arith.constant 0 : i32
      %dma_start3A_2053 = arith.constant 0 : i32
      %dma_start3A_2054 = tpu.memref_slice %arg8[%dma_start3A_2051, %dma_start3A_2052, %dma_start3A_2053] : memref<4x64x128xf32, #tpu.memory_space<vmem>> -> memref<1x64x128xf32, #tpu.memory_space<vmem>>
      %dma_start3A_2055 = tpu.memref_squeeze %dma_start3A_2054 : memref<1x64x128xf32, #tpu.memory_space<vmem>> -> memref<64x128xf32, #tpu.memory_space<vmem>>
      %dma_start3A_2056 = arith.constant 0 : i32
      %dma_start3A_2057 = tpu.memref_slice %arg6[%dma_start3A_2050, %dma_start3A_2056] : memref<16x64xi32, #tpu.memory_space<vmem>> -> memref<1x64xi32, #tpu.memory_space<vmem>>
      %dma_start3A_2058 = tpu.memref_squeeze %dma_start3A_2057 : memref<1x64xi32, #tpu.memory_space<vmem>> -> memref<64xi32, #tpu.memory_space<vmem>>
      %dma_start3A_2059 = arith.constant 0 : i32
      %dma_start3A_2060 = arith.constant 0 : i32
      %dma_start3A_2061 = tpu.memref_slice %arg2[%dma_start3A_2059, %dma_start3A_2060] : memref<10000x128xf32, #tpu.memory_space<hbm>> -> memref<10000x128xf32, #tpu.memory_space<hbm>>
      tpu.enqueue_indirect_dma source(%dma_start3A_2061 : memref<10000x128xf32, #tpu.memory_space<hbm>>) target(%dma_start3A_2055 : memref<64x128xf32, #tpu.memory_space<vmem>>) offsets(%dma_start3A_2058 : memref<64xi32, #tpu.memory_space<vmem>>) semaphore(%arg11 : memref<!tpu.dma_semaphore, #tpu.memory_space<semaphore_mem>>)
      %dma_wait3A_2062 = arith.constant 5 : i32
      %dma_wait3A_2063 = arith.constant 1 : i32
      %dma_wait3A_2064 = arith.constant 0 : i32
      %dma_wait3A_2065 = arith.constant 0 : i32
      %dma_wait3A_2066 = tpu.memref_slice %arg8[%dma_wait3A_2063, %dma_wait3A_2064, %dma_wait3A_2065] : memref<4x64x128xf32, #tpu.memory_space<vmem>> -> memref<1x64x128xf32, #tpu.memory_space<vmem>>
      %dma_wait3A_2067 = tpu.memref_squeeze %dma_wait3A_2066 : memref<1x64x128xf32, #tpu.memory_space<vmem>> -> memref<64x128xf32, #tpu.memory_space<vmem>>
      %dma_wait3A_2068 = arith.constant 0 : i32
      %dma_wait3A_2069 = tpu.memref_slice %arg6[%dma_wait3A_2062, %dma_wait3A_2068] : memref<16x64xi32, #tpu.memory_space<vmem>> -> memref<1x64xi32, #tpu.memory_space<vmem>>
      %dma_wait3A_2070 = tpu.memref_squeeze %dma_wait3A_2069 : memref<1x64xi32, #tpu.memory_space<vmem>> -> memref<64xi32, #tpu.memory_space<vmem>>
      %dma_wait3A_2071 = arith.constant 0 : i32
      %dma_wait3A_2072 = arith.constant 0 : i32
      %dma_wait3A_2073 = tpu.memref_slice %arg2[%dma_wait3A_2071, %dma_wait3A_2072] : memref<10000x128xf32, #tpu.memory_space<hbm>> -> memref<10000x128xf32, #tpu.memory_space<hbm>>
      tpu.wait_indirect_dma semaphore(%arg12 : memref<!tpu.dma_semaphore, #tpu.memory_space<semaphore_mem>>) src(%dma_wait3A_2073 : memref<10000x128xf32, #tpu.memory_space<hbm>>) dst(%dma_wait3A_2067 : memref<64x128xf32, #tpu.memory_space<vmem>>)
      %dma_start3A_2074 = arith.constant 1 : i32
      %dma_start3A_2075 = arith.constant 5 : i32
      %dma_start3A_2076 = arith.constant 0 : i32
      %dma_start3A_2077 = arith.constant 0 : i32
      %dma_start3A_2078 = tpu.memref_slice %arg8[%dma_start3A_2074, %dma_start3A_2076, %dma_start3A_2077] : memref<4x64x128xf32, #tpu.memory_space<vmem>> -> memref<1x64x128xf32, #tpu.memory_space<vmem>>
      %dma_start3A_2079 = tpu.memref_squeeze %dma_start3A_2078 : memref<1x64x128xf32, #tpu.memory_space<vmem>> -> memref<64x128xf32, #tpu.memory_space<vmem>>
      %dma_start3A_2080 = arith.constant 0 : i32
      %dma_start3A_2081 = tpu.memref_slice %arg7[%dma_start3A_2075, %dma_start3A_2080] : memref<16x64xi32, #tpu.memory_space<vmem>> -> memref<1x64xi32, #tpu.memory_space<vmem>>
      %dma_start3A_2082 = tpu.memref_squeeze %dma_start3A_2081 : memref<1x64xi32, #tpu.memory_space<vmem>> -> memref<64xi32, #tpu.memory_space<vmem>>
      %dma_start3A_2083 = arith.constant 0 : i32
      %dma_start3A_2084 = arith.constant 0 : i32
      %dma_start3A_2085 = tpu.memref_slice %arg10[%dma_start3A_2083, %dma_start3A_2084] : memref<10240x128xf32, #tpu.memory_space<vmem_shared>> -> memref<10240x128xf32, #tpu.memory_space<vmem_shared>>
      tpu.enqueue_indirect_dma source(%dma_start3A_2079 : memref<64x128xf32, #tpu.memory_space<vmem>>) target(%dma_start3A_2085 : memref<10240x128xf32, #tpu.memory_space<vmem_shared>>) offsets(%dma_start3A_2082 : memref<64xi32, #tpu.memory_space<vmem>>) semaphore(%arg16 : memref<!tpu.dma_semaphore, #tpu.memory_space<semaphore_mem>>) {add = true}
      %dma_wait3A_2086 = arith.constant 1 : i32
      %dma_wait3A_2087 = arith.constant 5 : i32
      %dma_wait3A_2088 = arith.constant 0 : i32
      %dma_wait3A_2089 = arith.constant 0 : i32
      %dma_wait3A_2090 = tpu.memref_slice %arg8[%dma_wait3A_2086, %dma_wait3A_2088, %dma_wait3A_2089] : memref<4x64x128xf32, #tpu.memory_space<vmem>> -> memref<1x64x128xf32, #tpu.memory_space<vmem>>
      %dma_wait3A_2091 = tpu.memref_squeeze %dma_wait3A_2090 : memref<1x64x128xf32, #tpu.memory_space<vmem>> -> memref<64x128xf32, #tpu.memory_space<vmem>>
      %dma_wait3A_2092 = arith.constant 0 : i32
      %dma_wait3A_2093 = tpu.memref_slice %arg7[%dma_wait3A_2087, %dma_wait3A_2092] : memref<16x64xi32, #tpu.memory_space<vmem>> -> memref<1x64xi32, #tpu.memory_space<vmem>>
      %dma_wait3A_2094 = tpu.memref_squeeze %dma_wait3A_2093 : memref<1x64xi32, #tpu.memory_space<vmem>> -> memref<64xi32, #tpu.memory_space<vmem>>
      %dma_wait3A_2095 = arith.constant 0 : i32
      %dma_wait3A_2096 = arith.constant 0 : i32
      %dma_wait3A_2097 = tpu.memref_slice %arg10[%dma_wait3A_2095, %dma_wait3A_2096] : memref<10240x128xf32, #tpu.memory_space<vmem_shared>> -> memref<10240x128xf32, #tpu.memory_space<vmem_shared>>
      tpu.wait_indirect_dma semaphore(%arg16 : memref<!tpu.dma_semaphore, #tpu.memory_space<semaphore_mem>>) src(%dma_wait3A_2091 : memref<64x128xf32, #tpu.memory_space<vmem>>) dst(%dma_wait3A_2097 : memref<10240x128xf32, #tpu.memory_space<vmem_shared>>)
      %dma_start3A_2098 = arith.constant 9 : i32
      %dma_start3A_2099 = arith.constant 1 : i32
      %dma_start3A_2100 = arith.constant 0 : i32
      %dma_start3A_2101 = arith.constant 0 : i32
      %dma_start3A_2102 = tpu.memref_slice %arg8[%dma_start3A_2099, %dma_start3A_2100, %dma_start3A_2101] : memref<4x64x128xf32, #tpu.memory_space<vmem>> -> memref<1x64x128xf32, #tpu.memory_space<vmem>>
      %dma_start3A_2103 = tpu.memref_squeeze %dma_start3A_2102 : memref<1x64x128xf32, #tpu.memory_space<vmem>> -> memref<64x128xf32, #tpu.memory_space<vmem>>
      %dma_start3A_2104 = arith.constant 0 : i32
      %dma_start3A_2105 = tpu.memref_slice %arg6[%dma_start3A_2098, %dma_start3A_2104] : memref<16x64xi32, #tpu.memory_space<vmem>> -> memref<1x64xi32, #tpu.memory_space<vmem>>
      %dma_start3A_2106 = tpu.memref_squeeze %dma_start3A_2105 : memref<1x64xi32, #tpu.memory_space<vmem>> -> memref<64xi32, #tpu.memory_space<vmem>>
      %dma_start3A_2107 = arith.constant 0 : i32
      %dma_start3A_2108 = arith.constant 0 : i32
      %dma_start3A_2109 = tpu.memref_slice %arg2[%dma_start3A_2107, %dma_start3A_2108] : memref<10000x128xf32, #tpu.memory_space<hbm>> -> memref<10000x128xf32, #tpu.memory_space<hbm>>
      tpu.enqueue_indirect_dma source(%dma_start3A_2109 : memref<10000x128xf32, #tpu.memory_space<hbm>>) target(%dma_start3A_2103 : memref<64x128xf32, #tpu.memory_space<vmem>>) offsets(%dma_start3A_2106 : memref<64xi32, #tpu.memory_space<vmem>>) semaphore(%arg12 : memref<!tpu.dma_semaphore, #tpu.memory_space<semaphore_mem>>)
      %dma_wait3A_2110 = arith.constant 6 : i32
      %dma_wait3A_2111 = arith.constant 2 : i32
      %dma_wait3A_2112 = arith.constant 0 : i32
      %dma_wait3A_2113 = arith.constant 0 : i32
      %dma_wait3A_2114 = tpu.memref_slice %arg8[%dma_wait3A_2111, %dma_wait3A_2112, %dma_wait3A_2113] : memref<4x64x128xf32, #tpu.memory_space<vmem>> -> memref<1x64x128xf32, #tpu.memory_space<vmem>>
      %dma_wait3A_2115 = tpu.memref_squeeze %dma_wait3A_2114 : memref<1x64x128xf32, #tpu.memory_space<vmem>> -> memref<64x128xf32, #tpu.memory_space<vmem>>
      %dma_wait3A_2116 = arith.constant 0 : i32
      %dma_wait3A_2117 = tpu.memref_slice %arg6[%dma_wait3A_2110, %dma_wait3A_2116] : memref<16x64xi32, #tpu.memory_space<vmem>> -> memref<1x64xi32, #tpu.memory_space<vmem>>
      %dma_wait3A_2118 = tpu.memref_squeeze %dma_wait3A_2117 : memref<1x64xi32, #tpu.memory_space<vmem>> -> memref<64xi32, #tpu.memory_space<vmem>>
      %dma_wait3A_2119 = arith.constant 0 : i32
      %dma_wait3A_2120 = arith.constant 0 : i32
      %dma_wait3A_2121 = tpu.memref_slice %arg2[%dma_wait3A_2119, %dma_wait3A_2120] : memref<10000x128xf32, #tpu.memory_space<hbm>> -> memref<10000x128xf32, #tpu.memory_space<hbm>>
      tpu.wait_indirect_dma semaphore(%arg13 : memref<!tpu.dma_semaphore, #tpu.memory_space<semaphore_mem>>) src(%dma_wait3A_2121 : memref<10000x128xf32, #tpu.memory_space<hbm>>) dst(%dma_wait3A_2115 : memref<64x128xf32, #tpu.memory_space<vmem>>)
      %dma_start3A_2122 = arith.constant 2 : i32
      %dma_start3A_2123 = arith.constant 6 : i32
      %dma_start3A_2124 = arith.constant 0 : i32
      %dma_start3A_2125 = arith.constant 0 : i32
      %dma_start3A_2126 = tpu.memref_slice %arg8[%dma_start3A_2122, %dma_start3A_2124, %dma_start3A_2125] : memref<4x64x128xf32, #tpu.memory_space<vmem>> -> memref<1x64x128xf32, #tpu.memory_space<vmem>>
      %dma_start3A_2127 = tpu.memref_squeeze %dma_start3A_2126 : memref<1x64x128xf32, #tpu.memory_space<vmem>> -> memref<64x128xf32, #tpu.memory_space<vmem>>
      %dma_start3A_2128 = arith.constant 0 : i32
      %dma_start3A_2129 = tpu.memref_slice %arg7[%dma_start3A_2123, %dma_start3A_2128] : memref<16x64xi32, #tpu.memory_space<vmem>> -> memref<1x64xi32, #tpu.memory_space<vmem>>
      %dma_start3A_2130 = tpu.memref_squeeze %dma_start3A_2129 : memref<1x64xi32, #tpu.memory_space<vmem>> -> memref<64xi32, #tpu.memory_space<vmem>>
      %dma_start3A_2131 = arith.constant 0 : i32
      %dma_start3A_2132 = arith.constant 0 : i32
      %dma_start3A_2133 = tpu.memref_slice %arg10[%dma_start3A_2131, %dma_start3A_2132] : memref<10240x128xf32, #tpu.memory_space<vmem_shared>> -> memref<10240x128xf32, #tpu.memory_space<vmem_shared>>
      tpu.enqueue_indirect_dma source(%dma_start3A_2127 : memref<64x128xf32, #tpu.memory_space<vmem>>) target(%dma_start3A_2133 : memref<10240x128xf32, #tpu.memory_space<vmem_shared>>) offsets(%dma_start3A_2130 : memref<64xi32, #tpu.memory_space<vmem>>) semaphore(%arg17 : memref<!tpu.dma_semaphore, #tpu.memory_space<semaphore_mem>>) {add = true}
      %dma_wait3A_2134 = arith.constant 2 : i32
      %dma_wait3A_2135 = arith.constant 6 : i32
      %dma_wait3A_2136 = arith.constant 0 : i32
      %dma_wait3A_2137 = arith.constant 0 : i32
      %dma_wait3A_2138 = tpu.memref_slice %arg8[%dma_wait3A_2134, %dma_wait3A_2136, %dma_wait3A_2137] : memref<4x64x128xf32, #tpu.memory_space<vmem>> -> memref<1x64x128xf32, #tpu.memory_space<vmem>>
      %dma_wait3A_2139 = tpu.memref_squeeze %dma_wait3A_2138 : memref<1x64x128xf32, #tpu.memory_space<vmem>> -> memref<64x128xf32, #tpu.memory_space<vmem>>
      %dma_wait3A_2140 = arith.constant 0 : i32
      %dma_wait3A_2141 = tpu.memref_slice %arg7[%dma_wait3A_2135, %dma_wait3A_2140] : memref<16x64xi32, #tpu.memory_space<vmem>> -> memref<1x64xi32, #tpu.memory_space<vmem>>
      %dma_wait3A_2142 = tpu.memref_squeeze %dma_wait3A_2141 : memref<1x64xi32, #tpu.memory_space<vmem>> -> memref<64xi32, #tpu.memory_space<vmem>>
      %dma_wait3A_2143 = arith.constant 0 : i32
      %dma_wait3A_2144 = arith.constant 0 : i32
      %dma_wait3A_2145 = tpu.memref_slice %arg10[%dma_wait3A_2143, %dma_wait3A_2144] : memref<10240x128xf32, #tpu.memory_space<vmem_shared>> -> memref<10240x128xf32, #tpu.memory_space<vmem_shared>>
      tpu.wait_indirect_dma semaphore(%arg17 : memref<!tpu.dma_semaphore, #tpu.memory_space<semaphore_mem>>) src(%dma_wait3A_2139 : memref<64x128xf32, #tpu.memory_space<vmem>>) dst(%dma_wait3A_2145 : memref<10240x128xf32, #tpu.memory_space<vmem_shared>>)
      %dma_start3A_2146 = arith.constant 10 : i32
      %dma_start3A_2147 = arith.constant 2 : i32
      %dma_start3A_2148 = arith.constant 0 : i32
      %dma_start3A_2149 = arith.constant 0 : i32
      %dma_start3A_2150 = tpu.memref_slice %arg8[%dma_start3A_2147, %dma_start3A_2148, %dma_start3A_2149] : memref<4x64x128xf32, #tpu.memory_space<vmem>> -> memref<1x64x128xf32, #tpu.memory_space<vmem>>
      %dma_start3A_2151 = tpu.memref_squeeze %dma_start3A_2150 : memref<1x64x128xf32, #tpu.memory_space<vmem>> -> memref<64x128xf32, #tpu.memory_space<vmem>>
      %dma_start3A_2152 = arith.constant 0 : i32
      %dma_start3A_2153 = tpu.memref_slice %arg6[%dma_start3A_2146, %dma_start3A_2152] : memref<16x64xi32, #tpu.memory_space<vmem>> -> memref<1x64xi32, #tpu.memory_space<vmem>>
      %dma_start3A_2154 = tpu.memref_squeeze %dma_start3A_2153 : memref<1x64xi32, #tpu.memory_space<vmem>> -> memref<64xi32, #tpu.memory_space<vmem>>
      %dma_start3A_2155 = arith.constant 0 : i32
      %dma_start3A_2156 = arith.constant 0 : i32
      %dma_start3A_2157 = tpu.memref_slice %arg2[%dma_start3A_2155, %dma_start3A_2156] : memref<10000x128xf32, #tpu.memory_space<hbm>> -> memref<10000x128xf32, #tpu.memory_space<hbm>>
      tpu.enqueue_indirect_dma source(%dma_start3A_2157 : memref<10000x128xf32, #tpu.memory_space<hbm>>) target(%dma_start3A_2151 : memref<64x128xf32, #tpu.memory_space<vmem>>) offsets(%dma_start3A_2154 : memref<64xi32, #tpu.memory_space<vmem>>) semaphore(%arg13 : memref<!tpu.dma_semaphore, #tpu.memory_space<semaphore_mem>>)
      %dma_wait3A_2158 = arith.constant 7 : i32
      %dma_wait3A_2159 = arith.constant 3 : i32
      %dma_wait3A_2160 = arith.constant 0 : i32
      %dma_wait3A_2161 = arith.constant 0 : i32
      %dma_wait3A_2162 = tpu.memref_slice %arg8[%dma_wait3A_2159, %dma_wait3A_2160, %dma_wait3A_2161] : memref<4x64x128xf32, #tpu.memory_space<vmem>> -> memref<1x64x128xf32, #tpu.memory_space<vmem>>
      %dma_wait3A_2163 = tpu.memref_squeeze %dma_wait3A_2162 : memref<1x64x128xf32, #tpu.memory_space<vmem>> -> memref<64x128xf32, #tpu.memory_space<vmem>>
      %dma_wait3A_2164 = arith.constant 0 : i32
      %dma_wait3A_2165 = tpu.memref_slice %arg6[%dma_wait3A_2158, %dma_wait3A_2164] : memref<16x64xi32, #tpu.memory_space<vmem>> -> memref<1x64xi32, #tpu.memory_space<vmem>>
      %dma_wait3A_2166 = tpu.memref_squeeze %dma_wait3A_2165 : memref<1x64xi32, #tpu.memory_space<vmem>> -> memref<64xi32, #tpu.memory_space<vmem>>
      %dma_wait3A_2167 = arith.constant 0 : i32
      %dma_wait3A_2168 = arith.constant 0 : i32
      %dma_wait3A_2169 = tpu.memref_slice %arg2[%dma_wait3A_2167, %dma_wait3A_2168] : memref<10000x128xf32, #tpu.memory_space<hbm>> -> memref<10000x128xf32, #tpu.memory_space<hbm>>
      tpu.wait_indirect_dma semaphore(%arg14 : memref<!tpu.dma_semaphore, #tpu.memory_space<semaphore_mem>>) src(%dma_wait3A_2169 : memref<10000x128xf32, #tpu.memory_space<hbm>>) dst(%dma_wait3A_2163 : memref<64x128xf32, #tpu.memory_space<vmem>>)
      %dma_start3A_2170 = arith.constant 3 : i32
      %dma_start3A_2171 = arith.constant 7 : i32
      %dma_start3A_2172 = arith.constant 0 : i32
      %dma_start3A_2173 = arith.constant 0 : i32
      %dma_start3A_2174 = tpu.memref_slice %arg8[%dma_start3A_2170, %dma_start3A_2172, %dma_start3A_2173] : memref<4x64x128xf32, #tpu.memory_space<vmem>> -> memref<1x64x128xf32, #tpu.memory_space<vmem>>
      %dma_start3A_2175 = tpu.memref_squeeze %dma_start3A_2174 : memref<1x64x128xf32, #tpu.memory_space<vmem>> -> memref<64x128xf32, #tpu.memory_space<vmem>>
      %dma_start3A_2176 = arith.constant 0 : i32
      %dma_start3A_2177 = tpu.memref_slice %arg7[%dma_start3A_2171, %dma_start3A_2176] : memref<16x64xi32, #tpu.memory_space<vmem>> -> memref<1x64xi32, #tpu.memory_space<vmem>>
      %dma_start3A_2178 = tpu.memref_squeeze %dma_start3A_2177 : memref<1x64xi32, #tpu.memory_space<vmem>> -> memref<64xi32, #tpu.memory_space<vmem>>
      %dma_start3A_2179 = arith.constant 0 : i32
      %dma_start3A_2180 = arith.constant 0 : i32
      %dma_start3A_2181 = tpu.memref_slice %arg10[%dma_start3A_2179, %dma_start3A_2180] : memref<10240x128xf32, #tpu.memory_space<vmem_shared>> -> memref<10240x128xf32, #tpu.memory_space<vmem_shared>>
      tpu.enqueue_indirect_dma source(%dma_start3A_2175 : memref<64x128xf32, #tpu.memory_space<vmem>>) target(%dma_start3A_2181 : memref<10240x128xf32, #tpu.memory_space<vmem_shared>>) offsets(%dma_start3A_2178 : memref<64xi32, #tpu.memory_space<vmem>>) semaphore(%arg18 : memref<!tpu.dma_semaphore, #tpu.memory_space<semaphore_mem>>) {add = true}
      %dma_wait3A_2182 = arith.constant 3 : i32
      %dma_wait3A_2183 = arith.constant 7 : i32
      %dma_wait3A_2184 = arith.constant 0 : i32
      %dma_wait3A_2185 = arith.constant 0 : i32
      %dma_wait3A_2186 = tpu.memref_slice %arg8[%dma_wait3A_2182, %dma_wait3A_2184, %dma_wait3A_2185] : memref<4x64x128xf32, #tpu.memory_space<vmem>> -> memref<1x64x128xf32, #tpu.memory_space<vmem>>
      %dma_wait3A_2187 = tpu.memref_squeeze %dma_wait3A_2186 : memref<1x64x128xf32, #tpu.memory_space<vmem>> -> memref<64x128xf32, #tpu.memory_space<vmem>>
      %dma_wait3A_2188 = arith.constant 0 : i32
      %dma_wait3A_2189 = tpu.memref_slice %arg7[%dma_wait3A_2183, %dma_wait3A_2188] : memref<16x64xi32, #tpu.memory_space<vmem>> -> memref<1x64xi32, #tpu.memory_space<vmem>>
      %dma_wait3A_2190 = tpu.memref_squeeze %dma_wait3A_2189 : memref<1x64xi32, #tpu.memory_space<vmem>> -> memref<64xi32, #tpu.memory_space<vmem>>
      %dma_wait3A_2191 = arith.constant 0 : i32
      %dma_wait3A_2192 = arith.constant 0 : i32
      %dma_wait3A_2193 = tpu.memref_slice %arg10[%dma_wait3A_2191, %dma_wait3A_2192] : memref<10240x128xf32, #tpu.memory_space<vmem_shared>> -> memref<10240x128xf32, #tpu.memory_space<vmem_shared>>
      tpu.wait_indirect_dma semaphore(%arg18 : memref<!tpu.dma_semaphore, #tpu.memory_space<semaphore_mem>>) src(%dma_wait3A_2187 : memref<64x128xf32, #tpu.memory_space<vmem>>) dst(%dma_wait3A_2193 : memref<10240x128xf32, #tpu.memory_space<vmem_shared>>)
      %dma_start3A_2194 = arith.constant 11 : i32
      %dma_start3A_2195 = arith.constant 3 : i32
      %dma_start3A_2196 = arith.constant 0 : i32
      %dma_start3A_2197 = arith.constant 0 : i32
      %dma_start3A_2198 = tpu.memref_slice %arg8[%dma_start3A_2195, %dma_start3A_2196, %dma_start3A_2197] : memref<4x64x128xf32, #tpu.memory_space<vmem>> -> memref<1x64x128xf32, #tpu.memory_space<vmem>>
      %dma_start3A_2199 = tpu.memref_squeeze %dma_start3A_2198 : memref<1x64x128xf32, #tpu.memory_space<vmem>> -> memref<64x128xf32, #tpu.memory_space<vmem>>
      %dma_start3A_2200 = arith.constant 0 : i32
      %dma_start3A_2201 = tpu.memref_slice %arg6[%dma_start3A_2194, %dma_start3A_2200] : memref<16x64xi32, #tpu.memory_space<vmem>> -> memref<1x64xi32, #tpu.memory_space<vmem>>
      %dma_start3A_2202 = tpu.memref_squeeze %dma_start3A_2201 : memref<1x64xi32, #tpu.memory_space<vmem>> -> memref<64xi32, #tpu.memory_space<vmem>>
      %dma_start3A_2203 = arith.constant 0 : i32
      %dma_start3A_2204 = arith.constant 0 : i32
      %dma_start3A_2205 = tpu.memref_slice %arg2[%dma_start3A_2203, %dma_start3A_2204] : memref<10000x128xf32, #tpu.memory_space<hbm>> -> memref<10000x128xf32, #tpu.memory_space<hbm>>
      tpu.enqueue_indirect_dma source(%dma_start3A_2205 : memref<10000x128xf32, #tpu.memory_space<hbm>>) target(%dma_start3A_2199 : memref<64x128xf32, #tpu.memory_space<vmem>>) offsets(%dma_start3A_2202 : memref<64xi32, #tpu.memory_space<vmem>>) semaphore(%arg14 : memref<!tpu.dma_semaphore, #tpu.memory_space<semaphore_mem>>)
      %dma_wait3A_2206 = arith.constant 8 : i32
      %dma_wait3A_2207 = arith.constant 0 : i32
      %dma_wait3A_2208 = arith.constant 0 : i32
      %dma_wait3A_2209 = arith.constant 0 : i32
      %dma_wait3A_2210 = tpu.memref_slice %arg8[%dma_wait3A_2207, %dma_wait3A_2208, %dma_wait3A_2209] : memref<4x64x128xf32, #tpu.memory_space<vmem>> -> memref<1x64x128xf32, #tpu.memory_space<vmem>>
      %dma_wait3A_2211 = tpu.memref_squeeze %dma_wait3A_2210 : memref<1x64x128xf32, #tpu.memory_space<vmem>> -> memref<64x128xf32, #tpu.memory_space<vmem>>
      %dma_wait3A_2212 = arith.constant 0 : i32
      %dma_wait3A_2213 = tpu.memref_slice %arg6[%dma_wait3A_2206, %dma_wait3A_2212] : memref<16x64xi32, #tpu.memory_space<vmem>> -> memref<1x64xi32, #tpu.memory_space<vmem>>
      %dma_wait3A_2214 = tpu.memref_squeeze %dma_wait3A_2213 : memref<1x64xi32, #tpu.memory_space<vmem>> -> memref<64xi32, #tpu.memory_space<vmem>>
      %dma_wait3A_2215 = arith.constant 0 : i32
      %dma_wait3A_2216 = arith.constant 0 : i32
      %dma_wait3A_2217 = tpu.memref_slice %arg2[%dma_wait3A_2215, %dma_wait3A_2216] : memref<10000x128xf32, #tpu.memory_space<hbm>> -> memref<10000x128xf32, #tpu.memory_space<hbm>>
      tpu.wait_indirect_dma semaphore(%arg11 : memref<!tpu.dma_semaphore, #tpu.memory_space<semaphore_mem>>) src(%dma_wait3A_2217 : memref<10000x128xf32, #tpu.memory_space<hbm>>) dst(%dma_wait3A_2211 : memref<64x128xf32, #tpu.memory_space<vmem>>)
      %dma_start3A_2218 = arith.constant 0 : i32
      %dma_start3A_2219 = arith.constant 8 : i32
      %dma_start3A_2220 = arith.constant 0 : i32
      %dma_start3A_2221 = arith.constant 0 : i32
      %dma_start3A_2222 = tpu.memref_slice %arg8[%dma_start3A_2218, %dma_start3A_2220, %dma_start3A_2221] : memref<4x64x128xf32, #tpu.memory_space<vmem>> -> memref<1x64x128xf32, #tpu.memory_space<vmem>>
      %dma_start3A_2223 = tpu.memref_squeeze %dma_start3A_2222 : memref<1x64x128xf32, #tpu.memory_space<vmem>> -> memref<64x128xf32, #tpu.memory_space<vmem>>
      %dma_start3A_2224 = arith.constant 0 : i32
      %dma_start3A_2225 = tpu.memref_slice %arg7[%dma_start3A_2219, %dma_start3A_2224] : memref<16x64xi32, #tpu.memory_space<vmem>> -> memref<1x64xi32, #tpu.memory_space<vmem>>
      %dma_start3A_2226 = tpu.memref_squeeze %dma_start3A_2225 : memref<1x64xi32, #tpu.memory_space<vmem>> -> memref<64xi32, #tpu.memory_space<vmem>>
      %dma_start3A_2227 = arith.constant 0 : i32
      %dma_start3A_2228 = arith.constant 0 : i32
      %dma_start3A_2229 = tpu.memref_slice %arg10[%dma_start3A_2227, %dma_start3A_2228] : memref<10240x128xf32, #tpu.memory_space<vmem_shared>> -> memref<10240x128xf32, #tpu.memory_space<vmem_shared>>
      tpu.enqueue_indirect_dma source(%dma_start3A_2223 : memref<64x128xf32, #tpu.memory_space<vmem>>) target(%dma_start3A_2229 : memref<10240x128xf32, #tpu.memory_space<vmem_shared>>) offsets(%dma_start3A_2226 : memref<64xi32, #tpu.memory_space<vmem>>) semaphore(%arg15 : memref<!tpu.dma_semaphore, #tpu.memory_space<semaphore_mem>>) {add = true}
      %dma_wait3A_2230 = arith.constant 0 : i32
      %dma_wait3A_2231 = arith.constant 8 : i32
      %dma_wait3A_2232 = arith.constant 0 : i32
      %dma_wait3A_2233 = arith.constant 0 : i32
      %dma_wait3A_2234 = tpu.memref_slice %arg8[%dma_wait3A_2230, %dma_wait3A_2232, %dma_wait3A_2233] : memref<4x64x128xf32, #tpu.memory_space<vmem>> -> memref<1x64x128xf32, #tpu.memory_space<vmem>>
      %dma_wait3A_2235 = tpu.memref_squeeze %dma_wait3A_2234 : memref<1x64x128xf32, #tpu.memory_space<vmem>> -> memref<64x128xf32, #tpu.memory_space<vmem>>
      %dma_wait3A_2236 = arith.constant 0 : i32
      %dma_wait3A_2237 = tpu.memref_slice %arg7[%dma_wait3A_2231, %dma_wait3A_2236] : memref<16x64xi32, #tpu.memory_space<vmem>> -> memref<1x64xi32, #tpu.memory_space<vmem>>
      %dma_wait3A_2238 = tpu.memref_squeeze %dma_wait3A_2237 : memref<1x64xi32, #tpu.memory_space<vmem>> -> memref<64xi32, #tpu.memory_space<vmem>>
      %dma_wait3A_2239 = arith.constant 0 : i32
      %dma_wait3A_2240 = arith.constant 0 : i32
      %dma_wait3A_2241 = tpu.memref_slice %arg10[%dma_wait3A_2239, %dma_wait3A_2240] : memref<10240x128xf32, #tpu.memory_space<vmem_shared>> -> memref<10240x128xf32, #tpu.memory_space<vmem_shared>>
      tpu.wait_indirect_dma semaphore(%arg15 : memref<!tpu.dma_semaphore, #tpu.memory_space<semaphore_mem>>) src(%dma_wait3A_2235 : memref<64x128xf32, #tpu.memory_space<vmem>>) dst(%dma_wait3A_2241 : memref<10240x128xf32, #tpu.memory_space<vmem_shared>>)
      %dma_start3A_2242 = arith.constant 12 : i32
      %dma_start3A_2243 = arith.constant 0 : i32
      %dma_start3A_2244 = arith.constant 0 : i32
      %dma_start3A_2245 = arith.constant 0 : i32
      %dma_start3A_2246 = tpu.memref_slice %arg8[%dma_start3A_2243, %dma_start3A_2244, %dma_start3A_2245] : memref<4x64x128xf32, #tpu.memory_space<vmem>> -> memref<1x64x128xf32, #tpu.memory_space<vmem>>
      %dma_start3A_2247 = tpu.memref_squeeze %dma_start3A_2246 : memref<1x64x128xf32, #tpu.memory_space<vmem>> -> memref<64x128xf32, #tpu.memory_space<vmem>>
      %dma_start3A_2248 = arith.constant 0 : i32
      %dma_start3A_2249 = tpu.memref_slice %arg6[%dma_start3A_2242, %dma_start3A_2248] : memref<16x64xi32, #tpu.memory_space<vmem>> -> memref<1x64xi32, #tpu.memory_space<vmem>>
      %dma_start3A_2250 = tpu.memref_squeeze %dma_start3A_2249 : memref<1x64xi32, #tpu.memory_space<vmem>> -> memref<64xi32, #tpu.memory_space<vmem>>
      %dma_start3A_2251 = arith.constant 0 : i32
      %dma_start3A_2252 = arith.constant 0 : i32
      %dma_start3A_2253 = tpu.memref_slice %arg2[%dma_start3A_2251, %dma_start3A_2252] : memref<10000x128xf32, #tpu.memory_space<hbm>> -> memref<10000x128xf32, #tpu.memory_space<hbm>>
      tpu.enqueue_indirect_dma source(%dma_start3A_2253 : memref<10000x128xf32, #tpu.memory_space<hbm>>) target(%dma_start3A_2247 : memref<64x128xf32, #tpu.memory_space<vmem>>) offsets(%dma_start3A_2250 : memref<64xi32, #tpu.memory_space<vmem>>) semaphore(%arg11 : memref<!tpu.dma_semaphore, #tpu.memory_space<semaphore_mem>>)
      %dma_wait3A_2254 = arith.constant 9 : i32
      %dma_wait3A_2255 = arith.constant 1 : i32
      %dma_wait3A_2256 = arith.constant 0 : i32
      %dma_wait3A_2257 = arith.constant 0 : i32
      %dma_wait3A_2258 = tpu.memref_slice %arg8[%dma_wait3A_2255, %dma_wait3A_2256, %dma_wait3A_2257] : memref<4x64x128xf32, #tpu.memory_space<vmem>> -> memref<1x64x128xf32, #tpu.memory_space<vmem>>
      %dma_wait3A_2259 = tpu.memref_squeeze %dma_wait3A_2258 : memref<1x64x128xf32, #tpu.memory_space<vmem>> -> memref<64x128xf32, #tpu.memory_space<vmem>>
      %dma_wait3A_2260 = arith.constant 0 : i32
      %dma_wait3A_2261 = tpu.memref_slice %arg6[%dma_wait3A_2254, %dma_wait3A_2260] : memref<16x64xi32, #tpu.memory_space<vmem>> -> memref<1x64xi32, #tpu.memory_space<vmem>>
      %dma_wait3A_2262 = tpu.memref_squeeze %dma_wait3A_2261 : memref<1x64xi32, #tpu.memory_space<vmem>> -> memref<64xi32, #tpu.memory_space<vmem>>
      %dma_wait3A_2263 = arith.constant 0 : i32
      %dma_wait3A_2264 = arith.constant 0 : i32
      %dma_wait3A_2265 = tpu.memref_slice %arg2[%dma_wait3A_2263, %dma_wait3A_2264] : memref<10000x128xf32, #tpu.memory_space<hbm>> -> memref<10000x128xf32, #tpu.memory_space<hbm>>
      tpu.wait_indirect_dma semaphore(%arg12 : memref<!tpu.dma_semaphore, #tpu.memory_space<semaphore_mem>>) src(%dma_wait3A_2265 : memref<10000x128xf32, #tpu.memory_space<hbm>>) dst(%dma_wait3A_2259 : memref<64x128xf32, #tpu.memory_space<vmem>>)
      %dma_start3A_2266 = arith.constant 1 : i32
      %dma_start3A_2267 = arith.constant 9 : i32
      %dma_start3A_2268 = arith.constant 0 : i32
      %dma_start3A_2269 = arith.constant 0 : i32
      %dma_start3A_2270 = tpu.memref_slice %arg8[%dma_start3A_2266, %dma_start3A_2268, %dma_start3A_2269] : memref<4x64x128xf32, #tpu.memory_space<vmem>> -> memref<1x64x128xf32, #tpu.memory_space<vmem>>
      %dma_start3A_2271 = tpu.memref_squeeze %dma_start3A_2270 : memref<1x64x128xf32, #tpu.memory_space<vmem>> -> memref<64x128xf32, #tpu.memory_space<vmem>>
      %dma_start3A_2272 = arith.constant 0 : i32
      %dma_start3A_2273 = tpu.memref_slice %arg7[%dma_start3A_2267, %dma_start3A_2272] : memref<16x64xi32, #tpu.memory_space<vmem>> -> memref<1x64xi32, #tpu.memory_space<vmem>>
      %dma_start3A_2274 = tpu.memref_squeeze %dma_start3A_2273 : memref<1x64xi32, #tpu.memory_space<vmem>> -> memref<64xi32, #tpu.memory_space<vmem>>
      %dma_start3A_2275 = arith.constant 0 : i32
      %dma_start3A_2276 = arith.constant 0 : i32
      %dma_start3A_2277 = tpu.memref_slice %arg10[%dma_start3A_2275, %dma_start3A_2276] : memref<10240x128xf32, #tpu.memory_space<vmem_shared>> -> memref<10240x128xf32, #tpu.memory_space<vmem_shared>>
      tpu.enqueue_indirect_dma source(%dma_start3A_2271 : memref<64x128xf32, #tpu.memory_space<vmem>>) target(%dma_start3A_2277 : memref<10240x128xf32, #tpu.memory_space<vmem_shared>>) offsets(%dma_start3A_2274 : memref<64xi32, #tpu.memory_space<vmem>>) semaphore(%arg16 : memref<!tpu.dma_semaphore, #tpu.memory_space<semaphore_mem>>) {add = true}
      %dma_wait3A_2278 = arith.constant 1 : i32
      %dma_wait3A_2279 = arith.constant 9 : i32
      %dma_wait3A_2280 = arith.constant 0 : i32
      %dma_wait3A_2281 = arith.constant 0 : i32
      %dma_wait3A_2282 = tpu.memref_slice %arg8[%dma_wait3A_2278, %dma_wait3A_2280, %dma_wait3A_2281] : memref<4x64x128xf32, #tpu.memory_space<vmem>> -> memref<1x64x128xf32, #tpu.memory_space<vmem>>
      %dma_wait3A_2283 = tpu.memref_squeeze %dma_wait3A_2282 : memref<1x64x128xf32, #tpu.memory_space<vmem>> -> memref<64x128xf32, #tpu.memory_space<vmem>>
      %dma_wait3A_2284 = arith.constant 0 : i32
      %dma_wait3A_2285 = tpu.memref_slice %arg7[%dma_wait3A_2279, %dma_wait3A_2284] : memref<16x64xi32, #tpu.memory_space<vmem>> -> memref<1x64xi32, #tpu.memory_space<vmem>>
      %dma_wait3A_2286 = tpu.memref_squeeze %dma_wait3A_2285 : memref<1x64xi32, #tpu.memory_space<vmem>> -> memref<64xi32, #tpu.memory_space<vmem>>
      %dma_wait3A_2287 = arith.constant 0 : i32
      %dma_wait3A_2288 = arith.constant 0 : i32
      %dma_wait3A_2289 = tpu.memref_slice %arg10[%dma_wait3A_2287, %dma_wait3A_2288] : memref<10240x128xf32, #tpu.memory_space<vmem_shared>> -> memref<10240x128xf32, #tpu.memory_space<vmem_shared>>
      tpu.wait_indirect_dma semaphore(%arg16 : memref<!tpu.dma_semaphore, #tpu.memory_space<semaphore_mem>>) src(%dma_wait3A_2283 : memref<64x128xf32, #tpu.memory_space<vmem>>) dst(%dma_wait3A_2289 : memref<10240x128xf32, #tpu.memory_space<vmem_shared>>)
      %dma_start3A_2290 = arith.constant 13 : i32
      %dma_start3A_2291 = arith.constant 1 : i32
      %dma_start3A_2292 = arith.constant 0 : i32
      %dma_start3A_2293 = arith.constant 0 : i32
      %dma_start3A_2294 = tpu.memref_slice %arg8[%dma_start3A_2291, %dma_start3A_2292, %dma_start3A_2293] : memref<4x64x128xf32, #tpu.memory_space<vmem>> -> memref<1x64x128xf32, #tpu.memory_space<vmem>>
      %dma_start3A_2295 = tpu.memref_squeeze %dma_start3A_2294 : memref<1x64x128xf32, #tpu.memory_space<vmem>> -> memref<64x128xf32, #tpu.memory_space<vmem>>
      %dma_start3A_2296 = arith.constant 0 : i32
      %dma_start3A_2297 = tpu.memref_slice %arg6[%dma_start3A_2290, %dma_start3A_2296] : memref<16x64xi32, #tpu.memory_space<vmem>> -> memref<1x64xi32, #tpu.memory_space<vmem>>
      %dma_start3A_2298 = tpu.memref_squeeze %dma_start3A_2297 : memref<1x64xi32, #tpu.memory_space<vmem>> -> memref<64xi32, #tpu.memory_space<vmem>>
      %dma_start3A_2299 = arith.constant 0 : i32
      %dma_start3A_2300 = arith.constant 0 : i32
      %dma_start3A_2301 = tpu.memref_slice %arg2[%dma_start3A_2299, %dma_start3A_2300] : memref<10000x128xf32, #tpu.memory_space<hbm>> -> memref<10000x128xf32, #tpu.memory_space<hbm>>
      tpu.enqueue_indirect_dma source(%dma_start3A_2301 : memref<10000x128xf32, #tpu.memory_space<hbm>>) target(%dma_start3A_2295 : memref<64x128xf32, #tpu.memory_space<vmem>>) offsets(%dma_start3A_2298 : memref<64xi32, #tpu.memory_space<vmem>>) semaphore(%arg12 : memref<!tpu.dma_semaphore, #tpu.memory_space<semaphore_mem>>)
      %dma_wait3A_2302 = arith.constant 10 : i32
      %dma_wait3A_2303 = arith.constant 2 : i32
      %dma_wait3A_2304 = arith.constant 0 : i32
      %dma_wait3A_2305 = arith.constant 0 : i32
      %dma_wait3A_2306 = tpu.memref_slice %arg8[%dma_wait3A_2303, %dma_wait3A_2304, %dma_wait3A_2305] : memref<4x64x128xf32, #tpu.memory_space<vmem>> -> memref<1x64x128xf32, #tpu.memory_space<vmem>>
      %dma_wait3A_2307 = tpu.memref_squeeze %dma_wait3A_2306 : memref<1x64x128xf32, #tpu.memory_space<vmem>> -> memref<64x128xf32, #tpu.memory_space<vmem>>
      %dma_wait3A_2308 = arith.constant 0 : i32
      %dma_wait3A_2309 = tpu.memref_slice %arg6[%dma_wait3A_2302, %dma_wait3A_2308] : memref<16x64xi32, #tpu.memory_space<vmem>> -> memref<1x64xi32, #tpu.memory_space<vmem>>
      %dma_wait3A_2310 = tpu.memref_squeeze %dma_wait3A_2309 : memref<1x64xi32, #tpu.memory_space<vmem>> -> memref<64xi32, #tpu.memory_space<vmem>>
      %dma_wait3A_2311 = arith.constant 0 : i32
      %dma_wait3A_2312 = arith.constant 0 : i32
      %dma_wait3A_2313 = tpu.memref_slice %arg2[%dma_wait3A_2311, %dma_wait3A_2312] : memref<10000x128xf32, #tpu.memory_space<hbm>> -> memref<10000x128xf32, #tpu.memory_space<hbm>>
      tpu.wait_indirect_dma semaphore(%arg13 : memref<!tpu.dma_semaphore, #tpu.memory_space<semaphore_mem>>) src(%dma_wait3A_2313 : memref<10000x128xf32, #tpu.memory_space<hbm>>) dst(%dma_wait3A_2307 : memref<64x128xf32, #tpu.memory_space<vmem>>)
      %dma_start3A_2314 = arith.constant 2 : i32
      %dma_start3A_2315 = arith.constant 10 : i32
      %dma_start3A_2316 = arith.constant 0 : i32
      %dma_start3A_2317 = arith.constant 0 : i32
      %dma_start3A_2318 = tpu.memref_slice %arg8[%dma_start3A_2314, %dma_start3A_2316, %dma_start3A_2317] : memref<4x64x128xf32, #tpu.memory_space<vmem>> -> memref<1x64x128xf32, #tpu.memory_space<vmem>>
      %dma_start3A_2319 = tpu.memref_squeeze %dma_start3A_2318 : memref<1x64x128xf32, #tpu.memory_space<vmem>> -> memref<64x128xf32, #tpu.memory_space<vmem>>
      %dma_start3A_2320 = arith.constant 0 : i32
      %dma_start3A_2321 = tpu.memref_slice %arg7[%dma_start3A_2315, %dma_start3A_2320] : memref<16x64xi32, #tpu.memory_space<vmem>> -> memref<1x64xi32, #tpu.memory_space<vmem>>
      %dma_start3A_2322 = tpu.memref_squeeze %dma_start3A_2321 : memref<1x64xi32, #tpu.memory_space<vmem>> -> memref<64xi32, #tpu.memory_space<vmem>>
      %dma_start3A_2323 = arith.constant 0 : i32
      %dma_start3A_2324 = arith.constant 0 : i32
      %dma_start3A_2325 = tpu.memref_slice %arg10[%dma_start3A_2323, %dma_start3A_2324] : memref<10240x128xf32, #tpu.memory_space<vmem_shared>> -> memref<10240x128xf32, #tpu.memory_space<vmem_shared>>
      tpu.enqueue_indirect_dma source(%dma_start3A_2319 : memref<64x128xf32, #tpu.memory_space<vmem>>) target(%dma_start3A_2325 : memref<10240x128xf32, #tpu.memory_space<vmem_shared>>) offsets(%dma_start3A_2322 : memref<64xi32, #tpu.memory_space<vmem>>) semaphore(%arg17 : memref<!tpu.dma_semaphore, #tpu.memory_space<semaphore_mem>>) {add = true}
      %dma_wait3A_2326 = arith.constant 2 : i32
      %dma_wait3A_2327 = arith.constant 10 : i32
      %dma_wait3A_2328 = arith.constant 0 : i32
      %dma_wait3A_2329 = arith.constant 0 : i32
      %dma_wait3A_2330 = tpu.memref_slice %arg8[%dma_wait3A_2326, %dma_wait3A_2328, %dma_wait3A_2329] : memref<4x64x128xf32, #tpu.memory_space<vmem>> -> memref<1x64x128xf32, #tpu.memory_space<vmem>>
      %dma_wait3A_2331 = tpu.memref_squeeze %dma_wait3A_2330 : memref<1x64x128xf32, #tpu.memory_space<vmem>> -> memref<64x128xf32, #tpu.memory_space<vmem>>
      %dma_wait3A_2332 = arith.constant 0 : i32
      %dma_wait3A_2333 = tpu.memref_slice %arg7[%dma_wait3A_2327, %dma_wait3A_2332] : memref<16x64xi32, #tpu.memory_space<vmem>> -> memref<1x64xi32, #tpu.memory_space<vmem>>
      %dma_wait3A_2334 = tpu.memref_squeeze %dma_wait3A_2333 : memref<1x64xi32, #tpu.memory_space<vmem>> -> memref<64xi32, #tpu.memory_space<vmem>>
      %dma_wait3A_2335 = arith.constant 0 : i32
      %dma_wait3A_2336 = arith.constant 0 : i32
      %dma_wait3A_2337 = tpu.memref_slice %arg10[%dma_wait3A_2335, %dma_wait3A_2336] : memref<10240x128xf32, #tpu.memory_space<vmem_shared>> -> memref<10240x128xf32, #tpu.memory_space<vmem_shared>>
      tpu.wait_indirect_dma semaphore(%arg17 : memref<!tpu.dma_semaphore, #tpu.memory_space<semaphore_mem>>) src(%dma_wait3A_2331 : memref<64x128xf32, #tpu.memory_space<vmem>>) dst(%dma_wait3A_2337 : memref<10240x128xf32, #tpu.memory_space<vmem_shared>>)
      %dma_start3A_2338 = arith.constant 14 : i32
      %dma_start3A_2339 = arith.constant 2 : i32
      %dma_start3A_2340 = arith.constant 0 : i32
      %dma_start3A_2341 = arith.constant 0 : i32
      %dma_start3A_2342 = tpu.memref_slice %arg8[%dma_start3A_2339, %dma_start3A_2340, %dma_start3A_2341] : memref<4x64x128xf32, #tpu.memory_space<vmem>> -> memref<1x64x128xf32, #tpu.memory_space<vmem>>
      %dma_start3A_2343 = tpu.memref_squeeze %dma_start3A_2342 : memref<1x64x128xf32, #tpu.memory_space<vmem>> -> memref<64x128xf32, #tpu.memory_space<vmem>>
      %dma_start3A_2344 = arith.constant 0 : i32
      %dma_start3A_2345 = tpu.memref_slice %arg6[%dma_start3A_2338, %dma_start3A_2344] : memref<16x64xi32, #tpu.memory_space<vmem>> -> memref<1x64xi32, #tpu.memory_space<vmem>>
      %dma_start3A_2346 = tpu.memref_squeeze %dma_start3A_2345 : memref<1x64xi32, #tpu.memory_space<vmem>> -> memref<64xi32, #tpu.memory_space<vmem>>
      %dma_start3A_2347 = arith.constant 0 : i32
      %dma_start3A_2348 = arith.constant 0 : i32
      %dma_start3A_2349 = tpu.memref_slice %arg2[%dma_start3A_2347, %dma_start3A_2348] : memref<10000x128xf32, #tpu.memory_space<hbm>> -> memref<10000x128xf32, #tpu.memory_space<hbm>>
      tpu.enqueue_indirect_dma source(%dma_start3A_2349 : memref<10000x128xf32, #tpu.memory_space<hbm>>) target(%dma_start3A_2343 : memref<64x128xf32, #tpu.memory_space<vmem>>) offsets(%dma_start3A_2346 : memref<64xi32, #tpu.memory_space<vmem>>) semaphore(%arg13 : memref<!tpu.dma_semaphore, #tpu.memory_space<semaphore_mem>>)
      %dma_wait3A_2350 = arith.constant 11 : i32
      %dma_wait3A_2351 = arith.constant 3 : i32
      %dma_wait3A_2352 = arith.constant 0 : i32
      %dma_wait3A_2353 = arith.constant 0 : i32
      %dma_wait3A_2354 = tpu.memref_slice %arg8[%dma_wait3A_2351, %dma_wait3A_2352, %dma_wait3A_2353] : memref<4x64x128xf32, #tpu.memory_space<vmem>> -> memref<1x64x128xf32, #tpu.memory_space<vmem>>
      %dma_wait3A_2355 = tpu.memref_squeeze %dma_wait3A_2354 : memref<1x64x128xf32, #tpu.memory_space<vmem>> -> memref<64x128xf32, #tpu.memory_space<vmem>>
      %dma_wait3A_2356 = arith.constant 0 : i32
      %dma_wait3A_2357 = tpu.memref_slice %arg6[%dma_wait3A_2350, %dma_wait3A_2356] : memref<16x64xi32, #tpu.memory_space<vmem>> -> memref<1x64xi32, #tpu.memory_space<vmem>>
      %dma_wait3A_2358 = tpu.memref_squeeze %dma_wait3A_2357 : memref<1x64xi32, #tpu.memory_space<vmem>> -> memref<64xi32, #tpu.memory_space<vmem>>
      %dma_wait3A_2359 = arith.constant 0 : i32
      %dma_wait3A_2360 = arith.constant 0 : i32
      %dma_wait3A_2361 = tpu.memref_slice %arg2[%dma_wait3A_2359, %dma_wait3A_2360] : memref<10000x128xf32, #tpu.memory_space<hbm>> -> memref<10000x128xf32, #tpu.memory_space<hbm>>
      tpu.wait_indirect_dma semaphore(%arg14 : memref<!tpu.dma_semaphore, #tpu.memory_space<semaphore_mem>>) src(%dma_wait3A_2361 : memref<10000x128xf32, #tpu.memory_space<hbm>>) dst(%dma_wait3A_2355 : memref<64x128xf32, #tpu.memory_space<vmem>>)
      %dma_start3A_2362 = arith.constant 3 : i32
      %dma_start3A_2363 = arith.constant 11 : i32
      %dma_start3A_2364 = arith.constant 0 : i32
      %dma_start3A_2365 = arith.constant 0 : i32
      %dma_start3A_2366 = tpu.memref_slice %arg8[%dma_start3A_2362, %dma_start3A_2364, %dma_start3A_2365] : memref<4x64x128xf32, #tpu.memory_space<vmem>> -> memref<1x64x128xf32, #tpu.memory_space<vmem>>
      %dma_start3A_2367 = tpu.memref_squeeze %dma_start3A_2366 : memref<1x64x128xf32, #tpu.memory_space<vmem>> -> memref<64x128xf32, #tpu.memory_space<vmem>>
      %dma_start3A_2368 = arith.constant 0 : i32
      %dma_start3A_2369 = tpu.memref_slice %arg7[%dma_start3A_2363, %dma_start3A_2368] : memref<16x64xi32, #tpu.memory_space<vmem>> -> memref<1x64xi32, #tpu.memory_space<vmem>>
      %dma_start3A_2370 = tpu.memref_squeeze %dma_start3A_2369 : memref<1x64xi32, #tpu.memory_space<vmem>> -> memref<64xi32, #tpu.memory_space<vmem>>
      %dma_start3A_2371 = arith.constant 0 : i32
      %dma_start3A_2372 = arith.constant 0 : i32
      %dma_start3A_2373 = tpu.memref_slice %arg10[%dma_start3A_2371, %dma_start3A_2372] : memref<10240x128xf32, #tpu.memory_space<vmem_shared>> -> memref<10240x128xf32, #tpu.memory_space<vmem_shared>>
      tpu.enqueue_indirect_dma source(%dma_start3A_2367 : memref<64x128xf32, #tpu.memory_space<vmem>>) target(%dma_start3A_2373 : memref<10240x128xf32, #tpu.memory_space<vmem_shared>>) offsets(%dma_start3A_2370 : memref<64xi32, #tpu.memory_space<vmem>>) semaphore(%arg18 : memref<!tpu.dma_semaphore, #tpu.memory_space<semaphore_mem>>) {add = true}
      %dma_wait3A_2374 = arith.constant 3 : i32
      %dma_wait3A_2375 = arith.constant 11 : i32
      %dma_wait3A_2376 = arith.constant 0 : i32
      %dma_wait3A_2377 = arith.constant 0 : i32
      %dma_wait3A_2378 = tpu.memref_slice %arg8[%dma_wait3A_2374, %dma_wait3A_2376, %dma_wait3A_2377] : memref<4x64x128xf32, #tpu.memory_space<vmem>> -> memref<1x64x128xf32, #tpu.memory_space<vmem>>
      %dma_wait3A_2379 = tpu.memref_squeeze %dma_wait3A_2378 : memref<1x64x128xf32, #tpu.memory_space<vmem>> -> memref<64x128xf32, #tpu.memory_space<vmem>>
      %dma_wait3A_2380 = arith.constant 0 : i32
      %dma_wait3A_2381 = tpu.memref_slice %arg7[%dma_wait3A_2375, %dma_wait3A_2380] : memref<16x64xi32, #tpu.memory_space<vmem>> -> memref<1x64xi32, #tpu.memory_space<vmem>>
      %dma_wait3A_2382 = tpu.memref_squeeze %dma_wait3A_2381 : memref<1x64xi32, #tpu.memory_space<vmem>> -> memref<64xi32, #tpu.memory_space<vmem>>
      %dma_wait3A_2383 = arith.constant 0 : i32
      %dma_wait3A_2384 = arith.constant 0 : i32
      %dma_wait3A_2385 = tpu.memref_slice %arg10[%dma_wait3A_2383, %dma_wait3A_2384] : memref<10240x128xf32, #tpu.memory_space<vmem_shared>> -> memref<10240x128xf32, #tpu.memory_space<vmem_shared>>
      tpu.wait_indirect_dma semaphore(%arg18 : memref<!tpu.dma_semaphore, #tpu.memory_space<semaphore_mem>>) src(%dma_wait3A_2379 : memref<64x128xf32, #tpu.memory_space<vmem>>) dst(%dma_wait3A_2385 : memref<10240x128xf32, #tpu.memory_space<vmem_shared>>)
      %dma_start3A_2386 = arith.constant 15 : i32
      %dma_start3A_2387 = arith.constant 3 : i32
      %dma_start3A_2388 = arith.constant 0 : i32
      %dma_start3A_2389 = arith.constant 0 : i32
      %dma_start3A_2390 = tpu.memref_slice %arg8[%dma_start3A_2387, %dma_start3A_2388, %dma_start3A_2389] : memref<4x64x128xf32, #tpu.memory_space<vmem>> -> memref<1x64x128xf32, #tpu.memory_space<vmem>>
      %dma_start3A_2391 = tpu.memref_squeeze %dma_start3A_2390 : memref<1x64x128xf32, #tpu.memory_space<vmem>> -> memref<64x128xf32, #tpu.memory_space<vmem>>
      %dma_start3A_2392 = arith.constant 0 : i32
      %dma_start3A_2393 = tpu.memref_slice %arg6[%dma_start3A_2386, %dma_start3A_2392] : memref<16x64xi32, #tpu.memory_space<vmem>> -> memref<1x64xi32, #tpu.memory_space<vmem>>
      %dma_start3A_2394 = tpu.memref_squeeze %dma_start3A_2393 : memref<1x64xi32, #tpu.memory_space<vmem>> -> memref<64xi32, #tpu.memory_space<vmem>>
      %dma_start3A_2395 = arith.constant 0 : i32
      %dma_start3A_2396 = arith.constant 0 : i32
      %dma_start3A_2397 = tpu.memref_slice %arg2[%dma_start3A_2395, %dma_start3A_2396] : memref<10000x128xf32, #tpu.memory_space<hbm>> -> memref<10000x128xf32, #tpu.memory_space<hbm>>
      tpu.enqueue_indirect_dma source(%dma_start3A_2397 : memref<10000x128xf32, #tpu.memory_space<hbm>>) target(%dma_start3A_2391 : memref<64x128xf32, #tpu.memory_space<vmem>>) offsets(%dma_start3A_2394 : memref<64xi32, #tpu.memory_space<vmem>>) semaphore(%arg14 : memref<!tpu.dma_semaphore, #tpu.memory_space<semaphore_mem>>)
      %dma_wait3A_2398 = arith.constant 12 : i32
      %dma_wait3A_2399 = arith.constant 0 : i32
      %dma_wait3A_2400 = arith.constant 0 : i32
      %dma_wait3A_2401 = arith.constant 0 : i32
      %dma_wait3A_2402 = tpu.memref_slice %arg8[%dma_wait3A_2399, %dma_wait3A_2400, %dma_wait3A_2401] : memref<4x64x128xf32, #tpu.memory_space<vmem>> -> memref<1x64x128xf32, #tpu.memory_space<vmem>>
      %dma_wait3A_2403 = tpu.memref_squeeze %dma_wait3A_2402 : memref<1x64x128xf32, #tpu.memory_space<vmem>> -> memref<64x128xf32, #tpu.memory_space<vmem>>
      %dma_wait3A_2404 = arith.constant 0 : i32
      %dma_wait3A_2405 = tpu.memref_slice %arg6[%dma_wait3A_2398, %dma_wait3A_2404] : memref<16x64xi32, #tpu.memory_space<vmem>> -> memref<1x64xi32, #tpu.memory_space<vmem>>
      %dma_wait3A_2406 = tpu.memref_squeeze %dma_wait3A_2405 : memref<1x64xi32, #tpu.memory_space<vmem>> -> memref<64xi32, #tpu.memory_space<vmem>>
      %dma_wait3A_2407 = arith.constant 0 : i32
      %dma_wait3A_2408 = arith.constant 0 : i32
      %dma_wait3A_2409 = tpu.memref_slice %arg2[%dma_wait3A_2407, %dma_wait3A_2408] : memref<10000x128xf32, #tpu.memory_space<hbm>> -> memref<10000x128xf32, #tpu.memory_space<hbm>>
      tpu.wait_indirect_dma semaphore(%arg11 : memref<!tpu.dma_semaphore, #tpu.memory_space<semaphore_mem>>) src(%dma_wait3A_2409 : memref<10000x128xf32, #tpu.memory_space<hbm>>) dst(%dma_wait3A_2403 : memref<64x128xf32, #tpu.memory_space<vmem>>)
      %dma_start3A_2410 = arith.constant 0 : i32
      %dma_start3A_2411 = arith.constant 12 : i32
      %dma_start3A_2412 = arith.constant 0 : i32
      %dma_start3A_2413 = arith.constant 0 : i32
      %dma_start3A_2414 = tpu.memref_slice %arg8[%dma_start3A_2410, %dma_start3A_2412, %dma_start3A_2413] : memref<4x64x128xf32, #tpu.memory_space<vmem>> -> memref<1x64x128xf32, #tpu.memory_space<vmem>>
      %dma_start3A_2415 = tpu.memref_squeeze %dma_start3A_2414 : memref<1x64x128xf32, #tpu.memory_space<vmem>> -> memref<64x128xf32, #tpu.memory_space<vmem>>
      %dma_start3A_2416 = arith.constant 0 : i32
      %dma_start3A_2417 = tpu.memref_slice %arg7[%dma_start3A_2411, %dma_start3A_2416] : memref<16x64xi32, #tpu.memory_space<vmem>> -> memref<1x64xi32, #tpu.memory_space<vmem>>
      %dma_start3A_2418 = tpu.memref_squeeze %dma_start3A_2417 : memref<1x64xi32, #tpu.memory_space<vmem>> -> memref<64xi32, #tpu.memory_space<vmem>>
      %dma_start3A_2419 = arith.constant 0 : i32
      %dma_start3A_2420 = arith.constant 0 : i32
      %dma_start3A_2421 = tpu.memref_slice %arg10[%dma_start3A_2419, %dma_start3A_2420] : memref<10240x128xf32, #tpu.memory_space<vmem_shared>> -> memref<10240x128xf32, #tpu.memory_space<vmem_shared>>
      tpu.enqueue_indirect_dma source(%dma_start3A_2415 : memref<64x128xf32, #tpu.memory_space<vmem>>) target(%dma_start3A_2421 : memref<10240x128xf32, #tpu.memory_space<vmem_shared>>) offsets(%dma_start3A_2418 : memref<64xi32, #tpu.memory_space<vmem>>) semaphore(%arg15 : memref<!tpu.dma_semaphore, #tpu.memory_space<semaphore_mem>>) {add = true}
      %dma_wait3A_2422 = arith.constant 13 : i32
      %dma_wait3A_2423 = arith.constant 1 : i32
      %dma_wait3A_2424 = arith.constant 0 : i32
      %dma_wait3A_2425 = arith.constant 0 : i32
      %dma_wait3A_2426 = tpu.memref_slice %arg8[%dma_wait3A_2423, %dma_wait3A_2424, %dma_wait3A_2425] : memref<4x64x128xf32, #tpu.memory_space<vmem>> -> memref<1x64x128xf32, #tpu.memory_space<vmem>>
      %dma_wait3A_2427 = tpu.memref_squeeze %dma_wait3A_2426 : memref<1x64x128xf32, #tpu.memory_space<vmem>> -> memref<64x128xf32, #tpu.memory_space<vmem>>
      %dma_wait3A_2428 = arith.constant 0 : i32
      %dma_wait3A_2429 = tpu.memref_slice %arg6[%dma_wait3A_2422, %dma_wait3A_2428] : memref<16x64xi32, #tpu.memory_space<vmem>> -> memref<1x64xi32, #tpu.memory_space<vmem>>
      %dma_wait3A_2430 = tpu.memref_squeeze %dma_wait3A_2429 : memref<1x64xi32, #tpu.memory_space<vmem>> -> memref<64xi32, #tpu.memory_space<vmem>>
      %dma_wait3A_2431 = arith.constant 0 : i32
      %dma_wait3A_2432 = arith.constant 0 : i32
      %dma_wait3A_2433 = tpu.memref_slice %arg2[%dma_wait3A_2431, %dma_wait3A_2432] : memref<10000x128xf32, #tpu.memory_space<hbm>> -> memref<10000x128xf32, #tpu.memory_space<hbm>>
      tpu.wait_indirect_dma semaphore(%arg12 : memref<!tpu.dma_semaphore, #tpu.memory_space<semaphore_mem>>) src(%dma_wait3A_2433 : memref<10000x128xf32, #tpu.memory_space<hbm>>) dst(%dma_wait3A_2427 : memref<64x128xf32, #tpu.memory_space<vmem>>)
      %dma_start3A_2434 = arith.constant 1 : i32
      %dma_start3A_2435 = arith.constant 13 : i32
      %dma_start3A_2436 = arith.constant 0 : i32
      %dma_start3A_2437 = arith.constant 0 : i32
      %dma_start3A_2438 = tpu.memref_slice %arg8[%dma_start3A_2434, %dma_start3A_2436, %dma_start3A_2437] : memref<4x64x128xf32, #tpu.memory_space<vmem>> -> memref<1x64x128xf32, #tpu.memory_space<vmem>>
      %dma_start3A_2439 = tpu.memref_squeeze %dma_start3A_2438 : memref<1x64x128xf32, #tpu.memory_space<vmem>> -> memref<64x128xf32, #tpu.memory_space<vmem>>
      %dma_start3A_2440 = arith.constant 0 : i32
      %dma_start3A_2441 = tpu.memref_slice %arg7[%dma_start3A_2435, %dma_start3A_2440] : memref<16x64xi32, #tpu.memory_space<vmem>> -> memref<1x64xi32, #tpu.memory_space<vmem>>
      %dma_start3A_2442 = tpu.memref_squeeze %dma_start3A_2441 : memref<1x64xi32, #tpu.memory_space<vmem>> -> memref<64xi32, #tpu.memory_space<vmem>>
      %dma_start3A_2443 = arith.constant 0 : i32
      %dma_start3A_2444 = arith.constant 0 : i32
      %dma_start3A_2445 = tpu.memref_slice %arg10[%dma_start3A_2443, %dma_start3A_2444] : memref<10240x128xf32, #tpu.memory_space<vmem_shared>> -> memref<10240x128xf32, #tpu.memory_space<vmem_shared>>
      tpu.enqueue_indirect_dma source(%dma_start3A_2439 : memref<64x128xf32, #tpu.memory_space<vmem>>) target(%dma_start3A_2445 : memref<10240x128xf32, #tpu.memory_space<vmem_shared>>) offsets(%dma_start3A_2442 : memref<64xi32, #tpu.memory_space<vmem>>) semaphore(%arg16 : memref<!tpu.dma_semaphore, #tpu.memory_space<semaphore_mem>>) {add = true}
      %dma_wait3A_2446 = arith.constant 14 : i32
      %dma_wait3A_2447 = arith.constant 2 : i32
      %dma_wait3A_2448 = arith.constant 0 : i32
      %dma_wait3A_2449 = arith.constant 0 : i32
      %dma_wait3A_2450 = tpu.memref_slice %arg8[%dma_wait3A_2447, %dma_wait3A_2448, %dma_wait3A_2449] : memref<4x64x128xf32, #tpu.memory_space<vmem>> -> memref<1x64x128xf32, #tpu.memory_space<vmem>>
      %dma_wait3A_2451 = tpu.memref_squeeze %dma_wait3A_2450 : memref<1x64x128xf32, #tpu.memory_space<vmem>> -> memref<64x128xf32, #tpu.memory_space<vmem>>
      %dma_wait3A_2452 = arith.constant 0 : i32
      %dma_wait3A_2453 = tpu.memref_slice %arg6[%dma_wait3A_2446, %dma_wait3A_2452] : memref<16x64xi32, #tpu.memory_space<vmem>> -> memref<1x64xi32, #tpu.memory_space<vmem>>
      %dma_wait3A_2454 = tpu.memref_squeeze %dma_wait3A_2453 : memref<1x64xi32, #tpu.memory_space<vmem>> -> memref<64xi32, #tpu.memory_space<vmem>>
      %dma_wait3A_2455 = arith.constant 0 : i32
      %dma_wait3A_2456 = arith.constant 0 : i32
      %dma_wait3A_2457 = tpu.memref_slice %arg2[%dma_wait3A_2455, %dma_wait3A_2456] : memref<10000x128xf32, #tpu.memory_space<hbm>> -> memref<10000x128xf32, #tpu.memory_space<hbm>>
      tpu.wait_indirect_dma semaphore(%arg13 : memref<!tpu.dma_semaphore, #tpu.memory_space<semaphore_mem>>) src(%dma_wait3A_2457 : memref<10000x128xf32, #tpu.memory_space<hbm>>) dst(%dma_wait3A_2451 : memref<64x128xf32, #tpu.memory_space<vmem>>)
      %dma_start3A_2458 = arith.constant 2 : i32
      %dma_start3A_2459 = arith.constant 14 : i32
      %dma_start3A_2460 = arith.constant 0 : i32
      %dma_start3A_2461 = arith.constant 0 : i32
      %dma_start3A_2462 = tpu.memref_slice %arg8[%dma_start3A_2458, %dma_start3A_2460, %dma_start3A_2461] : memref<4x64x128xf32, #tpu.memory_space<vmem>> -> memref<1x64x128xf32, #tpu.memory_space<vmem>>
      %dma_start3A_2463 = tpu.memref_squeeze %dma_start3A_2462 : memref<1x64x128xf32, #tpu.memory_space<vmem>> -> memref<64x128xf32, #tpu.memory_space<vmem>>
      %dma_start3A_2464 = arith.constant 0 : i32
      %dma_start3A_2465 = tpu.memref_slice %arg7[%dma_start3A_2459, %dma_start3A_2464] : memref<16x64xi32, #tpu.memory_space<vmem>> -> memref<1x64xi32, #tpu.memory_space<vmem>>
      %dma_start3A_2466 = tpu.memref_squeeze %dma_start3A_2465 : memref<1x64xi32, #tpu.memory_space<vmem>> -> memref<64xi32, #tpu.memory_space<vmem>>
      %dma_start3A_2467 = arith.constant 0 : i32
      %dma_start3A_2468 = arith.constant 0 : i32
      %dma_start3A_2469 = tpu.memref_slice %arg10[%dma_start3A_2467, %dma_start3A_2468] : memref<10240x128xf32, #tpu.memory_space<vmem_shared>> -> memref<10240x128xf32, #tpu.memory_space<vmem_shared>>
      tpu.enqueue_indirect_dma source(%dma_start3A_2463 : memref<64x128xf32, #tpu.memory_space<vmem>>) target(%dma_start3A_2469 : memref<10240x128xf32, #tpu.memory_space<vmem_shared>>) offsets(%dma_start3A_2466 : memref<64xi32, #tpu.memory_space<vmem>>) semaphore(%arg17 : memref<!tpu.dma_semaphore, #tpu.memory_space<semaphore_mem>>) {add = true}
      %dma_wait3A_2470 = arith.constant 15 : i32
      %dma_wait3A_2471 = arith.constant 3 : i32
      %dma_wait3A_2472 = arith.constant 0 : i32
      %dma_wait3A_2473 = arith.constant 0 : i32
      %dma_wait3A_2474 = tpu.memref_slice %arg8[%dma_wait3A_2471, %dma_wait3A_2472, %dma_wait3A_2473] : memref<4x64x128xf32, #tpu.memory_space<vmem>> -> memref<1x64x128xf32, #tpu.memory_space<vmem>>
      %dma_wait3A_2475 = tpu.memref_squeeze %dma_wait3A_2474 : memref<1x64x128xf32, #tpu.memory_space<vmem>> -> memref<64x128xf32, #tpu.memory_space<vmem>>
      %dma_wait3A_2476 = arith.constant 0 : i32
      %dma_wait3A_2477 = tpu.memref_slice %arg6[%dma_wait3A_2470, %dma_wait3A_2476] : memref<16x64xi32, #tpu.memory_space<vmem>> -> memref<1x64xi32, #tpu.memory_space<vmem>>
      %dma_wait3A_2478 = tpu.memref_squeeze %dma_wait3A_2477 : memref<1x64xi32, #tpu.memory_space<vmem>> -> memref<64xi32, #tpu.memory_space<vmem>>
      %dma_wait3A_2479 = arith.constant 0 : i32
      %dma_wait3A_2480 = arith.constant 0 : i32
      %dma_wait3A_2481 = tpu.memref_slice %arg2[%dma_wait3A_2479, %dma_wait3A_2480] : memref<10000x128xf32, #tpu.memory_space<hbm>> -> memref<10000x128xf32, #tpu.memory_space<hbm>>
      tpu.wait_indirect_dma semaphore(%arg14 : memref<!tpu.dma_semaphore, #tpu.memory_space<semaphore_mem>>) src(%dma_wait3A_2481 : memref<10000x128xf32, #tpu.memory_space<hbm>>) dst(%dma_wait3A_2475 : memref<64x128xf32, #tpu.memory_space<vmem>>)
      %dma_start3A_2482 = arith.constant 3 : i32
      %dma_start3A_2483 = arith.constant 15 : i32
      %dma_start3A_2484 = arith.constant 0 : i32
      %dma_start3A_2485 = arith.constant 0 : i32
      %dma_start3A_2486 = tpu.memref_slice %arg8[%dma_start3A_2482, %dma_start3A_2484, %dma_start3A_2485] : memref<4x64x128xf32, #tpu.memory_space<vmem>> -> memref<1x64x128xf32, #tpu.memory_space<vmem>>
      %dma_start3A_2487 = tpu.memref_squeeze %dma_start3A_2486 : memref<1x64x128xf32, #tpu.memory_space<vmem>> -> memref<64x128xf32, #tpu.memory_space<vmem>>
      %dma_start3A_2488 = arith.constant 0 : i32
      %dma_start3A_2489 = tpu.memref_slice %arg7[%dma_start3A_2483, %dma_start3A_2488] : memref<16x64xi32, #tpu.memory_space<vmem>> -> memref<1x64xi32, #tpu.memory_space<vmem>>
      %dma_start3A_2490 = tpu.memref_squeeze %dma_start3A_2489 : memref<1x64xi32, #tpu.memory_space<vmem>> -> memref<64xi32, #tpu.memory_space<vmem>>
      %dma_start3A_2491 = arith.constant 0 : i32
      %dma_start3A_2492 = arith.constant 0 : i32
      %dma_start3A_2493 = tpu.memref_slice %arg10[%dma_start3A_2491, %dma_start3A_2492] : memref<10240x128xf32, #tpu.memory_space<vmem_shared>> -> memref<10240x128xf32, #tpu.memory_space<vmem_shared>>
      tpu.enqueue_indirect_dma source(%dma_start3A_2487 : memref<64x128xf32, #tpu.memory_space<vmem>>) target(%dma_start3A_2493 : memref<10240x128xf32, #tpu.memory_space<vmem_shared>>) offsets(%dma_start3A_2490 : memref<64xi32, #tpu.memory_space<vmem>>) semaphore(%arg18 : memref<!tpu.dma_semaphore, #tpu.memory_space<semaphore_mem>>) {add = true}
      %dma_wait3A_2494 = arith.constant 0 : i32
      %dma_wait3A_2495 = arith.constant 12 : i32
      %dma_wait3A_2496 = arith.constant 0 : i32
      %dma_wait3A_2497 = arith.constant 0 : i32
      %dma_wait3A_2498 = tpu.memref_slice %arg8[%dma_wait3A_2494, %dma_wait3A_2496, %dma_wait3A_2497] : memref<4x64x128xf32, #tpu.memory_space<vmem>> -> memref<1x64x128xf32, #tpu.memory_space<vmem>>
      %dma_wait3A_2499 = tpu.memref_squeeze %dma_wait3A_2498 : memref<1x64x128xf32, #tpu.memory_space<vmem>> -> memref<64x128xf32, #tpu.memory_space<vmem>>
      %dma_wait3A_2500 = arith.constant 0 : i32
      %dma_wait3A_2501 = tpu.memref_slice %arg7[%dma_wait3A_2495, %dma_wait3A_2500] : memref<16x64xi32, #tpu.memory_space<vmem>> -> memref<1x64xi32, #tpu.memory_space<vmem>>
      %dma_wait3A_2502 = tpu.memref_squeeze %dma_wait3A_2501 : memref<1x64xi32, #tpu.memory_space<vmem>> -> memref<64xi32, #tpu.memory_space<vmem>>
      %dma_wait3A_2503 = arith.constant 0 : i32
      %dma_wait3A_2504 = arith.constant 0 : i32
      %dma_wait3A_2505 = tpu.memref_slice %arg10[%dma_wait3A_2503, %dma_wait3A_2504] : memref<10240x128xf32, #tpu.memory_space<vmem_shared>> -> memref<10240x128xf32, #tpu.memory_space<vmem_shared>>
      tpu.wait_indirect_dma semaphore(%arg15 : memref<!tpu.dma_semaphore, #tpu.memory_space<semaphore_mem>>) src(%dma_wait3A_2499 : memref<64x128xf32, #tpu.memory_space<vmem>>) dst(%dma_wait3A_2505 : memref<10240x128xf32, #tpu.memory_space<vmem_shared>>)
      %dma_wait3A_2506 = arith.constant 1 : i32
      %dma_wait3A_2507 = arith.constant 13 : i32
      %dma_wait3A_2508 = arith.constant 0 : i32
      %dma_wait3A_2509 = arith.constant 0 : i32
      %dma_wait3A_2510 = tpu.memref_slice %arg8[%dma_wait3A_2506, %dma_wait3A_2508, %dma_wait3A_2509] : memref<4x64x128xf32, #tpu.memory_space<vmem>> -> memref<1x64x128xf32, #tpu.memory_space<vmem>>
      %dma_wait3A_2511 = tpu.memref_squeeze %dma_wait3A_2510 : memref<1x64x128xf32, #tpu.memory_space<vmem>> -> memref<64x128xf32, #tpu.memory_space<vmem>>
      %dma_wait3A_2512 = arith.constant 0 : i32
      %dma_wait3A_2513 = tpu.memref_slice %arg7[%dma_wait3A_2507, %dma_wait3A_2512] : memref<16x64xi32, #tpu.memory_space<vmem>> -> memref<1x64xi32, #tpu.memory_space<vmem>>
      %dma_wait3A_2514 = tpu.memref_squeeze %dma_wait3A_2513 : memref<1x64xi32, #tpu.memory_space<vmem>> -> memref<64xi32, #tpu.memory_space<vmem>>
      %dma_wait3A_2515 = arith.constant 0 : i32
      %dma_wait3A_2516 = arith.constant 0 : i32
      %dma_wait3A_2517 = tpu.memref_slice %arg10[%dma_wait3A_2515, %dma_wait3A_2516] : memref<10240x128xf32, #tpu.memory_space<vmem_shared>> -> memref<10240x128xf32, #tpu.memory_space<vmem_shared>>
      tpu.wait_indirect_dma semaphore(%arg16 : memref<!tpu.dma_semaphore, #tpu.memory_space<semaphore_mem>>) src(%dma_wait3A_2511 : memref<64x128xf32, #tpu.memory_space<vmem>>) dst(%dma_wait3A_2517 : memref<10240x128xf32, #tpu.memory_space<vmem_shared>>)
      %dma_wait3A_2518 = arith.constant 2 : i32
      %dma_wait3A_2519 = arith.constant 14 : i32
      %dma_wait3A_2520 = arith.constant 0 : i32
      %dma_wait3A_2521 = arith.constant 0 : i32
      %dma_wait3A_2522 = tpu.memref_slice %arg8[%dma_wait3A_2518, %dma_wait3A_2520, %dma_wait3A_2521] : memref<4x64x128xf32, #tpu.memory_space<vmem>> -> memref<1x64x128xf32, #tpu.memory_space<vmem>>
      %dma_wait3A_2523 = tpu.memref_squeeze %dma_wait3A_2522 : memref<1x64x128xf32, #tpu.memory_space<vmem>> -> memref<64x128xf32, #tpu.memory_space<vmem>>
      %dma_wait3A_2524 = arith.constant 0 : i32
      %dma_wait3A_2525 = tpu.memref_slice %arg7[%dma_wait3A_2519, %dma_wait3A_2524] : memref<16x64xi32, #tpu.memory_space<vmem>> -> memref<1x64xi32, #tpu.memory_space<vmem>>
      %dma_wait3A_2526 = tpu.memref_squeeze %dma_wait3A_2525 : memref<1x64xi32, #tpu.memory_space<vmem>> -> memref<64xi32, #tpu.memory_space<vmem>>
      %dma_wait3A_2527 = arith.constant 0 : i32
      %dma_wait3A_2528 = arith.constant 0 : i32
      %dma_wait3A_2529 = tpu.memref_slice %arg10[%dma_wait3A_2527, %dma_wait3A_2528] : memref<10240x128xf32, #tpu.memory_space<vmem_shared>> -> memref<10240x128xf32, #tpu.memory_space<vmem_shared>>
      tpu.wait_indirect_dma semaphore(%arg17 : memref<!tpu.dma_semaphore, #tpu.memory_space<semaphore_mem>>) src(%dma_wait3A_2523 : memref<64x128xf32, #tpu.memory_space<vmem>>) dst(%dma_wait3A_2529 : memref<10240x128xf32, #tpu.memory_space<vmem_shared>>)
      %dma_wait3A_2530 = arith.constant 3 : i32
      %dma_wait3A_2531 = arith.constant 15 : i32
      %dma_wait3A_2532 = arith.constant 0 : i32
      %dma_wait3A_2533 = arith.constant 0 : i32
      %dma_wait3A_2534 = tpu.memref_slice %arg8[%dma_wait3A_2530, %dma_wait3A_2532, %dma_wait3A_2533] : memref<4x64x128xf32, #tpu.memory_space<vmem>> -> memref<1x64x128xf32, #tpu.memory_space<vmem>>
      %dma_wait3A_2535 = tpu.memref_squeeze %dma_wait3A_2534 : memref<1x64x128xf32, #tpu.memory_space<vmem>> -> memref<64x128xf32, #tpu.memory_space<vmem>>
      %dma_wait3A_2536 = arith.constant 0 : i32
      %dma_wait3A_2537 = tpu.memref_slice %arg7[%dma_wait3A_2531, %dma_wait3A_2536] : memref<16x64xi32, #tpu.memory_space<vmem>> -> memref<1x64xi32, #tpu.memory_space<vmem>>
      %dma_wait3A_2538 = tpu.memref_squeeze %dma_wait3A_2537 : memref<1x64xi32, #tpu.memory_space<vmem>> -> memref<64xi32, #tpu.memory_space<vmem>>
      %dma_wait3A_2539 = arith.constant 0 : i32
      %dma_wait3A_2540 = arith.constant 0 : i32
      %dma_wait3A_2541 = tpu.memref_slice %arg10[%dma_wait3A_2539, %dma_wait3A_2540] : memref<10240x128xf32, #tpu.memory_space<vmem_shared>> -> memref<10240x128xf32, #tpu.memory_space<vmem_shared>>
      tpu.wait_indirect_dma semaphore(%arg18 : memref<!tpu.dma_semaphore, #tpu.memory_space<semaphore_mem>>) src(%dma_wait3A_2535 : memref<64x128xf32, #tpu.memory_space<vmem>>) dst(%dma_wait3A_2541 : memref<10240x128xf32, #tpu.memory_space<vmem_shared>>)
    }
    %scan3A_1175 = arith.constant 10 : i32
    %barrier3A_1176 = arith.constant 0 : index
    tpu.barrier barrier_id(%barrier3A_1176)
    %add3A_1177 = arith.constant 0 : i32
    %add3A_1178 = arith.addi %mul3A_768, %add3A_1177 : i32
    %dma_start3A_1179 = arith.constant 0 : i32
    %dma_start3A_1180 = arith.constant 0 : i32
    %dma_start3A_1181 = arith.constant 0 : i32
    %dma_start3A_1182 = tpu.memref_slice %arg8[%dma_start3A_1179, %dma_start3A_1180, %dma_start3A_1181] : memref<4x64x128xf32, #tpu.memory_space<vmem>> -> memref<1x64x128xf32, #tpu.memory_space<vmem>>
    %dma_start3A_1183 = tpu.memref_squeeze %dma_start3A_1182 : memref<1x64x128xf32, #tpu.memory_space<vmem>> -> memref<64x128xf32, #tpu.memory_space<vmem>>
    %dma_start3A_1184 = arith.constant 0 : i32
    %dma_start3A_1185 = tpu.memref_slice %arg10[%add3A_1178, %dma_start3A_1184] : memref<10240x128xf32, #tpu.memory_space<vmem_shared>> -> memref<64x128xf32, #tpu.memory_space<vmem_shared>>
    %dma_start3A_1186 = arith.constant 0 : i32
    %dma_start3A_1187 = arith.constant 0 : i32
    %dma_start3A_1188 = tpu.memref_slice %arg8[%dma_start3A_1179, %dma_start3A_1186, %dma_start3A_1187] : memref<4x64x128xf32, #tpu.memory_space<vmem>> -> memref<1x64x128xf32, #tpu.memory_space<vmem>>
    %dma_start3A_1189 = tpu.memref_squeeze %dma_start3A_1188 : memref<1x64x128xf32, #tpu.memory_space<vmem>> -> memref<64x128xf32, #tpu.memory_space<vmem>>
    %dma_start3A_1190 = arith.constant 0 : i32
    %dma_start3A_1191 = tpu.memref_slice %arg10[%add3A_1178, %dma_start3A_1190] : memref<10240x128xf32, #tpu.memory_space<vmem_shared>> -> memref<64x128xf32, #tpu.memory_space<vmem_shared>>
    tpu.enqueue_dma source(%dma_start3A_1191 : memref<64x128xf32, #tpu.memory_space<vmem_shared>>) target(%dma_start3A_1189 : memref<64x128xf32, #tpu.memory_space<vmem>>) target_semaphore(%arg11 : memref<!tpu.dma_semaphore, #tpu.memory_space<semaphore_mem>>)
    %add3A_1192 = arith.constant 64 : i32
    %add3A_1193 = arith.addi %mul3A_768, %add3A_1192 : i32
    %dma_start3A_1194 = arith.constant 1 : i32
    %dma_start3A_1195 = arith.constant 0 : i32
    %dma_start3A_1196 = arith.constant 0 : i32
    %dma_start3A_1197 = tpu.memref_slice %arg8[%dma_start3A_1194, %dma_start3A_1195, %dma_start3A_1196] : memref<4x64x128xf32, #tpu.memory_space<vmem>> -> memref<1x64x128xf32, #tpu.memory_space<vmem>>
    %dma_start3A_1198 = tpu.memref_squeeze %dma_start3A_1197 : memref<1x64x128xf32, #tpu.memory_space<vmem>> -> memref<64x128xf32, #tpu.memory_space<vmem>>
    %dma_start3A_1199 = arith.constant 0 : i32
    %dma_start3A_1200 = tpu.memref_slice %arg10[%add3A_1193, %dma_start3A_1199] : memref<10240x128xf32, #tpu.memory_space<vmem_shared>> -> memref<64x128xf32, #tpu.memory_space<vmem_shared>>
    %dma_start3A_1201 = arith.constant 0 : i32
    %dma_start3A_1202 = arith.constant 0 : i32
    %dma_start3A_1203 = tpu.memref_slice %arg8[%dma_start3A_1194, %dma_start3A_1201, %dma_start3A_1202] : memref<4x64x128xf32, #tpu.memory_space<vmem>> -> memref<1x64x128xf32, #tpu.memory_space<vmem>>
    %dma_start3A_1204 = tpu.memref_squeeze %dma_start3A_1203 : memref<1x64x128xf32, #tpu.memory_space<vmem>> -> memref<64x128xf32, #tpu.memory_space<vmem>>
    %dma_start3A_1205 = arith.constant 0 : i32
    %dma_start3A_1206 = tpu.memref_slice %arg10[%add3A_1193, %dma_start3A_1205] : memref<10240x128xf32, #tpu.memory_space<vmem_shared>> -> memref<64x128xf32, #tpu.memory_space<vmem_shared>>
    tpu.enqueue_dma source(%dma_start3A_1206 : memref<64x128xf32, #tpu.memory_space<vmem_shared>>) target(%dma_start3A_1204 : memref<64x128xf32, #tpu.memory_space<vmem>>) target_semaphore(%arg12 : memref<!tpu.dma_semaphore, #tpu.memory_space<semaphore_mem>>)
    %add3A_1207 = arith.constant 128 : i32
    %add3A_1208 = arith.addi %mul3A_768, %add3A_1207 : i32
    %dma_start3A_1209 = arith.constant 2 : i32
    %dma_start3A_1210 = arith.constant 0 : i32
    %dma_start3A_1211 = arith.constant 0 : i32
    %dma_start3A_1212 = tpu.memref_slice %arg8[%dma_start3A_1209, %dma_start3A_1210, %dma_start3A_1211] : memref<4x64x128xf32, #tpu.memory_space<vmem>> -> memref<1x64x128xf32, #tpu.memory_space<vmem>>
    %dma_start3A_1213 = tpu.memref_squeeze %dma_start3A_1212 : memref<1x64x128xf32, #tpu.memory_space<vmem>> -> memref<64x128xf32, #tpu.memory_space<vmem>>
    %dma_start3A_1214 = arith.constant 0 : i32
    %dma_start3A_1215 = tpu.memref_slice %arg10[%add3A_1208, %dma_start3A_1214] : memref<10240x128xf32, #tpu.memory_space<vmem_shared>> -> memref<64x128xf32, #tpu.memory_space<vmem_shared>>
    %dma_start3A_1216 = arith.constant 0 : i32
    %dma_start3A_1217 = arith.constant 0 : i32
    %dma_start3A_1218 = tpu.memref_slice %arg8[%dma_start3A_1209, %dma_start3A_1216, %dma_start3A_1217] : memref<4x64x128xf32, #tpu.memory_space<vmem>> -> memref<1x64x128xf32, #tpu.memory_space<vmem>>
    %dma_start3A_1219 = tpu.memref_squeeze %dma_start3A_1218 : memref<1x64x128xf32, #tpu.memory_space<vmem>> -> memref<64x128xf32, #tpu.memory_space<vmem>>
    %dma_start3A_1220 = arith.constant 0 : i32
    %dma_start3A_1221 = tpu.memref_slice %arg10[%add3A_1208, %dma_start3A_1220] : memref<10240x128xf32, #tpu.memory_space<vmem_shared>> -> memref<64x128xf32, #tpu.memory_space<vmem_shared>>
    tpu.enqueue_dma source(%dma_start3A_1221 : memref<64x128xf32, #tpu.memory_space<vmem_shared>>) target(%dma_start3A_1219 : memref<64x128xf32, #tpu.memory_space<vmem>>) target_semaphore(%arg13 : memref<!tpu.dma_semaphore, #tpu.memory_space<semaphore_mem>>)
    %add3A_1222 = arith.constant 192 : i32
    %add3A_1223 = arith.addi %mul3A_768, %add3A_1222 : i32
    %dma_start3A_1224 = arith.constant 3 : i32
    %dma_start3A_1225 = arith.constant 0 : i32
    %dma_start3A_1226 = arith.constant 0 : i32
    %dma_start3A_1227 = tpu.memref_slice %arg8[%dma_start3A_1224, %dma_start3A_1225, %dma_start3A_1226] : memref<4x64x128xf32, #tpu.memory_space<vmem>> -> memref<1x64x128xf32, #tpu.memory_space<vmem>>
    %dma_start3A_1228 = tpu.memref_squeeze %dma_start3A_1227 : memref<1x64x128xf32, #tpu.memory_space<vmem>> -> memref<64x128xf32, #tpu.memory_space<vmem>>
    %dma_start3A_1229 = arith.constant 0 : i32
    %dma_start3A_1230 = tpu.memref_slice %arg10[%add3A_1223, %dma_start3A_1229] : memref<10240x128xf32, #tpu.memory_space<vmem_shared>> -> memref<64x128xf32, #tpu.memory_space<vmem_shared>>
    %dma_start3A_1231 = arith.constant 0 : i32
    %dma_start3A_1232 = arith.constant 0 : i32
    %dma_start3A_1233 = tpu.memref_slice %arg8[%dma_start3A_1224, %dma_start3A_1231, %dma_start3A_1232] : memref<4x64x128xf32, #tpu.memory_space<vmem>> -> memref<1x64x128xf32, #tpu.memory_space<vmem>>
    %dma_start3A_1234 = tpu.memref_squeeze %dma_start3A_1233 : memref<1x64x128xf32, #tpu.memory_space<vmem>> -> memref<64x128xf32, #tpu.memory_space<vmem>>
    %dma_start3A_1235 = arith.constant 0 : i32
    %dma_start3A_1236 = tpu.memref_slice %arg10[%add3A_1223, %dma_start3A_1235] : memref<10240x128xf32, #tpu.memory_space<vmem_shared>> -> memref<64x128xf32, #tpu.memory_space<vmem_shared>>
    tpu.enqueue_dma source(%dma_start3A_1236 : memref<64x128xf32, #tpu.memory_space<vmem_shared>>) target(%dma_start3A_1234 : memref<64x128xf32, #tpu.memory_space<vmem>>) target_semaphore(%arg14 : memref<!tpu.dma_semaphore, #tpu.memory_space<semaphore_mem>>)
    %dma_wait3A_1237 = arith.constant 0 : i32
    %dma_wait3A_1238 = arith.constant 0 : i32
    %dma_wait3A_1239 = arith.constant 0 : i32
    %dma_wait3A_1240 = tpu.memref_slice %arg8[%dma_wait3A_1237, %dma_wait3A_1238, %dma_wait3A_1239] : memref<4x64x128xf32, #tpu.memory_space<vmem>> -> memref<1x64x128xf32, #tpu.memory_space<vmem>>
    %dma_wait3A_1241 = tpu.memref_squeeze %dma_wait3A_1240 : memref<1x64x128xf32, #tpu.memory_space<vmem>> -> memref<64x128xf32, #tpu.memory_space<vmem>>
    %dma_wait3A_1242 = arith.constant 0 : i32
    %dma_wait3A_1243 = tpu.memref_slice %arg10[%add3A_1178, %dma_wait3A_1242] : memref<10240x128xf32, #tpu.memory_space<vmem_shared>> -> memref<64x128xf32, #tpu.memory_space<vmem_shared>>
    %dma_wait3A_1244 = arith.constant 0 : i32
    %dma_wait3A_1245 = arith.constant 0 : i32
    %dma_wait3A_1246 = tpu.memref_slice %arg8[%dma_wait3A_1237, %dma_wait3A_1244, %dma_wait3A_1245] : memref<4x64x128xf32, #tpu.memory_space<vmem>> -> memref<1x64x128xf32, #tpu.memory_space<vmem>>
    %dma_wait3A_1247 = tpu.memref_squeeze %dma_wait3A_1246 : memref<1x64x128xf32, #tpu.memory_space<vmem>> -> memref<64x128xf32, #tpu.memory_space<vmem>>
    %dma_wait3A_1248 = arith.constant 0 : i32
    %dma_wait3A_1249 = tpu.memref_slice %arg10[%add3A_1178, %dma_wait3A_1248] : memref<10240x128xf32, #tpu.memory_space<vmem_shared>> -> memref<64x128xf32, #tpu.memory_space<vmem_shared>>
    tpu.wait_dma2 semaphore(%arg11 : memref<!tpu.dma_semaphore, #tpu.memory_space<semaphore_mem>>) src(%dma_wait3A_1249 : memref<64x128xf32, #tpu.memory_space<vmem_shared>>) dst(%dma_wait3A_1247 : memref<64x128xf32, #tpu.memory_space<vmem>>)
    %mul3A_1250 = arith.constant 10240 : i32
    %mul3A_1251 = arith.muli %arg0, %mul3A_1250 : i32
    %add3A_1252 = arith.addi %mul3A_1251, %mul3A_768 : i32
    %add3A_1253 = arith.constant 0 : i32
    %add3A_1254 = arith.addi %add3A_1252, %add3A_1253 : i32
    %dma_start3A_1255 = arith.constant 0 : i32
    %dma_start3A_1256 = arith.constant 0 : i32
    %dma_start3A_1257 = arith.constant 0 : i32
    %dma_start3A_1258 = tpu.memref_slice %arg8[%dma_start3A_1255, %dma_start3A_1256, %dma_start3A_1257] : memref<4x64x128xf32, #tpu.memory_space<vmem>> -> memref<1x64x128xf32, #tpu.memory_space<vmem>>
    %dma_start3A_1259 = tpu.memref_squeeze %dma_start3A_1258 : memref<1x64x128xf32, #tpu.memory_space<vmem>> -> memref<64x128xf32, #tpu.memory_space<vmem>>
    %dma_start3A_1260 = arith.constant 0 : i32
    %dma_start3A_1261 = tpu.memref_slice %arg5[%add3A_1254, %dma_start3A_1260] : memref<20480x128xf32, #tpu.memory_space<hbm>> -> memref<64x128xf32, #tpu.memory_space<hbm>>
    %dma_start3A_1262 = arith.constant 0 : i32
    %dma_start3A_1263 = tpu.memref_slice %arg5[%add3A_1254, %dma_start3A_1262] : memref<20480x128xf32, #tpu.memory_space<hbm>> -> memref<64x128xf32, #tpu.memory_space<hbm>>
    %dma_start3A_1264 = arith.constant 0 : i32
    %dma_start3A_1265 = arith.constant 0 : i32
    %dma_start3A_1266 = tpu.memref_slice %arg8[%dma_start3A_1255, %dma_start3A_1264, %dma_start3A_1265] : memref<4x64x128xf32, #tpu.memory_space<vmem>> -> memref<1x64x128xf32, #tpu.memory_space<vmem>>
    %dma_start3A_1267 = tpu.memref_squeeze %dma_start3A_1266 : memref<1x64x128xf32, #tpu.memory_space<vmem>> -> memref<64x128xf32, #tpu.memory_space<vmem>>
    tpu.enqueue_dma source(%dma_start3A_1267 : memref<64x128xf32, #tpu.memory_space<vmem>>) target(%dma_start3A_1263 : memref<64x128xf32, #tpu.memory_space<hbm>>) target_semaphore(%arg15 : memref<!tpu.dma_semaphore, #tpu.memory_space<semaphore_mem>>)
    %dma_wait3A_1268 = arith.constant 1 : i32
    %dma_wait3A_1269 = arith.constant 0 : i32
    %dma_wait3A_1270 = arith.constant 0 : i32
    %dma_wait3A_1271 = tpu.memref_slice %arg8[%dma_wait3A_1268, %dma_wait3A_1269, %dma_wait3A_1270] : memref<4x64x128xf32, #tpu.memory_space<vmem>> -> memref<1x64x128xf32, #tpu.memory_space<vmem>>
    %dma_wait3A_1272 = tpu.memref_squeeze %dma_wait3A_1271 : memref<1x64x128xf32, #tpu.memory_space<vmem>> -> memref<64x128xf32, #tpu.memory_space<vmem>>
    %dma_wait3A_1273 = arith.constant 0 : i32
    %dma_wait3A_1274 = tpu.memref_slice %arg10[%add3A_1193, %dma_wait3A_1273] : memref<10240x128xf32, #tpu.memory_space<vmem_shared>> -> memref<64x128xf32, #tpu.memory_space<vmem_shared>>
    %dma_wait3A_1275 = arith.constant 0 : i32
    %dma_wait3A_1276 = arith.constant 0 : i32
    %dma_wait3A_1277 = tpu.memref_slice %arg8[%dma_wait3A_1268, %dma_wait3A_1275, %dma_wait3A_1276] : memref<4x64x128xf32, #tpu.memory_space<vmem>> -> memref<1x64x128xf32, #tpu.memory_space<vmem>>
    %dma_wait3A_1278 = tpu.memref_squeeze %dma_wait3A_1277 : memref<1x64x128xf32, #tpu.memory_space<vmem>> -> memref<64x128xf32, #tpu.memory_space<vmem>>
    %dma_wait3A_1279 = arith.constant 0 : i32
    %dma_wait3A_1280 = tpu.memref_slice %arg10[%add3A_1193, %dma_wait3A_1279] : memref<10240x128xf32, #tpu.memory_space<vmem_shared>> -> memref<64x128xf32, #tpu.memory_space<vmem_shared>>
    tpu.wait_dma2 semaphore(%arg12 : memref<!tpu.dma_semaphore, #tpu.memory_space<semaphore_mem>>) src(%dma_wait3A_1280 : memref<64x128xf32, #tpu.memory_space<vmem_shared>>) dst(%dma_wait3A_1278 : memref<64x128xf32, #tpu.memory_space<vmem>>)
    %mul3A_1281 = arith.constant 10240 : i32
    %mul3A_1282 = arith.muli %arg0, %mul3A_1281 : i32
    %add3A_1283 = arith.addi %mul3A_1282, %mul3A_768 : i32
    %add3A_1284 = arith.constant 64 : i32
    %add3A_1285 = arith.addi %add3A_1283, %add3A_1284 : i32
    %dma_start3A_1286 = arith.constant 1 : i32
    %dma_start3A_1287 = arith.constant 0 : i32
    %dma_start3A_1288 = arith.constant 0 : i32
    %dma_start3A_1289 = tpu.memref_slice %arg8[%dma_start3A_1286, %dma_start3A_1287, %dma_start3A_1288] : memref<4x64x128xf32, #tpu.memory_space<vmem>> -> memref<1x64x128xf32, #tpu.memory_space<vmem>>
    %dma_start3A_1290 = tpu.memref_squeeze %dma_start3A_1289 : memref<1x64x128xf32, #tpu.memory_space<vmem>> -> memref<64x128xf32, #tpu.memory_space<vmem>>
    %dma_start3A_1291 = arith.constant 0 : i32
    %dma_start3A_1292 = tpu.memref_slice %arg5[%add3A_1285, %dma_start3A_1291] : memref<20480x128xf32, #tpu.memory_space<hbm>> -> memref<64x128xf32, #tpu.memory_space<hbm>>
    %dma_start3A_1293 = arith.constant 0 : i32
    %dma_start3A_1294 = tpu.memref_slice %arg5[%add3A_1285, %dma_start3A_1293] : memref<20480x128xf32, #tpu.memory_space<hbm>> -> memref<64x128xf32, #tpu.memory_space<hbm>>
    %dma_start3A_1295 = arith.constant 0 : i32
    %dma_start3A_1296 = arith.constant 0 : i32
    %dma_start3A_1297 = tpu.memref_slice %arg8[%dma_start3A_1286, %dma_start3A_1295, %dma_start3A_1296] : memref<4x64x128xf32, #tpu.memory_space<vmem>> -> memref<1x64x128xf32, #tpu.memory_space<vmem>>
    %dma_start3A_1298 = tpu.memref_squeeze %dma_start3A_1297 : memref<1x64x128xf32, #tpu.memory_space<vmem>> -> memref<64x128xf32, #tpu.memory_space<vmem>>
    tpu.enqueue_dma source(%dma_start3A_1298 : memref<64x128xf32, #tpu.memory_space<vmem>>) target(%dma_start3A_1294 : memref<64x128xf32, #tpu.memory_space<hbm>>) target_semaphore(%arg16 : memref<!tpu.dma_semaphore, #tpu.memory_space<semaphore_mem>>)
    %dma_wait3A_1299 = arith.constant 2 : i32
    %dma_wait3A_1300 = arith.constant 0 : i32
    %dma_wait3A_1301 = arith.constant 0 : i32
    %dma_wait3A_1302 = tpu.memref_slice %arg8[%dma_wait3A_1299, %dma_wait3A_1300, %dma_wait3A_1301] : memref<4x64x128xf32, #tpu.memory_space<vmem>> -> memref<1x64x128xf32, #tpu.memory_space<vmem>>
    %dma_wait3A_1303 = tpu.memref_squeeze %dma_wait3A_1302 : memref<1x64x128xf32, #tpu.memory_space<vmem>> -> memref<64x128xf32, #tpu.memory_space<vmem>>
    %dma_wait3A_1304 = arith.constant 0 : i32
    %dma_wait3A_1305 = tpu.memref_slice %arg10[%add3A_1208, %dma_wait3A_1304] : memref<10240x128xf32, #tpu.memory_space<vmem_shared>> -> memref<64x128xf32, #tpu.memory_space<vmem_shared>>
    %dma_wait3A_1306 = arith.constant 0 : i32
    %dma_wait3A_1307 = arith.constant 0 : i32
    %dma_wait3A_1308 = tpu.memref_slice %arg8[%dma_wait3A_1299, %dma_wait3A_1306, %dma_wait3A_1307] : memref<4x64x128xf32, #tpu.memory_space<vmem>> -> memref<1x64x128xf32, #tpu.memory_space<vmem>>
    %dma_wait3A_1309 = tpu.memref_squeeze %dma_wait3A_1308 : memref<1x64x128xf32, #tpu.memory_space<vmem>> -> memref<64x128xf32, #tpu.memory_space<vmem>>
    %dma_wait3A_1310 = arith.constant 0 : i32
    %dma_wait3A_1311 = tpu.memref_slice %arg10[%add3A_1208, %dma_wait3A_1310] : memref<10240x128xf32, #tpu.memory_space<vmem_shared>> -> memref<64x128xf32, #tpu.memory_space<vmem_shared>>
    tpu.wait_dma2 semaphore(%arg13 : memref<!tpu.dma_semaphore, #tpu.memory_space<semaphore_mem>>) src(%dma_wait3A_1311 : memref<64x128xf32, #tpu.memory_space<vmem_shared>>) dst(%dma_wait3A_1309 : memref<64x128xf32, #tpu.memory_space<vmem>>)
    %mul3A_1312 = arith.constant 10240 : i32
    %mul3A_1313 = arith.muli %arg0, %mul3A_1312 : i32
    %add3A_1314 = arith.addi %mul3A_1313, %mul3A_768 : i32
    %add3A_1315 = arith.constant 128 : i32
    %add3A_1316 = arith.addi %add3A_1314, %add3A_1315 : i32
    %dma_start3A_1317 = arith.constant 2 : i32
    %dma_start3A_1318 = arith.constant 0 : i32
    %dma_start3A_1319 = arith.constant 0 : i32
    %dma_start3A_1320 = tpu.memref_slice %arg8[%dma_start3A_1317, %dma_start3A_1318, %dma_start3A_1319] : memref<4x64x128xf32, #tpu.memory_space<vmem>> -> memref<1x64x128xf32, #tpu.memory_space<vmem>>
    %dma_start3A_1321 = tpu.memref_squeeze %dma_start3A_1320 : memref<1x64x128xf32, #tpu.memory_space<vmem>> -> memref<64x128xf32, #tpu.memory_space<vmem>>
    %dma_start3A_1322 = arith.constant 0 : i32
    %dma_start3A_1323 = tpu.memref_slice %arg5[%add3A_1316, %dma_start3A_1322] : memref<20480x128xf32, #tpu.memory_space<hbm>> -> memref<64x128xf32, #tpu.memory_space<hbm>>
    %dma_start3A_1324 = arith.constant 0 : i32
    %dma_start3A_1325 = tpu.memref_slice %arg5[%add3A_1316, %dma_start3A_1324] : memref<20480x128xf32, #tpu.memory_space<hbm>> -> memref<64x128xf32, #tpu.memory_space<hbm>>
    %dma_start3A_1326 = arith.constant 0 : i32
    %dma_start3A_1327 = arith.constant 0 : i32
    %dma_start3A_1328 = tpu.memref_slice %arg8[%dma_start3A_1317, %dma_start3A_1326, %dma_start3A_1327] : memref<4x64x128xf32, #tpu.memory_space<vmem>> -> memref<1x64x128xf32, #tpu.memory_space<vmem>>
    %dma_start3A_1329 = tpu.memref_squeeze %dma_start3A_1328 : memref<1x64x128xf32, #tpu.memory_space<vmem>> -> memref<64x128xf32, #tpu.memory_space<vmem>>
    tpu.enqueue_dma source(%dma_start3A_1329 : memref<64x128xf32, #tpu.memory_space<vmem>>) target(%dma_start3A_1325 : memref<64x128xf32, #tpu.memory_space<hbm>>) target_semaphore(%arg17 : memref<!tpu.dma_semaphore, #tpu.memory_space<semaphore_mem>>)
    %dma_wait3A_1330 = arith.constant 3 : i32
    %dma_wait3A_1331 = arith.constant 0 : i32
    %dma_wait3A_1332 = arith.constant 0 : i32
    %dma_wait3A_1333 = tpu.memref_slice %arg8[%dma_wait3A_1330, %dma_wait3A_1331, %dma_wait3A_1332] : memref<4x64x128xf32, #tpu.memory_space<vmem>> -> memref<1x64x128xf32, #tpu.memory_space<vmem>>
    %dma_wait3A_1334 = tpu.memref_squeeze %dma_wait3A_1333 : memref<1x64x128xf32, #tpu.memory_space<vmem>> -> memref<64x128xf32, #tpu.memory_space<vmem>>
    %dma_wait3A_1335 = arith.constant 0 : i32
    %dma_wait3A_1336 = tpu.memref_slice %arg10[%add3A_1223, %dma_wait3A_1335] : memref<10240x128xf32, #tpu.memory_space<vmem_shared>> -> memref<64x128xf32, #tpu.memory_space<vmem_shared>>
    %dma_wait3A_1337 = arith.constant 0 : i32
    %dma_wait3A_1338 = arith.constant 0 : i32
    %dma_wait3A_1339 = tpu.memref_slice %arg8[%dma_wait3A_1330, %dma_wait3A_1337, %dma_wait3A_1338] : memref<4x64x128xf32, #tpu.memory_space<vmem>> -> memref<1x64x128xf32, #tpu.memory_space<vmem>>
    %dma_wait3A_1340 = tpu.memref_squeeze %dma_wait3A_1339 : memref<1x64x128xf32, #tpu.memory_space<vmem>> -> memref<64x128xf32, #tpu.memory_space<vmem>>
    %dma_wait3A_1341 = arith.constant 0 : i32
    %dma_wait3A_1342 = tpu.memref_slice %arg10[%add3A_1223, %dma_wait3A_1341] : memref<10240x128xf32, #tpu.memory_space<vmem_shared>> -> memref<64x128xf32, #tpu.memory_space<vmem_shared>>
    tpu.wait_dma2 semaphore(%arg14 : memref<!tpu.dma_semaphore, #tpu.memory_space<semaphore_mem>>) src(%dma_wait3A_1342 : memref<64x128xf32, #tpu.memory_space<vmem_shared>>) dst(%dma_wait3A_1340 : memref<64x128xf32, #tpu.memory_space<vmem>>)
    %mul3A_1343 = arith.constant 10240 : i32
    %mul3A_1344 = arith.muli %arg0, %mul3A_1343 : i32
    %add3A_1345 = arith.addi %mul3A_1344, %mul3A_768 : i32
    %add3A_1346 = arith.constant 192 : i32
    %add3A_1347 = arith.addi %add3A_1345, %add3A_1346 : i32
    %dma_start3A_1348 = arith.constant 3 : i32
    %dma_start3A_1349 = arith.constant 0 : i32
    %dma_start3A_1350 = arith.constant 0 : i32
    %dma_start3A_1351 = tpu.memref_slice %arg8[%dma_start3A_1348, %dma_start3A_1349, %dma_start3A_1350] : memref<4x64x128xf32, #tpu.memory_space<vmem>> -> memref<1x64x128xf32, #tpu.memory_space<vmem>>
    %dma_start3A_1352 = tpu.memref_squeeze %dma_start3A_1351 : memref<1x64x128xf32, #tpu.memory_space<vmem>> -> memref<64x128xf32, #tpu.memory_space<vmem>>
    %dma_start3A_1353 = arith.constant 0 : i32
    %dma_start3A_1354 = tpu.memref_slice %arg5[%add3A_1347, %dma_start3A_1353] : memref<20480x128xf32, #tpu.memory_space<hbm>> -> memref<64x128xf32, #tpu.memory_space<hbm>>
    %dma_start3A_1355 = arith.constant 0 : i32
    %dma_start3A_1356 = tpu.memref_slice %arg5[%add3A_1347, %dma_start3A_1355] : memref<20480x128xf32, #tpu.memory_space<hbm>> -> memref<64x128xf32, #tpu.memory_space<hbm>>
    %dma_start3A_1357 = arith.constant 0 : i32
    %dma_start3A_1358 = arith.constant 0 : i32
    %dma_start3A_1359 = tpu.memref_slice %arg8[%dma_start3A_1348, %dma_start3A_1357, %dma_start3A_1358] : memref<4x64x128xf32, #tpu.memory_space<vmem>> -> memref<1x64x128xf32, #tpu.memory_space<vmem>>
    %dma_start3A_1360 = tpu.memref_squeeze %dma_start3A_1359 : memref<1x64x128xf32, #tpu.memory_space<vmem>> -> memref<64x128xf32, #tpu.memory_space<vmem>>
    tpu.enqueue_dma source(%dma_start3A_1360 : memref<64x128xf32, #tpu.memory_space<vmem>>) target(%dma_start3A_1356 : memref<64x128xf32, #tpu.memory_space<hbm>>) target_semaphore(%arg18 : memref<!tpu.dma_semaphore, #tpu.memory_space<semaphore_mem>>)
    %dma_wait3A_1361 = arith.constant 0 : i32
    %dma_wait3A_1362 = arith.constant 0 : i32
    %dma_wait3A_1363 = arith.constant 0 : i32
    %dma_wait3A_1364 = tpu.memref_slice %arg8[%dma_wait3A_1361, %dma_wait3A_1362, %dma_wait3A_1363] : memref<4x64x128xf32, #tpu.memory_space<vmem>> -> memref<1x64x128xf32, #tpu.memory_space<vmem>>
    %dma_wait3A_1365 = tpu.memref_squeeze %dma_wait3A_1364 : memref<1x64x128xf32, #tpu.memory_space<vmem>> -> memref<64x128xf32, #tpu.memory_space<vmem>>
    %dma_wait3A_1366 = arith.constant 0 : i32
    %dma_wait3A_1367 = tpu.memref_slice %arg5[%add3A_1254, %dma_wait3A_1366] : memref<20480x128xf32, #tpu.memory_space<hbm>> -> memref<64x128xf32, #tpu.memory_space<hbm>>
    %dma_wait3A_1368 = arith.constant 0 : i32
    %dma_wait3A_1369 = tpu.memref_slice %arg5[%add3A_1254, %dma_wait3A_1368] : memref<20480x128xf32, #tpu.memory_space<hbm>> -> memref<64x128xf32, #tpu.memory_space<hbm>>
    %dma_wait3A_1370 = arith.constant 0 : i32
    %dma_wait3A_1371 = arith.constant 0 : i32
    %dma_wait3A_1372 = tpu.memref_slice %arg8[%dma_wait3A_1361, %dma_wait3A_1370, %dma_wait3A_1371] : memref<4x64x128xf32, #tpu.memory_space<vmem>> -> memref<1x64x128xf32, #tpu.memory_space<vmem>>
    %dma_wait3A_1373 = tpu.memref_squeeze %dma_wait3A_1372 : memref<1x64x128xf32, #tpu.memory_space<vmem>> -> memref<64x128xf32, #tpu.memory_space<vmem>>
    tpu.wait_dma2 semaphore(%arg15 : memref<!tpu.dma_semaphore, #tpu.memory_space<semaphore_mem>>) src(%dma_wait3A_1373 : memref<64x128xf32, #tpu.memory_space<vmem>>) dst(%dma_wait3A_1369 : memref<64x128xf32, #tpu.memory_space<hbm>>)
    %add3A_1374 = arith.constant 256 : i32
    %add3A_1375 = arith.addi %mul3A_768, %add3A_1374 : i32
    %dma_start3A_1376 = arith.constant 0 : i32
    %dma_start3A_1377 = arith.constant 0 : i32
    %dma_start3A_1378 = arith.constant 0 : i32
    %dma_start3A_1379 = tpu.memref_slice %arg8[%dma_start3A_1376, %dma_start3A_1377, %dma_start3A_1378] : memref<4x64x128xf32, #tpu.memory_space<vmem>> -> memref<1x64x128xf32, #tpu.memory_space<vmem>>
    %dma_start3A_1380 = tpu.memref_squeeze %dma_start3A_1379 : memref<1x64x128xf32, #tpu.memory_space<vmem>> -> memref<64x128xf32, #tpu.memory_space<vmem>>
    %dma_start3A_1381 = arith.constant 0 : i32
    %dma_start3A_1382 = tpu.memref_slice %arg10[%add3A_1375, %dma_start3A_1381] : memref<10240x128xf32, #tpu.memory_space<vmem_shared>> -> memref<64x128xf32, #tpu.memory_space<vmem_shared>>
    %dma_start3A_1383 = arith.constant 0 : i32
    %dma_start3A_1384 = arith.constant 0 : i32
    %dma_start3A_1385 = tpu.memref_slice %arg8[%dma_start3A_1376, %dma_start3A_1383, %dma_start3A_1384] : memref<4x64x128xf32, #tpu.memory_space<vmem>> -> memref<1x64x128xf32, #tpu.memory_space<vmem>>
    %dma_start3A_1386 = tpu.memref_squeeze %dma_start3A_1385 : memref<1x64x128xf32, #tpu.memory_space<vmem>> -> memref<64x128xf32, #tpu.memory_space<vmem>>
    %dma_start3A_1387 = arith.constant 0 : i32
    %dma_start3A_1388 = tpu.memref_slice %arg10[%add3A_1375, %dma_start3A_1387] : memref<10240x128xf32, #tpu.memory_space<vmem_shared>> -> memref<64x128xf32, #tpu.memory_space<vmem_shared>>
    tpu.enqueue_dma source(%dma_start3A_1388 : memref<64x128xf32, #tpu.memory_space<vmem_shared>>) target(%dma_start3A_1386 : memref<64x128xf32, #tpu.memory_space<vmem>>) target_semaphore(%arg11 : memref<!tpu.dma_semaphore, #tpu.memory_space<semaphore_mem>>)
    %dma_wait3A_1389 = arith.constant 0 : i32
    %dma_wait3A_1390 = arith.constant 0 : i32
    %dma_wait3A_1391 = arith.constant 0 : i32
    %dma_wait3A_1392 = tpu.memref_slice %arg8[%dma_wait3A_1389, %dma_wait3A_1390, %dma_wait3A_1391] : memref<4x64x128xf32, #tpu.memory_space<vmem>> -> memref<1x64x128xf32, #tpu.memory_space<vmem>>
    %dma_wait3A_1393 = tpu.memref_squeeze %dma_wait3A_1392 : memref<1x64x128xf32, #tpu.memory_space<vmem>> -> memref<64x128xf32, #tpu.memory_space<vmem>>
    %dma_wait3A_1394 = arith.constant 0 : i32
    %dma_wait3A_1395 = tpu.memref_slice %arg10[%add3A_1375, %dma_wait3A_1394] : memref<10240x128xf32, #tpu.memory_space<vmem_shared>> -> memref<64x128xf32, #tpu.memory_space<vmem_shared>>
    %dma_wait3A_1396 = arith.constant 0 : i32
    %dma_wait3A_1397 = arith.constant 0 : i32
    %dma_wait3A_1398 = tpu.memref_slice %arg8[%dma_wait3A_1389, %dma_wait3A_1396, %dma_wait3A_1397] : memref<4x64x128xf32, #tpu.memory_space<vmem>> -> memref<1x64x128xf32, #tpu.memory_space<vmem>>
    %dma_wait3A_1399 = tpu.memref_squeeze %dma_wait3A_1398 : memref<1x64x128xf32, #tpu.memory_space<vmem>> -> memref<64x128xf32, #tpu.memory_space<vmem>>
    %dma_wait3A_1400 = arith.constant 0 : i32
    %dma_wait3A_1401 = tpu.memref_slice %arg10[%add3A_1375, %dma_wait3A_1400] : memref<10240x128xf32, #tpu.memory_space<vmem_shared>> -> memref<64x128xf32, #tpu.memory_space<vmem_shared>>
    tpu.wait_dma2 semaphore(%arg11 : memref<!tpu.dma_semaphore, #tpu.memory_space<semaphore_mem>>) src(%dma_wait3A_1401 : memref<64x128xf32, #tpu.memory_space<vmem_shared>>) dst(%dma_wait3A_1399 : memref<64x128xf32, #tpu.memory_space<vmem>>)
    %mul3A_1402 = arith.constant 10240 : i32
    %mul3A_1403 = arith.muli %arg0, %mul3A_1402 : i32
    %add3A_1404 = arith.addi %mul3A_1403, %mul3A_768 : i32
    %add3A_1405 = arith.constant 256 : i32
    %add3A_1406 = arith.addi %add3A_1404, %add3A_1405 : i32
    %dma_start3A_1407 = arith.constant 0 : i32
    %dma_start3A_1408 = arith.constant 0 : i32
    %dma_start3A_1409 = arith.constant 0 : i32
    %dma_start3A_1410 = tpu.memref_slice %arg8[%dma_start3A_1407, %dma_start3A_1408, %dma_start3A_1409] : memref<4x64x128xf32, #tpu.memory_space<vmem>> -> memref<1x64x128xf32, #tpu.memory_space<vmem>>
    %dma_start3A_1411 = tpu.memref_squeeze %dma_start3A_1410 : memref<1x64x128xf32, #tpu.memory_space<vmem>> -> memref<64x128xf32, #tpu.memory_space<vmem>>
    %dma_start3A_1412 = arith.constant 0 : i32
    %dma_start3A_1413 = tpu.memref_slice %arg5[%add3A_1406, %dma_start3A_1412] : memref<20480x128xf32, #tpu.memory_space<hbm>> -> memref<64x128xf32, #tpu.memory_space<hbm>>
    %dma_start3A_1414 = arith.constant 0 : i32
    %dma_start3A_1415 = tpu.memref_slice %arg5[%add3A_1406, %dma_start3A_1414] : memref<20480x128xf32, #tpu.memory_space<hbm>> -> memref<64x128xf32, #tpu.memory_space<hbm>>
    %dma_start3A_1416 = arith.constant 0 : i32
    %dma_start3A_1417 = arith.constant 0 : i32
    %dma_start3A_1418 = tpu.memref_slice %arg8[%dma_start3A_1407, %dma_start3A_1416, %dma_start3A_1417] : memref<4x64x128xf32, #tpu.memory_space<vmem>> -> memref<1x64x128xf32, #tpu.memory_space<vmem>>
    %dma_start3A_1419 = tpu.memref_squeeze %dma_start3A_1418 : memref<1x64x128xf32, #tpu.memory_space<vmem>> -> memref<64x128xf32, #tpu.memory_space<vmem>>
    tpu.enqueue_dma source(%dma_start3A_1419 : memref<64x128xf32, #tpu.memory_space<vmem>>) target(%dma_start3A_1415 : memref<64x128xf32, #tpu.memory_space<hbm>>) target_semaphore(%arg15 : memref<!tpu.dma_semaphore, #tpu.memory_space<semaphore_mem>>)
    %dma_wait3A_1420 = arith.constant 1 : i32
    %dma_wait3A_1421 = arith.constant 0 : i32
    %dma_wait3A_1422 = arith.constant 0 : i32
    %dma_wait3A_1423 = tpu.memref_slice %arg8[%dma_wait3A_1420, %dma_wait3A_1421, %dma_wait3A_1422] : memref<4x64x128xf32, #tpu.memory_space<vmem>> -> memref<1x64x128xf32, #tpu.memory_space<vmem>>
    %dma_wait3A_1424 = tpu.memref_squeeze %dma_wait3A_1423 : memref<1x64x128xf32, #tpu.memory_space<vmem>> -> memref<64x128xf32, #tpu.memory_space<vmem>>
    %dma_wait3A_1425 = arith.constant 0 : i32
    %dma_wait3A_1426 = tpu.memref_slice %arg5[%add3A_1285, %dma_wait3A_1425] : memref<20480x128xf32, #tpu.memory_space<hbm>> -> memref<64x128xf32, #tpu.memory_space<hbm>>
    %dma_wait3A_1427 = arith.constant 0 : i32
    %dma_wait3A_1428 = tpu.memref_slice %arg5[%add3A_1285, %dma_wait3A_1427] : memref<20480x128xf32, #tpu.memory_space<hbm>> -> memref<64x128xf32, #tpu.memory_space<hbm>>
    %dma_wait3A_1429 = arith.constant 0 : i32
    %dma_wait3A_1430 = arith.constant 0 : i32
    %dma_wait3A_1431 = tpu.memref_slice %arg8[%dma_wait3A_1420, %dma_wait3A_1429, %dma_wait3A_1430] : memref<4x64x128xf32, #tpu.memory_space<vmem>> -> memref<1x64x128xf32, #tpu.memory_space<vmem>>
    %dma_wait3A_1432 = tpu.memref_squeeze %dma_wait3A_1431 : memref<1x64x128xf32, #tpu.memory_space<vmem>> -> memref<64x128xf32, #tpu.memory_space<vmem>>
    tpu.wait_dma2 semaphore(%arg16 : memref<!tpu.dma_semaphore, #tpu.memory_space<semaphore_mem>>) src(%dma_wait3A_1432 : memref<64x128xf32, #tpu.memory_space<vmem>>) dst(%dma_wait3A_1428 : memref<64x128xf32, #tpu.memory_space<hbm>>)
    %add3A_1433 = arith.constant 320 : i32
    %add3A_1434 = arith.addi %mul3A_768, %add3A_1433 : i32
    %dma_start3A_1435 = arith.constant 1 : i32
    %dma_start3A_1436 = arith.constant 0 : i32
    %dma_start3A_1437 = arith.constant 0 : i32
    %dma_start3A_1438 = tpu.memref_slice %arg8[%dma_start3A_1435, %dma_start3A_1436, %dma_start3A_1437] : memref<4x64x128xf32, #tpu.memory_space<vmem>> -> memref<1x64x128xf32, #tpu.memory_space<vmem>>
    %dma_start3A_1439 = tpu.memref_squeeze %dma_start3A_1438 : memref<1x64x128xf32, #tpu.memory_space<vmem>> -> memref<64x128xf32, #tpu.memory_space<vmem>>
    %dma_start3A_1440 = arith.constant 0 : i32
    %dma_start3A_1441 = tpu.memref_slice %arg10[%add3A_1434, %dma_start3A_1440] : memref<10240x128xf32, #tpu.memory_space<vmem_shared>> -> memref<64x128xf32, #tpu.memory_space<vmem_shared>>
    %dma_start3A_1442 = arith.constant 0 : i32
    %dma_start3A_1443 = arith.constant 0 : i32
    %dma_start3A_1444 = tpu.memref_slice %arg8[%dma_start3A_1435, %dma_start3A_1442, %dma_start3A_1443] : memref<4x64x128xf32, #tpu.memory_space<vmem>> -> memref<1x64x128xf32, #tpu.memory_space<vmem>>
    %dma_start3A_1445 = tpu.memref_squeeze %dma_start3A_1444 : memref<1x64x128xf32, #tpu.memory_space<vmem>> -> memref<64x128xf32, #tpu.memory_space<vmem>>
    %dma_start3A_1446 = arith.constant 0 : i32
    %dma_start3A_1447 = tpu.memref_slice %arg10[%add3A_1434, %dma_start3A_1446] : memref<10240x128xf32, #tpu.memory_space<vmem_shared>> -> memref<64x128xf32, #tpu.memory_space<vmem_shared>>
    tpu.enqueue_dma source(%dma_start3A_1447 : memref<64x128xf32, #tpu.memory_space<vmem_shared>>) target(%dma_start3A_1445 : memref<64x128xf32, #tpu.memory_space<vmem>>) target_semaphore(%arg12 : memref<!tpu.dma_semaphore, #tpu.memory_space<semaphore_mem>>)
    %dma_wait3A_1448 = arith.constant 1 : i32
    %dma_wait3A_1449 = arith.constant 0 : i32
    %dma_wait3A_1450 = arith.constant 0 : i32
    %dma_wait3A_1451 = tpu.memref_slice %arg8[%dma_wait3A_1448, %dma_wait3A_1449, %dma_wait3A_1450] : memref<4x64x128xf32, #tpu.memory_space<vmem>> -> memref<1x64x128xf32, #tpu.memory_space<vmem>>
    %dma_wait3A_1452 = tpu.memref_squeeze %dma_wait3A_1451 : memref<1x64x128xf32, #tpu.memory_space<vmem>> -> memref<64x128xf32, #tpu.memory_space<vmem>>
    %dma_wait3A_1453 = arith.constant 0 : i32
    %dma_wait3A_1454 = tpu.memref_slice %arg10[%add3A_1434, %dma_wait3A_1453] : memref<10240x128xf32, #tpu.memory_space<vmem_shared>> -> memref<64x128xf32, #tpu.memory_space<vmem_shared>>
    %dma_wait3A_1455 = arith.constant 0 : i32
    %dma_wait3A_1456 = arith.constant 0 : i32
    %dma_wait3A_1457 = tpu.memref_slice %arg8[%dma_wait3A_1448, %dma_wait3A_1455, %dma_wait3A_1456] : memref<4x64x128xf32, #tpu.memory_space<vmem>> -> memref<1x64x128xf32, #tpu.memory_space<vmem>>
    %dma_wait3A_1458 = tpu.memref_squeeze %dma_wait3A_1457 : memref<1x64x128xf32, #tpu.memory_space<vmem>> -> memref<64x128xf32, #tpu.memory_space<vmem>>
    %dma_wait3A_1459 = arith.constant 0 : i32
    %dma_wait3A_1460 = tpu.memref_slice %arg10[%add3A_1434, %dma_wait3A_1459] : memref<10240x128xf32, #tpu.memory_space<vmem_shared>> -> memref<64x128xf32, #tpu.memory_space<vmem_shared>>
    tpu.wait_dma2 semaphore(%arg12 : memref<!tpu.dma_semaphore, #tpu.memory_space<semaphore_mem>>) src(%dma_wait3A_1460 : memref<64x128xf32, #tpu.memory_space<vmem_shared>>) dst(%dma_wait3A_1458 : memref<64x128xf32, #tpu.memory_space<vmem>>)
    %mul3A_1461 = arith.constant 10240 : i32
    %mul3A_1462 = arith.muli %arg0, %mul3A_1461 : i32
    %add3A_1463 = arith.addi %mul3A_1462, %mul3A_768 : i32
    %add3A_1464 = arith.constant 320 : i32
    %add3A_1465 = arith.addi %add3A_1463, %add3A_1464 : i32
    %dma_start3A_1466 = arith.constant 1 : i32
    %dma_start3A_1467 = arith.constant 0 : i32
    %dma_start3A_1468 = arith.constant 0 : i32
    %dma_start3A_1469 = tpu.memref_slice %arg8[%dma_start3A_1466, %dma_start3A_1467, %dma_start3A_1468] : memref<4x64x128xf32, #tpu.memory_space<vmem>> -> memref<1x64x128xf32, #tpu.memory_space<vmem>>
    %dma_start3A_1470 = tpu.memref_squeeze %dma_start3A_1469 : memref<1x64x128xf32, #tpu.memory_space<vmem>> -> memref<64x128xf32, #tpu.memory_space<vmem>>
    %dma_start3A_1471 = arith.constant 0 : i32
    %dma_start3A_1472 = tpu.memref_slice %arg5[%add3A_1465, %dma_start3A_1471] : memref<20480x128xf32, #tpu.memory_space<hbm>> -> memref<64x128xf32, #tpu.memory_space<hbm>>
    %dma_start3A_1473 = arith.constant 0 : i32
    %dma_start3A_1474 = tpu.memref_slice %arg5[%add3A_1465, %dma_start3A_1473] : memref<20480x128xf32, #tpu.memory_space<hbm>> -> memref<64x128xf32, #tpu.memory_space<hbm>>
    %dma_start3A_1475 = arith.constant 0 : i32
    %dma_start3A_1476 = arith.constant 0 : i32
    %dma_start3A_1477 = tpu.memref_slice %arg8[%dma_start3A_1466, %dma_start3A_1475, %dma_start3A_1476] : memref<4x64x128xf32, #tpu.memory_space<vmem>> -> memref<1x64x128xf32, #tpu.memory_space<vmem>>
    %dma_start3A_1478 = tpu.memref_squeeze %dma_start3A_1477 : memref<1x64x128xf32, #tpu.memory_space<vmem>> -> memref<64x128xf32, #tpu.memory_space<vmem>>
    tpu.enqueue_dma source(%dma_start3A_1478 : memref<64x128xf32, #tpu.memory_space<vmem>>) target(%dma_start3A_1474 : memref<64x128xf32, #tpu.memory_space<hbm>>) target_semaphore(%arg16 : memref<!tpu.dma_semaphore, #tpu.memory_space<semaphore_mem>>)
    %dma_wait3A_1479 = arith.constant 2 : i32
    %dma_wait3A_1480 = arith.constant 0 : i32
    %dma_wait3A_1481 = arith.constant 0 : i32
    %dma_wait3A_1482 = tpu.memref_slice %arg8[%dma_wait3A_1479, %dma_wait3A_1480, %dma_wait3A_1481] : memref<4x64x128xf32, #tpu.memory_space<vmem>> -> memref<1x64x128xf32, #tpu.memory_space<vmem>>
    %dma_wait3A_1483 = tpu.memref_squeeze %dma_wait3A_1482 : memref<1x64x128xf32, #tpu.memory_space<vmem>> -> memref<64x128xf32, #tpu.memory_space<vmem>>
    %dma_wait3A_1484 = arith.constant 0 : i32
    %dma_wait3A_1485 = tpu.memref_slice %arg5[%add3A_1316, %dma_wait3A_1484] : memref<20480x128xf32, #tpu.memory_space<hbm>> -> memref<64x128xf32, #tpu.memory_space<hbm>>
    %dma_wait3A_1486 = arith.constant 0 : i32
    %dma_wait3A_1487 = tpu.memref_slice %arg5[%add3A_1316, %dma_wait3A_1486] : memref<20480x128xf32, #tpu.memory_space<hbm>> -> memref<64x128xf32, #tpu.memory_space<hbm>>
    %dma_wait3A_1488 = arith.constant 0 : i32
    %dma_wait3A_1489 = arith.constant 0 : i32
    %dma_wait3A_1490 = tpu.memref_slice %arg8[%dma_wait3A_1479, %dma_wait3A_1488, %dma_wait3A_1489] : memref<4x64x128xf32, #tpu.memory_space<vmem>> -> memref<1x64x128xf32, #tpu.memory_space<vmem>>
    %dma_wait3A_1491 = tpu.memref_squeeze %dma_wait3A_1490 : memref<1x64x128xf32, #tpu.memory_space<vmem>> -> memref<64x128xf32, #tpu.memory_space<vmem>>
    tpu.wait_dma2 semaphore(%arg17 : memref<!tpu.dma_semaphore, #tpu.memory_space<semaphore_mem>>) src(%dma_wait3A_1491 : memref<64x128xf32, #tpu.memory_space<vmem>>) dst(%dma_wait3A_1487 : memref<64x128xf32, #tpu.memory_space<hbm>>)
    %add3A_1492 = arith.constant 384 : i32
    %add3A_1493 = arith.addi %mul3A_768, %add3A_1492 : i32
    %dma_start3A_1494 = arith.constant 2 : i32
    %dma_start3A_1495 = arith.constant 0 : i32
    %dma_start3A_1496 = arith.constant 0 : i32
    %dma_start3A_1497 = tpu.memref_slice %arg8[%dma_start3A_1494, %dma_start3A_1495, %dma_start3A_1496] : memref<4x64x128xf32, #tpu.memory_space<vmem>> -> memref<1x64x128xf32, #tpu.memory_space<vmem>>
    %dma_start3A_1498 = tpu.memref_squeeze %dma_start3A_1497 : memref<1x64x128xf32, #tpu.memory_space<vmem>> -> memref<64x128xf32, #tpu.memory_space<vmem>>
    %dma_start3A_1499 = arith.constant 0 : i32
    %dma_start3A_1500 = tpu.memref_slice %arg10[%add3A_1493, %dma_start3A_1499] : memref<10240x128xf32, #tpu.memory_space<vmem_shared>> -> memref<64x128xf32, #tpu.memory_space<vmem_shared>>
    %dma_start3A_1501 = arith.constant 0 : i32
    %dma_start3A_1502 = arith.constant 0 : i32
    %dma_start3A_1503 = tpu.memref_slice %arg8[%dma_start3A_1494, %dma_start3A_1501, %dma_start3A_1502] : memref<4x64x128xf32, #tpu.memory_space<vmem>> -> memref<1x64x128xf32, #tpu.memory_space<vmem>>
    %dma_start3A_1504 = tpu.memref_squeeze %dma_start3A_1503 : memref<1x64x128xf32, #tpu.memory_space<vmem>> -> memref<64x128xf32, #tpu.memory_space<vmem>>
    %dma_start3A_1505 = arith.constant 0 : i32
    %dma_start3A_1506 = tpu.memref_slice %arg10[%add3A_1493, %dma_start3A_1505] : memref<10240x128xf32, #tpu.memory_space<vmem_shared>> -> memref<64x128xf32, #tpu.memory_space<vmem_shared>>
    tpu.enqueue_dma source(%dma_start3A_1506 : memref<64x128xf32, #tpu.memory_space<vmem_shared>>) target(%dma_start3A_1504 : memref<64x128xf32, #tpu.memory_space<vmem>>) target_semaphore(%arg13 : memref<!tpu.dma_semaphore, #tpu.memory_space<semaphore_mem>>)
    %dma_wait3A_1507 = arith.constant 2 : i32
    %dma_wait3A_1508 = arith.constant 0 : i32
    %dma_wait3A_1509 = arith.constant 0 : i32
    %dma_wait3A_1510 = tpu.memref_slice %arg8[%dma_wait3A_1507, %dma_wait3A_1508, %dma_wait3A_1509] : memref<4x64x128xf32, #tpu.memory_space<vmem>> -> memref<1x64x128xf32, #tpu.memory_space<vmem>>
    %dma_wait3A_1511 = tpu.memref_squeeze %dma_wait3A_1510 : memref<1x64x128xf32, #tpu.memory_space<vmem>> -> memref<64x128xf32, #tpu.memory_space<vmem>>
    %dma_wait3A_1512 = arith.constant 0 : i32
    %dma_wait3A_1513 = tpu.memref_slice %arg10[%add3A_1493, %dma_wait3A_1512] : memref<10240x128xf32, #tpu.memory_space<vmem_shared>> -> memref<64x128xf32, #tpu.memory_space<vmem_shared>>
    %dma_wait3A_1514 = arith.constant 0 : i32
    %dma_wait3A_1515 = arith.constant 0 : i32
    %dma_wait3A_1516 = tpu.memref_slice %arg8[%dma_wait3A_1507, %dma_wait3A_1514, %dma_wait3A_1515] : memref<4x64x128xf32, #tpu.memory_space<vmem>> -> memref<1x64x128xf32, #tpu.memory_space<vmem>>
    %dma_wait3A_1517 = tpu.memref_squeeze %dma_wait3A_1516 : memref<1x64x128xf32, #tpu.memory_space<vmem>> -> memref<64x128xf32, #tpu.memory_space<vmem>>
    %dma_wait3A_1518 = arith.constant 0 : i32
    %dma_wait3A_1519 = tpu.memref_slice %arg10[%add3A_1493, %dma_wait3A_1518] : memref<10240x128xf32, #tpu.memory_space<vmem_shared>> -> memref<64x128xf32, #tpu.memory_space<vmem_shared>>
    tpu.wait_dma2 semaphore(%arg13 : memref<!tpu.dma_semaphore, #tpu.memory_space<semaphore_mem>>) src(%dma_wait3A_1519 : memref<64x128xf32, #tpu.memory_space<vmem_shared>>) dst(%dma_wait3A_1517 : memref<64x128xf32, #tpu.memory_space<vmem>>)
    %mul3A_1520 = arith.constant 10240 : i32
    %mul3A_1521 = arith.muli %arg0, %mul3A_1520 : i32
    %add3A_1522 = arith.addi %mul3A_1521, %mul3A_768 : i32
    %add3A_1523 = arith.constant 384 : i32
    %add3A_1524 = arith.addi %add3A_1522, %add3A_1523 : i32
    %dma_start3A_1525 = arith.constant 2 : i32
    %dma_start3A_1526 = arith.constant 0 : i32
    %dma_start3A_1527 = arith.constant 0 : i32
    %dma_start3A_1528 = tpu.memref_slice %arg8[%dma_start3A_1525, %dma_start3A_1526, %dma_start3A_1527] : memref<4x64x128xf32, #tpu.memory_space<vmem>> -> memref<1x64x128xf32, #tpu.memory_space<vmem>>
    %dma_start3A_1529 = tpu.memref_squeeze %dma_start3A_1528 : memref<1x64x128xf32, #tpu.memory_space<vmem>> -> memref<64x128xf32, #tpu.memory_space<vmem>>
    %dma_start3A_1530 = arith.constant 0 : i32
    %dma_start3A_1531 = tpu.memref_slice %arg5[%add3A_1524, %dma_start3A_1530] : memref<20480x128xf32, #tpu.memory_space<hbm>> -> memref<64x128xf32, #tpu.memory_space<hbm>>
    %dma_start3A_1532 = arith.constant 0 : i32
    %dma_start3A_1533 = tpu.memref_slice %arg5[%add3A_1524, %dma_start3A_1532] : memref<20480x128xf32, #tpu.memory_space<hbm>> -> memref<64x128xf32, #tpu.memory_space<hbm>>
    %dma_start3A_1534 = arith.constant 0 : i32
    %dma_start3A_1535 = arith.constant 0 : i32
    %dma_start3A_1536 = tpu.memref_slice %arg8[%dma_start3A_1525, %dma_start3A_1534, %dma_start3A_1535] : memref<4x64x128xf32, #tpu.memory_space<vmem>> -> memref<1x64x128xf32, #tpu.memory_space<vmem>>
    %dma_start3A_1537 = tpu.memref_squeeze %dma_start3A_1536 : memref<1x64x128xf32, #tpu.memory_space<vmem>> -> memref<64x128xf32, #tpu.memory_space<vmem>>
    tpu.enqueue_dma source(%dma_start3A_1537 : memref<64x128xf32, #tpu.memory_space<vmem>>) target(%dma_start3A_1533 : memref<64x128xf32, #tpu.memory_space<hbm>>) target_semaphore(%arg17 : memref<!tpu.dma_semaphore, #tpu.memory_space<semaphore_mem>>)
    %dma_wait3A_1538 = arith.constant 3 : i32
    %dma_wait3A_1539 = arith.constant 0 : i32
    %dma_wait3A_1540 = arith.constant 0 : i32
    %dma_wait3A_1541 = tpu.memref_slice %arg8[%dma_wait3A_1538, %dma_wait3A_1539, %dma_wait3A_1540] : memref<4x64x128xf32, #tpu.memory_space<vmem>> -> memref<1x64x128xf32, #tpu.memory_space<vmem>>
    %dma_wait3A_1542 = tpu.memref_squeeze %dma_wait3A_1541 : memref<1x64x128xf32, #tpu.memory_space<vmem>> -> memref<64x128xf32, #tpu.memory_space<vmem>>
    %dma_wait3A_1543 = arith.constant 0 : i32
    %dma_wait3A_1544 = tpu.memref_slice %arg5[%add3A_1347, %dma_wait3A_1543] : memref<20480x128xf32, #tpu.memory_space<hbm>> -> memref<64x128xf32, #tpu.memory_space<hbm>>
    %dma_wait3A_1545 = arith.constant 0 : i32
    %dma_wait3A_1546 = tpu.memref_slice %arg5[%add3A_1347, %dma_wait3A_1545] : memref<20480x128xf32, #tpu.memory_space<hbm>> -> memref<64x128xf32, #tpu.memory_space<hbm>>
    %dma_wait3A_1547 = arith.constant 0 : i32
    %dma_wait3A_1548 = arith.constant 0 : i32
    %dma_wait3A_1549 = tpu.memref_slice %arg8[%dma_wait3A_1538, %dma_wait3A_1547, %dma_wait3A_1548] : memref<4x64x128xf32, #tpu.memory_space<vmem>> -> memref<1x64x128xf32, #tpu.memory_space<vmem>>
    %dma_wait3A_1550 = tpu.memref_squeeze %dma_wait3A_1549 : memref<1x64x128xf32, #tpu.memory_space<vmem>> -> memref<64x128xf32, #tpu.memory_space<vmem>>
    tpu.wait_dma2 semaphore(%arg18 : memref<!tpu.dma_semaphore, #tpu.memory_space<semaphore_mem>>) src(%dma_wait3A_1550 : memref<64x128xf32, #tpu.memory_space<vmem>>) dst(%dma_wait3A_1546 : memref<64x128xf32, #tpu.memory_space<hbm>>)
    %add3A_1551 = arith.constant 448 : i32
    %add3A_1552 = arith.addi %mul3A_768, %add3A_1551 : i32
    %dma_start3A_1553 = arith.constant 3 : i32
    %dma_start3A_1554 = arith.constant 0 : i32
    %dma_start3A_1555 = arith.constant 0 : i32
    %dma_start3A_1556 = tpu.memref_slice %arg8[%dma_start3A_1553, %dma_start3A_1554, %dma_start3A_1555] : memref<4x64x128xf32, #tpu.memory_space<vmem>> -> memref<1x64x128xf32, #tpu.memory_space<vmem>>
    %dma_start3A_1557 = tpu.memref_squeeze %dma_start3A_1556 : memref<1x64x128xf32, #tpu.memory_space<vmem>> -> memref<64x128xf32, #tpu.memory_space<vmem>>
    %dma_start3A_1558 = arith.constant 0 : i32
    %dma_start3A_1559 = tpu.memref_slice %arg10[%add3A_1552, %dma_start3A_1558] : memref<10240x128xf32, #tpu.memory_space<vmem_shared>> -> memref<64x128xf32, #tpu.memory_space<vmem_shared>>
    %dma_start3A_1560 = arith.constant 0 : i32
    %dma_start3A_1561 = arith.constant 0 : i32
    %dma_start3A_1562 = tpu.memref_slice %arg8[%dma_start3A_1553, %dma_start3A_1560, %dma_start3A_1561] : memref<4x64x128xf32, #tpu.memory_space<vmem>> -> memref<1x64x128xf32, #tpu.memory_space<vmem>>
    %dma_start3A_1563 = tpu.memref_squeeze %dma_start3A_1562 : memref<1x64x128xf32, #tpu.memory_space<vmem>> -> memref<64x128xf32, #tpu.memory_space<vmem>>
    %dma_start3A_1564 = arith.constant 0 : i32
    %dma_start3A_1565 = tpu.memref_slice %arg10[%add3A_1552, %dma_start3A_1564] : memref<10240x128xf32, #tpu.memory_space<vmem_shared>> -> memref<64x128xf32, #tpu.memory_space<vmem_shared>>
    tpu.enqueue_dma source(%dma_start3A_1565 : memref<64x128xf32, #tpu.memory_space<vmem_shared>>) target(%dma_start3A_1563 : memref<64x128xf32, #tpu.memory_space<vmem>>) target_semaphore(%arg14 : memref<!tpu.dma_semaphore, #tpu.memory_space<semaphore_mem>>)
    %dma_wait3A_1566 = arith.constant 3 : i32
    %dma_wait3A_1567 = arith.constant 0 : i32
    %dma_wait3A_1568 = arith.constant 0 : i32
    %dma_wait3A_1569 = tpu.memref_slice %arg8[%dma_wait3A_1566, %dma_wait3A_1567, %dma_wait3A_1568] : memref<4x64x128xf32, #tpu.memory_space<vmem>> -> memref<1x64x128xf32, #tpu.memory_space<vmem>>
    %dma_wait3A_1570 = tpu.memref_squeeze %dma_wait3A_1569 : memref<1x64x128xf32, #tpu.memory_space<vmem>> -> memref<64x128xf32, #tpu.memory_space<vmem>>
    %dma_wait3A_1571 = arith.constant 0 : i32
    %dma_wait3A_1572 = tpu.memref_slice %arg10[%add3A_1552, %dma_wait3A_1571] : memref<10240x128xf32, #tpu.memory_space<vmem_shared>> -> memref<64x128xf32, #tpu.memory_space<vmem_shared>>
    %dma_wait3A_1573 = arith.constant 0 : i32
    %dma_wait3A_1574 = arith.constant 0 : i32
    %dma_wait3A_1575 = tpu.memref_slice %arg8[%dma_wait3A_1566, %dma_wait3A_1573, %dma_wait3A_1574] : memref<4x64x128xf32, #tpu.memory_space<vmem>> -> memref<1x64x128xf32, #tpu.memory_space<vmem>>
    %dma_wait3A_1576 = tpu.memref_squeeze %dma_wait3A_1575 : memref<1x64x128xf32, #tpu.memory_space<vmem>> -> memref<64x128xf32, #tpu.memory_space<vmem>>
    %dma_wait3A_1577 = arith.constant 0 : i32
    %dma_wait3A_1578 = tpu.memref_slice %arg10[%add3A_1552, %dma_wait3A_1577] : memref<10240x128xf32, #tpu.memory_space<vmem_shared>> -> memref<64x128xf32, #tpu.memory_space<vmem_shared>>
    tpu.wait_dma2 semaphore(%arg14 : memref<!tpu.dma_semaphore, #tpu.memory_space<semaphore_mem>>) src(%dma_wait3A_1578 : memref<64x128xf32, #tpu.memory_space<vmem_shared>>) dst(%dma_wait3A_1576 : memref<64x128xf32, #tpu.memory_space<vmem>>)
    %mul3A_1579 = arith.constant 10240 : i32
    %mul3A_1580 = arith.muli %arg0, %mul3A_1579 : i32
    %add3A_1581 = arith.addi %mul3A_1580, %mul3A_768 : i32
    %add3A_1582 = arith.constant 448 : i32
    %add3A_1583 = arith.addi %add3A_1581, %add3A_1582 : i32
    %dma_start3A_1584 = arith.constant 3 : i32
    %dma_start3A_1585 = arith.constant 0 : i32
    %dma_start3A_1586 = arith.constant 0 : i32
    %dma_start3A_1587 = tpu.memref_slice %arg8[%dma_start3A_1584, %dma_start3A_1585, %dma_start3A_1586] : memref<4x64x128xf32, #tpu.memory_space<vmem>> -> memref<1x64x128xf32, #tpu.memory_space<vmem>>
    %dma_start3A_1588 = tpu.memref_squeeze %dma_start3A_1587 : memref<1x64x128xf32, #tpu.memory_space<vmem>> -> memref<64x128xf32, #tpu.memory_space<vmem>>
    %dma_start3A_1589 = arith.constant 0 : i32
    %dma_start3A_1590 = tpu.memref_slice %arg5[%add3A_1583, %dma_start3A_1589] : memref<20480x128xf32, #tpu.memory_space<hbm>> -> memref<64x128xf32, #tpu.memory_space<hbm>>
    %dma_start3A_1591 = arith.constant 0 : i32
    %dma_start3A_1592 = tpu.memref_slice %arg5[%add3A_1583, %dma_start3A_1591] : memref<20480x128xf32, #tpu.memory_space<hbm>> -> memref<64x128xf32, #tpu.memory_space<hbm>>
    %dma_start3A_1593 = arith.constant 0 : i32
    %dma_start3A_1594 = arith.constant 0 : i32
    %dma_start3A_1595 = tpu.memref_slice %arg8[%dma_start3A_1584, %dma_start3A_1593, %dma_start3A_1594] : memref<4x64x128xf32, #tpu.memory_space<vmem>> -> memref<1x64x128xf32, #tpu.memory_space<vmem>>
    %dma_start3A_1596 = tpu.memref_squeeze %dma_start3A_1595 : memref<1x64x128xf32, #tpu.memory_space<vmem>> -> memref<64x128xf32, #tpu.memory_space<vmem>>
    tpu.enqueue_dma source(%dma_start3A_1596 : memref<64x128xf32, #tpu.memory_space<vmem>>) target(%dma_start3A_1592 : memref<64x128xf32, #tpu.memory_space<hbm>>) target_semaphore(%arg18 : memref<!tpu.dma_semaphore, #tpu.memory_space<semaphore_mem>>)
    %dma_wait3A_1597 = arith.constant 0 : i32
    %dma_wait3A_1598 = arith.constant 0 : i32
    %dma_wait3A_1599 = arith.constant 0 : i32
    %dma_wait3A_1600 = tpu.memref_slice %arg8[%dma_wait3A_1597, %dma_wait3A_1598, %dma_wait3A_1599] : memref<4x64x128xf32, #tpu.memory_space<vmem>> -> memref<1x64x128xf32, #tpu.memory_space<vmem>>
    %dma_wait3A_1601 = tpu.memref_squeeze %dma_wait3A_1600 : memref<1x64x128xf32, #tpu.memory_space<vmem>> -> memref<64x128xf32, #tpu.memory_space<vmem>>
    %dma_wait3A_1602 = arith.constant 0 : i32
    %dma_wait3A_1603 = tpu.memref_slice %arg5[%add3A_1406, %dma_wait3A_1602] : memref<20480x128xf32, #tpu.memory_space<hbm>> -> memref<64x128xf32, #tpu.memory_space<hbm>>
    %dma_wait3A_1604 = arith.constant 0 : i32
    %dma_wait3A_1605 = tpu.memref_slice %arg5[%add3A_1406, %dma_wait3A_1604] : memref<20480x128xf32, #tpu.memory_space<hbm>> -> memref<64x128xf32, #tpu.memory_space<hbm>>
    %dma_wait3A_1606 = arith.constant 0 : i32
    %dma_wait3A_1607 = arith.constant 0 : i32
    %dma_wait3A_1608 = tpu.memref_slice %arg8[%dma_wait3A_1597, %dma_wait3A_1606, %dma_wait3A_1607] : memref<4x64x128xf32, #tpu.memory_space<vmem>> -> memref<1x64x128xf32, #tpu.memory_space<vmem>>
    %dma_wait3A_1609 = tpu.memref_squeeze %dma_wait3A_1608 : memref<1x64x128xf32, #tpu.memory_space<vmem>> -> memref<64x128xf32, #tpu.memory_space<vmem>>
    tpu.wait_dma2 semaphore(%arg15 : memref<!tpu.dma_semaphore, #tpu.memory_space<semaphore_mem>>) src(%dma_wait3A_1609 : memref<64x128xf32, #tpu.memory_space<vmem>>) dst(%dma_wait3A_1605 : memref<64x128xf32, #tpu.memory_space<hbm>>)
    %add3A_1610 = arith.constant 512 : i32
    %add3A_1611 = arith.addi %mul3A_768, %add3A_1610 : i32
    %dma_start3A_1612 = arith.constant 0 : i32
    %dma_start3A_1613 = arith.constant 0 : i32
    %dma_start3A_1614 = arith.constant 0 : i32
    %dma_start3A_1615 = tpu.memref_slice %arg8[%dma_start3A_1612, %dma_start3A_1613, %dma_start3A_1614] : memref<4x64x128xf32, #tpu.memory_space<vmem>> -> memref<1x64x128xf32, #tpu.memory_space<vmem>>
    %dma_start3A_1616 = tpu.memref_squeeze %dma_start3A_1615 : memref<1x64x128xf32, #tpu.memory_space<vmem>> -> memref<64x128xf32, #tpu.memory_space<vmem>>
    %dma_start3A_1617 = arith.constant 0 : i32
    %dma_start3A_1618 = tpu.memref_slice %arg10[%add3A_1611, %dma_start3A_1617] : memref<10240x128xf32, #tpu.memory_space<vmem_shared>> -> memref<64x128xf32, #tpu.memory_space<vmem_shared>>
    %dma_start3A_1619 = arith.constant 0 : i32
    %dma_start3A_1620 = arith.constant 0 : i32
    %dma_start3A_1621 = tpu.memref_slice %arg8[%dma_start3A_1612, %dma_start3A_1619, %dma_start3A_1620] : memref<4x64x128xf32, #tpu.memory_space<vmem>> -> memref<1x64x128xf32, #tpu.memory_space<vmem>>
    %dma_start3A_1622 = tpu.memref_squeeze %dma_start3A_1621 : memref<1x64x128xf32, #tpu.memory_space<vmem>> -> memref<64x128xf32, #tpu.memory_space<vmem>>
    %dma_start3A_1623 = arith.constant 0 : i32
    %dma_start3A_1624 = tpu.memref_slice %arg10[%add3A_1611, %dma_start3A_1623] : memref<10240x128xf32, #tpu.memory_space<vmem_shared>> -> memref<64x128xf32, #tpu.memory_space<vmem_shared>>
    tpu.enqueue_dma source(%dma_start3A_1624 : memref<64x128xf32, #tpu.memory_space<vmem_shared>>) target(%dma_start3A_1622 : memref<64x128xf32, #tpu.memory_space<vmem>>) target_semaphore(%arg11 : memref<!tpu.dma_semaphore, #tpu.memory_space<semaphore_mem>>)
    %dma_wait3A_1625 = arith.constant 0 : i32
    %dma_wait3A_1626 = arith.constant 0 : i32
    %dma_wait3A_1627 = arith.constant 0 : i32
    %dma_wait3A_1628 = tpu.memref_slice %arg8[%dma_wait3A_1625, %dma_wait3A_1626, %dma_wait3A_1627] : memref<4x64x128xf32, #tpu.memory_space<vmem>> -> memref<1x64x128xf32, #tpu.memory_space<vmem>>
    %dma_wait3A_1629 = tpu.memref_squeeze %dma_wait3A_1628 : memref<1x64x128xf32, #tpu.memory_space<vmem>> -> memref<64x128xf32, #tpu.memory_space<vmem>>
    %dma_wait3A_1630 = arith.constant 0 : i32
    %dma_wait3A_1631 = tpu.memref_slice %arg10[%add3A_1611, %dma_wait3A_1630] : memref<10240x128xf32, #tpu.memory_space<vmem_shared>> -> memref<64x128xf32, #tpu.memory_space<vmem_shared>>
    %dma_wait3A_1632 = arith.constant 0 : i32
    %dma_wait3A_1633 = arith.constant 0 : i32
    %dma_wait3A_1634 = tpu.memref_slice %arg8[%dma_wait3A_1625, %dma_wait3A_1632, %dma_wait3A_1633] : memref<4x64x128xf32, #tpu.memory_space<vmem>> -> memref<1x64x128xf32, #tpu.memory_space<vmem>>
    %dma_wait3A_1635 = tpu.memref_squeeze %dma_wait3A_1634 : memref<1x64x128xf32, #tpu.memory_space<vmem>> -> memref<64x128xf32, #tpu.memory_space<vmem>>
    %dma_wait3A_1636 = arith.constant 0 : i32
    %dma_wait3A_1637 = tpu.memref_slice %arg10[%add3A_1611, %dma_wait3A_1636] : memref<10240x128xf32, #tpu.memory_space<vmem_shared>> -> memref<64x128xf32, #tpu.memory_space<vmem_shared>>
    tpu.wait_dma2 semaphore(%arg11 : memref<!tpu.dma_semaphore, #tpu.memory_space<semaphore_mem>>) src(%dma_wait3A_1637 : memref<64x128xf32, #tpu.memory_space<vmem_shared>>) dst(%dma_wait3A_1635 : memref<64x128xf32, #tpu.memory_space<vmem>>)
    %mul3A_1638 = arith.constant 10240 : i32
    %mul3A_1639 = arith.muli %arg0, %mul3A_1638 : i32
    %add3A_1640 = arith.addi %mul3A_1639, %mul3A_768 : i32
    %add3A_1641 = arith.constant 512 : i32
    %add3A_1642 = arith.addi %add3A_1640, %add3A_1641 : i32
    %dma_start3A_1643 = arith.constant 0 : i32
    %dma_start3A_1644 = arith.constant 0 : i32
    %dma_start3A_1645 = arith.constant 0 : i32
    %dma_start3A_1646 = tpu.memref_slice %arg8[%dma_start3A_1643, %dma_start3A_1644, %dma_start3A_1645] : memref<4x64x128xf32, #tpu.memory_space<vmem>> -> memref<1x64x128xf32, #tpu.memory_space<vmem>>
    %dma_start3A_1647 = tpu.memref_squeeze %dma_start3A_1646 : memref<1x64x128xf32, #tpu.memory_space<vmem>> -> memref<64x128xf32, #tpu.memory_space<vmem>>
    %dma_start3A_1648 = arith.constant 0 : i32
    %dma_start3A_1649 = tpu.memref_slice %arg5[%add3A_1642, %dma_start3A_1648] : memref<20480x128xf32, #tpu.memory_space<hbm>> -> memref<64x128xf32, #tpu.memory_space<hbm>>
    %dma_start3A_1650 = arith.constant 0 : i32
    %dma_start3A_1651 = tpu.memref_slice %arg5[%add3A_1642, %dma_start3A_1650] : memref<20480x128xf32, #tpu.memory_space<hbm>> -> memref<64x128xf32, #tpu.memory_space<hbm>>
    %dma_start3A_1652 = arith.constant 0 : i32
    %dma_start3A_1653 = arith.constant 0 : i32
    %dma_start3A_1654 = tpu.memref_slice %arg8[%dma_start3A_1643, %dma_start3A_1652, %dma_start3A_1653] : memref<4x64x128xf32, #tpu.memory_space<vmem>> -> memref<1x64x128xf32, #tpu.memory_space<vmem>>
    %dma_start3A_1655 = tpu.memref_squeeze %dma_start3A_1654 : memref<1x64x128xf32, #tpu.memory_space<vmem>> -> memref<64x128xf32, #tpu.memory_space<vmem>>
    tpu.enqueue_dma source(%dma_start3A_1655 : memref<64x128xf32, #tpu.memory_space<vmem>>) target(%dma_start3A_1651 : memref<64x128xf32, #tpu.memory_space<hbm>>) target_semaphore(%arg15 : memref<!tpu.dma_semaphore, #tpu.memory_space<semaphore_mem>>)
    %dma_wait3A_1656 = arith.constant 1 : i32
    %dma_wait3A_1657 = arith.constant 0 : i32
    %dma_wait3A_1658 = arith.constant 0 : i32
    %dma_wait3A_1659 = tpu.memref_slice %arg8[%dma_wait3A_1656, %dma_wait3A_1657, %dma_wait3A_1658] : memref<4x64x128xf32, #tpu.memory_space<vmem>> -> memref<1x64x128xf32, #tpu.memory_space<vmem>>
    %dma_wait3A_1660 = tpu.memref_squeeze %dma_wait3A_1659 : memref<1x64x128xf32, #tpu.memory_space<vmem>> -> memref<64x128xf32, #tpu.memory_space<vmem>>
    %dma_wait3A_1661 = arith.constant 0 : i32
    %dma_wait3A_1662 = tpu.memref_slice %arg5[%add3A_1465, %dma_wait3A_1661] : memref<20480x128xf32, #tpu.memory_space<hbm>> -> memref<64x128xf32, #tpu.memory_space<hbm>>
    %dma_wait3A_1663 = arith.constant 0 : i32
    %dma_wait3A_1664 = tpu.memref_slice %arg5[%add3A_1465, %dma_wait3A_1663] : memref<20480x128xf32, #tpu.memory_space<hbm>> -> memref<64x128xf32, #tpu.memory_space<hbm>>
    %dma_wait3A_1665 = arith.constant 0 : i32
    %dma_wait3A_1666 = arith.constant 0 : i32
    %dma_wait3A_1667 = tpu.memref_slice %arg8[%dma_wait3A_1656, %dma_wait3A_1665, %dma_wait3A_1666] : memref<4x64x128xf32, #tpu.memory_space<vmem>> -> memref<1x64x128xf32, #tpu.memory_space<vmem>>
    %dma_wait3A_1668 = tpu.memref_squeeze %dma_wait3A_1667 : memref<1x64x128xf32, #tpu.memory_space<vmem>> -> memref<64x128xf32, #tpu.memory_space<vmem>>
    tpu.wait_dma2 semaphore(%arg16 : memref<!tpu.dma_semaphore, #tpu.memory_space<semaphore_mem>>) src(%dma_wait3A_1668 : memref<64x128xf32, #tpu.memory_space<vmem>>) dst(%dma_wait3A_1664 : memref<64x128xf32, #tpu.memory_space<hbm>>)
    %add3A_1669 = arith.constant 576 : i32
    %add3A_1670 = arith.addi %mul3A_768, %add3A_1669 : i32
    %dma_start3A_1671 = arith.constant 1 : i32
    %dma_start3A_1672 = arith.constant 0 : i32
    %dma_start3A_1673 = arith.constant 0 : i32
    %dma_start3A_1674 = tpu.memref_slice %arg8[%dma_start3A_1671, %dma_start3A_1672, %dma_start3A_1673] : memref<4x64x128xf32, #tpu.memory_space<vmem>> -> memref<1x64x128xf32, #tpu.memory_space<vmem>>
    %dma_start3A_1675 = tpu.memref_squeeze %dma_start3A_1674 : memref<1x64x128xf32, #tpu.memory_space<vmem>> -> memref<64x128xf32, #tpu.memory_space<vmem>>
    %dma_start3A_1676 = arith.constant 0 : i32
    %dma_start3A_1677 = tpu.memref_slice %arg10[%add3A_1670, %dma_start3A_1676] : memref<10240x128xf32, #tpu.memory_space<vmem_shared>> -> memref<64x128xf32, #tpu.memory_space<vmem_shared>>
    %dma_start3A_1678 = arith.constant 0 : i32
    %dma_start3A_1679 = arith.constant 0 : i32
    %dma_start3A_1680 = tpu.memref_slice %arg8[%dma_start3A_1671, %dma_start3A_1678, %dma_start3A_1679] : memref<4x64x128xf32, #tpu.memory_space<vmem>> -> memref<1x64x128xf32, #tpu.memory_space<vmem>>
    %dma_start3A_1681 = tpu.memref_squeeze %dma_start3A_1680 : memref<1x64x128xf32, #tpu.memory_space<vmem>> -> memref<64x128xf32, #tpu.memory_space<vmem>>
    %dma_start3A_1682 = arith.constant 0 : i32
    %dma_start3A_1683 = tpu.memref_slice %arg10[%add3A_1670, %dma_start3A_1682] : memref<10240x128xf32, #tpu.memory_space<vmem_shared>> -> memref<64x128xf32, #tpu.memory_space<vmem_shared>>
    tpu.enqueue_dma source(%dma_start3A_1683 : memref<64x128xf32, #tpu.memory_space<vmem_shared>>) target(%dma_start3A_1681 : memref<64x128xf32, #tpu.memory_space<vmem>>) target_semaphore(%arg12 : memref<!tpu.dma_semaphore, #tpu.memory_space<semaphore_mem>>)
    %dma_wait3A_1684 = arith.constant 1 : i32
    %dma_wait3A_1685 = arith.constant 0 : i32
    %dma_wait3A_1686 = arith.constant 0 : i32
    %dma_wait3A_1687 = tpu.memref_slice %arg8[%dma_wait3A_1684, %dma_wait3A_1685, %dma_wait3A_1686] : memref<4x64x128xf32, #tpu.memory_space<vmem>> -> memref<1x64x128xf32, #tpu.memory_space<vmem>>
    %dma_wait3A_1688 = tpu.memref_squeeze %dma_wait3A_1687 : memref<1x64x128xf32, #tpu.memory_space<vmem>> -> memref<64x128xf32, #tpu.memory_space<vmem>>
    %dma_wait3A_1689 = arith.constant 0 : i32
    %dma_wait3A_1690 = tpu.memref_slice %arg10[%add3A_1670, %dma_wait3A_1689] : memref<10240x128xf32, #tpu.memory_space<vmem_shared>> -> memref<64x128xf32, #tpu.memory_space<vmem_shared>>
    %dma_wait3A_1691 = arith.constant 0 : i32
    %dma_wait3A_1692 = arith.constant 0 : i32
    %dma_wait3A_1693 = tpu.memref_slice %arg8[%dma_wait3A_1684, %dma_wait3A_1691, %dma_wait3A_1692] : memref<4x64x128xf32, #tpu.memory_space<vmem>> -> memref<1x64x128xf32, #tpu.memory_space<vmem>>
    %dma_wait3A_1694 = tpu.memref_squeeze %dma_wait3A_1693 : memref<1x64x128xf32, #tpu.memory_space<vmem>> -> memref<64x128xf32, #tpu.memory_space<vmem>>
    %dma_wait3A_1695 = arith.constant 0 : i32
    %dma_wait3A_1696 = tpu.memref_slice %arg10[%add3A_1670, %dma_wait3A_1695] : memref<10240x128xf32, #tpu.memory_space<vmem_shared>> -> memref<64x128xf32, #tpu.memory_space<vmem_shared>>
    tpu.wait_dma2 semaphore(%arg12 : memref<!tpu.dma_semaphore, #tpu.memory_space<semaphore_mem>>) src(%dma_wait3A_1696 : memref<64x128xf32, #tpu.memory_space<vmem_shared>>) dst(%dma_wait3A_1694 : memref<64x128xf32, #tpu.memory_space<vmem>>)
    %mul3A_1697 = arith.constant 10240 : i32
    %mul3A_1698 = arith.muli %arg0, %mul3A_1697 : i32
    %add3A_1699 = arith.addi %mul3A_1698, %mul3A_768 : i32
    %add3A_1700 = arith.constant 576 : i32
    %add3A_1701 = arith.addi %add3A_1699, %add3A_1700 : i32
    %dma_start3A_1702 = arith.constant 1 : i32
    %dma_start3A_1703 = arith.constant 0 : i32
    %dma_start3A_1704 = arith.constant 0 : i32
    %dma_start3A_1705 = tpu.memref_slice %arg8[%dma_start3A_1702, %dma_start3A_1703, %dma_start3A_1704] : memref<4x64x128xf32, #tpu.memory_space<vmem>> -> memref<1x64x128xf32, #tpu.memory_space<vmem>>
    %dma_start3A_1706 = tpu.memref_squeeze %dma_start3A_1705 : memref<1x64x128xf32, #tpu.memory_space<vmem>> -> memref<64x128xf32, #tpu.memory_space<vmem>>
    %dma_start3A_1707 = arith.constant 0 : i32
    %dma_start3A_1708 = tpu.memref_slice %arg5[%add3A_1701, %dma_start3A_1707] : memref<20480x128xf32, #tpu.memory_space<hbm>> -> memref<64x128xf32, #tpu.memory_space<hbm>>
    %dma_start3A_1709 = arith.constant 0 : i32
    %dma_start3A_1710 = tpu.memref_slice %arg5[%add3A_1701, %dma_start3A_1709] : memref<20480x128xf32, #tpu.memory_space<hbm>> -> memref<64x128xf32, #tpu.memory_space<hbm>>
    %dma_start3A_1711 = arith.constant 0 : i32
    %dma_start3A_1712 = arith.constant 0 : i32
    %dma_start3A_1713 = tpu.memref_slice %arg8[%dma_start3A_1702, %dma_start3A_1711, %dma_start3A_1712] : memref<4x64x128xf32, #tpu.memory_space<vmem>> -> memref<1x64x128xf32, #tpu.memory_space<vmem>>
    %dma_start3A_1714 = tpu.memref_squeeze %dma_start3A_1713 : memref<1x64x128xf32, #tpu.memory_space<vmem>> -> memref<64x128xf32, #tpu.memory_space<vmem>>
    tpu.enqueue_dma source(%dma_start3A_1714 : memref<64x128xf32, #tpu.memory_space<vmem>>) target(%dma_start3A_1710 : memref<64x128xf32, #tpu.memory_space<hbm>>) target_semaphore(%arg16 : memref<!tpu.dma_semaphore, #tpu.memory_space<semaphore_mem>>)
    %dma_wait3A_1715 = arith.constant 0 : i32
    %dma_wait3A_1716 = arith.constant 0 : i32
    %dma_wait3A_1717 = arith.constant 0 : i32
    %dma_wait3A_1718 = tpu.memref_slice %arg8[%dma_wait3A_1715, %dma_wait3A_1716, %dma_wait3A_1717] : memref<4x64x128xf32, #tpu.memory_space<vmem>> -> memref<1x64x128xf32, #tpu.memory_space<vmem>>
    %dma_wait3A_1719 = tpu.memref_squeeze %dma_wait3A_1718 : memref<1x64x128xf32, #tpu.memory_space<vmem>> -> memref<64x128xf32, #tpu.memory_space<vmem>>
    %dma_wait3A_1720 = arith.constant 0 : i32
    %dma_wait3A_1721 = tpu.memref_slice %arg5[%add3A_1642, %dma_wait3A_1720] : memref<20480x128xf32, #tpu.memory_space<hbm>> -> memref<64x128xf32, #tpu.memory_space<hbm>>
    %dma_wait3A_1722 = arith.constant 0 : i32
    %dma_wait3A_1723 = tpu.memref_slice %arg5[%add3A_1642, %dma_wait3A_1722] : memref<20480x128xf32, #tpu.memory_space<hbm>> -> memref<64x128xf32, #tpu.memory_space<hbm>>
    %dma_wait3A_1724 = arith.constant 0 : i32
    %dma_wait3A_1725 = arith.constant 0 : i32
    %dma_wait3A_1726 = tpu.memref_slice %arg8[%dma_wait3A_1715, %dma_wait3A_1724, %dma_wait3A_1725] : memref<4x64x128xf32, #tpu.memory_space<vmem>> -> memref<1x64x128xf32, #tpu.memory_space<vmem>>
    %dma_wait3A_1727 = tpu.memref_squeeze %dma_wait3A_1726 : memref<1x64x128xf32, #tpu.memory_space<vmem>> -> memref<64x128xf32, #tpu.memory_space<vmem>>
    tpu.wait_dma2 semaphore(%arg15 : memref<!tpu.dma_semaphore, #tpu.memory_space<semaphore_mem>>) src(%dma_wait3A_1727 : memref<64x128xf32, #tpu.memory_space<vmem>>) dst(%dma_wait3A_1723 : memref<64x128xf32, #tpu.memory_space<hbm>>)
    %dma_wait3A_1728 = arith.constant 1 : i32
    %dma_wait3A_1729 = arith.constant 0 : i32
    %dma_wait3A_1730 = arith.constant 0 : i32
    %dma_wait3A_1731 = tpu.memref_slice %arg8[%dma_wait3A_1728, %dma_wait3A_1729, %dma_wait3A_1730] : memref<4x64x128xf32, #tpu.memory_space<vmem>> -> memref<1x64x128xf32, #tpu.memory_space<vmem>>
    %dma_wait3A_1732 = tpu.memref_squeeze %dma_wait3A_1731 : memref<1x64x128xf32, #tpu.memory_space<vmem>> -> memref<64x128xf32, #tpu.memory_space<vmem>>
    %dma_wait3A_1733 = arith.constant 0 : i32
    %dma_wait3A_1734 = tpu.memref_slice %arg5[%add3A_1701, %dma_wait3A_1733] : memref<20480x128xf32, #tpu.memory_space<hbm>> -> memref<64x128xf32, #tpu.memory_space<hbm>>
    %dma_wait3A_1735 = arith.constant 0 : i32
    %dma_wait3A_1736 = tpu.memref_slice %arg5[%add3A_1701, %dma_wait3A_1735] : memref<20480x128xf32, #tpu.memory_space<hbm>> -> memref<64x128xf32, #tpu.memory_space<hbm>>
    %dma_wait3A_1737 = arith.constant 0 : i32
    %dma_wait3A_1738 = arith.constant 0 : i32
    %dma_wait3A_1739 = tpu.memref_slice %arg8[%dma_wait3A_1728, %dma_wait3A_1737, %dma_wait3A_1738] : memref<4x64x128xf32, #tpu.memory_space<vmem>> -> memref<1x64x128xf32, #tpu.memory_space<vmem>>
    %dma_wait3A_1740 = tpu.memref_squeeze %dma_wait3A_1739 : memref<1x64x128xf32, #tpu.memory_space<vmem>> -> memref<64x128xf32, #tpu.memory_space<vmem>>
    tpu.wait_dma2 semaphore(%arg16 : memref<!tpu.dma_semaphore, #tpu.memory_space<semaphore_mem>>) src(%dma_wait3A_1740 : memref<64x128xf32, #tpu.memory_space<vmem>>) dst(%dma_wait3A_1736 : memref<64x128xf32, #tpu.memory_space<hbm>>)
    %dma_wait3A_1741 = arith.constant 2 : i32
    %dma_wait3A_1742 = arith.constant 0 : i32
    %dma_wait3A_1743 = arith.constant 0 : i32
    %dma_wait3A_1744 = tpu.memref_slice %arg8[%dma_wait3A_1741, %dma_wait3A_1742, %dma_wait3A_1743] : memref<4x64x128xf32, #tpu.memory_space<vmem>> -> memref<1x64x128xf32, #tpu.memory_space<vmem>>
    %dma_wait3A_1745 = tpu.memref_squeeze %dma_wait3A_1744 : memref<1x64x128xf32, #tpu.memory_space<vmem>> -> memref<64x128xf32, #tpu.memory_space<vmem>>
    %dma_wait3A_1746 = arith.constant 0 : i32
    %dma_wait3A_1747 = tpu.memref_slice %arg5[%add3A_1524, %dma_wait3A_1746] : memref<20480x128xf32, #tpu.memory_space<hbm>> -> memref<64x128xf32, #tpu.memory_space<hbm>>
    %dma_wait3A_1748 = arith.constant 0 : i32
    %dma_wait3A_1749 = tpu.memref_slice %arg5[%add3A_1524, %dma_wait3A_1748] : memref<20480x128xf32, #tpu.memory_space<hbm>> -> memref<64x128xf32, #tpu.memory_space<hbm>>
    %dma_wait3A_1750 = arith.constant 0 : i32
    %dma_wait3A_1751 = arith.constant 0 : i32
    %dma_wait3A_1752 = tpu.memref_slice %arg8[%dma_wait3A_1741, %dma_wait3A_1750, %dma_wait3A_1751] : memref<4x64x128xf32, #tpu.memory_space<vmem>> -> memref<1x64x128xf32, #tpu.memory_space<vmem>>
    %dma_wait3A_1753 = tpu.memref_squeeze %dma_wait3A_1752 : memref<1x64x128xf32, #tpu.memory_space<vmem>> -> memref<64x128xf32, #tpu.memory_space<vmem>>
    tpu.wait_dma2 semaphore(%arg17 : memref<!tpu.dma_semaphore, #tpu.memory_space<semaphore_mem>>) src(%dma_wait3A_1753 : memref<64x128xf32, #tpu.memory_space<vmem>>) dst(%dma_wait3A_1749 : memref<64x128xf32, #tpu.memory_space<hbm>>)
    %dma_wait3A_1754 = arith.constant 3 : i32
    %dma_wait3A_1755 = arith.constant 0 : i32
    %dma_wait3A_1756 = arith.constant 0 : i32
    %dma_wait3A_1757 = tpu.memref_slice %arg8[%dma_wait3A_1754, %dma_wait3A_1755, %dma_wait3A_1756] : memref<4x64x128xf32, #tpu.memory_space<vmem>> -> memref<1x64x128xf32, #tpu.memory_space<vmem>>
    %dma_wait3A_1758 = tpu.memref_squeeze %dma_wait3A_1757 : memref<1x64x128xf32, #tpu.memory_space<vmem>> -> memref<64x128xf32, #tpu.memory_space<vmem>>
    %dma_wait3A_1759 = arith.constant 0 : i32
    %dma_wait3A_1760 = tpu.memref_slice %arg5[%add3A_1583, %dma_wait3A_1759] : memref<20480x128xf32, #tpu.memory_space<hbm>> -> memref<64x128xf32, #tpu.memory_space<hbm>>
    %dma_wait3A_1761 = arith.constant 0 : i32
    %dma_wait3A_1762 = tpu.memref_slice %arg5[%add3A_1583, %dma_wait3A_1761] : memref<20480x128xf32, #tpu.memory_space<hbm>> -> memref<64x128xf32, #tpu.memory_space<hbm>>
    %dma_wait3A_1763 = arith.constant 0 : i32
    %dma_wait3A_1764 = arith.constant 0 : i32
    %dma_wait3A_1765 = tpu.memref_slice %arg8[%dma_wait3A_1754, %dma_wait3A_1763, %dma_wait3A_1764] : memref<4x64x128xf32, #tpu.memory_space<vmem>> -> memref<1x64x128xf32, #tpu.memory_space<vmem>>
    %dma_wait3A_1766 = tpu.memref_squeeze %dma_wait3A_1765 : memref<1x64x128xf32, #tpu.memory_space<vmem>> -> memref<64x128xf32, #tpu.memory_space<vmem>>
    tpu.wait_dma2 semaphore(%arg18 : memref<!tpu.dma_semaphore, #tpu.memory_space<semaphore_mem>>) src(%dma_wait3A_1766 : memref<64x128xf32, #tpu.memory_space<vmem>>) dst(%dma_wait3A_1762 : memref<64x128xf32, #tpu.memory_space<hbm>>)
    return
  }
}

module attributes {stable_mosaic.version = 14 : i64} {
  func.func @body(%arg0: i32, %arg1: memref<1000x128xf32, #tpu.memory_space<vmem>>, %arg2: memref<128x128xf32, #tpu.memory_space<vmem>>, %arg3: memref<1000x2xf32, #tpu.memory_space<vmem>>, %arg4: memref<1000x128xf32, #tpu.memory_space<vmem>>, %arg5: memref<1000x1xf32, #tpu.memory_space<vmem>>) attributes {dimension_semantics = [#tpu.dimension_semantics<arbitrary>], iteration_bounds = array<i64: 10>, scalar_prefetch = 0 : i64, scratch_operands = 0 : i64, tpu.core_type = #tpu.core_type<tc>, window_params = [{transform_indices = @transform_0, window_bounds = array<i64: 1000, 128>}, {pipeline_mode = #tpu.pipeline_mode<synchronous>, transform_indices = @transform_1, window_bounds = array<i64: 128, 128>}, {transform_indices = @transform_2, window_bounds = array<i64: 1000, 2>}, {transform_indices = @transform_3, window_bounds = array<i64: 1000, 128>}, {transform_indices = @transform_4, window_bounds = array<i64: 1000, 1>}]} {
    %get3A = arith.constant 0 : index
    %get3A_0 = arith.constant 0 : index
    %get3A_1 = vector.load %arg3[%get3A, %get3A_0] : memref<1000x2xf32, #tpu.memory_space<vmem>>, vector<1000x2xf32>
    %slice3A = vector.extract_strided_slice %get3A_1 {offsets = [0, 0], sizes = [1000, 1], strides = [1, 1]} : vector<1000x2xf32> to vector<1000x1xf32>
    %slice3A_2 = vector.extract_strided_slice %get3A_1 {offsets = [0, 1], sizes = [1000, 1], strides = [1, 1]} : vector<1000x2xf32> to vector<1000x1xf32>
    %add3A = arith.addf %slice3A, %slice3A_2 : vector<1000x1xf32>
    %add3A_3 = arith.constant 1.000000e+00 : f32
    %add3A_4 = vector.broadcast %add3A_3 : f32 to vector<1000x1xf32>
    %add3A_5 = arith.addf %add3A, %add3A_4 : vector<1000x1xf32>
    %rsqrt3A = math.rsqrt %add3A_5 : vector<1000x1xf32>
    %get3A_6 = arith.constant 0 : index
    %get3A_7 = arith.constant 0 : index
    %get3A_8 = vector.load %arg1[%get3A_6, %get3A_7] : memref<1000x128xf32, #tpu.memory_space<vmem>>, vector<1000x128xf32>
    %get3A_9 = arith.constant 0 : index
    %get3A_10 = arith.constant 0 : index
    %get3A_11 = vector.load %arg2[%get3A_9, %get3A_10] : memref<128x128xf32, #tpu.memory_space<vmem>>, vector<128x128xf32>
    %dot_general3A = arith.constant dense<0.000000e+00> : vector<1000x128xf32>
    %dot_general3A_12 = tpu.matmul %get3A_8, %get3A_11, %dot_general3A {dimension_numbers = #tpu.dot_dimension_numbers<[1], [0], [0], [1], [0, 0, 1, 1], [], []>, transpose_lhs_hint = false} : vector<1000x128xf32>, vector<128x128xf32>, vector<1000x128xf32> -> vector<1000x128xf32>
    %mul3A = vector.broadcast %rsqrt3A : vector<1000x1xf32> to vector<1000x128xf32>
    %mul3A_13 = arith.mulf %dot_general3A_12, %mul3A : vector<1000x128xf32>
    %swap3A = arith.constant 0 : index
    %swap3A_14 = arith.constant 0 : index
    %swap3A_15 = vector.load %arg4[%swap3A, %swap3A_14] : memref<1000x128xf32, #tpu.memory_space<vmem>>, vector<1000x128xf32>
    tpu.vector_store %arg4[%swap3A, %swap3A_14], %mul3A_13 {strides = array<i32>} : memref<1000x128xf32, #tpu.memory_space<vmem>>, vector<1000x128xf32>,
    %swap3A_16 = arith.constant 0 : index
    %swap3A_17 = arith.constant 0 : index
    %swap3A_18 = vector.load %arg5[%swap3A_16, %swap3A_17] : memref<1000x1xf32, #tpu.memory_space<vmem>>, vector<1000x1xf32>
    tpu.vector_store %arg5[%swap3A_16, %swap3A_17], %rsqrt3A {strides = array<i32>} : memref<1000x1xf32, #tpu.memory_space<vmem>>, vector<1000x1xf32>,
    return
  }
  func.func @transform_0(%arg0: i32) -> (i32, i32) {
    %c0_i32 = arith.constant 0 : i32
    %c0_i32_0 = arith.constant 0 : i32
    return %arg0, %c0_i32 : i32, i32
  }
  func.func @transform_1(%arg0: i32) -> (i32, i32) {
    %c0_i32 = arith.constant 0 : i32
    %c0_i32_0 = arith.constant 0 : i32
    %c0_i32_1 = arith.constant 0 : i32
    return %c0_i32, %c0_i32_0 : i32, i32
  }
  func.func @transform_2(%arg0: i32) -> (i32, i32) {
    %c0_i32 = arith.constant 0 : i32
    %c0_i32_0 = arith.constant 0 : i32
    return %arg0, %c0_i32 : i32, i32
  }
  func.func @transform_3(%arg0: i32) -> (i32, i32) {
    %c0_i32 = arith.constant 0 : i32
    %c0_i32_0 = arith.constant 0 : i32
    return %arg0, %c0_i32 : i32, i32
  }
  func.func @transform_4(%arg0: i32) -> (i32, i32) {
    %c0_i32 = arith.constant 0 : i32
    %c0_i32_0 = arith.constant 0 : i32
    return %arg0, %c0_i32 : i32, i32
  }
}

module attributes {stable_mosaic.version = 14 : i64} {
  func.func @body(%arg0: i32, %arg1: memref<2x1000x128xf32, #tpu.memory_space<vmem>>, %arg2: memref<1000x128xf32, #tpu.memory_space<vmem>>, %arg3: memref<1000x1xf32, #tpu.memory_space<vmem>>, %arg4: memref<1x128xf32, #tpu.memory_space<vmem>>, %arg5: memref<1000x128xf32, #tpu.memory_space<vmem>>) attributes {dimension_semantics = [#tpu.dimension_semantics<arbitrary>], iteration_bounds = array<i64: 10>, scalar_prefetch = 0 : i64, scratch_operands = 0 : i64, tpu.core_type = #tpu.core_type<tc>, window_params = [{transform_indices = @transform_0, window_bounds = array<i64: 2, 1000, 128>}, {transform_indices = @transform_1, window_bounds = array<i64: 1000, 128>}, {transform_indices = @transform_2, window_bounds = array<i64: 1000, 1>}, {pipeline_mode = #tpu.pipeline_mode<synchronous>, transform_indices = @transform_3, window_bounds = array<i64: 1, 128>}, {transform_indices = @transform_4, window_bounds = array<i64: 1000, 128>}]} {
    %get3A = arith.constant 0 : index
    %get3A_0 = arith.constant 0 : index
    %get3A_1 = arith.constant 0 : index
    %get3A_2 = vector.load %arg1[%get3A, %get3A_0, %get3A_1] : memref<2x1000x128xf32, #tpu.memory_space<vmem>>, vector<1x1000x128xf32>
    %get3A_3 = vector.shape_cast %get3A_2 : vector<1x1000x128xf32> to vector<1000x128xf32>
    %get3A_4 = arith.constant 1 : index
    %get3A_5 = arith.constant 0 : index
    %get3A_6 = arith.constant 0 : index
    %get3A_7 = vector.load %arg1[%get3A_4, %get3A_5, %get3A_6] : memref<2x1000x128xf32, #tpu.memory_space<vmem>>, vector<1x1000x128xf32>
    %get3A_8 = vector.shape_cast %get3A_7 : vector<1x1000x128xf32> to vector<1000x128xf32>
    %add3A = arith.addf %get3A_3, %get3A_8 : vector<1000x128xf32>
    %get3A_9 = arith.constant 0 : index
    %get3A_10 = arith.constant 0 : index
    %get3A_11 = vector.load %arg2[%get3A_9, %get3A_10] : memref<1000x128xf32, #tpu.memory_space<vmem>>, vector<1000x128xf32>
    %add3A_12 = arith.addf %add3A, %get3A_11 : vector<1000x128xf32>
    %get3A_13 = arith.constant 0 : index
    %get3A_14 = arith.constant 0 : index
    %get3A_15 = vector.load %arg3[%get3A_13, %get3A_14] : memref<1000x1xf32, #tpu.memory_space<vmem>>, vector<1000x1xf32>
    %mul3A = vector.broadcast %get3A_15 : vector<1000x1xf32> to vector<1000x128xf32>
    %mul3A_16 = arith.mulf %add3A_12, %mul3A : vector<1000x128xf32>
    %get3A_17 = arith.constant 0 : index
    %get3A_18 = arith.constant 0 : index
    %get3A_19 = vector.load %arg4[%get3A_17, %get3A_18] : memref<1x128xf32, #tpu.memory_space<vmem>>, vector<1x128xf32>
    %add3A_20 = vector.broadcast %get3A_19 : vector<1x128xf32> to vector<1000x128xf32>
    %add3A_21 = arith.addf %mul3A_16, %add3A_20 : vector<1000x128xf32>
    %reduce_sum3A = arith.constant dense<0.000000e+00> : vector<1000xf32>
    %reduce_sum3A_22 = vector.multi_reduction <add>, %add3A_21, %reduce_sum3A [1] : vector<1000x128xf32> to vector<1000xf32>
    %broadcast_in_dim3A = vector.shape_cast %reduce_sum3A_22 : vector<1000xf32> to vector<1000x1xf32>
    %div3A = arith.constant 1.280000e+02 : f32
    %div3A_23 = vector.broadcast %div3A : f32 to vector<1000x1xf32>
    %div3A_24 = arith.divf %broadcast_in_dim3A, %div3A_23 : vector<1000x1xf32>
    %sub3A = vector.broadcast %div3A_24 : vector<1000x1xf32> to vector<1000x128xf32>
    %sub3A_25 = arith.subf %add3A_21, %sub3A : vector<1000x128xf32>
    %integer_pow3A = arith.mulf %sub3A_25, %sub3A_25 : vector<1000x128xf32>
    %reduce_sum3A_26 = arith.constant dense<0.000000e+00> : vector<1000xf32>
    %reduce_sum3A_27 = vector.multi_reduction <add>, %integer_pow3A, %reduce_sum3A_26 [1] : vector<1000x128xf32> to vector<1000xf32>
    %broadcast_in_dim3A_28 = vector.shape_cast %reduce_sum3A_27 : vector<1000xf32> to vector<1000x1xf32>
    %div3A_29 = arith.constant 1.280000e+02 : f32
    %div3A_30 = vector.broadcast %div3A_29 : f32 to vector<1000x1xf32>
    %div3A_31 = arith.divf %broadcast_in_dim3A_28, %div3A_30 : vector<1000x1xf32>
    %sub3A_32 = vector.broadcast %div3A_24 : vector<1000x1xf32> to vector<1000x128xf32>
    %sub3A_33 = arith.subf %add3A_21, %sub3A_32 : vector<1000x128xf32>
    %add3A_34 = arith.constant 9.99999997E-7 : f32
    %add3A_35 = vector.broadcast %add3A_34 : f32 to vector<1000x1xf32>
    %add3A_36 = arith.addf %div3A_31, %add3A_35 : vector<1000x1xf32>
    %rsqrt3A = math.rsqrt %add3A_36 : vector<1000x1xf32>
    %mul3A_37 = vector.broadcast %rsqrt3A : vector<1000x1xf32> to vector<1000x128xf32>
    %mul3A_38 = arith.mulf %sub3A_33, %mul3A_37 : vector<1000x128xf32>
    %ge3A = arith.constant 0.000000e+00 : f32
    %ge3A_39 = vector.broadcast %ge3A : f32 to vector<1000x128xf32>
    %ge3A_40 = arith.cmpf oge, %mul3A_38, %ge3A_39 : vector<1000x128xf32>
    %mul3A_41 = arith.constant 0.00999999977 : f32
    %mul3A_42 = vector.broadcast %mul3A_41 : f32 to vector<1000x128xf32>
    %mul3A_43 = arith.mulf %mul3A_42, %mul3A_38 : vector<1000x128xf32>
    %select_n3A = arith.select %ge3A_40, %mul3A_38, %mul3A_43 : vector<1000x128xi1>, vector<1000x128xf32>
    %swap3A = arith.constant 0 : index
    %swap3A_44 = arith.constant 0 : index
    %swap3A_45 = vector.load %arg5[%swap3A, %swap3A_44] : memref<1000x128xf32, #tpu.memory_space<vmem>>, vector<1000x128xf32>
    tpu.vector_store %arg5[%swap3A, %swap3A_44], %select_n3A {strides = array<i32>} : memref<1000x128xf32, #tpu.memory_space<vmem>>, vector<1000x128xf32>,
    return
  }
  func.func @transform_0(%arg0: i32) -> (i32, i32, i32) {
    %c0_i32 = arith.constant 0 : i32
    %c0_i32_0 = arith.constant 0 : i32
    %c0_i32_1 = arith.constant 0 : i32
    return %c0_i32, %arg0, %c0_i32_0 : i32, i32, i32
  }
  func.func @transform_1(%arg0: i32) -> (i32, i32) {
    %c0_i32 = arith.constant 0 : i32
    %c0_i32_0 = arith.constant 0 : i32
    return %arg0, %c0_i32 : i32, i32
  }
  func.func @transform_2(%arg0: i32) -> (i32, i32) {
    %c0_i32 = arith.constant 0 : i32
    %c0_i32_0 = arith.constant 0 : i32
    return %arg0, %c0_i32 : i32, i32
  }
  func.func @transform_3(%arg0: i32) -> (i32, i32) {
    %c0_i32 = arith.constant 0 : i32
    %c0_i32_0 = arith.constant 0 : i32
    %c0_i32_1 = arith.constant 0 : i32
    return %c0_i32, %c0_i32_0 : i32, i32
  }
  func.func @transform_4(%arg0: i32) -> (i32, i32) {
    %c0_i32 = arith.constant 0 : i32
    %c0_i32_0 = arith.constant 0 : i32
    return %arg0, %c0_i32 : i32, i32
  }
}

</mosaic_0001>

<sc_bundles>
// kernel: kernel.6.cloned.1.call-start
scs
__scs_entry_jumppad:
0x0: {  	(pc) =	sbr.rel $0x88, $3  }
0x1: {  	(tag) =	ssettag $0x0;
	lr =	simm.s32 $0x1  }
0x2: {  	[smem:$0x3F9D] =	sst lr;
	_ =	strace $0xD0000000  }
0x3: {  	_ = 	snop  }
0x4: {  	_ = 	snop  }
0x5: {  	_ = 	snop  }
0x6: {  	_ = 	snop  }
0x7: {  	_ = 	snop  }
__scs_overlays_trampoline_lowered:
0x8: {  	[smem:$0x3FAC] =	sst s0  }
0x9: {  	[smem:$0x3FAD] =	sst s1  }
0xa: {  	[smem:$0x3FAE] =	sst s2  }
0xb: {  	[smem:$0x3FAF] =	sst s3  }
0xc: {  	[smem:$0x3FB0] =	sst s4  }
0xd: {  	[smem:$0x3FB1] =	sst s5  }
0xe: {  	[smem:$0x3FB2] =	sst s6  }
0xf: {  	[smem:$0x3FB3] =	sst s7  }
0x10: {  	[smem:$0x3FB4] =	sst s8  }
0x11: {  	[smem:$0x3FB5] =	sst s9;
	s0 =	simm.s32 @!p0 $0x0  }
0x12: {  	s1 =	sld [smem:$0x3F9B];
	s0 =	simm.s32 @p0 $0x1  }
0x13: {  	[smem:$0x3FB6] =	sst s0;
	s0 =	simm.s32 @!p1 $0x0  }
0x14: {  	s2 =	sld [smem:$0x3F9A];
	s0 =	simm.s32 @p1 $0x1  }
0x15: {  	[smem:$0x3FB7] =	sst s0;
	s0 =	simm.s32 @!p2 $0x0  }
0x16: {  	s3 =	sld [smem:$0x3FDB];
	s0 =	simm.s32 @p2 $0x1  }
0x17: {  	s4 =	simm.s32 $0x1BF5;
	[smem:$0x3FB9] =	sst s0  }
0x18: {  	s0 =	sld [smem:$0x3F9C];
	_ =	swait.ge [sflag:s4], $0x0  }
0x19: {  	s7 =	sld [smem:$0x3F9D]  }
0x1a: {  	s8 =	sadd.s32 $0xFFFFE003, lr  }
0x1b: {  	s9 =	sadd.s32 $0xFFFFFEF7, lr;
	s5 =	simm.s32 $0xFFFFFFFF;
	p2 =	slt.u32 s8, $0xFFFFF086  }
0x1c: {  	p1 =	slt.u32 s9, $0xF7A;
	s5 =	simm.s32 @!p2 $0x0  }
0x1d: {  	s5 =	simm.s32 @p1 $0x1;
	p0 =	seq.s32 s7, s2  }
0x1e: {  	s7 =	smul.u32 @!p0 $0xF7A, s2;
	p2 =	seq.s32 @!p0 s5, $0x0  }
0x1f: {  	s9 =	smul.u32 $0xF7A, s1;
	s8 =	simm.s32 @!p0 $0x1BF5;
	p2 =	por !p2, p0  }
0x20: {  	[sflag:s8] =	ssyncset.s32 @!p0 $0xFFFFF086;
	s6 =	sadd.s32 @!p0 s3, s7;
	s7 =	simm.s32 @!p0 $0x108  }
0x21: {  	s3 =	sadd.s32 s3, s9;
	s6 =	sadd.s32 @!p0 $0x88, s6;
	s7 =	simm.s32 @p2 $0x1082  }
0x22: {  	[simem:s7], [sflag:s8] =	dma.local @!p0 [hbm:s6], $0xF7A  }
0x23: {  	s9 =	sor.u32 $0xD0000000, s2;
	s6 =	simm.s32 $0x108;
	_ =	swait.ge @!p0 [sflag:s8], $0x0  }
0x24: {  	s3 =	sadd.s32 $0x88, s3;
	s6 =	simm.s32 @!p1 $0x1082;
	[sflag:s4] =	ssyncset.s32 $0xFFFFF086  }
0x25: {  	[simem:s6], [sflag:s4] =	dma.local [hbm:s3], $0xF7A  }
0x26: {  	[smem:$0x3F9D] =	sst s1;
	(tag) =	ssettag s2;
	_ =	strace s9  }
0x27: {  	s1 =	sld [smem:$0x3FAD]  }
0x28: {  	s2 =	sld [smem:$0x3FAE]  }
0x29: {  	s4 =	sld [smem:$0x3FB0]  }
0x2a: {  	p0 =	seq.s32 s5, $0x0;
	s5 =	sld [smem:$0x3FB1]  }
0x2b: {  	s6 =	sld [smem:$0x3FB2]  }
0x2c: {  	s7 =	sld [smem:$0x3FB3]  }
0x2d: {  	s3 =	simm.s32 $0x108;
	s8 =	sld [smem:$0x3FB4]  }
0x2e: {  	s3 =	simm.s32 @!p0 $0x1082;
	s9 =	sld [smem:$0x3FB5]  }
0x2f: {  	lr =	sadd.s32 s0, s3;
	s0 =	sld [smem:$0x3FAC]  }
0x30: {  	s3 =	sld [smem:$0x3FAF]  }
0x31: {  	[smem:$0x3FB8] =	sst s10  }
0x32: {  	s10 =	sld [smem:$0x3FB6];
	_ =	sdelay $0x3  }
0x33: {  	p0 =	seq.s32 s10, $0x1;
	s10 =	sld [smem:$0x3FB8];
	_ =	sdelay $0x3  }
0x34: {  	[smem:$0x3FB8] =	sst s10  }
0x35: {  	s10 =	sld [smem:$0x3FB7];
	_ =	sdelay $0x3  }
0x36: {  	p1 =	seq.s32 s10, $0x1;
	s10 =	sld [smem:$0x3FB8];
	_ =	sdelay $0x3  }
0x37: {  	[smem:$0x3FB8] =	sst s10  }
0x38: {  	s10 =	sld [smem:$0x3FB9]  }
0x39: {  	_ = 	snop;
	(pc) =	sbr.ind lr, $3  }
0x3a: {  	_ = 	snop  }
0x3b: {  	_ = 	snop  }
0x3c: {  	p2 =	seq.s32 s10, $0x1;
	s10 =	sld [smem:$0x3FB8]  }
0x3d: {  	_ =	shalt  }
0x3e: {  	_ =	shalt  }
0x3f: {  	_ =	shalt  }
0x40: {  	_ =	shalt  }
0x41: {  	_ =	shalt  }
0x42: {  	_ =	shalt  }
0x43: {  	_ =	shalt  }
0x44: {  	_ =	shalt  }
0x45: {  	_ =	shalt  }
0x46: {  	_ =	shalt  }
0x47: {  	_ =	shalt  }
0x48: {  	_ =	shalt  }
0x49: {  	_ =	shalt  }
0x4a: {  	_ =	shalt  }
0x4b: {  	_ =	shalt  }
0x4c: {  	_ =	shalt  }
0x4d: {  	_ =	shalt  }
0x4e: {  	_ =	shalt  }
0x4f: {  	_ =	shalt  }
0x50: {  	_ =	shalt  }
0x51: {  	_ =	shalt  }
0x52: {  	_ =	shalt  }
0x53: {  	_ =	shalt  }
0x54: {  	_ =	shalt  }
0x55: {  	_ =	shalt  }
0x56: {  	_ =	shalt  }
0x57: {  	_ =	shalt  }
0x58: {  	_ =	shalt  }
0x59: {  	_ =	shalt  }
0x5a: {  	_ =	shalt  }
0x5b: {  	_ =	shalt  }
0x5c: {  	_ =	shalt  }
0x5d: {  	_ =	shalt  }
0x5e: {  	_ =	shalt  }
0x5f: {  	_ =	shalt  }
0x60: {  	_ =	shalt  }
0x61: {  	_ =	shalt  }
0x62: {  	_ =	shalt  }
0x63: {  	_ =	shalt  }
0x64: {  	_ =	shalt  }
0x65: {  	_ =	shalt  }
0x66: {  	_ =	shalt  }
0x67: {  	_ =	shalt  }
0x68: {  	_ =	shalt  }
0x69: {  	_ =	shalt  }
0x6a: {  	_ =	shalt  }
0x6b: {  	_ =	shalt  }
0x6c: {  	_ =	shalt  }
0x6d: {  	_ =	shalt  }
0x6e: {  	_ =	shalt  }
0x6f: {  	_ =	shalt  }
0x70: {  	_ =	shalt  }
0x71: {  	_ =	shalt  }
0x72: {  	_ =	shalt  }
0x73: {  	_ =	shalt  }
0x74: {  	_ =	shalt  }
0x75: {  	_ =	shalt  }
0x76: {  	_ =	shalt  }
0x77: {  	_ =	shalt  }
0x78: {  	_ =	shalt  }
0x79: {  	_ =	shalt  }
0x7a: {  	_ =	shalt  }
0x7b: {  	_ =	shalt  }
0x7c: {  	_ =	shalt  }
0x7d: {  	_ =	shalt  }
0x7e: {  	_ =	shalt  }
0x7f: {  	_ =	shalt  }
0x80: {  	_ =	shalt  }
0x81: {  	_ =	shalt  }
0x82: {  	_ =	shalt  }
0x83: {  	_ =	shalt  }
0x84: {  	_ =	shalt  }
0x85: {  	_ =	shalt  }
0x86: {  	_ =	shalt  }
0x87: {  	_ =	shalt  }
.Lfunc_end0:
.L_simem_size_0:
called_computation_lowered:
.L_overlay_start_0:
0x88: {  	s2 =	sld [smem:$0x3FD9]  }
0x89: {  	s3 =	sld [smem:$0x3FFE];
	_ =	sdelay $0x1  }
0x8a: {  	s1 =	srdreg.scid  }
0x8b: {  	s0 =	sand.u32 $0x1, s1  }
0x8c: {  	s17 =	sshll.u32 s0, $0xA;
	s2 =	sadd.s32 s3, s2  }
0x8d: {  	s2 =	sadd.s32 s2, s17  }
0x8e: {  	[smem:$0x3FC4] =	sst s2  }
0x8f: {  	_ = 	snop  }
0x90: {  	s2 =	sld [smem:$0x3FD0];
	(tm) =	ssettm $0x1  }
0x91: {  	s18 =	sld [smem:$0x3FFB];
	_ =	sdelay $0x3  }
0x92: {  	_ =	strace s18  }
0x93: {  	s3 =	sld [smem:$0x3FFC];
	_ =	sdelay $0x3  }
0x94: {  	_ =	strace s3  }
0x95: {  	s3 =	sld [smem:$0x3FFD];
	_ =	sdelay $0x3  }
0x96: {  	_ =	strace s3  }
0x97: {  	_ =	strace $0x8FFFFFFF  }
0x98: {  	s19 =	sld [smem:$0x3FDB];
	_ =	sdelay $0x1  }
0x99: {  	s4 =	simm.s32 $_scs_section_size  }
0x9a: {  	s5 =	simm.s32 $_size__tile_overlayer_lowered;
	s6 =	simm.s32 $_tile_overlayer_lowered  }
0x9b: {  	s22 =	simm.s32 $0x1BFF;
	s21 =	sshll.u32 s6, $0x1;
	s3 =	sadd.s32 s4, s19  }
0x9c: {  	s7 =	simm.s32 $0x0;
	s20 =	sshll.u32 s5, $0x1;
	s5 =	sadd.s32 s21, s3  }
0x9d: {  	[timem:s7], [sflag:s22] =	dma.local [hbm:s5], s20  }
0x9e: {  	_ =	swait.ge [sflag:s22], s20  }
0x9f: {  	s4 =	ssub.s32 $0x0, s20;
	[sflag:s22] =	ssyncset.done $0x0  }
0xa0: {  	[sflag:s22] =	ssyncadd.s32 s4;
	_ =	sdelay $0x1  }
0xa1: {  	s23 =	simm.s32 $0x1B8B  }
0xa2: {  	_ =	swait.ge [sflag:s23], $0x1  }
0xa3: {  	[sflag:s23] =	ssyncset.done $0x0  }
0xa4: {  	s25 =	simm.s32 $0x1B8E;
	s24 =	sld [smem:$0x3FFE];
	[sflag:s23] =	ssyncadd.s32 $0xFFFFFFFF  }
0xa5: {  	s26 =	simm.s32 $execute0_lowered;
	[smem:$0x3FD2] =	sst s25  }
0xa6: {  	s5 =	sshll.u32 s26, $0x1;
	_ =	strace $0x80000046;
	[dreg:$0x1] =	wrdreg $0xFFFFFFFF  }
0xa7: {  	s28 =	simm.s32 $_size_execute0_lowered;
	s3 =	sadd.s32 s3, s5;
	[dreg:$0x0] =	wrdreg $0x0  }
0xa8: {  	s5 =	sshll.u32 s28, $0x1;
	[dreg:$0x2] =	wrdreg s3  }
0xa9: {  	[dreg:$0x3] =	wrdreg s5  }
0xaa: {  	[dreg:$0x4] =	wrdreg $0xC0  }
0xab: {  	_ =	task [dreg:s7], $0x5FFFF  }
0xac: {  	[dreg:$0x1] =	wrdreg $0xFFFFFFFF  }
0xad: {  	[dreg:$0x0] =	wrdreg $0x60  }
0xae: {  	[dreg:$0x2] =	wrdreg s24  }
0xaf: {  	[dreg:$0x3] =	wrdreg s2  }
0xb0: {  	[dreg:$0x4] =	wrdreg $0xB000  }
0xb1: {  	[dreg:$0x5] =	wrdreg $0x9  }
0xb2: {  	_ =	task.clear_ibuf [dreg:s7], $0x6FFFF;
	_ =	strace $0x90000046  }
0xb3: {  	s29 =	simm.s32 $0x9;
	_ =	strace $0x80000048  }
0xb4: {  	_ =	swait.ge [sflag:s29], $0x1  }
0xb5: {  	[sflag:s29] =	ssyncadd.s32 $0xFFFFFFFF  }
0xb6: {  	_ =	strace $0x90000048  }
0xb7: {  	_ =	sfence  }
0xb8: {  	s30 =	sld [smem:$0x0];
	_ =	sdelay $0x2  }
0xb9: {  	s31 =	sshll.u32 s1, $0xD;
	s1 =	sshrl.u32 s1, $0x2  }
0xba: {  	s3 =	sand.u32 $0x4000, s31;
	s1 =	sadd.s32 s1, s30  }
0xbb: {  	s0 =	sor.u32 s3, s0;
	s1 =	sshll.u32 s1, $0x11  }
0xbc: {  	s0 =	sor.u32 s1, s0  }
0xbd: {  	s0 =	sadd.s32 $0x8F2B, s0  }
0xbe: {  	[sflag:s0] =	ssyncadd.remote.s32 $0x1  }
0xbf: {  	_ =	sfence.sel $0xFFFF  }
0xc0: {  	[dreg:$0x0] =	wrdreg $0xFFFFFFFF;
	(pc) =	sbr.abs _section_cstart, $3  }
0xc1: {  	[dreg:$0x1] =	wrdreg $0xFFFFFFFF  }
0xc2: {  	_ =	task.clear_ibuf [dreg:s7], $0x2FFFF;
	_ =	strace $0x9FFFFFFF  }
0xc3: {  	(tm) =	ssettm $0x7FFFFFFF  }
tec
execute0_lowered:
.L_overlay_start_1:
0x0: {  	(tag) =	ssettag $0x1  }
0x1: {  	s1 =	rddreg [dreg:$0x0];
	s0 =	srdreg.scid  }
0x2: {  	s5 =	rddreg [dreg:$0x1];
	s26 =	stileid.u32  }
0x3: {  	s2 =	rddreg [dreg:$0x2];
	s3 =	simm.s32 $0x0;
	s9 =	simm.s32 $0x2  }
0x4: {  	s10 =	simm.s32 $0x40;
	s11 =	simm.s32 $0x800;
	s12 =	simm.s32 $0x80  }
0x5: {  	s13 =	simm.s32 $0x100;
	s14 =	simm.s32 $0x180;
	s15 =	simm.s32 $0x200  }
0x6: {  	s16 =	simm.s32 $0x280;
	s17 =	simm.s32 $0x300;
	s18 =	simm.s32 $0x380  }
0x7: {  	s19 =	simm.s32 $0x400;
	s20 =	simm.s32 $0x480;
	s21 =	simm.s32 $0x500  }
0x8: {  	s22 =	simm.s32 $0x580;
	s23 =	simm.s32 $0x600;
	s7 =	smul.u32 $0x5000, s26  }
0x9: {  	s24 =	simm.s32 $0x680;
	s4 =	sand.u32 $0x1, s0;
	s8 =	smul.u32 $0x280, s26  }
0xa: {  	s25 =	simm.s32 $0x700;
	s28 =	simm.s32 $0x1;
	s6 =	smul.u32 $0x50000, s4  }
0xb: {  	s29 =	simm.s32 $0x0;
	[smem:$0x7FF] =	sst s3;
	s30 =	smul.u32 $0x2800, s4  }
0xc: {  	s26 =	simm.s32 $0x780;
	_ =	strace $0x80000047;
	s6 =	sadd.s32 s7, s6  }
0xd: {  	s4 =	ssub.s32 $0x2, s4;
	s7 =	sadd.s32 s8, s30;
	s6 =	sshrl.u32 s6, $0x3  }
0xe: {  	s31 =	sshrl.u32 s4, $0x1;
	s7 =	sshrl.u32 s7, $0x3;
	s1 =	sadd.s32 s6, s1  }
0xf: {  	s6 =	ssub.s32 s4, s31;
	s4 =	sadd.s32 s8, s2;
	s5 =	sadd.s32 s5, s7  }
0x10: {  	v0 =	vimm.f32 $1.000000000e+00;
	v1 =	vimm.f32 $0.0e+00;
	s8 =	simm.s32 $0x880;
	s6 =	smax.u32 s6, $0x1;
	s7 =	sadd.s32 $0x1C00, s1  }
.LBB2_1:
0x11: {  	[tilespmem:$0x800] =	vst v0  }
0x12: {  	[tilespmem:$0x810] =	vst v0  }
0x13: {  	[tilespmem:$0x820] =	vst v0  }
0x14: {  	[tilespmem:$0x830] =	vst v0  }
0x15: {  	[tilespmem:$0x880] =	vst v1  }
0x16: {  	[tilespmem:$0x890] =	vst v1  }
0x17: {  	[tilespmem:$0x8A0] =	vst v1  }
0x18: {  	[tilespmem:$0x8B0] =	vst v1  }
0x19: {  	[tilespmem:$0x8C0] =	vst v1  }
0x1a: {  	[tilespmem:$0x8D0] =	vst v1  }
0x1b: {  	[tilespmem:$0x8E0] =	vst v1  }
0x1c: {  	[tilespmem:$0x8F0] =	vst v1  }
0x1d: {  	[tilespmem:$0x900] =	vst v1  }
0x1e: {  	[tilespmem:$0x910] =	vst v1  }
0x1f: {  	[tilespmem:$0x920] =	vst v1  }
0x20: {  	[tilespmem:$0x930] =	vst v1  }
0x21: {  	[tilespmem:$0x940] =	vst v1  }
0x22: {  	[tilespmem:$0x950] =	vst v1  }
0x23: {  	[tilespmem:$0x960] =	vst v1  }
0x24: {  	[tilespmem:$0x970] =	vst v1  }
0x25: {  	[tilespmem:$0x980] =	vst v1  }
0x26: {  	[tilespmem:$0x990] =	vst v1  }
0x27: {  	[tilespmem:$0x9A0] =	vst v1  }
0x28: {  	[tilespmem:$0x9B0] =	vst v1  }
0x29: {  	[tilespmem:$0x9C0] =	vst v1  }
0x2a: {  	[tilespmem:$0x9D0] =	vst v1  }
0x2b: {  	[tilespmem:$0x9E0] =	vst v1  }
0x2c: {  	[tilespmem:$0x9F0] =	vst v1  }
0x2d: {  	[tilespmem:$0xA00] =	vst v1  }
0x2e: {  	[tilespmem:$0xA10] =	vst v1  }
0x2f: {  	[tilespmem:$0xA20] =	vst v1  }
0x30: {  	[tilespmem:$0xA30] =	vst v1  }
0x31: {  	[tilespmem:$0xA40] =	vst v1  }
0x32: {  	[tilespmem:$0xA50] =	vst v1  }
0x33: {  	[tilespmem:$0xA60] =	vst v1  }
0x34: {  	[tilespmem:$0xA70] =	vst v1  }
0x35: {  	[tilespmem:$0xA80] =	vst v1  }
0x36: {  	[tilespmem:$0xA90] =	vst v1  }
0x37: {  	[tilespmem:$0xAA0] =	vst v1  }
0x38: {  	[tilespmem:$0xAB0] =	vst v1  }
0x39: {  	[tilespmem:$0xAC0] =	vst v1  }
0x3a: {  	[tilespmem:$0xAD0] =	vst v1  }
0x3b: {  	[tilespmem:$0xAE0] =	vst v1  }
0x3c: {  	[tilespmem:$0xAF0] =	vst v1  }
0x3d: {  	[spmem:s4] =	stream.linear.scatter [tilespmem:s8], [sflag:$0x2], $0x280, $0x38;
	[tilespmem:$0xD80] =	vst v63  }
0x3e: {  	_ =	swait.ge [sflag:s9], $0x280  }
0x3f: {  	[sflag:s9] =	ssyncset.done $0x0  }
0x40: {  	[sflag:s9] =	ssyncadd.s32 $0xFFFFFD80  }
0x41: {  	s1 =	sadd.s32 $0x0, s7;
	[bflag:$0x0] =	sbarrier.arrive $0xFFFF  }
0x42: {  	[tilespmem:s3], [sflag:$0x2] =	stream.linear.gather [hbm4b:s1+s3], $0x800, $0x38;
	[tilespmem:$0xD80] =	vst v63  }
0x43: {  	_ =	swait.ge [sflag:s9], $0x800  }
0x44: {  	[sflag:s9] =	ssyncset.done $0x0  }
0x45: {  	[sflag:s9] =	ssyncadd.s32 $0xFFFFF800  }
0x46: {  	[spmem:s2] =	stream.indirect.scatter.add.f32 [tilespmem:s11], [sflag:$0x1], $0x1, s3, s10, $0xb8;
	[tilespmem:$0xD80] =	vst v63  }
0x47: {  	_ = 	snop  }
0x48: {  	[spmem:s2] =	stream.indirect.scatter.add.f32 [tilespmem:s11], [sflag:$0x1], $0x1, s12, s10, $0xb8;
	[tilespmem:$0xD80] =	vst v63  }
0x49: {  	_ = 	snop  }
0x4a: {  	[spmem:s2] =	stream.indirect.scatter.add.f32 [tilespmem:s11], [sflag:$0x1], $0x1, s13, s10, $0xb8;
	[tilespmem:$0xD80] =	vst v63  }
0x4b: {  	_ = 	snop  }
0x4c: {  	[spmem:s2] =	stream.indirect.scatter.add.f32 [tilespmem:s11], [sflag:$0x1], $0x1, s14, s10, $0xb8;
	[tilespmem:$0xD80] =	vst v63  }
0x4d: {  	_ = 	snop  }
0x4e: {  	[spmem:s2] =	stream.indirect.scatter.add.f32 [tilespmem:s11], [sflag:$0x1], $0x1, s15, s10, $0xb8;
	[tilespmem:$0xD80] =	vst v63  }
0x4f: {  	_ = 	snop  }
0x50: {  	[spmem:s2] =	stream.indirect.scatter.add.f32 [tilespmem:s11], [sflag:$0x1], $0x1, s16, s10, $0xb8;
	[tilespmem:$0xD80] =	vst v63  }
0x51: {  	_ = 	snop  }
0x52: {  	[spmem:s2] =	stream.indirect.scatter.add.f32 [tilespmem:s11], [sflag:$0x1], $0x1, s17, s10, $0xb8;
	[tilespmem:$0xD80] =	vst v63  }
0x53: {  	_ = 	snop  }
0x54: {  	[spmem:s2] =	stream.indirect.scatter.add.f32 [tilespmem:s11], [sflag:$0x1], $0x1, s18, s10, $0xb8;
	[tilespmem:$0xD80] =	vst v63  }
0x55: {  	_ = 	snop  }
0x56: {  	[spmem:s2] =	stream.indirect.scatter.add.f32 [tilespmem:s11], [sflag:$0x1], $0x1, s19, s10, $0xb8;
	[tilespmem:$0xD80] =	vst v63  }
0x57: {  	_ = 	snop  }
0x58: {  	[spmem:s2] =	stream.indirect.scatter.add.f32 [tilespmem:s11], [sflag:$0x1], $0x1, s20, s10, $0xb8;
	[tilespmem:$0xD80] =	vst v63  }
0x59: {  	_ = 	snop  }
0x5a: {  	[spmem:s2] =	stream.indirect.scatter.add.f32 [tilespmem:s11], [sflag:$0x1], $0x1, s21, s10, $0xb8;
	[tilespmem:$0xD80] =	vst v63  }
0x5b: {  	_ = 	snop  }
0x5c: {  	[spmem:s2] =	stream.indirect.scatter.add.f32 [tilespmem:s11], [sflag:$0x1], $0x1, s22, s10, $0xb8;
	[tilespmem:$0xD80] =	vst v63  }
0x5d: {  	_ = 	snop  }
0x5e: {  	[spmem:s2] =	stream.indirect.scatter.add.f32 [tilespmem:s11], [sflag:$0x1], $0x1, s23, s10, $0xb8;
	[tilespmem:$0xD80] =	vst v63  }
0x5f: {  	_ = 	snop  }
0x60: {  	[spmem:s2] =	stream.indirect.scatter.add.f32 [tilespmem:s11], [sflag:$0x1], $0x1, s24, s10, $0xb8;
	[tilespmem:$0xD80] =	vst v63  }
0x61: {  	_ = 	snop  }
0x62: {  	[spmem:s2] =	stream.indirect.scatter.add.f32 [tilespmem:s11], [sflag:$0x1], $0x1, s25, s10, $0xb8;
	[tilespmem:$0xD80] =	vst v63  }
0x63: {  	_ = 	snop  }
0x64: {  	[spmem:s2] =	stream.indirect.scatter.add.f32 [tilespmem:s11], [sflag:$0x1], $0x1, s26, s10, $0xb8;
	[tilespmem:$0xD80] =	vst v63  }
0x65: {  	_ =	swait.ge [sflag:s28], $0x40  }
0x66: {  	[sflag:s28] =	ssyncset.done $0x0  }
0x67: {  	[sflag:s28] =	ssyncadd.s32 $0xFFFFFFC0  }
0x68: {  	_ =	swait.ge [sflag:s28], $0x40  }
0x69: {  	[sflag:s28] =	ssyncset.done $0x0  }
0x6a: {  	[sflag:s28] =	ssyncadd.s32 $0xFFFFFFC0  }
0x6b: {  	_ =	swait.ge [sflag:s28], $0x40  }
0x6c: {  	[sflag:s28] =	ssyncset.done $0x0  }
0x6d: {  	[sflag:s28] =	ssyncadd.s32 $0xFFFFFFC0  }
0x6e: {  	_ =	swait.ge [sflag:s28], $0x40  }
0x6f: {  	[sflag:s28] =	ssyncset.done $0x0  }
0x70: {  	[sflag:s28] =	ssyncadd.s32 $0xFFFFFFC0  }
0x71: {  	_ =	swait.ge [sflag:s28], $0x40  }
0x72: {  	[sflag:s28] =	ssyncset.done $0x0  }
0x73: {  	[sflag:s28] =	ssyncadd.s32 $0xFFFFFFC0  }
0x74: {  	_ =	swait.ge [sflag:s28], $0x40  }
0x75: {  	[sflag:s28] =	ssyncset.done $0x0  }
0x76: {  	[sflag:s28] =	ssyncadd.s32 $0xFFFFFFC0  }
0x77: {  	_ =	swait.ge [sflag:s28], $0x40  }
0x78: {  	[sflag:s28] =	ssyncset.done $0x0  }
0x79: {  	[sflag:s28] =	ssyncadd.s32 $0xFFFFFFC0  }
0x7a: {  	_ =	swait.ge [sflag:s28], $0x40  }
0x7b: {  	[sflag:s28] =	ssyncset.done $0x0  }
0x7c: {  	[sflag:s28] =	ssyncadd.s32 $0xFFFFFFC0  }
0x7d: {  	_ =	swait.ge [sflag:s28], $0x40  }
0x7e: {  	[sflag:s28] =	ssyncset.done $0x0  }
0x7f: {  	[sflag:s28] =	ssyncadd.s32 $0xFFFFFFC0  }
0x80: {  	_ =	swait.ge [sflag:s28], $0x40  }
0x81: {  	[sflag:s28] =	ssyncset.done $0x0  }
0x82: {  	[sflag:s28] =	ssyncadd.s32 $0xFFFFFFC0  }
0x83: {  	_ =	swait.ge [sflag:s28], $0x40  }
0x84: {  	[sflag:s28] =	ssyncset.done $0x0  }
0x85: {  	[sflag:s28] =	ssyncadd.s32 $0xFFFFFFC0  }
0x86: {  	_ =	swait.ge [sflag:s28], $0x40  }
0x87: {  	[sflag:s28] =	ssyncset.done $0x0  }
0x88: {  	[sflag:s28] =	ssyncadd.s32 $0xFFFFFFC0  }
0x89: {  	_ =	swait.ge [sflag:s28], $0x40  }
0x8a: {  	[sflag:s28] =	ssyncset.done $0x0  }
0x8b: {  	[sflag:s28] =	ssyncadd.s32 $0xFFFFFFC0  }
0x8c: {  	_ =	swait.ge [sflag:s28], $0x40  }
0x8d: {  	[sflag:s28] =	ssyncset.done $0x0  }
0x8e: {  	[sflag:s28] =	ssyncadd.s32 $0xFFFFFFC0  }
0x8f: {  	_ =	swait.ge [sflag:s28], $0x40  }
0x90: {  	[sflag:s28] =	ssyncset.done $0x0  }
0x91: {  	[sflag:s28] =	ssyncadd.s32 $0xFFFFFFC0  }
0x92: {  	_ =	swait.ge [sflag:s28], $0x40  }
0x93: {  	s30 =	simm.s32 $0x100;
	s31 =	simm.s32 $0x200;
	[sflag:s28] =	ssyncset.done $0x0  }
.LBB2_2:
0x94: {  	s0 =	sadd.s32 s30, s7  }
0x95: {  	[sflag:s28] =	ssyncadd.s32 $0xFFFFFFC0;
	s30 =	smov.u32 s31;
	s1 =	sadd.s32 $0x100, s31  }
0x96: {  	[tilespmem:s3], [sflag:$0x2] =	stream.linear.gather [hbm4b:s0+s3], $0x800, $0x38;
	[tilespmem:$0xD80] =	vst v63  }
0x97: {  	p0 =	sne.s32 s31, $0x900;
	_ =	swait.ge [sflag:s9], $0x800  }
0x98: {  	[sflag:s9] =	ssyncset.done $0x0  }
0x99: {  	[sflag:s9] =	ssyncadd.s32 $0xFFFFF800  }
0x9a: {  	[spmem:s2] =	stream.indirect.scatter.add.f32 [tilespmem:s11], [sflag:$0x1], $0x1, s3, s10, $0xb8;
	[tilespmem:$0xD80] =	vst v63  }
0x9b: {  	_ = 	snop  }
0x9c: {  	[spmem:s2] =	stream.indirect.scatter.add.f32 [tilespmem:s11], [sflag:$0x1], $0x1, s12, s10, $0xb8;
	[tilespmem:$0xD80] =	vst v63  }
0x9d: {  	_ = 	snop  }
0x9e: {  	[spmem:s2] =	stream.indirect.scatter.add.f32 [tilespmem:s11], [sflag:$0x1], $0x1, s13, s10, $0xb8;
	[tilespmem:$0xD80] =	vst v63  }
0x9f: {  	_ = 	snop  }
0xa0: {  	[spmem:s2] =	stream.indirect.scatter.add.f32 [tilespmem:s11], [sflag:$0x1], $0x1, s14, s10, $0xb8;
	[tilespmem:$0xD80] =	vst v63  }
0xa1: {  	_ = 	snop  }
0xa2: {  	[spmem:s2] =	stream.indirect.scatter.add.f32 [tilespmem:s11], [sflag:$0x1], $0x1, s15, s10, $0xb8;
	[tilespmem:$0xD80] =	vst v63  }
0xa3: {  	_ = 	snop  }
0xa4: {  	[spmem:s2] =	stream.indirect.scatter.add.f32 [tilespmem:s11], [sflag:$0x1], $0x1, s16, s10, $0xb8;
	[tilespmem:$0xD80] =	vst v63  }
0xa5: {  	_ = 	snop  }
0xa6: {  	[spmem:s2] =	stream.indirect.scatter.add.f32 [tilespmem:s11], [sflag:$0x1], $0x1, s17, s10, $0xb8;
	[tilespmem:$0xD80] =	vst v63  }
0xa7: {  	_ = 	snop  }
0xa8: {  	[spmem:s2] =	stream.indirect.scatter.add.f32 [tilespmem:s11], [sflag:$0x1], $0x1, s18, s10, $0xb8;
	[tilespmem:$0xD80] =	vst v63  }
0xa9: {  	_ = 	snop  }
0xaa: {  	[spmem:s2] =	stream.indirect.scatter.add.f32 [tilespmem:s11], [sflag:$0x1], $0x1, s19, s10, $0xb8;
	[tilespmem:$0xD80] =	vst v63  }
0xab: {  	_ = 	snop  }
0xac: {  	[spmem:s2] =	stream.indirect.scatter.add.f32 [tilespmem:s11], [sflag:$0x1], $0x1, s20, s10, $0xb8;
	[tilespmem:$0xD80] =	vst v63  }
0xad: {  	_ = 	snop  }
0xae: {  	[spmem:s2] =	stream.indirect.scatter.add.f32 [tilespmem:s11], [sflag:$0x1], $0x1, s21, s10, $0xb8;
	[tilespmem:$0xD80] =	vst v63  }
0xaf: {  	_ = 	snop  }
0xb0: {  	[spmem:s2] =	stream.indirect.scatter.add.f32 [tilespmem:s11], [sflag:$0x1], $0x1, s22, s10, $0xb8;
	[tilespmem:$0xD80] =	vst v63  }
0xb1: {  	_ = 	snop  }
0xb2: {  	[spmem:s2] =	stream.indirect.scatter.add.f32 [tilespmem:s11], [sflag:$0x1], $0x1, s23, s10, $0xb8;
	[tilespmem:$0xD80] =	vst v63  }
0xb3: {  	_ = 	snop  }
0xb4: {  	[spmem:s2] =	stream.indirect.scatter.add.f32 [tilespmem:s11], [sflag:$0x1], $0x1, s24, s10, $0xb8;
	[tilespmem:$0xD80] =	vst v63  }
0xb5: {  	_ = 	snop  }
0xb6: {  	[spmem:s2] =	stream.indirect.scatter.add.f32 [tilespmem:s11], [sflag:$0x1], $0x1, s25, s10, $0xb8;
	[tilespmem:$0xD80] =	vst v63  }
0xb7: {  	_ = 	snop  }
0xb8: {  	[spmem:s2] =	stream.indirect.scatter.add.f32 [tilespmem:s11], [sflag:$0x1], $0x1, s26, s10, $0xb8;
	[tilespmem:$0xD80] =	vst v63  }
0xb9: {  	_ =	swait.ge [sflag:s28], $0x40  }
0xba: {  	[sflag:s28] =	ssyncset.done $0x0  }
0xbb: {  	[sflag:s28] =	ssyncadd.s32 $0xFFFFFFC0  }
0xbc: {  	_ =	swait.ge [sflag:s28], $0x40  }
0xbd: {  	[sflag:s28] =	ssyncset.done $0x0  }
0xbe: {  	[sflag:s28] =	ssyncadd.s32 $0xFFFFFFC0  }
0xbf: {  	_ =	swait.ge [sflag:s28], $0x40  }
0xc0: {  	[sflag:s28] =	ssyncset.done $0x0  }
0xc1: {  	[sflag:s28] =	ssyncadd.s32 $0xFFFFFFC0  }
0xc2: {  	_ =	swait.ge [sflag:s28], $0x40  }
0xc3: {  	[sflag:s28] =	ssyncset.done $0x0  }
0xc4: {  	[sflag:s28] =	ssyncadd.s32 $0xFFFFFFC0  }
0xc5: {  	_ =	swait.ge [sflag:s28], $0x40  }
0xc6: {  	[sflag:s28] =	ssyncset.done $0x0  }
0xc7: {  	[sflag:s28] =	ssyncadd.s32 $0xFFFFFFC0  }
0xc8: {  	_ =	swait.ge [sflag:s28], $0x40  }
0xc9: {  	[sflag:s28] =	ssyncset.done $0x0  }
0xca: {  	[sflag:s28] =	ssyncadd.s32 $0xFFFFFFC0  }
0xcb: {  	_ =	swait.ge [sflag:s28], $0x40  }
0xcc: {  	[sflag:s28] =	ssyncset.done $0x0  }
0xcd: {  	[sflag:s28] =	ssyncadd.s32 $0xFFFFFFC0  }
0xce: {  	_ =	swait.ge [sflag:s28], $0x40  }
0xcf: {  	[sflag:s28] =	ssyncset.done $0x0  }
0xd0: {  	[sflag:s28] =	ssyncadd.s32 $0xFFFFFFC0  }
0xd1: {  	_ =	swait.ge [sflag:s28], $0x40  }
0xd2: {  	[sflag:s28] =	ssyncset.done $0x0  }
0xd3: {  	[sflag:s28] =	ssyncadd.s32 $0xFFFFFFC0  }
0xd4: {  	_ =	swait.ge [sflag:s28], $0x40  }
0xd5: {  	[sflag:s28] =	ssyncset.done $0x0  }
0xd6: {  	[sflag:s28] =	ssyncadd.s32 $0xFFFFFFC0  }
0xd7: {  	_ =	swait.ge [sflag:s28], $0x40  }
0xd8: {  	[sflag:s28] =	ssyncset.done $0x0  }
0xd9: {  	[sflag:s28] =	ssyncadd.s32 $0xFFFFFFC0  }
0xda: {  	_ =	swait.ge [sflag:s28], $0x40  }
0xdb: {  	[sflag:s28] =	ssyncset.done $0x0  }
0xdc: {  	[sflag:s28] =	ssyncadd.s32 $0xFFFFFFC0  }
0xdd: {  	_ =	swait.ge [sflag:s28], $0x40  }
0xde: {  	[sflag:s28] =	ssyncset.done $0x0  }
0xdf: {  	[sflag:s28] =	ssyncadd.s32 $0xFFFFFFC0  }
0xe0: {  	_ =	swait.ge [sflag:s28], $0x40  }
0xe1: {  	[sflag:s28] =	ssyncset.done $0x0  }
0xe2: {  	[sflag:s28] =	ssyncadd.s32 $0xFFFFFFC0  }
.Ltmp0:
0xe3: {  	_ =	swait.ge [sflag:s28], $0x40;
	(pc) =	sbr.rel @p0 .LBB2_2-.Ltmp0, $4  }
0xe4: {  	[sflag:s28] =	ssyncset.done $0x0  }
0xe5: {  	[sflag:s28] =	ssyncadd.s32 $0xFFFFFFC0  }
0xe6: {  	_ =	swait.ge [sflag:s28], $0x40  }
0xe7: {  	s31 =	smov.u32 s1;
	[sflag:s28] =	ssyncset.done $0x0  }
0xe8: {  	s0 =	sadd.s32 s30, s7;
	[sflag:s28] =	ssyncadd.s32 $0xFFFFFFC0  }
0xe9: {  	[tilespmem:s3], [sflag:$0x2] =	stream.linear.gather [hbm4b:s0+s3], $0x800, $0x38;
	[tilespmem:$0xD80] =	vst v63  }
0xea: {  	_ =	swait.ge [sflag:s9], $0x800  }
0xeb: {  	[sflag:s9] =	ssyncset.done $0x0  }
0xec: {  	[sflag:s9] =	ssyncadd.s32 $0xFFFFF800  }
0xed: {  	[spmem:s2] =	stream.indirect.scatter.add.f32 [tilespmem:s11], [sflag:$0x1], $0x1, s3, s10, $0xb8;
	[tilespmem:$0xD80] =	vst v63  }
0xee: {  	_ = 	snop  }
0xef: {  	[spmem:s2] =	stream.indirect.scatter.add.f32 [tilespmem:s11], [sflag:$0x1], $0x1, s12, s10, $0xb8;
	[tilespmem:$0xD80] =	vst v63  }
0xf0: {  	_ = 	snop  }
0xf1: {  	[spmem:s2] =	stream.indirect.scatter.add.f32 [tilespmem:s11], [sflag:$0x1], $0x1, s13, s10, $0xb8;
	[tilespmem:$0xD80] =	vst v63  }
0xf2: {  	_ = 	snop  }
0xf3: {  	[spmem:s2] =	stream.indirect.scatter.add.f32 [tilespmem:s11], [sflag:$0x1], $0x1, s14, s10, $0xb8;
	[tilespmem:$0xD80] =	vst v63  }
0xf4: {  	_ = 	snop  }
0xf5: {  	[spmem:s2] =	stream.indirect.scatter.add.f32 [tilespmem:s11], [sflag:$0x1], $0x1, s15, s10, $0xb8;
	[tilespmem:$0xD80] =	vst v63  }
0xf6: {  	_ = 	snop  }
0xf7: {  	[spmem:s2] =	stream.indirect.scatter.add.f32 [tilespmem:s11], [sflag:$0x1], $0x1, s16, s10, $0xb8;
	[tilespmem:$0xD80] =	vst v63  }
0xf8: {  	_ = 	snop  }
0xf9: {  	[spmem:s2] =	stream.indirect.scatter.add.f32 [tilespmem:s11], [sflag:$0x1], $0x1, s17, s10, $0xb8;
	[tilespmem:$0xD80] =	vst v63  }
0xfa: {  	_ = 	snop  }
0xfb: {  	[spmem:s2] =	stream.indirect.scatter.add.f32 [tilespmem:s11], [sflag:$0x1], $0x1, s18, s10, $0xb8;
	[tilespmem:$0xD80] =	vst v63  }
0xfc: {  	_ = 	snop  }
0xfd: {  	[spmem:s2] =	stream.indirect.scatter.add.f32 [tilespmem:s11], [sflag:$0x1], $0x1, s19, s10, $0xb8;
	[tilespmem:$0xD80] =	vst v63  }
0xfe: {  	_ = 	snop  }
0xff: {  	[spmem:s2] =	stream.indirect.scatter.add.f32 [tilespmem:s11], [sflag:$0x1], $0x1, s20, s10, $0xb8;
	[tilespmem:$0xD80] =	vst v63  }
0x100: {  	_ = 	snop  }
0x101: {  	[spmem:s2] =	stream.indirect.scatter.add.f32 [tilespmem:s11], [sflag:$0x1], $0x1, s21, s10, $0xb8;
	[tilespmem:$0xD80] =	vst v63  }
0x102: {  	_ = 	snop  }
0x103: {  	[spmem:s2] =	stream.indirect.scatter.add.f32 [tilespmem:s11], [sflag:$0x1], $0x1, s22, s10, $0xb8;
	[tilespmem:$0xD80] =	vst v63  }
0x104: {  	_ = 	snop  }
0x105: {  	[spmem:s2] =	stream.indirect.scatter.add.f32 [tilespmem:s11], [sflag:$0x1], $0x1, s23, s10, $0xb8;
	[tilespmem:$0xD80] =	vst v63  }
0x106: {  	_ = 	snop  }
0x107: {  	[spmem:s2] =	stream.indirect.scatter.add.f32 [tilespmem:s11], [sflag:$0x1], $0x1, s24, s10, $0xb8;
	[tilespmem:$0xD80] =	vst v63  }
0x108: {  	_ = 	snop  }
0x109: {  	[spmem:s2] =	stream.indirect.scatter.add.f32 [tilespmem:s11], [sflag:$0x1], $0x1, s25, s10, $0xb8;
	[tilespmem:$0xD80] =	vst v63  }
0x10a: {  	_ = 	snop  }
0x10b: {  	[spmem:s2] =	stream.indirect.scatter.add.f32 [tilespmem:s11], [sflag:$0x1], $0x1, s26, s10, $0xb8;
	[tilespmem:$0xD80] =	vst v63  }
0x10c: {  	_ =	swait.ge [sflag:s28], $0x40  }
0x10d: {  	[sflag:s28] =	ssyncset.done $0x0  }
0x10e: {  	[sflag:s28] =	ssyncadd.s32 $0xFFFFFFC0  }
0x10f: {  	_ =	swait.ge [sflag:s28], $0x40  }
0x110: {  	[sflag:s28] =	ssyncset.done $0x0  }
0x111: {  	[sflag:s28] =	ssyncadd.s32 $0xFFFFFFC0  }
0x112: {  	_ =	swait.ge [sflag:s28], $0x40  }
0x113: {  	[sflag:s28] =	ssyncset.done $0x0  }
0x114: {  	[sflag:s28] =	ssyncadd.s32 $0xFFFFFFC0  }
0x115: {  	_ =	swait.ge [sflag:s28], $0x40  }
0x116: {  	[sflag:s28] =	ssyncset.done $0x0  }
0x117: {  	[sflag:s28] =	ssyncadd.s32 $0xFFFFFFC0  }
0x118: {  	_ =	swait.ge [sflag:s28], $0x40  }
0x119: {  	[sflag:s28] =	ssyncset.done $0x0  }
0x11a: {  	[sflag:s28] =	ssyncadd.s32 $0xFFFFFFC0  }
0x11b: {  	_ =	swait.ge [sflag:s28], $0x40  }
0x11c: {  	[sflag:s28] =	ssyncset.done $0x0  }
0x11d: {  	[sflag:s28] =	ssyncadd.s32 $0xFFFFFFC0  }
0x11e: {  	_ =	swait.ge [sflag:s28], $0x40  }
0x11f: {  	[sflag:s28] =	ssyncset.done $0x0  }
0x120: {  	[sflag:s28] =	ssyncadd.s32 $0xFFFFFFC0  }
0x121: {  	_ =	swait.ge [sflag:s28], $0x40  }
0x122: {  	[sflag:s28] =	ssyncset.done $0x0  }
0x123: {  	[sflag:s28] =	ssyncadd.s32 $0xFFFFFFC0  }
0x124: {  	_ =	swait.ge [sflag:s28], $0x40  }
0x125: {  	[sflag:s28] =	ssyncset.done $0x0  }
0x126: {  	[sflag:s28] =	ssyncadd.s32 $0xFFFFFFC0  }
0x127: {  	_ =	swait.ge [sflag:s28], $0x40  }
0x128: {  	[sflag:s28] =	ssyncset.done $0x0  }
0x129: {  	[sflag:s28] =	ssyncadd.s32 $0xFFFFFFC0  }
0x12a: {  	_ =	swait.ge [sflag:s28], $0x40  }
0x12b: {  	[sflag:s28] =	ssyncset.done $0x0  }
0x12c: {  	[sflag:s28] =	ssyncadd.s32 $0xFFFFFFC0  }
0x12d: {  	_ =	swait.ge [sflag:s28], $0x40  }
0x12e: {  	[sflag:s28] =	ssyncset.done $0x0  }
0x12f: {  	[sflag:s28] =	ssyncadd.s32 $0xFFFFFFC0  }
0x130: {  	_ =	swait.ge [sflag:s28], $0x40  }
0x131: {  	[sflag:s28] =	ssyncset.done $0x0  }
0x132: {  	[sflag:s28] =	ssyncadd.s32 $0xFFFFFFC0  }
0x133: {  	_ =	swait.ge [sflag:s28], $0x40  }
0x134: {  	[sflag:s28] =	ssyncset.done $0x0  }
0x135: {  	[sflag:s28] =	ssyncadd.s32 $0xFFFFFFC0  }
0x136: {  	_ =	swait.ge [sflag:s28], $0x40  }
0x137: {  	[sflag:s28] =	ssyncset.done $0x0  }
0x138: {  	[sflag:s28] =	ssyncadd.s32 $0xFFFFFFC0  }
0x139: {  	_ =	swait.ge [sflag:s28], $0x40  }
0x13a: {  	[sflag:s28] =	ssyncset.done $0x0  }
0x13b: {  	[sflag:s28] =	ssyncadd.s32 $0xFFFFFFC0  }
0x13c: {  	[bflag:$0x0] =	sbarrier.arrive $0xFFFF  }
0x13d: {  	[tilespmem:s8], [sflag:$0x2] =	stream.linear.gather [spmem:s4], $0x280, $0x38;
	[tilespmem:$0xD80] =	vst v63  }
0x13e: {  	s29 =	sadd.s32 $0x1, s29;
	_ =	swait.ge [sflag:s9], $0x280  }
0x13f: {  	p0 =	sne.s32 s29, s6;
	[sflag:s9] =	ssyncset.done $0x0  }
.Ltmp1:
0x140: {  	[sflag:s9] =	ssyncadd.s32 $0xFFFFFD80;
	(pc) =	sbr.rel @p0 .LBB2_1-.Ltmp1, $4  }
0x141: {  	[hbm4b:s5+s3] =	stream.linear.scatter [tilespmem:s8], [sflag:$0x2], $0x280, $0x38;
	[tilespmem:$0xD80] =	vst v63  }
0x142: {  	_ =	swait.ge [sflag:s9], $0x280  }
0x143: {  	[sflag:s9] =	ssyncset.done $0x0  }
0x144: {  	[sflag:s9] =	ssyncadd.s32 $0xFFFFFD80  }
0x145: {  	_ =	sfence.sel $0x180000  }
0x146: {  	[bflag:$0x0] =	sbarrier.arrive $0xFFFF  }
0x147: {  	_ =	strace $0x90000047  }
0x148: {  	s0 =	stileid.u32;
	[bflag:$0x2] =	sbarrier.arrive $0xFFFF  }
0x149: {  	p0 =	sne.s32 s0, $0x0;
	s0 =	rddreg [dreg:$0x3]  }
0x14a: {  	s0 =	sadd.s32 @!p0 $0x100000, s0  }
0x14b: {  	[sflag:s0] =	ssyncadd.tile.s32 @!p0 $0x1;
	_ =	shalt  }
.Lfunc_end2:
_tile_overlayer_lowered:
.L_overlay_start_2:
0x14c: {  	(tag) =	ssettag $0x2  }
0x14d: {  	s0 =	rddreg [dreg:$0x0];
	s2 =	stileid.u32  }
0x14e: {  	s1 =	rddreg [dreg:$0x1];
	p0 =	sne.s32 s2, $0x0  }
0x14f: {  	s3 =	rddreg [dreg:$0x2];
	[bflag:$0x3] =	sbarrier.arrive $0xFFFF;
	s2 =	simm.s32 @!p0 $0x1C02  }
0x150: {  	[timem:s3], [sflag:s2] =	dma.local @!p0 [hbm:s0], s1  }
0x151: {  	s0 =	simm.s32 @!p0 $0x2  }
0x152: {  	_ =	swait.ge @!p0 [sflag:s0], s1  }
0x153: {  	s1 =	ssub.s32 @!p0 $0x0, s1;
	[sflag:s0] =	ssyncset.done @!p0 $0x0  }
0x154: {  	[sflag:s0] =	ssyncadd.s32 @!p0 s1  }
0x155: {  	[bflag:$0x3] =	sbarrier.arrive $0xFFFF  }
0x156: {  	_ =	shalt  }

// kernel: kernel.9.cloned.1.call-start
scs
__scs_entry_jumppad:
0x0: {  	(pc) =	sbr.rel $0x88, $3  }
0x1: {  	(tag) =	ssettag $0x0;
	lr =	simm.s32 $0x1  }
0x2: {  	[smem:$0x3F9D] =	sst lr;
	_ =	strace $0xD0000000  }
0x3: {  	_ = 	snop  }
0x4: {  	_ = 	snop  }
0x5: {  	_ = 	snop  }
0x6: {  	_ = 	snop  }
0x7: {  	_ = 	snop  }
__scs_overlays_trampoline_lowered:
0x8: {  	[smem:$0x3FAC] =	sst s0  }
0x9: {  	[smem:$0x3FAD] =	sst s1  }
0xa: {  	[smem:$0x3FAE] =	sst s2  }
0xb: {  	[smem:$0x3FAF] =	sst s3  }
0xc: {  	[smem:$0x3FB0] =	sst s4  }
0xd: {  	[smem:$0x3FB1] =	sst s5  }
0xe: {  	[smem:$0x3FB2] =	sst s6  }
0xf: {  	[smem:$0x3FB3] =	sst s7  }
0x10: {  	[smem:$0x3FB4] =	sst s8  }
0x11: {  	[smem:$0x3FB5] =	sst s9;
	s0 =	simm.s32 @!p0 $0x0  }
0x12: {  	s1 =	sld [smem:$0x3F9B];
	s0 =	simm.s32 @p0 $0x1  }
0x13: {  	[smem:$0x3FB6] =	sst s0;
	s0 =	simm.s32 @!p1 $0x0  }
0x14: {  	s2 =	sld [smem:$0x3F9A];
	s0 =	simm.s32 @p1 $0x1  }
0x15: {  	[smem:$0x3FB7] =	sst s0;
	s0 =	simm.s32 @!p2 $0x0  }
0x16: {  	s3 =	sld [smem:$0x3FDB];
	s0 =	simm.s32 @p2 $0x1  }
0x17: {  	s4 =	simm.s32 $0x1BF5;
	[smem:$0x3FB9] =	sst s0  }
0x18: {  	s0 =	sld [smem:$0x3F9C];
	_ =	swait.ge [sflag:s4], $0x0  }
0x19: {  	s7 =	sld [smem:$0x3F9D]  }
0x1a: {  	s8 =	sadd.s32 $0xFFFFE003, lr  }
0x1b: {  	s9 =	sadd.s32 $0xFFFFFEF7, lr;
	s5 =	simm.s32 $0xFFFFFFFF;
	p2 =	slt.u32 s8, $0xFFFFF086  }
0x1c: {  	p1 =	slt.u32 s9, $0xF7A;
	s5 =	simm.s32 @!p2 $0x0  }
0x1d: {  	s5 =	simm.s32 @p1 $0x1;
	p0 =	seq.s32 s7, s2  }
0x1e: {  	s7 =	smul.u32 @!p0 $0xF7A, s2;
	p2 =	seq.s32 @!p0 s5, $0x0  }
0x1f: {  	s9 =	smul.u32 $0xF7A, s1;
	s8 =	simm.s32 @!p0 $0x1BF5;
	p2 =	por !p2, p0  }
0x20: {  	[sflag:s8] =	ssyncset.s32 @!p0 $0xFFFFF086;
	s6 =	sadd.s32 @!p0 s3, s7;
	s7 =	simm.s32 @!p0 $0x108  }
0x21: {  	s3 =	sadd.s32 s3, s9;
	s6 =	sadd.s32 @!p0 $0x88, s6;
	s7 =	simm.s32 @p2 $0x1082  }
0x22: {  	[simem:s7], [sflag:s8] =	dma.local @!p0 [hbm:s6], $0xF7A  }
0x23: {  	s9 =	sor.u32 $0xD0000000, s2;
	s6 =	simm.s32 $0x108;
	_ =	swait.ge @!p0 [sflag:s8], $0x0  }
0x24: {  	s3 =	sadd.s32 $0x88, s3;
	s6 =	simm.s32 @!p1 $0x1082;
	[sflag:s4] =	ssyncset.s32 $0xFFFFF086  }
0x25: {  	[simem:s6], [sflag:s4] =	dma.local [hbm:s3], $0xF7A  }
0x26: {  	[smem:$0x3F9D] =	sst s1;
	(tag) =	ssettag s2;
	_ =	strace s9  }
0x27: {  	s1 =	sld [smem:$0x3FAD]  }
0x28: {  	s2 =	sld [smem:$0x3FAE]  }
0x29: {  	s4 =	sld [smem:$0x3FB0]  }
0x2a: {  	p0 =	seq.s32 s5, $0x0;
	s5 =	sld [smem:$0x3FB1]  }
0x2b: {  	s6 =	sld [smem:$0x3FB2]  }
0x2c: {  	s7 =	sld [smem:$0x3FB3]  }
0x2d: {  	s3 =	simm.s32 $0x108;
	s8 =	sld [smem:$0x3FB4]  }
0x2e: {  	s3 =	simm.s32 @!p0 $0x1082;
	s9 =	sld [smem:$0x3FB5]  }
0x2f: {  	lr =	sadd.s32 s0, s3;
	s0 =	sld [smem:$0x3FAC]  }
0x30: {  	s3 =	sld [smem:$0x3FAF]  }
0x31: {  	[smem:$0x3FB8] =	sst s10  }
0x32: {  	s10 =	sld [smem:$0x3FB6];
	_ =	sdelay $0x3  }
0x33: {  	p0 =	seq.s32 s10, $0x1;
	s10 =	sld [smem:$0x3FB8];
	_ =	sdelay $0x3  }
0x34: {  	[smem:$0x3FB8] =	sst s10  }
0x35: {  	s10 =	sld [smem:$0x3FB7];
	_ =	sdelay $0x3  }
0x36: {  	p1 =	seq.s32 s10, $0x1;
	s10 =	sld [smem:$0x3FB8];
	_ =	sdelay $0x3  }
0x37: {  	[smem:$0x3FB8] =	sst s10  }
0x38: {  	s10 =	sld [smem:$0x3FB9]  }
0x39: {  	_ = 	snop;
	(pc) =	sbr.ind lr, $3  }
0x3a: {  	_ = 	snop  }
0x3b: {  	_ = 	snop  }
0x3c: {  	p2 =	seq.s32 s10, $0x1;
	s10 =	sld [smem:$0x3FB8]  }
0x3d: {  	_ =	shalt  }
0x3e: {  	_ =	shalt  }
0x3f: {  	_ =	shalt  }
0x40: {  	_ =	shalt  }
0x41: {  	_ =	shalt  }
0x42: {  	_ =	shalt  }
0x43: {  	_ =	shalt  }
0x44: {  	_ =	shalt  }
0x45: {  	_ =	shalt  }
0x46: {  	_ =	shalt  }
0x47: {  	_ =	shalt  }
0x48: {  	_ =	shalt  }
0x49: {  	_ =	shalt  }
0x4a: {  	_ =	shalt  }
0x4b: {  	_ =	shalt  }
0x4c: {  	_ =	shalt  }
0x4d: {  	_ =	shalt  }
0x4e: {  	_ =	shalt  }
0x4f: {  	_ =	shalt  }
0x50: {  	_ =	shalt  }
0x51: {  	_ =	shalt  }
0x52: {  	_ =	shalt  }
0x53: {  	_ =	shalt  }
0x54: {  	_ =	shalt  }
0x55: {  	_ =	shalt  }
0x56: {  	_ =	shalt  }
0x57: {  	_ =	shalt  }
0x58: {  	_ =	shalt  }
0x59: {  	_ =	shalt  }
0x5a: {  	_ =	shalt  }
0x5b: {  	_ =	shalt  }
0x5c: {  	_ =	shalt  }
0x5d: {  	_ =	shalt  }
0x5e: {  	_ =	shalt  }
0x5f: {  	_ =	shalt  }
0x60: {  	_ =	shalt  }
0x61: {  	_ =	shalt  }
0x62: {  	_ =	shalt  }
0x63: {  	_ =	shalt  }
0x64: {  	_ =	shalt  }
0x65: {  	_ =	shalt  }
0x66: {  	_ =	shalt  }
0x67: {  	_ =	shalt  }
0x68: {  	_ =	shalt  }
0x69: {  	_ =	shalt  }
0x6a: {  	_ =	shalt  }
0x6b: {  	_ =	shalt  }
0x6c: {  	_ =	shalt  }
0x6d: {  	_ =	shalt  }
0x6e: {  	_ =	shalt  }
0x6f: {  	_ =	shalt  }
0x70: {  	_ =	shalt  }
0x71: {  	_ =	shalt  }
0x72: {  	_ =	shalt  }
0x73: {  	_ =	shalt  }
0x74: {  	_ =	shalt  }
0x75: {  	_ =	shalt  }
0x76: {  	_ =	shalt  }
0x77: {  	_ =	shalt  }
0x78: {  	_ =	shalt  }
0x79: {  	_ =	shalt  }
0x7a: {  	_ =	shalt  }
0x7b: {  	_ =	shalt  }
0x7c: {  	_ =	shalt  }
0x7d: {  	_ =	shalt  }
0x7e: {  	_ =	shalt  }
0x7f: {  	_ =	shalt  }
0x80: {  	_ =	shalt  }
0x81: {  	_ =	shalt  }
0x82: {  	_ =	shalt  }
0x83: {  	_ =	shalt  }
0x84: {  	_ =	shalt  }
0x85: {  	_ =	shalt  }
0x86: {  	_ =	shalt  }
0x87: {  	_ =	shalt  }
.Lfunc_end0:
.L_simem_size_0:
called_computation.1_lowered:
.L_overlay_start_0:
0x88: {  	s2 =	sld [smem:$0x3FD9]  }
0x89: {  	s3 =	sld [smem:$0x3FFE];
	_ =	sdelay $0x1  }
0x8a: {  	s1 =	srdreg.scid  }
0x8b: {  	s0 =	sand.u32 $0x1, s1  }
0x8c: {  	s17 =	sshll.u32 s0, $0xA;
	s2 =	sadd.s32 s3, s2  }
0x8d: {  	s2 =	sadd.s32 s2, s17  }
0x8e: {  	[smem:$0x3FC4] =	sst s2  }
0x8f: {  	_ = 	snop  }
0x90: {  	s2 =	sld [smem:$0x3FD0];
	(tm) =	ssettm $0x1  }
0x91: {  	s18 =	sld [smem:$0x3FFB];
	_ =	sdelay $0x3  }
0x92: {  	_ =	strace s18  }
0x93: {  	s3 =	sld [smem:$0x3FFC];
	_ =	sdelay $0x3  }
0x94: {  	_ =	strace s3  }
0x95: {  	s3 =	sld [smem:$0x3FFD];
	_ =	sdelay $0x3  }
0x96: {  	_ =	strace s3  }
0x97: {  	_ =	strace $0x8FFFFFFF  }
0x98: {  	s19 =	sld [smem:$0x3FDB];
	_ =	sdelay $0x1  }
0x99: {  	s4 =	simm.s32 $_scs_section_size  }
0x9a: {  	s5 =	simm.s32 $_size__tile_overlayer_lowered;
	s6 =	simm.s32 $_tile_overlayer_lowered  }
0x9b: {  	s22 =	simm.s32 $0x1BFF;
	s21 =	sshll.u32 s6, $0x1;
	s3 =	sadd.s32 s4, s19  }
0x9c: {  	s7 =	simm.s32 $0x0;
	s20 =	sshll.u32 s5, $0x1;
	s5 =	sadd.s32 s21, s3  }
0x9d: {  	[timem:s7], [sflag:s22] =	dma.local [hbm:s5], s20  }
0x9e: {  	_ =	swait.ge [sflag:s22], s20  }
0x9f: {  	s4 =	ssub.s32 $0x0, s20;
	[sflag:s22] =	ssyncset.done $0x0  }
0xa0: {  	[sflag:s22] =	ssyncadd.s32 s4;
	_ =	sdelay $0x1  }
0xa1: {  	s23 =	simm.s32 $0x1B8B  }
0xa2: {  	_ =	swait.ge [sflag:s23], $0x1  }
0xa3: {  	[sflag:s23] =	ssyncset.done $0x0  }
0xa4: {  	s25 =	simm.s32 $0x1B8E;
	s24 =	sld [smem:$0x3FFE];
	[sflag:s23] =	ssyncadd.s32 $0xFFFFFFFF  }
0xa5: {  	s26 =	simm.s32 $execute0_lowered;
	[smem:$0x3FD2] =	sst s25  }
0xa6: {  	s5 =	sshll.u32 s26, $0x1;
	_ =	strace $0x80000049;
	[dreg:$0x1] =	wrdreg $0xFFFFFFFF  }
0xa7: {  	s28 =	simm.s32 $_size_execute0_lowered;
	s3 =	sadd.s32 s3, s5;
	[dreg:$0x0] =	wrdreg $0x0  }
0xa8: {  	s5 =	sshll.u32 s28, $0x1;
	[dreg:$0x2] =	wrdreg s3  }
0xa9: {  	[dreg:$0x3] =	wrdreg s5  }
0xaa: {  	[dreg:$0x4] =	wrdreg $0xC0  }
0xab: {  	_ =	task [dreg:s7], $0x5FFFF  }
0xac: {  	[dreg:$0x1] =	wrdreg $0xFFFFFFFF  }
0xad: {  	[dreg:$0x0] =	wrdreg $0x60  }
0xae: {  	[dreg:$0x2] =	wrdreg s2  }
0xaf: {  	[dreg:$0x3] =	wrdreg s24  }
0xb0: {  	[dreg:$0x4] =	wrdreg $0x98000  }
0xb1: {  	[dreg:$0x5] =	wrdreg $0x9  }
0xb2: {  	_ =	task.clear_ibuf [dreg:s7], $0x6FFFF;
	_ =	strace $0x90000049  }
0xb3: {  	s29 =	simm.s32 $0x9;
	_ =	strace $0x8000004B  }
0xb4: {  	_ =	swait.ge [sflag:s29], $0x1  }
0xb5: {  	[sflag:s29] =	ssyncadd.s32 $0xFFFFFFFF  }
0xb6: {  	_ =	strace $0x9000004B  }
0xb7: {  	_ =	sfence  }
0xb8: {  	s30 =	sld [smem:$0x0];
	_ =	sdelay $0x2  }
0xb9: {  	s31 =	sshll.u32 s1, $0xD;
	s1 =	sshrl.u32 s1, $0x2  }
0xba: {  	s3 =	sand.u32 $0x4000, s31;
	s1 =	sadd.s32 s1, s30  }
0xbb: {  	s0 =	sor.u32 s3, s0;
	s1 =	sshll.u32 s1, $0x11  }
0xbc: {  	s0 =	sor.u32 s1, s0  }
0xbd: {  	s0 =	sadd.s32 $0x8F2B, s0  }
0xbe: {  	[sflag:s0] =	ssyncadd.remote.s32 $0x1  }
0xbf: {  	_ =	sfence.sel $0xFFFF  }
0xc0: {  	[dreg:$0x0] =	wrdreg $0xFFFFFFFF;
	(pc) =	sbr.abs _section_cstart, $3  }
0xc1: {  	[dreg:$0x1] =	wrdreg $0xFFFFFFFF  }
0xc2: {  	_ =	task.clear_ibuf [dreg:s7], $0x2FFFF;
	_ =	strace $0x9FFFFFFF  }
0xc3: {  	(tm) =	ssettm $0x7FFFFFFF  }
tec
execute0_lowered:
.L_overlay_start_1:
0x0: {  	(tag) =	ssettag $0x1  }
0x1: {  	s0 =	srdreg.scid;
	s9 =	stileid.u32  }
0x2: {  	s1 =	rddreg [dreg:$0x0];
	s2 =	sand.u32 $0x1, s0;
	s4 =	smul.u32 $0x5000, s9  }
0x3: {  	s5 =	rddreg [dreg:$0x1];
	s0 =	smul.u32 $0x50000, s2  }
0x4: {  	s3 =	rddreg [dreg:$0x2];
	s15 =	simm.s32 $0x80  }
0x5: {  	s17 =	simm.s32 $0x100;
	s0 =	sadd.s32 s4, s0;
	s4 =	simm.s32 $0x0  }
0x6: {  	s19 =	simm.s32 $0x180;
	s6 =	smul.u32 $0x280, s9;
	[smem:$0x7FF] =	sst s4  }
0x7: {  	s18 =	smul.u32 $0x50000, s9;
	_ =	strace $0x8000004A;
	[dreg:$0x6] =	wrdreg s15  }
0x8: {  	s20 =	simm.s32 $0x200;
	s7 =	smul.u32 $0x2800, s2;
	[dreg:$0x7] =	wrdreg s17  }
0x9: {  	s22 =	simm.s32 $0x880;
	s21 =	sshrl.u32 s18, $0x2;
	[dreg:$0x8] =	wrdreg s19  }
0xa: {  	s12 =	sadd.s32 s6, s7;
	s6 =	sadd.s32 s21, s3;
	[dreg:$0x9] =	wrdreg s20  }
0xb: {  	s24 =	sadd.s32 $0x800, s6;
	[dreg:$0xa] =	wrdreg s22  }
0xc: {  	s23 =	simm.s32 $0x280;
	[dreg:$0x1c] =	wrdreg s24  }
0xd: {  	s26 =	sadd.s32 $0x1000, s6;
	[dreg:$0xb] =	wrdreg s23  }
0xe: {  	s25 =	simm.s32 $0x900;
	[dreg:$0x1d] =	wrdreg s26  }
0xf: {  	s9 =	sadd.s32 $0x1800, s6;
	[dreg:$0xc] =	wrdreg s25  }
0x10: {  	s2 =	ssub.s32 $0x2, s2;
	s11 =	sadd.s32 $0x2000, s6;
	[dreg:$0x1e] =	wrdreg s9  }
0x11: {  	s10 =	simm.s32 $0x980;
	s16 =	sshrl.u32 s2, $0x1;
	[dreg:$0x1f] =	wrdreg s11  }
0x12: {  	s2 =	ssub.s32 s2, s16;
	s16 =	simm.s32 $0x400;
	[dreg:$0xe] =	wrdreg s10  }
0x13: {  	s18 =	simm.s32 $0xA80;
	[dreg:$0x11] =	wrdreg s16  }
0x14: {  	s0 =	sshrl.u32 s0, $0x3;
	s21 =	sadd.s32 $0x4800, s6;
	[dreg:$0x12] =	wrdreg s18  }
0x15: {  	s8 =	sadd.s32 s0, s5;
	[smem:$0x7D4] =	sst s21  }
0x16: {  	s0 =	sshll.u32 s12, $0x4;
	s12 =	simm.s32 $0x380;
	[dreg:$0x1b] =	wrdreg s6  }
0x17: {  	s15 =	sadd.s32 $0x3000, s6;
	[dreg:$0xf] =	wrdreg s12  }
0x18: {  	s17 =	sadd.s32 $0x3800, s6;
	[smem:$0x7D1] =	sst s15  }
0x19: {  	s19 =	sadd.s32 $0x4000, s6;
	[smem:$0x7D2] =	sst s17  }
0x1a: {  	s20 =	simm.s32 $0x480;
	[smem:$0x7D3] =	sst s19  }
0x1b: {  	s22 =	simm.s32 $0xB00;
	[dreg:$0x13] =	wrdreg s20  }
0x1c: {  	s24 =	simm.s32 $0x500;
	[dreg:$0x14] =	wrdreg s22  }
0x1d: {  	s26 =	simm.s32 $0xB80;
	[dreg:$0x15] =	wrdreg s24  }
0x1e: {  	s9 =	simm.s32 $0x580;
	[dreg:$0x16] =	wrdreg s26  }
0x1f: {  	s11 =	simm.s32 $0xC00;
	[dreg:$0x17] =	wrdreg s9  }
0x20: {  	s21 =	sadd.s32 $0x5800, s6;
	[dreg:$0x18] =	wrdreg s11  }
0x21: {  	s13 =	sadd.s32 $0x1C00, s8;
	[smem:$0x7E1] =	sst s21  }
0x22: {  	s14 =	sadd.s32 $0x15C00, s8;
	[dreg:$0x4] =	wrdreg s13  }
0x23: {  	s8 =	simm.s32 $0x300;
	[dreg:$0x5] =	wrdreg s14  }
0x24: {  	s15 =	simm.s32 $0xC80;
	[dreg:$0xd] =	wrdreg s8  }
0x25: {  	s19 =	smax.u32 s2, $0x1;
	[dreg:$0x1a] =	wrdreg s15  }
0x26: {  	s20 =	sadd.s32 $0x5000, s6;
	[smem:$0x7DF] =	sst s19  }
0x27: {  	s22 =	sadd.s32 $0x6000, s6;
	[smem:$0x7E0] =	sst s20  }
0x28: {  	s24 =	sadd.s32 $0x7000, s6;
	[smem:$0x7E2] =	sst s22  }
0x29: {  	s26 =	sadd.s32 $0x8000, s6;
	[smem:$0x7E4] =	sst s24  }
0x2a: {  	s2 =	sadd.s32 $0x8800, s6;
	[smem:$0x7E6] =	sst s26  }
0x2b: {  	s0 =	sadd.s32 s0, s5;
	s5 =	sadd.s32 $0x9000, s6;
	[smem:$0x7E7] =	sst s2  }
0x2c: {  	s9 =	sadd.s32 $0xB000, s6;
	[smem:$0x7E8] =	sst s5  }
0x2d: {  	s11 =	sadd.s32 $0xC000, s6;
	[smem:$0x7EB] =	sst s9  }
0x2e: {  	s21 =	sadd.s32 $0x11000, s6;
	[smem:$0x7ED] =	sst s11  }
0x2f: {  	s13 =	sadd.s32 $0x2800, s6;
	[smem:$0x7F7] =	sst s21  }
0x30: {  	s14 =	simm.s32 $0xA00;
	[smem:$0x7D0] =	sst s13  }
0x31: {  	s23 =	sadd.s32 $0x29C00, s0;
	[dreg:$0x10] =	wrdreg s14  }
0x32: {  	s25 =	sadd.s32 $0x2A000, s0;
	[smem:$0x7D5] =	sst s23  }
0x33: {  	s7 =	sadd.s32 $0x2A400, s0;
	[smem:$0x7D6] =	sst s25  }
0x34: {  	s10 =	sadd.s32 $0x2A800, s0;
	[smem:$0x7D7] =	sst s7  }
0x35: {  	s12 =	sadd.s32 $0x2AC00, s0;
	[smem:$0x7D8] =	sst s10  }
0x36: {  	s16 =	sadd.s32 $0x2B400, s0;
	[smem:$0x7D9] =	sst s12  }
0x37: {  	s17 =	sadd.s32 $0x2B800, s0;
	[smem:$0x7DB] =	sst s16  }
0x38: {  	s18 =	sadd.s32 $0x2BC00, s0;
	[smem:$0x7DC] =	sst s17  }
0x39: {  	s30 =	simm.s32 $0x4;
	s8 =	sadd.s32 $0xA800, s6;
	[smem:$0x7DD] =	sst s18  }
0x3a: {  	s31 =	simm.s32 $0x8;
	s15 =	sadd.s32 $0xE000, s6;
	[smem:$0x7EA] =	sst s8  }
0x3b: {  	s29 =	simm.s32 $0xD80;
	s19 =	sadd.s32 $0x10000, s6;
	[smem:$0x7F1] =	sst s15  }
0x3c: {  	s28 =	simm.s32 $0x0;
	s20 =	sadd.s32 $0x10800, s6;
	[smem:$0x7F5] =	sst s19  }
0x3d: {  	s22 =	sadd.s32 $0x11800, s6;
	s24 =	sadd.s32 $0x12800, s6;
	[smem:$0x7F6] =	sst s20  }
0x3e: {  	s26 =	sadd.s32 $0x13800, s6;
	s11 =	simm.s32 $0x800;
	[smem:$0x7F8] =	sst s22  }
0x3f: {  	s21 =	simm.s32 $0x5;
	s2 =	simm.s32 $0x680;
	[smem:$0x7FA] =	sst s24  }
0x40: {  	s9 =	simm.s32 $0xD00;
	s14 =	sadd.s32 $0x2B000, s0;
	[smem:$0x7FC] =	sst s26  }
0x41: {  	s13 =	simm.s32 $0x600;
	s0 =	sadd.s32 $0x2C000, s0;
	[smem:$0x7DA] =	sst s14  }
0x42: {  	s23 =	sadd.s32 $0x6800, s6;
	s25 =	sadd.s32 $0x7800, s6;
	[dreg:$0x19] =	wrdreg s13  }
0x43: {  	s7 =	sadd.s32 $0x9800, s6;
	s10 =	sadd.s32 $0xB800, s6;
	[smem:$0x7DE] =	sst s0  }
0x44: {  	s12 =	sadd.s32 $0xC800, s6;
	s16 =	sadd.s32 $0xE800, s6;
	[smem:$0x7E3] =	sst s23  }
0x45: {  	s17 =	sadd.s32 $0xF000, s6;
	s18 =	sadd.s32 $0xF800, s6;
	[smem:$0x7E5] =	sst s25  }
0x46: {  	s8 =	simm.s32 $0xA;
	s20 =	simm.s32 $0x1;
	[smem:$0x7E9] =	sst s7  }
0x47: {  	s22 =	simm.s32 $0x2;
	s24 =	simm.s32 $0x6;
	[smem:$0x7EC] =	sst s10  }
0x48: {  	s26 =	simm.s32 $0x7;
	s15 =	simm.s32 $0xE80;
	[smem:$0x7EE] =	sst s12  }
0x49: {  	s19 =	simm.s32 $0xF00;
	s7 =	sadd.s32 $0xA000, s6;
	[smem:$0x7F2] =	sst s16  }
0x4a: {  	s13 =	sadd.s32 $0xD000, s6;
	s14 =	sadd.s32 $0xD800, s6;
	[smem:$0x7F3] =	sst s17  }
0x4b: {  	[smem:$0x7F4] =	sst s18;
	s23 =	sadd.s32 $0x12000, s6;
	s25 =	sadd.s32 $0x13000, s6  }
0x4c: {  	s12 =	simm.s32 $0x40;
	s16 =	simm.s32 $0x3000;
	[smem:$0x7EF] =	sst s13  }
0x4d: {  	s17 =	simm.s32 $0x5000;
	s18 =	simm.s32 $0x7000;
	[smem:$0x7F0] =	sst s14  }
0x4e: {  	s0 =	simm.s32 $0x780;
	s10 =	simm.s32 $0xE00;
	[smem:$0x7F9] =	sst s23  }
0x4f: {  	[smem:$0x7FB] =	sst s25;
	s14 =	simm.s32 $0x1000;
	s25 =	simm.s32 $0x3  }
0x50: {  	v0 =	vimm.f32 $0.0e+00;
	s13 =	simm.s32 $0x700;
	s23 =	simm.s32 $0xF80;
	[smem:$0x7FD] =	sst s7  }
.LBB2_1:
0x51: {  	[tilespmem:$0x9000] =	vst v0  }
0x52: {  	[tilespmem:$0x9010] =	vst v0  }
0x53: {  	[tilespmem:$0x9020] =	vst v0  }
0x54: {  	[tilespmem:$0x9030] =	vst v0  }
0x55: {  	[tilespmem:$0x9040] =	vst v0  }
0x56: {  	[tilespmem:$0x9050] =	vst v0  }
0x57: {  	[tilespmem:$0x9060] =	vst v0  }
0x58: {  	[tilespmem:$0x9070] =	vst v0  }
0x59: {  	[tilespmem:$0x9080] =	vst v0  }
0x5a: {  	[tilespmem:$0x9090] =	vst v0  }
0x5b: {  	[tilespmem:$0x90A0] =	vst v0  }
0x5c: {  	[tilespmem:$0x90B0] =	vst v0  }
0x5d: {  	[tilespmem:$0x90C0] =	vst v0  }
0x5e: {  	[tilespmem:$0x90D0] =	vst v0  }
0x5f: {  	[tilespmem:$0x90E0] =	vst v0  }
0x60: {  	[tilespmem:$0x90F0] =	vst v0  }
0x61: {  	[tilespmem:$0x9100] =	vst v0  }
0x62: {  	[tilespmem:$0x9110] =	vst v0  }
0x63: {  	[tilespmem:$0x9120] =	vst v0  }
0x64: {  	[tilespmem:$0x9130] =	vst v0  }
0x65: {  	[tilespmem:$0x9140] =	vst v0  }
0x66: {  	[tilespmem:$0x9150] =	vst v0  }
0x67: {  	[tilespmem:$0x9160] =	vst v0  }
0x68: {  	[tilespmem:$0x9170] =	vst v0  }
0x69: {  	[tilespmem:$0x9180] =	vst v0  }
0x6a: {  	[tilespmem:$0x9190] =	vst v0  }
0x6b: {  	[tilespmem:$0x91A0] =	vst v0  }
0x6c: {  	[tilespmem:$0x91B0] =	vst v0  }
0x6d: {  	[tilespmem:$0x91C0] =	vst v0  }
0x6e: {  	[tilespmem:$0x91D0] =	vst v0  }
0x6f: {  	[tilespmem:$0x91E0] =	vst v0  }
0x70: {  	[tilespmem:$0x91F0] =	vst v0  }
0x71: {  	[tilespmem:$0x9200] =	vst v0  }
0x72: {  	[tilespmem:$0x9210] =	vst v0  }
0x73: {  	[tilespmem:$0x9220] =	vst v0  }
0x74: {  	[tilespmem:$0x9230] =	vst v0  }
0x75: {  	[tilespmem:$0x9240] =	vst v0  }
0x76: {  	[tilespmem:$0x9250] =	vst v0  }
0x77: {  	[tilespmem:$0x9260] =	vst v0  }
0x78: {  	[tilespmem:$0x9270] =	vst v0  }
0x79: {  	[tilespmem:$0x9280] =	vst v0  }
0x7a: {  	[tilespmem:$0x9290] =	vst v0  }
0x7b: {  	[tilespmem:$0x92A0] =	vst v0  }
0x7c: {  	[tilespmem:$0x92B0] =	vst v0  }
0x7d: {  	[tilespmem:$0x92C0] =	vst v0  }
0x7e: {  	[tilespmem:$0x92D0] =	vst v0  }
0x7f: {  	[tilespmem:$0x92E0] =	vst v0  }
0x80: {  	[tilespmem:$0x92F0] =	vst v0  }
0x81: {  	[tilespmem:$0x9300] =	vst v0  }
0x82: {  	[tilespmem:$0x9310] =	vst v0  }
0x83: {  	[tilespmem:$0x9320] =	vst v0  }
0x84: {  	[tilespmem:$0x9330] =	vst v0  }
0x85: {  	[tilespmem:$0x9340] =	vst v0  }
0x86: {  	[tilespmem:$0x9350] =	vst v0  }
0x87: {  	[tilespmem:$0x9360] =	vst v0  }
0x88: {  	[tilespmem:$0x9370] =	vst v0  }
0x89: {  	[tilespmem:$0x9380] =	vst v0  }
0x8a: {  	[tilespmem:$0x9390] =	vst v0  }
0x8b: {  	[tilespmem:$0x93A0] =	vst v0  }
0x8c: {  	[tilespmem:$0x93B0] =	vst v0  }
0x8d: {  	[tilespmem:$0x93C0] =	vst v0  }
0x8e: {  	[tilespmem:$0x93D0] =	vst v0  }
0x8f: {  	[tilespmem:$0x93E0] =	vst v0  }
0x90: {  	[tilespmem:$0x93F0] =	vst v0  }
0x91: {  	[tilespmem:$0x9400] =	vst v0  }
0x92: {  	[tilespmem:$0x9410] =	vst v0  }
0x93: {  	[tilespmem:$0x9420] =	vst v0  }
0x94: {  	[tilespmem:$0x9430] =	vst v0  }
0x95: {  	[tilespmem:$0x9440] =	vst v0  }
0x96: {  	[tilespmem:$0x9450] =	vst v0  }
0x97: {  	[tilespmem:$0x9460] =	vst v0  }
0x98: {  	[tilespmem:$0x9470] =	vst v0  }
0x99: {  	[tilespmem:$0x9480] =	vst v0  }
0x9a: {  	[tilespmem:$0x9490] =	vst v0  }
0x9b: {  	[tilespmem:$0x94A0] =	vst v0  }
0x9c: {  	[tilespmem:$0x94B0] =	vst v0  }
0x9d: {  	[tilespmem:$0x94C0] =	vst v0  }
0x9e: {  	[tilespmem:$0x94D0] =	vst v0  }
0x9f: {  	[tilespmem:$0x94E0] =	vst v0  }
0xa0: {  	[tilespmem:$0x94F0] =	vst v0  }
0xa1: {  	[tilespmem:$0x9500] =	vst v0  }
0xa2: {  	[tilespmem:$0x9510] =	vst v0  }
0xa3: {  	[tilespmem:$0x9520] =	vst v0  }
0xa4: {  	[tilespmem:$0x9530] =	vst v0  }
0xa5: {  	[tilespmem:$0x9540] =	vst v0  }
0xa6: {  	[tilespmem:$0x9550] =	vst v0  }
0xa7: {  	[tilespmem:$0x9560] =	vst v0  }
0xa8: {  	[tilespmem:$0x9570] =	vst v0  }
0xa9: {  	[tilespmem:$0x9580] =	vst v0  }
0xaa: {  	[tilespmem:$0x9590] =	vst v0  }
0xab: {  	[tilespmem:$0x95A0] =	vst v0  }
0xac: {  	[tilespmem:$0x95B0] =	vst v0  }
0xad: {  	[tilespmem:$0x95C0] =	vst v0  }
0xae: {  	[tilespmem:$0x95D0] =	vst v0  }
0xaf: {  	[tilespmem:$0x95E0] =	vst v0  }
0xb0: {  	[tilespmem:$0x95F0] =	vst v0  }
0xb1: {  	[tilespmem:$0x9600] =	vst v0  }
0xb2: {  	[tilespmem:$0x9610] =	vst v0  }
0xb3: {  	[tilespmem:$0x9620] =	vst v0  }
0xb4: {  	[tilespmem:$0x9630] =	vst v0  }
0xb5: {  	[tilespmem:$0x9640] =	vst v0  }
0xb6: {  	[tilespmem:$0x9650] =	vst v0  }
0xb7: {  	[tilespmem:$0x9660] =	vst v0  }
0xb8: {  	[tilespmem:$0x9670] =	vst v0  }
0xb9: {  	[tilespmem:$0x9680] =	vst v0  }
0xba: {  	[tilespmem:$0x9690] =	vst v0  }
0xbb: {  	[tilespmem:$0x96A0] =	vst v0  }
0xbc: {  	[tilespmem:$0x96B0] =	vst v0  }
0xbd: {  	[tilespmem:$0x96C0] =	vst v0  }
0xbe: {  	[tilespmem:$0x96D0] =	vst v0  }
0xbf: {  	[tilespmem:$0x96E0] =	vst v0  }
0xc0: {  	[tilespmem:$0x96F0] =	vst v0  }
0xc1: {  	[tilespmem:$0x9700] =	vst v0  }
0xc2: {  	[tilespmem:$0x9710] =	vst v0  }
0xc3: {  	[tilespmem:$0x9720] =	vst v0  }
0xc4: {  	[tilespmem:$0x9730] =	vst v0  }
0xc5: {  	[tilespmem:$0x9740] =	vst v0  }
0xc6: {  	[tilespmem:$0x9750] =	vst v0  }
0xc7: {  	[tilespmem:$0x9760] =	vst v0  }
0xc8: {  	[tilespmem:$0x9770] =	vst v0  }
0xc9: {  	[tilespmem:$0x9780] =	vst v0  }
0xca: {  	[tilespmem:$0x9790] =	vst v0  }
0xcb: {  	[tilespmem:$0x97A0] =	vst v0  }
0xcc: {  	[tilespmem:$0x97B0] =	vst v0  }
0xcd: {  	[tilespmem:$0x97C0] =	vst v0  }
0xce: {  	[tilespmem:$0x97D0] =	vst v0  }
0xcf: {  	[tilespmem:$0x97E0] =	vst v0  }
0xd0: {  	[smem:$0x7CF] =	sst s28;
	[tilespmem:$0x97F0] =	vst v0;
	s28 =	simm.s32 $0x9000  }
0xd1: {  	[spmem:s6] =	stream.linear.scatter [tilespmem:s28], [sflag:$0x9], $0x800, $0x38;
	[tilespmem:$0x1D800] =	vst v63  }
0xd2: {  	s5 =	rddreg [dreg:$0x1c]  }
0xd3: {  	[spmem:s5] =	stream.linear.scatter [tilespmem:s28], [sflag:$0x9], $0x800, $0x38;
	[tilespmem:$0x1D800] =	vst v63  }
0xd4: {  	s6 =	rddreg [dreg:$0x1d]  }
0xd5: {  	[spmem:s6] =	stream.linear.scatter [tilespmem:s28], [sflag:$0x9], $0x800, $0x38;
	[tilespmem:$0x1D800] =	vst v63  }
0xd6: {  	s6 =	rddreg [dreg:$0x1e]  }
0xd7: {  	[spmem:s6] =	stream.linear.scatter [tilespmem:s28], [sflag:$0x9], $0x800, $0x38;
	[tilespmem:$0x1D800] =	vst v63  }
0xd8: {  	s6 =	rddreg [dreg:$0x1f]  }
0xd9: {  	[spmem:s6] =	stream.linear.scatter [tilespmem:s28], [sflag:$0x9], $0x800, $0x38;
	[tilespmem:$0x1D800] =	vst v63  }
0xda: {  	s6 =	sld [smem:$0x7D0];
	_ =	sdelay $0x2  }
0xdb: {  	[spmem:s6] =	stream.linear.scatter [tilespmem:s28], [sflag:$0x9], $0x800, $0x38;
	[tilespmem:$0x1D800] =	vst v63  }
0xdc: {  	s6 =	sld [smem:$0x7D1];
	_ =	sdelay $0x2  }
0xdd: {  	[spmem:s6] =	stream.linear.scatter [tilespmem:s28], [sflag:$0x9], $0x800, $0x38;
	[tilespmem:$0x1D800] =	vst v63  }
0xde: {  	s6 =	sld [smem:$0x7D2];
	_ =	sdelay $0x2  }
0xdf: {  	[spmem:s6] =	stream.linear.scatter [tilespmem:s28], [sflag:$0x9], $0x800, $0x38;
	[tilespmem:$0x1D800] =	vst v63  }
0xe0: {  	s6 =	simm.s32 $0x9  }
0xe1: {  	_ =	swait.ge [sflag:s6], $0x800  }
0xe2: {  	[sflag:s6] =	ssyncset.done $0x0  }
0xe3: {  	[sflag:s6] =	ssyncadd.s32 $0xFFFFF800  }
0xe4: {  	_ =	swait.ge [sflag:s6], $0x800  }
0xe5: {  	[sflag:s6] =	ssyncset.done $0x0  }
0xe6: {  	[sflag:s6] =	ssyncadd.s32 $0xFFFFF800  }
0xe7: {  	_ =	swait.ge [sflag:s6], $0x800  }
0xe8: {  	[sflag:s6] =	ssyncset.done $0x0  }
0xe9: {  	[sflag:s6] =	ssyncadd.s32 $0xFFFFF800  }
0xea: {  	_ =	swait.ge [sflag:s6], $0x800  }
0xeb: {  	[sflag:s6] =	ssyncset.done $0x0  }
0xec: {  	[sflag:s6] =	ssyncadd.s32 $0xFFFFF800  }
0xed: {  	_ =	swait.ge [sflag:s6], $0x800  }
0xee: {  	[sflag:s6] =	ssyncset.done $0x0  }
0xef: {  	[sflag:s6] =	ssyncadd.s32 $0xFFFFF800  }
0xf0: {  	_ =	swait.ge [sflag:s6], $0x800  }
0xf1: {  	[sflag:s6] =	ssyncset.done $0x0  }
0xf2: {  	[sflag:s6] =	ssyncadd.s32 $0xFFFFF800  }
0xf3: {  	_ =	swait.ge [sflag:s6], $0x800  }
0xf4: {  	[sflag:s6] =	ssyncset.done $0x0  }
0xf5: {  	[sflag:s6] =	ssyncadd.s32 $0xFFFFF800  }
0xf6: {  	_ =	swait.ge [sflag:s6], $0x800  }
0xf7: {  	s5 =	sld [smem:$0x7D3]  }
0xf8: {  	[sflag:s6] =	ssyncset.done $0x0  }
0xf9: {  	[sflag:s6] =	ssyncadd.s32 $0xFFFFF800  }
0xfa: {  	[spmem:s5] =	stream.linear.scatter [tilespmem:s28], [sflag:$0x9], $0x800, $0x38;
	[tilespmem:$0x1D800] =	vst v63  }
0xfb: {  	s5 =	sld [smem:$0x7D4];
	_ =	sdelay $0x2  }
0xfc: {  	[spmem:s5] =	stream.linear.scatter [tilespmem:s28], [sflag:$0x9], $0x800, $0x38;
	[tilespmem:$0x1D800] =	vst v63  }
0xfd: {  	s5 =	sld [smem:$0x7E0];
	_ =	sdelay $0x2  }
0xfe: {  	[spmem:s5] =	stream.linear.scatter [tilespmem:s28], [sflag:$0x9], $0x800, $0x38;
	[tilespmem:$0x1D800] =	vst v63  }
0xff: {  	s5 =	sld [smem:$0x7E1];
	_ =	sdelay $0x2  }
0x100: {  	[spmem:s5] =	stream.linear.scatter [tilespmem:s28], [sflag:$0x9], $0x800, $0x38;
	[tilespmem:$0x1D800] =	vst v63  }
0x101: {  	s5 =	sld [smem:$0x7E2];
	_ =	sdelay $0x2  }
0x102: {  	[spmem:s5] =	stream.linear.scatter [tilespmem:s28], [sflag:$0x9], $0x800, $0x38;
	[tilespmem:$0x1D800] =	vst v63  }
0x103: {  	s5 =	sld [smem:$0x7E3];
	_ =	sdelay $0x2  }
0x104: {  	[spmem:s5] =	stream.linear.scatter [tilespmem:s28], [sflag:$0x9], $0x800, $0x38;
	[tilespmem:$0x1D800] =	vst v63  }
0x105: {  	s5 =	sld [smem:$0x7E4];
	_ =	sdelay $0x2  }
0x106: {  	[spmem:s5] =	stream.linear.scatter [tilespmem:s28], [sflag:$0x9], $0x800, $0x38;
	[tilespmem:$0x1D800] =	vst v63  }
0x107: {  	s5 =	sld [smem:$0x7E5];
	_ =	sdelay $0x2  }
0x108: {  	[spmem:s5] =	stream.linear.scatter [tilespmem:s28], [sflag:$0x9], $0x800, $0x38;
	[tilespmem:$0x1D800] =	vst v63  }
0x109: {  	_ =	swait.ge [sflag:s6], $0x800  }
0x10a: {  	[sflag:s6] =	ssyncset.done $0x0  }
0x10b: {  	[sflag:s6] =	ssyncadd.s32 $0xFFFFF800  }
0x10c: {  	_ =	swait.ge [sflag:s6], $0x800  }
0x10d: {  	[sflag:s6] =	ssyncset.done $0x0  }
0x10e: {  	[sflag:s6] =	ssyncadd.s32 $0xFFFFF800  }
0x10f: {  	_ =	swait.ge [sflag:s6], $0x800  }
0x110: {  	[sflag:s6] =	ssyncset.done $0x0  }
0x111: {  	[sflag:s6] =	ssyncadd.s32 $0xFFFFF800  }
0x112: {  	_ =	swait.ge [sflag:s6], $0x800  }
0x113: {  	[sflag:s6] =	ssyncset.done $0x0  }
0x114: {  	[sflag:s6] =	ssyncadd.s32 $0xFFFFF800  }
0x115: {  	_ =	swait.ge [sflag:s6], $0x800  }
0x116: {  	[sflag:s6] =	ssyncset.done $0x0  }
0x117: {  	[sflag:s6] =	ssyncadd.s32 $0xFFFFF800  }
0x118: {  	_ =	swait.ge [sflag:s6], $0x800  }
0x119: {  	[sflag:s6] =	ssyncset.done $0x0  }
0x11a: {  	[sflag:s6] =	ssyncadd.s32 $0xFFFFF800  }
0x11b: {  	_ =	swait.ge [sflag:s6], $0x800  }
0x11c: {  	[sflag:s6] =	ssyncset.done $0x0  }
0x11d: {  	[sflag:s6] =	ssyncadd.s32 $0xFFFFF800  }
0x11e: {  	_ =	swait.ge [sflag:s6], $0x800  }
0x11f: {  	s5 =	sld [smem:$0x7E6]  }
0x120: {  	[sflag:s6] =	ssyncset.done $0x0  }
0x121: {  	[sflag:s6] =	ssyncadd.s32 $0xFFFFF800  }
0x122: {  	[spmem:s5] =	stream.linear.scatter [tilespmem:s28], [sflag:$0x9], $0x800, $0x38;
	[tilespmem:$0x1D800] =	vst v63  }
0x123: {  	s5 =	sld [smem:$0x7E7];
	_ =	sdelay $0x2  }
0x124: {  	[spmem:s5] =	stream.linear.scatter [tilespmem:s28], [sflag:$0x9], $0x800, $0x38;
	[tilespmem:$0x1D800] =	vst v63  }
0x125: {  	s5 =	sld [smem:$0x7E8];
	_ =	sdelay $0x2  }
0x126: {  	[spmem:s5] =	stream.linear.scatter [tilespmem:s28], [sflag:$0x9], $0x800, $0x38;
	[tilespmem:$0x1D800] =	vst v63  }
0x127: {  	s5 =	sld [smem:$0x7E9];
	_ =	sdelay $0x2  }
0x128: {  	[spmem:s5] =	stream.linear.scatter [tilespmem:s28], [sflag:$0x9], $0x800, $0x38;
	[tilespmem:$0x1D800] =	vst v63  }
0x129: {  	_ = 	snop  }
0x12a: {  	[spmem:s7] =	stream.linear.scatter [tilespmem:s28], [sflag:$0x9], $0x800, $0x38;
	[tilespmem:$0x1D800] =	vst v63  }
0x12b: {  	s7 =	sld [smem:$0x7EA];
	_ =	sdelay $0x2  }
0x12c: {  	[spmem:s7] =	stream.linear.scatter [tilespmem:s28], [sflag:$0x9], $0x800, $0x38;
	[tilespmem:$0x1D800] =	vst v63  }
0x12d: {  	s7 =	sld [smem:$0x7EB];
	_ =	sdelay $0x2  }
0x12e: {  	[spmem:s7] =	stream.linear.scatter [tilespmem:s28], [sflag:$0x9], $0x800, $0x38;
	[tilespmem:$0x1D800] =	vst v63  }
0x12f: {  	s7 =	sld [smem:$0x7EC];
	_ =	sdelay $0x2  }
0x130: {  	[spmem:s7] =	stream.linear.scatter [tilespmem:s28], [sflag:$0x9], $0x800, $0x38;
	[tilespmem:$0x1D800] =	vst v63  }
0x131: {  	_ =	swait.ge [sflag:s6], $0x800  }
0x132: {  	[sflag:s6] =	ssyncset.done $0x0  }
0x133: {  	[sflag:s6] =	ssyncadd.s32 $0xFFFFF800  }
0x134: {  	_ =	swait.ge [sflag:s6], $0x800  }
0x135: {  	[sflag:s6] =	ssyncset.done $0x0  }
0x136: {  	[sflag:s6] =	ssyncadd.s32 $0xFFFFF800  }
0x137: {  	_ =	swait.ge [sflag:s6], $0x800  }
0x138: {  	[sflag:s6] =	ssyncset.done $0x0  }
0x139: {  	[sflag:s6] =	ssyncadd.s32 $0xFFFFF800  }
0x13a: {  	_ =	swait.ge [sflag:s6], $0x800  }
0x13b: {  	[sflag:s6] =	ssyncset.done $0x0  }
0x13c: {  	[sflag:s6] =	ssyncadd.s32 $0xFFFFF800  }
0x13d: {  	_ =	swait.ge [sflag:s6], $0x800  }
0x13e: {  	[sflag:s6] =	ssyncset.done $0x0  }
0x13f: {  	[sflag:s6] =	ssyncadd.s32 $0xFFFFF800  }
0x140: {  	_ =	swait.ge [sflag:s6], $0x800  }
0x141: {  	[sflag:s6] =	ssyncset.done $0x0  }
0x142: {  	[sflag:s6] =	ssyncadd.s32 $0xFFFFF800  }
0x143: {  	_ =	swait.ge [sflag:s6], $0x800  }
0x144: {  	[sflag:s6] =	ssyncset.done $0x0  }
0x145: {  	[sflag:s6] =	ssyncadd.s32 $0xFFFFF800  }
0x146: {  	_ =	swait.ge [sflag:s6], $0x800  }
0x147: {  	s7 =	sld [smem:$0x7ED]  }
0x148: {  	[sflag:s6] =	ssyncset.done $0x0  }
0x149: {  	[sflag:s6] =	ssyncadd.s32 $0xFFFFF800  }
0x14a: {  	[spmem:s7] =	stream.linear.scatter [tilespmem:s28], [sflag:$0x9], $0x800, $0x38;
	[tilespmem:$0x1D800] =	vst v63  }
0x14b: {  	s7 =	sld [smem:$0x7EE];
	_ =	sdelay $0x2  }
0x14c: {  	[spmem:s7] =	stream.linear.scatter [tilespmem:s28], [sflag:$0x9], $0x800, $0x38;
	[tilespmem:$0x1D800] =	vst v63  }
0x14d: {  	s7 =	sld [smem:$0x7EF];
	_ =	sdelay $0x2  }
0x14e: {  	[spmem:s7] =	stream.linear.scatter [tilespmem:s28], [sflag:$0x9], $0x800, $0x38;
	[tilespmem:$0x1D800] =	vst v63  }
0x14f: {  	s7 =	sld [smem:$0x7F0];
	_ =	sdelay $0x2  }
0x150: {  	[spmem:s7] =	stream.linear.scatter [tilespmem:s28], [sflag:$0x9], $0x800, $0x38;
	[tilespmem:$0x1D800] =	vst v63  }
0x151: {  	s7 =	sld [smem:$0x7F1];
	_ =	sdelay $0x2  }
0x152: {  	[spmem:s7] =	stream.linear.scatter [tilespmem:s28], [sflag:$0x9], $0x800, $0x38;
	[tilespmem:$0x1D800] =	vst v63  }
0x153: {  	s7 =	sld [smem:$0x7F2];
	_ =	sdelay $0x2  }
0x154: {  	[spmem:s7] =	stream.linear.scatter [tilespmem:s28], [sflag:$0x9], $0x800, $0x38;
	[tilespmem:$0x1D800] =	vst v63  }
0x155: {  	s7 =	sld [smem:$0x7F3];
	_ =	sdelay $0x2  }
0x156: {  	[spmem:s7] =	stream.linear.scatter [tilespmem:s28], [sflag:$0x9], $0x800, $0x38;
	[tilespmem:$0x1D800] =	vst v63  }
0x157: {  	s7 =	sld [smem:$0x7F4];
	_ =	sdelay $0x2  }
0x158: {  	[spmem:s7] =	stream.linear.scatter [tilespmem:s28], [sflag:$0x9], $0x800, $0x38;
	[tilespmem:$0x1D800] =	vst v63  }
0x159: {  	_ =	swait.ge [sflag:s6], $0x800  }
0x15a: {  	[sflag:s6] =	ssyncset.done $0x0  }
0x15b: {  	[sflag:s6] =	ssyncadd.s32 $0xFFFFF800  }
0x15c: {  	_ =	swait.ge [sflag:s6], $0x800  }
0x15d: {  	[sflag:s6] =	ssyncset.done $0x0  }
0x15e: {  	[sflag:s6] =	ssyncadd.s32 $0xFFFFF800  }
0x15f: {  	_ =	swait.ge [sflag:s6], $0x800  }
0x160: {  	[sflag:s6] =	ssyncset.done $0x0  }
0x161: {  	[sflag:s6] =	ssyncadd.s32 $0xFFFFF800  }
0x162: {  	_ =	swait.ge [sflag:s6], $0x800  }
0x163: {  	[sflag:s6] =	ssyncset.done $0x0  }
0x164: {  	[sflag:s6] =	ssyncadd.s32 $0xFFFFF800  }
0x165: {  	_ =	swait.ge [sflag:s6], $0x800  }
0x166: {  	[sflag:s6] =	ssyncset.done $0x0  }
0x167: {  	[sflag:s6] =	ssyncadd.s32 $0xFFFFF800  }
0x168: {  	_ =	swait.ge [sflag:s6], $0x800  }
0x169: {  	[sflag:s6] =	ssyncset.done $0x0  }
0x16a: {  	[sflag:s6] =	ssyncadd.s32 $0xFFFFF800  }
0x16b: {  	_ =	swait.ge [sflag:s6], $0x800  }
0x16c: {  	[sflag:s6] =	ssyncset.done $0x0  }
0x16d: {  	[sflag:s6] =	ssyncadd.s32 $0xFFFFF800  }
0x16e: {  	_ =	swait.ge [sflag:s6], $0x800  }
0x16f: {  	s7 =	sld [smem:$0x7F5]  }
0x170: {  	[sflag:s6] =	ssyncset.done $0x0  }
0x171: {  	[sflag:s6] =	ssyncadd.s32 $0xFFFFF800  }
0x172: {  	[spmem:s7] =	stream.linear.scatter [tilespmem:s28], [sflag:$0x9], $0x800, $0x38;
	[tilespmem:$0x1D800] =	vst v63  }
0x173: {  	s7 =	sld [smem:$0x7F6];
	_ =	sdelay $0x2  }
0x174: {  	[spmem:s7] =	stream.linear.scatter [tilespmem:s28], [sflag:$0x9], $0x800, $0x38;
	[tilespmem:$0x1D800] =	vst v63  }
0x175: {  	s7 =	sld [smem:$0x7F7];
	_ =	sdelay $0x2  }
0x176: {  	[spmem:s7] =	stream.linear.scatter [tilespmem:s28], [sflag:$0x9], $0x800, $0x38;
	[tilespmem:$0x1D800] =	vst v63  }
0x177: {  	s7 =	sld [smem:$0x7F8];
	_ =	sdelay $0x2  }
0x178: {  	[spmem:s7] =	stream.linear.scatter [tilespmem:s28], [sflag:$0x9], $0x800, $0x38;
	[tilespmem:$0x1D800] =	vst v63  }
0x179: {  	s7 =	sld [smem:$0x7F9];
	_ =	sdelay $0x2  }
0x17a: {  	[spmem:s7] =	stream.linear.scatter [tilespmem:s28], [sflag:$0x9], $0x800, $0x38;
	[tilespmem:$0x1D800] =	vst v63  }
0x17b: {  	s7 =	sld [smem:$0x7FA];
	_ =	sdelay $0x2  }
0x17c: {  	[spmem:s7] =	stream.linear.scatter [tilespmem:s28], [sflag:$0x9], $0x800, $0x38;
	[tilespmem:$0x1D800] =	vst v63  }
0x17d: {  	s7 =	sld [smem:$0x7FB];
	_ =	sdelay $0x2  }
0x17e: {  	[spmem:s7] =	stream.linear.scatter [tilespmem:s28], [sflag:$0x9], $0x800, $0x38;
	[tilespmem:$0x1D800] =	vst v63  }
0x17f: {  	s7 =	sld [smem:$0x7FC];
	_ =	sdelay $0x2  }
0x180: {  	[spmem:s7] =	stream.linear.scatter [tilespmem:s28], [sflag:$0x9], $0x800, $0x38;
	[tilespmem:$0x1D800] =	vst v63  }
0x181: {  	_ =	swait.ge [sflag:s6], $0x800  }
0x182: {  	[sflag:s6] =	ssyncset.done $0x0  }
0x183: {  	[sflag:s6] =	ssyncadd.s32 $0xFFFFF800  }
0x184: {  	_ =	swait.ge [sflag:s6], $0x800  }
0x185: {  	[sflag:s6] =	ssyncset.done $0x0  }
0x186: {  	[sflag:s6] =	ssyncadd.s32 $0xFFFFF800  }
0x187: {  	_ =	swait.ge [sflag:s6], $0x800  }
0x188: {  	[sflag:s6] =	ssyncset.done $0x0  }
0x189: {  	[sflag:s6] =	ssyncadd.s32 $0xFFFFF800  }
0x18a: {  	_ =	swait.ge [sflag:s6], $0x800  }
0x18b: {  	[sflag:s6] =	ssyncset.done $0x0  }
0x18c: {  	[sflag:s6] =	ssyncadd.s32 $0xFFFFF800  }
0x18d: {  	_ =	swait.ge [sflag:s6], $0x800  }
0x18e: {  	[sflag:s6] =	ssyncset.done $0x0  }
0x18f: {  	[sflag:s6] =	ssyncadd.s32 $0xFFFFF800  }
0x190: {  	_ =	swait.ge [sflag:s6], $0x800  }
0x191: {  	[sflag:s6] =	ssyncset.done $0x0  }
0x192: {  	[sflag:s6] =	ssyncadd.s32 $0xFFFFF800  }
0x193: {  	_ =	swait.ge [sflag:s6], $0x800  }
0x194: {  	[sflag:s6] =	ssyncset.done $0x0  }
0x195: {  	[sflag:s6] =	ssyncadd.s32 $0xFFFFF800  }
0x196: {  	_ =	swait.ge [sflag:s6], $0x800  }
0x197: {  	[sflag:s6] =	ssyncset.done $0x0  }
0x198: {  	[sflag:s6] =	ssyncadd.s32 $0xFFFFF800  }
0x199: {  	[bflag:$0x0] =	sbarrier.arrive $0xFFFF  }
0x19a: {  	s7 =	rddreg [dreg:$0x5]  }
0x19b: {  	s5 =	sadd.s32 $0x0, s7  }
0x19c: {  	[tilespmem:s4], [sflag:$0xA] =	stream.linear.gather [hbm4b:s5+s4], $0x800, $0x38;
	[tilespmem:$0x1D800] =	vst v63  }
0x19d: {  	_ =	swait.ge [sflag:s8], $0x800  }
0x19e: {  	s6 =	rddreg [dreg:$0x4];
	[sflag:s8] =	ssyncset.done $0x0  }
0x19f: {  	[sflag:s8] =	ssyncadd.s32 $0xFFFFF800;
	s5 =	sadd.s32 $0x0, s6  }
0x1a0: {  	[tilespmem:s11], [sflag:$0xA] =	stream.linear.gather [hbm4b:s5+s4], $0x800, $0x38;
	[tilespmem:$0x1D800] =	vst v63  }
0x1a1: {  	_ =	swait.ge [sflag:s8], $0x800  }
0x1a2: {  	[sflag:s8] =	ssyncset.done $0x0  }
0x1a3: {  	[sflag:s8] =	ssyncadd.s32 $0xFFFFF800  }
0x1a4: {  	[tilespmem:s14], [sflag:$0x1] =	stream.indirect.gather [hbm4b:s1+s12], $0x80, s4, s12, $0xb8;
	[tilespmem:$0x1D800] =	vst v63  }
0x1a5: {  	s7 =	rddreg [dreg:$0x6]  }
0x1a6: {  	[tilespmem:s16], [sflag:$0x2] =	stream.indirect.gather [hbm4b:s1+s12], $0x80, s7, s12, $0xb8;
	[tilespmem:$0x1D800] =	vst v63  }
0x1a7: {  	s6 =	rddreg [dreg:$0x7]  }
0x1a8: {  	[tilespmem:s17], [sflag:$0x3] =	stream.indirect.gather [hbm4b:s1+s12], $0x80, s6, s12, $0xb8;
	[tilespmem:$0x1D800] =	vst v63  }
0x1a9: {  	s7 =	rddreg [dreg:$0x8]  }
0x1aa: {  	[tilespmem:s18], [sflag:$0x4] =	stream.indirect.gather [hbm4b:s1+s12], $0x80, s7, s12, $0xb8;
	[tilespmem:$0x1D800] =	vst v63  }
0x1ab: {  	_ =	swait.ge [sflag:s20], $0x2000  }
0x1ac: {  	[sflag:s20] =	ssyncset.done $0x0  }
0x1ad: {  	[sflag:s20] =	ssyncadd.s32 $0xFFFFE000  }
0x1ae: {  	[spmem:s3] =	stream.indirect.scatter.add.f32 [tilespmem:s14], [sflag:$0x5], $0x80, s11, s12, $0xb8;
	[tilespmem:$0x1D800] =	vst v63  }
0x1af: {  	_ =	swait.ge [sflag:s21], $0x2000  }
0x1b0: {  	[sflag:s21] =	ssyncset.done $0x0  }
0x1b1: {  	s6 =	rddreg [dreg:$0x9];
	[sflag:s21] =	ssyncadd.s32 $0xFFFFE000  }
0x1b2: {  	[tilespmem:s14], [sflag:$0x1] =	stream.indirect.gather [hbm4b:s1+s12], $0x80, s6, s12, $0xb8;
	[tilespmem:$0x1D800] =	vst v63  }
0x1b3: {  	_ =	swait.ge [sflag:s22], $0x2000  }
0x1b4: {  	[sflag:s22] =	ssyncset.done $0x0  }
0x1b5: {  	s7 =	rddreg [dreg:$0xa];
	[sflag:s22] =	ssyncadd.s32 $0xFFFFE000  }
0x1b6: {  	[spmem:s3] =	stream.indirect.scatter.add.f32 [tilespmem:s16], [sflag:$0x6], $0x80, s7, s12, $0xb8;
	[tilespmem:$0x1D800] =	vst v63  }
0x1b7: {  	_ =	swait.ge [sflag:s24], $0x2000  }
0x1b8: {  	[sflag:s24] =	ssyncset.done $0x0  }
0x1b9: {  	s6 =	rddreg [dreg:$0xb];
	[sflag:s24] =	ssyncadd.s32 $0xFFFFE000  }
0x1ba: {  	[tilespmem:s16], [sflag:$0x2] =	stream.indirect.gather [hbm4b:s1+s12], $0x80, s6, s12, $0xb8;
	[tilespmem:$0x1D800] =	vst v63  }
0x1bb: {  	_ =	swait.ge [sflag:s25], $0x2000  }
0x1bc: {  	[sflag:s25] =	ssyncset.done $0x0  }
0x1bd: {  	s7 =	rddreg [dreg:$0xc];
	[sflag:s25] =	ssyncadd.s32 $0xFFFFE000  }
0x1be: {  	[spmem:s3] =	stream.indirect.scatter.add.f32 [tilespmem:s17], [sflag:$0x7], $0x80, s7, s12, $0xb8;
	[tilespmem:$0x1D800] =	vst v63  }
0x1bf: {  	_ =	swait.ge [sflag:s26], $0x2000  }
0x1c0: {  	[sflag:s26] =	ssyncset.done $0x0  }
0x1c1: {  	s6 =	rddreg [dreg:$0xd];
	[sflag:s26] =	ssyncadd.s32 $0xFFFFE000  }
0x1c2: {  	[tilespmem:s17], [sflag:$0x3] =	stream.indirect.gather [hbm4b:s1+s12], $0x80, s6, s12, $0xb8;
	[tilespmem:$0x1D800] =	vst v63  }
0x1c3: {  	_ =	swait.ge [sflag:s30], $0x2000  }
0x1c4: {  	[sflag:s30] =	ssyncset.done $0x0  }
0x1c5: {  	s7 =	rddreg [dreg:$0xe];
	[sflag:s30] =	ssyncadd.s32 $0xFFFFE000  }
0x1c6: {  	[spmem:s3] =	stream.indirect.scatter.add.f32 [tilespmem:s18], [sflag:$0x8], $0x80, s7, s12, $0xb8;
	[tilespmem:$0x1D800] =	vst v63  }
0x1c7: {  	_ =	swait.ge [sflag:s31], $0x2000  }
0x1c8: {  	[sflag:s31] =	ssyncset.done $0x0  }
0x1c9: {  	s6 =	rddreg [dreg:$0xf];
	[sflag:s31] =	ssyncadd.s32 $0xFFFFE000  }
0x1ca: {  	[tilespmem:s18], [sflag:$0x4] =	stream.indirect.gather [hbm4b:s1+s12], $0x80, s6, s12, $0xb8;
	[tilespmem:$0x1D800] =	vst v63  }
0x1cb: {  	_ =	swait.ge [sflag:s20], $0x2000  }
0x1cc: {  	[sflag:s20] =	ssyncset.done $0x0  }
0x1cd: {  	s7 =	rddreg [dreg:$0x10];
	[sflag:s20] =	ssyncadd.s32 $0xFFFFE000  }
0x1ce: {  	[spmem:s3] =	stream.indirect.scatter.add.f32 [tilespmem:s14], [sflag:$0x5], $0x80, s7, s12, $0xb8;
	[tilespmem:$0x1D800] =	vst v63  }
0x1cf: {  	_ =	swait.ge [sflag:s21], $0x2000  }
0x1d0: {  	[sflag:s21] =	ssyncset.done $0x0  }
0x1d1: {  	s6 =	rddreg [dreg:$0x11];
	[sflag:s21] =	ssyncadd.s32 $0xFFFFE000  }
0x1d2: {  	[tilespmem:s14], [sflag:$0x1] =	stream.indirect.gather [hbm4b:s1+s12], $0x80, s6, s12, $0xb8;
	[tilespmem:$0x1D800] =	vst v63  }
0x1d3: {  	_ =	swait.ge [sflag:s22], $0x2000  }
0x1d4: {  	[sflag:s22] =	ssyncset.done $0x0  }
0x1d5: {  	s7 =	rddreg [dreg:$0x12];
	[sflag:s22] =	ssyncadd.s32 $0xFFFFE000  }
0x1d6: {  	[spmem:s3] =	stream.indirect.scatter.add.f32 [tilespmem:s16], [sflag:$0x6], $0x80, s7, s12, $0xb8;
	[tilespmem:$0x1D800] =	vst v63  }
0x1d7: {  	_ =	swait.ge [sflag:s24], $0x2000  }
0x1d8: {  	[sflag:s24] =	ssyncset.done $0x0  }
0x1d9: {  	s6 =	rddreg [dreg:$0x13];
	[sflag:s24] =	ssyncadd.s32 $0xFFFFE000  }
0x1da: {  	[tilespmem:s16], [sflag:$0x2] =	stream.indirect.gather [hbm4b:s1+s12], $0x80, s6, s12, $0xb8;
	[tilespmem:$0x1D800] =	vst v63  }
0x1db: {  	_ =	swait.ge [sflag:s25], $0x2000  }
0x1dc: {  	[sflag:s25] =	ssyncset.done $0x0  }
0x1dd: {  	s7 =	rddreg [dreg:$0x14];
	[sflag:s25] =	ssyncadd.s32 $0xFFFFE000  }
0x1de: {  	[spmem:s3] =	stream.indirect.scatter.add.f32 [tilespmem:s17], [sflag:$0x7], $0x80, s7, s12, $0xb8;
	[tilespmem:$0x1D800] =	vst v63  }
0x1df: {  	_ =	swait.ge [sflag:s26], $0x2000  }
0x1e0: {  	[sflag:s26] =	ssyncset.done $0x0  }
0x1e1: {  	s6 =	rddreg [dreg:$0x15];
	[sflag:s26] =	ssyncadd.s32 $0xFFFFE000  }
0x1e2: {  	[tilespmem:s17], [sflag:$0x3] =	stream.indirect.gather [hbm4b:s1+s12], $0x80, s6, s12, $0xb8;
	[tilespmem:$0x1D800] =	vst v63  }
0x1e3: {  	_ =	swait.ge [sflag:s30], $0x2000  }
0x1e4: {  	[sflag:s30] =	ssyncset.done $0x0  }
0x1e5: {  	s7 =	rddreg [dreg:$0x16];
	[sflag:s30] =	ssyncadd.s32 $0xFFFFE000  }
0x1e6: {  	[spmem:s3] =	stream.indirect.scatter.add.f32 [tilespmem:s18], [sflag:$0x8], $0x80, s7, s12, $0xb8;
	[tilespmem:$0x1D800] =	vst v63  }
0x1e7: {  	_ =	swait.ge [sflag:s31], $0x2000  }
0x1e8: {  	[sflag:s31] =	ssyncset.done $0x0  }
0x1e9: {  	s6 =	rddreg [dreg:$0x17];
	[sflag:s31] =	ssyncadd.s32 $0xFFFFE000  }
0x1ea: {  	[tilespmem:s18], [sflag:$0x4] =	stream.indirect.gather [hbm4b:s1+s12], $0x80, s6, s12, $0xb8;
	[tilespmem:$0x1D800] =	vst v63  }
0x1eb: {  	_ =	swait.ge [sflag:s20], $0x2000  }
0x1ec: {  	[sflag:s20] =	ssyncset.done $0x0  }
0x1ed: {  	s7 =	rddreg [dreg:$0x18];
	[sflag:s20] =	ssyncadd.s32 $0xFFFFE000  }
0x1ee: {  	[spmem:s3] =	stream.indirect.scatter.add.f32 [tilespmem:s14], [sflag:$0x5], $0x80, s7, s12, $0xb8;
	[tilespmem:$0x1D800] =	vst v63  }
0x1ef: {  	_ =	swait.ge [sflag:s21], $0x2000  }
0x1f0: {  	[sflag:s21] =	ssyncset.done $0x0  }
0x1f1: {  	s6 =	rddreg [dreg:$0x19];
	[sflag:s21] =	ssyncadd.s32 $0xFFFFE000  }
0x1f2: {  	[tilespmem:s14], [sflag:$0x1] =	stream.indirect.gather [hbm4b:s1+s12], $0x80, s6, s12, $0xb8;
	[tilespmem:$0x1D800] =	vst v63  }
0x1f3: {  	_ =	swait.ge [sflag:s22], $0x2000  }
0x1f4: {  	[sflag:s22] =	ssyncset.done $0x0  }
0x1f5: {  	s7 =	rddreg [dreg:$0x1a];
	[sflag:s22] =	ssyncadd.s32 $0xFFFFE000  }
0x1f6: {  	[spmem:s3] =	stream.indirect.scatter.add.f32 [tilespmem:s16], [sflag:$0x6], $0x80, s7, s12, $0xb8;
	[tilespmem:$0x1D800] =	vst v63  }
0x1f7: {  	_ =	swait.ge [sflag:s24], $0x2000  }
0x1f8: {  	[sflag:s24] =	ssyncset.done $0x0  }
0x1f9: {  	[sflag:s24] =	ssyncadd.s32 $0xFFFFE000  }
0x1fa: {  	[tilespmem:s16], [sflag:$0x2] =	stream.indirect.gather [hbm4b:s1+s12], $0x80, s2, s12, $0xb8;
	[tilespmem:$0x1D800] =	vst v63  }
0x1fb: {  	_ =	swait.ge [sflag:s25], $0x2000  }
0x1fc: {  	[sflag:s25] =	ssyncset.done $0x0  }
0x1fd: {  	[sflag:s25] =	ssyncadd.s32 $0xFFFFE000  }
0x1fe: {  	[spmem:s3] =	stream.indirect.scatter.add.f32 [tilespmem:s17], [sflag:$0x7], $0x80, s9, s12, $0xb8;
	[tilespmem:$0x1D800] =	vst v63  }
0x1ff: {  	_ =	swait.ge [sflag:s26], $0x2000  }
0x200: {  	[sflag:s26] =	ssyncset.done $0x0  }
0x201: {  	[sflag:s26] =	ssyncadd.s32 $0xFFFFE000  }
0x202: {  	[tilespmem:s17], [sflag:$0x3] =	stream.indirect.gather [hbm4b:s1+s12], $0x80, s13, s12, $0xb8;
	[tilespmem:$0x1D800] =	vst v63  }
0x203: {  	_ =	swait.ge [sflag:s30], $0x2000  }
0x204: {  	[sflag:s30] =	ssyncset.done $0x0  }
0x205: {  	[sflag:s30] =	ssyncadd.s32 $0xFFFFE000  }
0x206: {  	[spmem:s3] =	stream.indirect.scatter.add.f32 [tilespmem:s18], [sflag:$0x8], $0x80, s29, s12, $0xb8;
	[tilespmem:$0x1D800] =	vst v63  }
0x207: {  	_ =	swait.ge [sflag:s31], $0x2000  }
0x208: {  	[sflag:s31] =	ssyncset.done $0x0  }
0x209: {  	[sflag:s31] =	ssyncadd.s32 $0xFFFFE000  }
0x20a: {  	[tilespmem:s18], [sflag:$0x4] =	stream.indirect.gather [hbm4b:s1+s12], $0x80, s0, s12, $0xb8;
	[tilespmem:$0x1D800] =	vst v63  }
0x20b: {  	_ =	swait.ge [sflag:s20], $0x2000  }
0x20c: {  	[sflag:s20] =	ssyncset.done $0x0  }
0x20d: {  	[sflag:s20] =	ssyncadd.s32 $0xFFFFE000  }
0x20e: {  	[spmem:s3] =	stream.indirect.scatter.add.f32 [tilespmem:s14], [sflag:$0x5], $0x80, s10, s12, $0xb8;
	[tilespmem:$0x1D800] =	vst v63  }
0x20f: {  	_ =	swait.ge [sflag:s22], $0x2000  }
0x210: {  	[sflag:s22] =	ssyncset.done $0x0  }
0x211: {  	[sflag:s22] =	ssyncadd.s32 $0xFFFFE000  }
0x212: {  	[spmem:s3] =	stream.indirect.scatter.add.f32 [tilespmem:s16], [sflag:$0x6], $0x80, s15, s12, $0xb8;
	[tilespmem:$0x1D800] =	vst v63  }
0x213: {  	_ =	swait.ge [sflag:s25], $0x2000  }
0x214: {  	[sflag:s25] =	ssyncset.done $0x0  }
0x215: {  	[sflag:s25] =	ssyncadd.s32 $0xFFFFE000  }
0x216: {  	[spmem:s3] =	stream.indirect.scatter.add.f32 [tilespmem:s17], [sflag:$0x7], $0x80, s19, s12, $0xb8;
	[tilespmem:$0x1D800] =	vst v63  }
0x217: {  	_ =	swait.ge [sflag:s30], $0x2000  }
0x218: {  	[sflag:s30] =	ssyncset.done $0x0  }
0x219: {  	[sflag:s30] =	ssyncadd.s32 $0xFFFFE000  }
0x21a: {  	[spmem:s3] =	stream.indirect.scatter.add.f32 [tilespmem:s18], [sflag:$0x8], $0x80, s23, s12, $0xb8;
	[tilespmem:$0x1D800] =	vst v63  }
0x21b: {  	_ =	swait.ge [sflag:s21], $0x2000  }
0x21c: {  	[sflag:s21] =	ssyncset.done $0x0  }
0x21d: {  	[sflag:s21] =	ssyncadd.s32 $0xFFFFE000  }
0x21e: {  	_ =	swait.ge [sflag:s24], $0x2000  }
0x21f: {  	[sflag:s24] =	ssyncset.done $0x0  }
0x220: {  	[sflag:s24] =	ssyncadd.s32 $0xFFFFE000  }
0x221: {  	_ =	swait.ge [sflag:s26], $0x2000  }
0x222: {  	[sflag:s26] =	ssyncset.done $0x0  }
0x223: {  	[sflag:s26] =	ssyncadd.s32 $0xFFFFE000  }
0x224: {  	s28 =	simm.s32 $0x200;
	_ =	swait.ge [sflag:s31], $0x2000  }
0x225: {  	s5 =	simm.s32 $0x100;
	s6 =	rddreg [dreg:$0x5];
	[sflag:s31] =	ssyncset.done $0x0  }
.LBB2_2:
0x226: {  	[sflag:s31] =	ssyncadd.s32 $0xFFFFE000;
	s6 =	sadd.s32 s5, s6  }
0x227: {  	[tilespmem:s4], [sflag:$0xA] =	stream.linear.gather [hbm4b:s6+s4], $0x800, $0x38;
	[tilespmem:$0x1D800] =	vst v63  }
0x228: {  	_ =	swait.ge [sflag:s8], $0x800  }
0x229: {  	s6 =	rddreg [dreg:$0x4];
	[sflag:s8] =	ssyncset.done $0x0  }
0x22a: {  	[sflag:s8] =	ssyncadd.s32 $0xFFFFF800;
	s6 =	sadd.s32 s5, s6  }
0x22b: {  	[tilespmem:s11], [sflag:$0xA] =	stream.linear.gather [hbm4b:s6+s4], $0x800, $0x38;
	[tilespmem:$0x1D800] =	vst v63  }
0x22c: {  	_ =	swait.ge [sflag:s8], $0x800  }
0x22d: {  	[sflag:s8] =	ssyncset.done $0x0  }
0x22e: {  	[sflag:s8] =	ssyncadd.s32 $0xFFFFF800  }
0x22f: {  	[tilespmem:s14], [sflag:$0x1] =	stream.indirect.gather [hbm4b:s1+s12], $0x80, s4, s12, $0xb8;
	[tilespmem:$0x1D800] =	vst v63  }
0x230: {  	s7 =	smov.u32 s28;
	s6 =	rddreg [dreg:$0x6]  }
0x231: {  	[tilespmem:s16], [sflag:$0x2] =	stream.indirect.gather [hbm4b:s1+s12], $0x80, s6, s12, $0xb8;
	[tilespmem:$0x1D800] =	vst v63  }
0x232: {  	s5 =	smov.u32 s7;
	s7 =	rddreg [dreg:$0x7]  }
0x233: {  	[tilespmem:s17], [sflag:$0x3] =	stream.indirect.gather [hbm4b:s1+s12], $0x80, s7, s12, $0xb8;
	[tilespmem:$0x1D800] =	vst v63  }
0x234: {  	s6 =	rddreg [dreg:$0x8]  }
0x235: {  	[tilespmem:s18], [sflag:$0x4] =	stream.indirect.gather [hbm4b:s1+s12], $0x80, s6, s12, $0xb8;
	[tilespmem:$0x1D800] =	vst v63  }
0x236: {  	_ =	swait.ge [sflag:s20], $0x2000  }
0x237: {  	[sflag:s20] =	ssyncset.done $0x0  }
0x238: {  	[sflag:s20] =	ssyncadd.s32 $0xFFFFE000  }
0x239: {  	[spmem:s3] =	stream.indirect.scatter.add.f32 [tilespmem:s14], [sflag:$0x5], $0x80, s11, s12, $0xb8;
	[tilespmem:$0x1D800] =	vst v63  }
0x23a: {  	_ =	swait.ge [sflag:s21], $0x2000  }
0x23b: {  	[sflag:s21] =	ssyncset.done $0x0  }
0x23c: {  	s7 =	rddreg [dreg:$0x9];
	[sflag:s21] =	ssyncadd.s32 $0xFFFFE000  }
0x23d: {  	[tilespmem:s14], [sflag:$0x1] =	stream.indirect.gather [hbm4b:s1+s12], $0x80, s7, s12, $0xb8;
	[tilespmem:$0x1D800] =	vst v63  }
0x23e: {  	_ =	swait.ge [sflag:s22], $0x2000  }
0x23f: {  	[sflag:s22] =	ssyncset.done $0x0  }
0x240: {  	s7 =	rddreg [dreg:$0xa];
	[sflag:s22] =	ssyncadd.s32 $0xFFFFE000  }
0x241: {  	[spmem:s3] =	stream.indirect.scatter.add.f32 [tilespmem:s16], [sflag:$0x6], $0x80, s7, s12, $0xb8;
	[tilespmem:$0x1D800] =	vst v63  }
0x242: {  	_ =	swait.ge [sflag:s24], $0x2000  }
0x243: {  	[sflag:s24] =	ssyncset.done $0x0  }
0x244: {  	s7 =	rddreg [dreg:$0xb];
	[sflag:s24] =	ssyncadd.s32 $0xFFFFE000  }
0x245: {  	[tilespmem:s16], [sflag:$0x2] =	stream.indirect.gather [hbm4b:s1+s12], $0x80, s7, s12, $0xb8;
	[tilespmem:$0x1D800] =	vst v63  }
0x246: {  	_ =	swait.ge [sflag:s25], $0x2000  }
0x247: {  	[sflag:s25] =	ssyncset.done $0x0  }
0x248: {  	s7 =	rddreg [dreg:$0xc];
	[sflag:s25] =	ssyncadd.s32 $0xFFFFE000  }
0x249: {  	[spmem:s3] =	stream.indirect.scatter.add.f32 [tilespmem:s17], [sflag:$0x7], $0x80, s7, s12, $0xb8;
	[tilespmem:$0x1D800] =	vst v63  }
0x24a: {  	_ =	swait.ge [sflag:s26], $0x2000  }
0x24b: {  	[sflag:s26] =	ssyncset.done $0x0  }
0x24c: {  	s7 =	rddreg [dreg:$0xd];
	[sflag:s26] =	ssyncadd.s32 $0xFFFFE000  }
0x24d: {  	[tilespmem:s17], [sflag:$0x3] =	stream.indirect.gather [hbm4b:s1+s12], $0x80, s7, s12, $0xb8;
	[tilespmem:$0x1D800] =	vst v63  }
0x24e: {  	_ =	swait.ge [sflag:s30], $0x2000  }
0x24f: {  	[sflag:s30] =	ssyncset.done $0x0  }
0x250: {  	s7 =	rddreg [dreg:$0xe];
	[sflag:s30] =	ssyncadd.s32 $0xFFFFE000  }
0x251: {  	[spmem:s3] =	stream.indirect.scatter.add.f32 [tilespmem:s18], [sflag:$0x8], $0x80, s7, s12, $0xb8;
	[tilespmem:$0x1D800] =	vst v63  }
0x252: {  	_ =	swait.ge [sflag:s31], $0x2000  }
0x253: {  	[sflag:s31] =	ssyncset.done $0x0  }
0x254: {  	s7 =	rddreg [dreg:$0xf];
	[sflag:s31] =	ssyncadd.s32 $0xFFFFE000  }
0x255: {  	[tilespmem:s18], [sflag:$0x4] =	stream.indirect.gather [hbm4b:s1+s12], $0x80, s7, s12, $0xb8;
	[tilespmem:$0x1D800] =	vst v63  }
0x256: {  	_ =	swait.ge [sflag:s20], $0x2000  }
0x257: {  	[sflag:s20] =	ssyncset.done $0x0  }
0x258: {  	s7 =	rddreg [dreg:$0x10];
	[sflag:s20] =	ssyncadd.s32 $0xFFFFE000  }
0x259: {  	[spmem:s3] =	stream.indirect.scatter.add.f32 [tilespmem:s14], [sflag:$0x5], $0x80, s7, s12, $0xb8;
	[tilespmem:$0x1D800] =	vst v63  }
0x25a: {  	_ =	swait.ge [sflag:s21], $0x2000  }
0x25b: {  	[sflag:s21] =	ssyncset.done $0x0  }
0x25c: {  	s7 =	rddreg [dreg:$0x11];
	[sflag:s21] =	ssyncadd.s32 $0xFFFFE000  }
0x25d: {  	[tilespmem:s14], [sflag:$0x1] =	stream.indirect.gather [hbm4b:s1+s12], $0x80, s7, s12, $0xb8;
	[tilespmem:$0x1D800] =	vst v63  }
0x25e: {  	_ =	swait.ge [sflag:s22], $0x2000  }
0x25f: {  	[sflag:s22] =	ssyncset.done $0x0  }
0x260: {  	s7 =	rddreg [dreg:$0x12];
	[sflag:s22] =	ssyncadd.s32 $0xFFFFE000  }
0x261: {  	[spmem:s3] =	stream.indirect.scatter.add.f32 [tilespmem:s16], [sflag:$0x6], $0x80, s7, s12, $0xb8;
	[tilespmem:$0x1D800] =	vst v63  }
0x262: {  	_ =	swait.ge [sflag:s24], $0x2000  }
0x263: {  	[sflag:s24] =	ssyncset.done $0x0  }
0x264: {  	s7 =	rddreg [dreg:$0x13];
	[sflag:s24] =	ssyncadd.s32 $0xFFFFE000  }
0x265: {  	[tilespmem:s16], [sflag:$0x2] =	stream.indirect.gather [hbm4b:s1+s12], $0x80, s7, s12, $0xb8;
	[tilespmem:$0x1D800] =	vst v63  }
0x266: {  	_ =	swait.ge [sflag:s25], $0x2000  }
0x267: {  	[sflag:s25] =	ssyncset.done $0x0  }
0x268: {  	s7 =	rddreg [dreg:$0x14];
	[sflag:s25] =	ssyncadd.s32 $0xFFFFE000  }
0x269: {  	[spmem:s3] =	stream.indirect.scatter.add.f32 [tilespmem:s17], [sflag:$0x7], $0x80, s7, s12, $0xb8;
	[tilespmem:$0x1D800] =	vst v63  }
0x26a: {  	_ =	swait.ge [sflag:s26], $0x2000  }
0x26b: {  	[sflag:s26] =	ssyncset.done $0x0  }
0x26c: {  	s7 =	rddreg [dreg:$0x15];
	[sflag:s26] =	ssyncadd.s32 $0xFFFFE000  }
0x26d: {  	[tilespmem:s17], [sflag:$0x3] =	stream.indirect.gather [hbm4b:s1+s12], $0x80, s7, s12, $0xb8;
	[tilespmem:$0x1D800] =	vst v63  }
0x26e: {  	_ =	swait.ge [sflag:s30], $0x2000  }
0x26f: {  	[sflag:s30] =	ssyncset.done $0x0  }
0x270: {  	s7 =	rddreg [dreg:$0x16];
	[sflag:s30] =	ssyncadd.s32 $0xFFFFE000  }
0x271: {  	[spmem:s3] =	stream.indirect.scatter.add.f32 [tilespmem:s18], [sflag:$0x8], $0x80, s7, s12, $0xb8;
	[tilespmem:$0x1D800] =	vst v63  }
0x272: {  	_ =	swait.ge [sflag:s31], $0x2000  }
0x273: {  	[sflag:s31] =	ssyncset.done $0x0  }
0x274: {  	s7 =	rddreg [dreg:$0x17];
	[sflag:s31] =	ssyncadd.s32 $0xFFFFE000  }
0x275: {  	[tilespmem:s18], [sflag:$0x4] =	stream.indirect.gather [hbm4b:s1+s12], $0x80, s7, s12, $0xb8;
	[tilespmem:$0x1D800] =	vst v63  }
0x276: {  	_ =	swait.ge [sflag:s20], $0x2000  }
0x277: {  	[sflag:s20] =	ssyncset.done $0x0  }
0x278: {  	s7 =	rddreg [dreg:$0x18];
	[sflag:s20] =	ssyncadd.s32 $0xFFFFE000  }
0x279: {  	[spmem:s3] =	stream.indirect.scatter.add.f32 [tilespmem:s14], [sflag:$0x5], $0x80, s7, s12, $0xb8;
	[tilespmem:$0x1D800] =	vst v63  }
0x27a: {  	_ =	swait.ge [sflag:s21], $0x2000  }
0x27b: {  	[sflag:s21] =	ssyncset.done $0x0  }
0x27c: {  	s7 =	rddreg [dreg:$0x19];
	[sflag:s21] =	ssyncadd.s32 $0xFFFFE000  }
0x27d: {  	[tilespmem:s14], [sflag:$0x1] =	stream.indirect.gather [hbm4b:s1+s12], $0x80, s7, s12, $0xb8;
	[tilespmem:$0x1D800] =	vst v63  }
0x27e: {  	_ =	swait.ge [sflag:s22], $0x2000  }
0x27f: {  	[sflag:s22] =	ssyncset.done $0x0  }
0x280: {  	s7 =	rddreg [dreg:$0x1a];
	[sflag:s22] =	ssyncadd.s32 $0xFFFFE000  }
0x281: {  	[spmem:s3] =	stream.indirect.scatter.add.f32 [tilespmem:s16], [sflag:$0x6], $0x80, s7, s12, $0xb8;
	[tilespmem:$0x1D800] =	vst v63  }
0x282: {  	_ =	swait.ge [sflag:s24], $0x2000  }
0x283: {  	[sflag:s24] =	ssyncset.done $0x0  }
0x284: {  	[sflag:s24] =	ssyncadd.s32 $0xFFFFE000  }
0x285: {  	[tilespmem:s16], [sflag:$0x2] =	stream.indirect.gather [hbm4b:s1+s12], $0x80, s2, s12, $0xb8;
	[tilespmem:$0x1D800] =	vst v63  }
0x286: {  	_ =	swait.ge [sflag:s25], $0x2000  }
0x287: {  	[sflag:s25] =	ssyncset.done $0x0  }
0x288: {  	[sflag:s25] =	ssyncadd.s32 $0xFFFFE000  }
0x289: {  	[spmem:s3] =	stream.indirect.scatter.add.f32 [tilespmem:s17], [sflag:$0x7], $0x80, s9, s12, $0xb8;
	[tilespmem:$0x1D800] =	vst v63  }
0x28a: {  	_ =	swait.ge [sflag:s26], $0x2000  }
0x28b: {  	[sflag:s26] =	ssyncset.done $0x0  }
0x28c: {  	[sflag:s26] =	ssyncadd.s32 $0xFFFFE000  }
0x28d: {  	[tilespmem:s17], [sflag:$0x3] =	stream.indirect.gather [hbm4b:s1+s12], $0x80, s13, s12, $0xb8;
	[tilespmem:$0x1D800] =	vst v63  }
0x28e: {  	_ =	swait.ge [sflag:s30], $0x2000  }
0x28f: {  	[sflag:s30] =	ssyncset.done $0x0  }
0x290: {  	[sflag:s30] =	ssyncadd.s32 $0xFFFFE000  }
0x291: {  	[spmem:s3] =	stream.indirect.scatter.add.f32 [tilespmem:s18], [sflag:$0x8], $0x80, s29, s12, $0xb8;
	[tilespmem:$0x1D800] =	vst v63  }
0x292: {  	_ =	swait.ge [sflag:s31], $0x2000  }
0x293: {  	[sflag:s31] =	ssyncset.done $0x0  }
0x294: {  	[sflag:s31] =	ssyncadd.s32 $0xFFFFE000  }
0x295: {  	[tilespmem:s18], [sflag:$0x4] =	stream.indirect.gather [hbm4b:s1+s12], $0x80, s0, s12, $0xb8;
	[tilespmem:$0x1D800] =	vst v63  }
0x296: {  	_ =	swait.ge [sflag:s20], $0x2000  }
0x297: {  	[sflag:s20] =	ssyncset.done $0x0  }
0x298: {  	[sflag:s20] =	ssyncadd.s32 $0xFFFFE000  }
0x299: {  	[spmem:s3] =	stream.indirect.scatter.add.f32 [tilespmem:s14], [sflag:$0x5], $0x80, s10, s12, $0xb8;
	[tilespmem:$0x1D800] =	vst v63  }
0x29a: {  	_ =	swait.ge [sflag:s22], $0x2000  }
0x29b: {  	[sflag:s22] =	ssyncset.done $0x0  }
0x29c: {  	[sflag:s22] =	ssyncadd.s32 $0xFFFFE000  }
0x29d: {  	[spmem:s3] =	stream.indirect.scatter.add.f32 [tilespmem:s16], [sflag:$0x6], $0x80, s15, s12, $0xb8;
	[tilespmem:$0x1D800] =	vst v63  }
0x29e: {  	_ =	swait.ge [sflag:s25], $0x2000  }
0x29f: {  	[sflag:s25] =	ssyncset.done $0x0  }
0x2a0: {  	[sflag:s25] =	ssyncadd.s32 $0xFFFFE000  }
0x2a1: {  	[spmem:s3] =	stream.indirect.scatter.add.f32 [tilespmem:s17], [sflag:$0x7], $0x80, s19, s12, $0xb8;
	[tilespmem:$0x1D800] =	vst v63  }
0x2a2: {  	_ =	swait.ge [sflag:s30], $0x2000  }
0x2a3: {  	[sflag:s30] =	ssyncset.done $0x0  }
0x2a4: {  	[sflag:s30] =	ssyncadd.s32 $0xFFFFE000  }
0x2a5: {  	[spmem:s3] =	stream.indirect.scatter.add.f32 [tilespmem:s18], [sflag:$0x8], $0x80, s23, s12, $0xb8;
	[tilespmem:$0x1D800] =	vst v63  }
0x2a6: {  	_ =	swait.ge [sflag:s21], $0x2000  }
0x2a7: {  	[sflag:s21] =	ssyncset.done $0x0  }
0x2a8: {  	[sflag:s21] =	ssyncadd.s32 $0xFFFFE000  }
0x2a9: {  	_ =	swait.ge [sflag:s24], $0x2000  }
0x2aa: {  	[sflag:s24] =	ssyncset.done $0x0  }
0x2ab: {  	p0 =	sne.s32 s28, $0x900;
	[sflag:s24] =	ssyncadd.s32 $0xFFFFE000  }
.Ltmp0:
0x2ac: {  	_ =	swait.ge [sflag:s26], $0x2000;
	(pc) =	sbr.rel @p0 .LBB2_2-.Ltmp0, $4  }
0x2ad: {  	[sflag:s26] =	ssyncset.done $0x0  }
0x2ae: {  	[sflag:s26] =	ssyncadd.s32 $0xFFFFE000  }
0x2af: {  	_ =	swait.ge [sflag:s31], $0x2000  }
0x2b0: {  	s28 =	sadd.s32 $0x100, s28;
	s6 =	rddreg [dreg:$0x5];
	[sflag:s31] =	ssyncset.done $0x0  }
0x2b1: {  	[sflag:s31] =	ssyncadd.s32 $0xFFFFE000;
	s6 =	sadd.s32 s5, s6  }
0x2b2: {  	[tilespmem:s4], [sflag:$0xA] =	stream.linear.gather [hbm4b:s6+s4], $0x800, $0x38;
	[tilespmem:$0x1D800] =	vst v63  }
0x2b3: {  	_ =	swait.ge [sflag:s8], $0x800  }
0x2b4: {  	s7 =	rddreg [dreg:$0x4];
	[sflag:s8] =	ssyncset.done $0x0  }
0x2b5: {  	[sflag:s8] =	ssyncadd.s32 $0xFFFFF800;
	s6 =	sadd.s32 s5, s7  }
0x2b6: {  	[tilespmem:s11], [sflag:$0xA] =	stream.linear.gather [hbm4b:s6+s4], $0x800, $0x38;
	[tilespmem:$0x1D800] =	vst v63  }
0x2b7: {  	_ =	swait.ge [sflag:s8], $0x800  }
0x2b8: {  	[sflag:s8] =	ssyncset.done $0x0  }
0x2b9: {  	[sflag:s8] =	ssyncadd.s32 $0xFFFFF800  }
0x2ba: {  	[tilespmem:s14], [sflag:$0x1] =	stream.indirect.gather [hbm4b:s1+s12], $0x80, s4, s12, $0xb8;
	[tilespmem:$0x1D800] =	vst v63  }
0x2bb: {  	s7 =	rddreg [dreg:$0x6]  }
0x2bc: {  	[tilespmem:s16], [sflag:$0x2] =	stream.indirect.gather [hbm4b:s1+s12], $0x80, s7, s12, $0xb8;
	[tilespmem:$0x1D800] =	vst v63  }
0x2bd: {  	s6 =	rddreg [dreg:$0x7]  }
0x2be: {  	[tilespmem:s17], [sflag:$0x3] =	stream.indirect.gather [hbm4b:s1+s12], $0x80, s6, s12, $0xb8;
	[tilespmem:$0x1D800] =	vst v63  }
0x2bf: {  	s7 =	rddreg [dreg:$0x8]  }
0x2c0: {  	[tilespmem:s18], [sflag:$0x4] =	stream.indirect.gather [hbm4b:s1+s12], $0x80, s7, s12, $0xb8;
	[tilespmem:$0x1D800] =	vst v63  }
0x2c1: {  	_ =	swait.ge [sflag:s20], $0x2000  }
0x2c2: {  	[sflag:s20] =	ssyncset.done $0x0  }
0x2c3: {  	[sflag:s20] =	ssyncadd.s32 $0xFFFFE000  }
0x2c4: {  	[spmem:s3] =	stream.indirect.scatter.add.f32 [tilespmem:s14], [sflag:$0x5], $0x80, s11, s12, $0xb8;
	[tilespmem:$0x1D800] =	vst v63  }
0x2c5: {  	_ =	swait.ge [sflag:s21], $0x2000  }
0x2c6: {  	[sflag:s21] =	ssyncset.done $0x0  }
0x2c7: {  	s7 =	rddreg [dreg:$0x9];
	[sflag:s21] =	ssyncadd.s32 $0xFFFFE000  }
0x2c8: {  	[tilespmem:s14], [sflag:$0x1] =	stream.indirect.gather [hbm4b:s1+s12], $0x80, s7, s12, $0xb8;
	[tilespmem:$0x1D800] =	vst v63  }
0x2c9: {  	_ =	swait.ge [sflag:s22], $0x2000  }
0x2ca: {  	[sflag:s22] =	ssyncset.done $0x0  }
0x2cb: {  	s6 =	rddreg [dreg:$0xa];
	[sflag:s22] =	ssyncadd.s32 $0xFFFFE000  }
0x2cc: {  	[spmem:s3] =	stream.indirect.scatter.add.f32 [tilespmem:s16], [sflag:$0x6], $0x80, s6, s12, $0xb8;
	[tilespmem:$0x1D800] =	vst v63  }
0x2cd: {  	_ =	swait.ge [sflag:s24], $0x2000  }
0x2ce: {  	[sflag:s24] =	ssyncset.done $0x0  }
0x2cf: {  	s7 =	rddreg [dreg:$0xb];
	[sflag:s24] =	ssyncadd.s32 $0xFFFFE000  }
0x2d0: {  	[tilespmem:s16], [sflag:$0x2] =	stream.indirect.gather [hbm4b:s1+s12], $0x80, s7, s12, $0xb8;
	[tilespmem:$0x1D800] =	vst v63  }
0x2d1: {  	_ =	swait.ge [sflag:s25], $0x2000  }
0x2d2: {  	[sflag:s25] =	ssyncset.done $0x0  }
0x2d3: {  	s6 =	rddreg [dreg:$0xc];
	[sflag:s25] =	ssyncadd.s32 $0xFFFFE000  }
0x2d4: {  	[spmem:s3] =	stream.indirect.scatter.add.f32 [tilespmem:s17], [sflag:$0x7], $0x80, s6, s12, $0xb8;
	[tilespmem:$0x1D800] =	vst v63  }
0x2d5: {  	_ =	swait.ge [sflag:s26], $0x2000  }
0x2d6: {  	[sflag:s26] =	ssyncset.done $0x0  }
0x2d7: {  	s7 =	rddreg [dreg:$0xd];
	[sflag:s26] =	ssyncadd.s32 $0xFFFFE000  }
0x2d8: {  	[tilespmem:s17], [sflag:$0x3] =	stream.indirect.gather [hbm4b:s1+s12], $0x80, s7, s12, $0xb8;
	[tilespmem:$0x1D800] =	vst v63  }
0x2d9: {  	_ =	swait.ge [sflag:s30], $0x2000  }
0x2da: {  	[sflag:s30] =	ssyncset.done $0x0  }
0x2db: {  	s6 =	rddreg [dreg:$0xe];
	[sflag:s30] =	ssyncadd.s32 $0xFFFFE000  }
0x2dc: {  	[spmem:s3] =	stream.indirect.scatter.add.f32 [tilespmem:s18], [sflag:$0x8], $0x80, s6, s12, $0xb8;
	[tilespmem:$0x1D800] =	vst v63  }
0x2dd: {  	_ =	swait.ge [sflag:s31], $0x2000  }
0x2de: {  	[sflag:s31] =	ssyncset.done $0x0  }
0x2df: {  	s7 =	rddreg [dreg:$0xf];
	[sflag:s31] =	ssyncadd.s32 $0xFFFFE000  }
0x2e0: {  	[tilespmem:s18], [sflag:$0x4] =	stream.indirect.gather [hbm4b:s1+s12], $0x80, s7, s12, $0xb8;
	[tilespmem:$0x1D800] =	vst v63  }
0x2e1: {  	_ =	swait.ge [sflag:s20], $0x2000  }
0x2e2: {  	[sflag:s20] =	ssyncset.done $0x0  }
0x2e3: {  	s6 =	rddreg [dreg:$0x10];
	[sflag:s20] =	ssyncadd.s32 $0xFFFFE000  }
0x2e4: {  	[spmem:s3] =	stream.indirect.scatter.add.f32 [tilespmem:s14], [sflag:$0x5], $0x80, s6, s12, $0xb8;
	[tilespmem:$0x1D800] =	vst v63  }
0x2e5: {  	_ =	swait.ge [sflag:s21], $0x2000  }
0x2e6: {  	[sflag:s21] =	ssyncset.done $0x0  }
0x2e7: {  	s7 =	rddreg [dreg:$0x11];
	[sflag:s21] =	ssyncadd.s32 $0xFFFFE000  }
0x2e8: {  	[tilespmem:s14], [sflag:$0x1] =	stream.indirect.gather [hbm4b:s1+s12], $0x80, s7, s12, $0xb8;
	[tilespmem:$0x1D800] =	vst v63  }
0x2e9: {  	_ =	swait.ge [sflag:s22], $0x2000  }
0x2ea: {  	[sflag:s22] =	ssyncset.done $0x0  }
0x2eb: {  	s6 =	rddreg [dreg:$0x12];
	[sflag:s22] =	ssyncadd.s32 $0xFFFFE000  }
0x2ec: {  	[spmem:s3] =	stream.indirect.scatter.add.f32 [tilespmem:s16], [sflag:$0x6], $0x80, s6, s12, $0xb8;
	[tilespmem:$0x1D800] =	vst v63  }
0x2ed: {  	_ =	swait.ge [sflag:s24], $0x2000  }
0x2ee: {  	[sflag:s24] =	ssyncset.done $0x0  }
0x2ef: {  	s7 =	rddreg [dreg:$0x13];
	[sflag:s24] =	ssyncadd.s32 $0xFFFFE000  }
0x2f0: {  	[tilespmem:s16], [sflag:$0x2] =	stream.indirect.gather [hbm4b:s1+s12], $0x80, s7, s12, $0xb8;
	[tilespmem:$0x1D800] =	vst v63  }
0x2f1: {  	_ =	swait.ge [sflag:s25], $0x2000  }
0x2f2: {  	[sflag:s25] =	ssyncset.done $0x0  }
0x2f3: {  	s6 =	rddreg [dreg:$0x14];
	[sflag:s25] =	ssyncadd.s32 $0xFFFFE000  }
0x2f4: {  	[spmem:s3] =	stream.indirect.scatter.add.f32 [tilespmem:s17], [sflag:$0x7], $0x80, s6, s12, $0xb8;
	[tilespmem:$0x1D800] =	vst v63  }
0x2f5: {  	_ =	swait.ge [sflag:s26], $0x2000  }
0x2f6: {  	[sflag:s26] =	ssyncset.done $0x0  }
0x2f7: {  	s7 =	rddreg [dreg:$0x15];
	[sflag:s26] =	ssyncadd.s32 $0xFFFFE000  }
0x2f8: {  	[tilespmem:s17], [sflag:$0x3] =	stream.indirect.gather [hbm4b:s1+s12], $0x80, s7, s12, $0xb8;
	[tilespmem:$0x1D800] =	vst v63  }
0x2f9: {  	_ =	swait.ge [sflag:s30], $0x2000  }
0x2fa: {  	[sflag:s30] =	ssyncset.done $0x0  }
0x2fb: {  	s6 =	rddreg [dreg:$0x16];
	[sflag:s30] =	ssyncadd.s32 $0xFFFFE000  }
0x2fc: {  	[spmem:s3] =	stream.indirect.scatter.add.f32 [tilespmem:s18], [sflag:$0x8], $0x80, s6, s12, $0xb8;
	[tilespmem:$0x1D800] =	vst v63  }
0x2fd: {  	_ =	swait.ge [sflag:s31], $0x2000  }
0x2fe: {  	[sflag:s31] =	ssyncset.done $0x0  }
0x2ff: {  	s7 =	rddreg [dreg:$0x17];
	[sflag:s31] =	ssyncadd.s32 $0xFFFFE000  }
0x300: {  	[tilespmem:s18], [sflag:$0x4] =	stream.indirect.gather [hbm4b:s1+s12], $0x80, s7, s12, $0xb8;
	[tilespmem:$0x1D800] =	vst v63  }
0x301: {  	_ =	swait.ge [sflag:s20], $0x2000  }
0x302: {  	[sflag:s20] =	ssyncset.done $0x0  }
0x303: {  	s6 =	rddreg [dreg:$0x18];
	[sflag:s20] =	ssyncadd.s32 $0xFFFFE000  }
0x304: {  	[spmem:s3] =	stream.indirect.scatter.add.f32 [tilespmem:s14], [sflag:$0x5], $0x80, s6, s12, $0xb8;
	[tilespmem:$0x1D800] =	vst v63  }
0x305: {  	_ =	swait.ge [sflag:s21], $0x2000  }
0x306: {  	[sflag:s21] =	ssyncset.done $0x0  }
0x307: {  	s7 =	rddreg [dreg:$0x19];
	[sflag:s21] =	ssyncadd.s32 $0xFFFFE000  }
0x308: {  	[tilespmem:s14], [sflag:$0x1] =	stream.indirect.gather [hbm4b:s1+s12], $0x80, s7, s12, $0xb8;
	[tilespmem:$0x1D800] =	vst v63  }
0x309: {  	_ =	swait.ge [sflag:s22], $0x2000  }
0x30a: {  	[sflag:s22] =	ssyncset.done $0x0  }
0x30b: {  	s6 =	rddreg [dreg:$0x1a];
	[sflag:s22] =	ssyncadd.s32 $0xFFFFE000  }
0x30c: {  	[spmem:s3] =	stream.indirect.scatter.add.f32 [tilespmem:s16], [sflag:$0x6], $0x80, s6, s12, $0xb8;
	[tilespmem:$0x1D800] =	vst v63  }
0x30d: {  	_ =	swait.ge [sflag:s24], $0x2000  }
0x30e: {  	[sflag:s24] =	ssyncset.done $0x0  }
0x30f: {  	[sflag:s24] =	ssyncadd.s32 $0xFFFFE000  }
0x310: {  	[tilespmem:s16], [sflag:$0x2] =	stream.indirect.gather [hbm4b:s1+s12], $0x80, s2, s12, $0xb8;
	[tilespmem:$0x1D800] =	vst v63  }
0x311: {  	_ =	swait.ge [sflag:s25], $0x2000  }
0x312: {  	[sflag:s25] =	ssyncset.done $0x0  }
0x313: {  	[sflag:s25] =	ssyncadd.s32 $0xFFFFE000  }
0x314: {  	[spmem:s3] =	stream.indirect.scatter.add.f32 [tilespmem:s17], [sflag:$0x7], $0x80, s9, s12, $0xb8;
	[tilespmem:$0x1D800] =	vst v63  }
0x315: {  	_ =	swait.ge [sflag:s26], $0x2000  }
0x316: {  	[sflag:s26] =	ssyncset.done $0x0  }
0x317: {  	[sflag:s26] =	ssyncadd.s32 $0xFFFFE000  }
0x318: {  	[tilespmem:s17], [sflag:$0x3] =	stream.indirect.gather [hbm4b:s1+s12], $0x80, s13, s12, $0xb8;
	[tilespmem:$0x1D800] =	vst v63  }
0x319: {  	_ =	swait.ge [sflag:s30], $0x2000  }
0x31a: {  	[sflag:s30] =	ssyncset.done $0x0  }
0x31b: {  	[sflag:s30] =	ssyncadd.s32 $0xFFFFE000  }
0x31c: {  	[spmem:s3] =	stream.indirect.scatter.add.f32 [tilespmem:s18], [sflag:$0x8], $0x80, s29, s12, $0xb8;
	[tilespmem:$0x1D800] =	vst v63  }
0x31d: {  	_ =	swait.ge [sflag:s31], $0x2000  }
0x31e: {  	[sflag:s31] =	ssyncset.done $0x0  }
0x31f: {  	[sflag:s31] =	ssyncadd.s32 $0xFFFFE000  }
0x320: {  	[tilespmem:s18], [sflag:$0x4] =	stream.indirect.gather [hbm4b:s1+s12], $0x80, s0, s12, $0xb8;
	[tilespmem:$0x1D800] =	vst v63  }
0x321: {  	_ =	swait.ge [sflag:s20], $0x2000  }
0x322: {  	[sflag:s20] =	ssyncset.done $0x0  }
0x323: {  	[sflag:s20] =	ssyncadd.s32 $0xFFFFE000  }
0x324: {  	[spmem:s3] =	stream.indirect.scatter.add.f32 [tilespmem:s14], [sflag:$0x5], $0x80, s10, s12, $0xb8;
	[tilespmem:$0x1D800] =	vst v63  }
0x325: {  	_ =	swait.ge [sflag:s22], $0x2000  }
0x326: {  	[sflag:s22] =	ssyncset.done $0x0  }
0x327: {  	[sflag:s22] =	ssyncadd.s32 $0xFFFFE000  }
0x328: {  	[spmem:s3] =	stream.indirect.scatter.add.f32 [tilespmem:s16], [sflag:$0x6], $0x80, s15, s12, $0xb8;
	[tilespmem:$0x1D800] =	vst v63  }
0x329: {  	_ =	swait.ge [sflag:s25], $0x2000  }
0x32a: {  	[sflag:s25] =	ssyncset.done $0x0  }
0x32b: {  	[sflag:s25] =	ssyncadd.s32 $0xFFFFE000  }
0x32c: {  	[spmem:s3] =	stream.indirect.scatter.add.f32 [tilespmem:s17], [sflag:$0x7], $0x80, s19, s12, $0xb8;
	[tilespmem:$0x1D800] =	vst v63  }
0x32d: {  	_ =	swait.ge [sflag:s30], $0x2000  }
0x32e: {  	[sflag:s30] =	ssyncset.done $0x0  }
0x32f: {  	[sflag:s30] =	ssyncadd.s32 $0xFFFFE000  }
0x330: {  	[spmem:s3] =	stream.indirect.scatter.add.f32 [tilespmem:s18], [sflag:$0x8], $0x80, s23, s12, $0xb8;
	[tilespmem:$0x1D800] =	vst v63  }
0x331: {  	_ =	swait.ge [sflag:s21], $0x2000  }
0x332: {  	[sflag:s21] =	ssyncset.done $0x0  }
0x333: {  	[sflag:s21] =	ssyncadd.s32 $0xFFFFE000  }
0x334: {  	_ =	swait.ge [sflag:s24], $0x2000  }
0x335: {  	[sflag:s24] =	ssyncset.done $0x0  }
0x336: {  	[sflag:s24] =	ssyncadd.s32 $0xFFFFE000  }
0x337: {  	_ =	swait.ge [sflag:s26], $0x2000  }
0x338: {  	[sflag:s26] =	ssyncset.done $0x0  }
0x339: {  	[sflag:s26] =	ssyncadd.s32 $0xFFFFE000  }
0x33a: {  	_ =	swait.ge [sflag:s31], $0x2000  }
0x33b: {  	[sflag:s31] =	ssyncset.done $0x0  }
0x33c: {  	[sflag:s31] =	ssyncadd.s32 $0xFFFFE000  }
0x33d: {  	[bflag:$0x0] =	sbarrier.arrive $0xFFFF  }
0x33e: {  	s6 =	rddreg [dreg:$0x1b]  }
0x33f: {  	[tilespmem:s14], [sflag:$0x1] =	stream.linear.gather [spmem:s6], $0x2000, $0x38;
	[tilespmem:$0x1D800] =	vst v63  }
0x340: {  	s7 =	rddreg [dreg:$0x1f]  }
0x341: {  	[tilespmem:s16], [sflag:$0x2] =	stream.linear.gather [spmem:s7], $0x2000, $0x38;
	[tilespmem:$0x1D800] =	vst v63  }
0x342: {  	s7 =	sld [smem:$0x7D3];
	_ =	sdelay $0x2  }
0x343: {  	[tilespmem:s17], [sflag:$0x3] =	stream.linear.gather [spmem:s7], $0x2000, $0x38;
	[tilespmem:$0x1D800] =	vst v63  }
0x344: {  	s7 =	sld [smem:$0x7E2];
	_ =	sdelay $0x2  }
0x345: {  	[tilespmem:s18], [sflag:$0x4] =	stream.linear.gather [spmem:s7], $0x2000, $0x38;
	[tilespmem:$0x1D800] =	vst v63  }
0x346: {  	_ =	swait.ge [sflag:s20], $0x2000  }
0x347: {  	s7 =	sld [smem:$0x7D5]  }
0x348: {  	[sflag:s20] =	ssyncset.done $0x0  }
0x349: {  	[sflag:s20] =	ssyncadd.s32 $0xFFFFE000  }
0x34a: {  	[hbm4b:s7+s4] =	stream.linear.scatter [tilespmem:s14], [sflag:$0x5], $0x2000, $0x38;
	[tilespmem:$0x1D800] =	vst v63  }
0x34b: {  	_ =	swait.ge [sflag:s22], $0x2000  }
0x34c: {  	s7 =	sld [smem:$0x7D6]  }
0x34d: {  	[sflag:s22] =	ssyncset.done $0x0  }
0x34e: {  	[sflag:s22] =	ssyncadd.s32 $0xFFFFE000  }
0x34f: {  	[hbm4b:s7+s4] =	stream.linear.scatter [tilespmem:s16], [sflag:$0x6], $0x2000, $0x38;
	[tilespmem:$0x1D800] =	vst v63  }
0x350: {  	_ =	swait.ge [sflag:s25], $0x2000  }
0x351: {  	s7 =	sld [smem:$0x7D7]  }
0x352: {  	[sflag:s25] =	ssyncset.done $0x0  }
0x353: {  	[sflag:s25] =	ssyncadd.s32 $0xFFFFE000  }
0x354: {  	[hbm4b:s7+s4] =	stream.linear.scatter [tilespmem:s17], [sflag:$0x7], $0x2000, $0x38;
	[tilespmem:$0x1D800] =	vst v63  }
0x355: {  	_ =	swait.ge [sflag:s30], $0x2000  }
0x356: {  	s7 =	sld [smem:$0x7D8]  }
0x357: {  	[sflag:s30] =	ssyncset.done $0x0  }
0x358: {  	[sflag:s30] =	ssyncadd.s32 $0xFFFFE000  }
0x359: {  	[hbm4b:s7+s4] =	stream.linear.scatter [tilespmem:s18], [sflag:$0x8], $0x2000, $0x38;
	[tilespmem:$0x1D800] =	vst v63  }
0x35a: {  	_ =	swait.ge [sflag:s21], $0x2000  }
0x35b: {  	s7 =	sld [smem:$0x7E6]  }
0x35c: {  	[sflag:s21] =	ssyncset.done $0x0  }
0x35d: {  	[sflag:s21] =	ssyncadd.s32 $0xFFFFE000  }
0x35e: {  	[tilespmem:s14], [sflag:$0x1] =	stream.linear.gather [spmem:s7], $0x2000, $0x38;
	[tilespmem:$0x1D800] =	vst v63  }
0x35f: {  	_ =	swait.ge [sflag:s20], $0x2000  }
0x360: {  	s7 =	sld [smem:$0x7D9]  }
0x361: {  	[sflag:s20] =	ssyncset.done $0x0  }
0x362: {  	[sflag:s20] =	ssyncadd.s32 $0xFFFFE000  }
0x363: {  	[hbm4b:s7+s4] =	stream.linear.scatter [tilespmem:s14], [sflag:$0x5], $0x2000, $0x38;
	[tilespmem:$0x1D800] =	vst v63  }
0x364: {  	_ =	swait.ge [sflag:s24], $0x2000  }
0x365: {  	s7 =	sld [smem:$0x7FD]  }
0x366: {  	[sflag:s24] =	ssyncset.done $0x0  }
0x367: {  	[sflag:s24] =	ssyncadd.s32 $0xFFFFE000  }
0x368: {  	[tilespmem:s16], [sflag:$0x2] =	stream.linear.gather [spmem:s7], $0x2000, $0x38;
	[tilespmem:$0x1D800] =	vst v63  }
0x369: {  	_ =	swait.ge [sflag:s22], $0x2000  }
0x36a: {  	s5 =	sld [smem:$0x7DA]  }
0x36b: {  	[sflag:s22] =	ssyncset.done $0x0  }
0x36c: {  	[sflag:s22] =	ssyncadd.s32 $0xFFFFE000  }
0x36d: {  	[hbm4b:s5+s4] =	stream.linear.scatter [tilespmem:s16], [sflag:$0x6], $0x2000, $0x38;
	[tilespmem:$0x1D800] =	vst v63  }
0x36e: {  	_ =	swait.ge [sflag:s26], $0x2000  }
0x36f: {  	s5 =	sld [smem:$0x7ED]  }
0x370: {  	[sflag:s26] =	ssyncset.done $0x0  }
0x371: {  	[sflag:s26] =	ssyncadd.s32 $0xFFFFE000  }
0x372: {  	[tilespmem:s17], [sflag:$0x3] =	stream.linear.gather [spmem:s5], $0x2000, $0x38;
	[tilespmem:$0x1D800] =	vst v63  }
0x373: {  	_ =	swait.ge [sflag:s25], $0x2000  }
0x374: {  	s5 =	sld [smem:$0x7DB]  }
0x375: {  	[sflag:s25] =	ssyncset.done $0x0  }
0x376: {  	[sflag:s25] =	ssyncadd.s32 $0xFFFFE000  }
0x377: {  	[hbm4b:s5+s4] =	stream.linear.scatter [tilespmem:s17], [sflag:$0x7], $0x2000, $0x38;
	[tilespmem:$0x1D800] =	vst v63  }
0x378: {  	_ =	swait.ge [sflag:s31], $0x2000  }
0x379: {  	s5 =	sld [smem:$0x7F1]  }
0x37a: {  	[sflag:s31] =	ssyncset.done $0x0  }
0x37b: {  	[sflag:s31] =	ssyncadd.s32 $0xFFFFE000  }
0x37c: {  	[tilespmem:s18], [sflag:$0x4] =	stream.linear.gather [spmem:s5], $0x2000, $0x38;
	[tilespmem:$0x1D800] =	vst v63  }
0x37d: {  	_ =	swait.ge [sflag:s30], $0x2000  }
0x37e: {  	s5 =	sld [smem:$0x7DC]  }
0x37f: {  	[sflag:s30] =	ssyncset.done $0x0  }
0x380: {  	[sflag:s30] =	ssyncadd.s32 $0xFFFFE000  }
0x381: {  	[hbm4b:s5+s4] =	stream.linear.scatter [tilespmem:s18], [sflag:$0x8], $0x2000, $0x38;
	[tilespmem:$0x1D800] =	vst v63  }
0x382: {  	_ =	swait.ge [sflag:s21], $0x2000  }
0x383: {  	s5 =	sld [smem:$0x7F5]  }
0x384: {  	[sflag:s21] =	ssyncset.done $0x0  }
0x385: {  	[sflag:s21] =	ssyncadd.s32 $0xFFFFE000  }
0x386: {  	[tilespmem:s14], [sflag:$0x1] =	stream.linear.gather [spmem:s5], $0x2000, $0x38;
	[tilespmem:$0x1D800] =	vst v63  }
0x387: {  	_ =	swait.ge [sflag:s20], $0x2000  }
0x388: {  	s5 =	sld [smem:$0x7DD]  }
0x389: {  	[sflag:s20] =	ssyncset.done $0x0  }
0x38a: {  	[sflag:s20] =	ssyncadd.s32 $0xFFFFE000  }
0x38b: {  	[hbm4b:s5+s4] =	stream.linear.scatter [tilespmem:s14], [sflag:$0x5], $0x2000, $0x38;
	[tilespmem:$0x1D800] =	vst v63  }
0x38c: {  	_ =	swait.ge [sflag:s24], $0x2000  }
0x38d: {  	s5 =	sld [smem:$0x7F9]  }
0x38e: {  	[sflag:s24] =	ssyncset.done $0x0  }
0x38f: {  	[sflag:s24] =	ssyncadd.s32 $0xFFFFE000  }
0x390: {  	[tilespmem:s16], [sflag:$0x2] =	stream.linear.gather [spmem:s5], $0x2000, $0x38;
	[tilespmem:$0x1D800] =	vst v63  }
0x391: {  	_ =	swait.ge [sflag:s22], $0x2000  }
0x392: {  	s5 =	sld [smem:$0x7DE]  }
0x393: {  	[sflag:s22] =	ssyncset.done $0x0  }
0x394: {  	[sflag:s22] =	ssyncadd.s32 $0xFFFFE000  }
0x395: {  	[hbm4b:s5+s4] =	stream.linear.scatter [tilespmem:s16], [sflag:$0x6], $0x2000, $0x38;
	[tilespmem:$0x1D800] =	vst v63  }
0x396: {  	_ =	swait.ge [sflag:s21], $0x2000  }
0x397: {  	[sflag:s21] =	ssyncset.done $0x0  }
0x398: {  	[sflag:s21] =	ssyncadd.s32 $0xFFFFE000  }
0x399: {  	_ =	swait.ge [sflag:s24], $0x2000  }
0x39a: {  	[sflag:s24] =	ssyncset.done $0x0  }
0x39b: {  	[sflag:s24] =	ssyncadd.s32 $0xFFFFE000  }
0x39c: {  	_ =	swait.ge [sflag:s26], $0x2000  }
0x39d: {  	[sflag:s26] =	ssyncset.done $0x0  }
0x39e: {  	[sflag:s26] =	ssyncadd.s32 $0xFFFFE000  }
0x39f: {  	_ =	swait.ge [sflag:s31], $0x2000  }
0x3a0: {  	s28 =	sld [smem:$0x7CF]  }
0x3a1: {  	s5 =	sld [smem:$0x7DF];
	_ =	sdelay $0x1  }
0x3a2: {  	s28 =	sadd.s32 $0x1, s28  }
0x3a3: {  	p0 =	sne.s32 s28, s5  }
.Ltmp1:
0x3a4: {  	_ = 	snop;
	(pc) =	sbr.rel @p0 .LBB2_1-.Ltmp1, $3  }
0x3a5: {  	_ =	sdelay $0x1  }
0x3a6: {  	[sflag:s31] =	ssyncset.done $0x0  }
0x3a7: {  	[sflag:s31] =	ssyncadd.s32 $0xFFFFE000  }
0x3a8: {  	_ =	sfence.sel $0x180000  }
0x3a9: {  	[bflag:$0x0] =	sbarrier.arrive $0xFFFF  }
0x3aa: {  	_ =	strace $0x9000004A  }
0x3ab: {  	s0 =	stileid.u32;
	[bflag:$0x2] =	sbarrier.arrive $0xFFFF  }
0x3ac: {  	p0 =	sne.s32 s0, $0x0;
	s0 =	rddreg [dreg:$0x3]  }
0x3ad: {  	s0 =	sadd.s32 @!p0 $0x100000, s0  }
0x3ae: {  	[sflag:s0] =	ssyncadd.tile.s32 @!p0 $0x1;
	_ =	shalt  }
.Lfunc_end2:
_tile_overlayer_lowered:
.L_overlay_start_2:
0x3af: {  	(tag) =	ssettag $0x2  }
0x3b0: {  	s0 =	rddreg [dreg:$0x0];
	s2 =	stileid.u32  }
0x3b1: {  	s1 =	rddreg [dreg:$0x1];
	p0 =	sne.s32 s2, $0x0  }
0x3b2: {  	s3 =	rddreg [dreg:$0x2];
	[bflag:$0x3] =	sbarrier.arrive $0xFFFF;
	s2 =	simm.s32 @!p0 $0x1C0A  }
0x3b3: {  	[timem:s3], [sflag:s2] =	dma.local @!p0 [hbm:s0], s1  }
0x3b4: {  	s0 =	simm.s32 @!p0 $0xA  }
0x3b5: {  	_ =	swait.ge @!p0 [sflag:s0], s1  }
0x3b6: {  	s1 =	ssub.s32 @!p0 $0x0, s1;
	[sflag:s0] =	ssyncset.done @!p0 $0x0  }
0x3b7: {  	[sflag:s0] =	ssyncadd.s32 @!p0 s1  }
0x3b8: {  	[bflag:$0x3] =	sbarrier.arrive $0xFFFF  }
0x3b9: {  	_ =	shalt  }

</sc_bundles>
